<compile_context>
chip_gen: v7x
topology: tpu7x:2x2x1
jax: 0.10.2.dev20260603
libtpu: 0.0.44.dev20260713+nightly
codegen_flags: <defaults>
</compile_context>

<pallas_src>
import functools

import jax
import jax.numpy as jnp
from jax import lax
from jax.experimental import pallas as pl
from jax.experimental.pallas import tpu as pltpu
from jax.experimental.pallas import tpu_sc as plsc

_NC = 2
_NS = 16
_NW = _NC * _NS
_EB = 128
_ROWS = 1000


def _make_propagate(n_pad, C, KL):
    rpt = n_pad // _NS
    kb = KL + 2
    mesh = plsc.VectorSubcoreMesh(
        core_axis_name="c", subcore_axis_name="s",
        num_cores=_NC, num_subcores=_NS)

    @functools.partial(
        pl.kernel,
        out_type=jax.ShapeDtypeStruct((_NC, n_pad, C), jnp.float32),
        mesh=mesh,
        compiler_params=pltpu.CompilerParams(use_tc_tiling_on_sc=False),
        scratch_types=[
            pltpu.VMEM((kb, _EB), jnp.int32),
            pltpu.VMEM((kb, _EB), jnp.int32),
            pltpu.VMEM((_EB, C), jnp.float32),
            pltpu.VMEM((_EB, C), jnp.float32),
            pltpu.VMEM((rpt, C), jnp.float32),
            pltpu.VMEM_SHARED((n_pad, C), jnp.float32),
            pltpu.SemaphoreType.DMA,
            pltpu.SemaphoreType.DMA,
        ],
    )
    def prop(t_hbm, src_hbm, dst_hbm, zeros_hbm, out_hbm,
             src_v, dst_v, buf_a, buf_b, row_v, acc, sem_a, sem_b):
        c = lax.axis_index("c")
        s = lax.axis_index("s")
        w = s * _NC + c
        pltpu.sync_copy(src_hbm.at[w], src_v)
        pltpu.sync_copy(dst_hbm.at[w], dst_v)
        r0 = s * rpt
        pltpu.sync_copy(zeros_hbm, row_v)
        pltpu.sync_copy(row_v, acc.at[pl.ds(r0, rpt)])
        plsc.subcore_barrier()

        pltpu.async_copy(t_hbm.at[src_v.at[0]], buf_a, sem_a)

        def body(i, carry):
            j = 2 * i
            pltpu.async_copy(t_hbm.at[src_v.at[j + 1]], buf_b, sem_b)
            pltpu.make_async_copy(t_hbm.at[src_v.at[j]], buf_a, sem_a).wait()
            pltpu.sync_copy(buf_a, acc.at[dst_v.at[j]], add=True)
            pltpu.async_copy(t_hbm.at[src_v.at[j + 2]], buf_a, sem_a)
            pltpu.make_async_copy(t_hbm.at[src_v.at[j + 1]], buf_b, sem_b).wait()
            pltpu.sync_copy(buf_b, acc.at[dst_v.at[j + 1]], add=True)
            return carry

        lax.fori_loop(0, KL // 2, body, 0)
        pltpu.make_async_copy(t_hbm.at[src_v.at[KL]], buf_a, sem_a).wait()
        plsc.subcore_barrier()
        pltpu.sync_copy(acc.at[pl.ds(r0, rpt)], row_v)
        pltpu.sync_copy(row_v, out_hbm.at[c, pl.ds(r0, rpt)])

    return prop


def _make_count(n_pad, KL):
    C = 16
    rpt = n_pad // _NS
    kb = KL + 2
    mesh = plsc.VectorSubcoreMesh(
        core_axis_name="c", subcore_axis_name="s",
        num_cores=_NC, num_subcores=_NS)

    @functools.partial(
        pl.kernel,
        out_type=jax.ShapeDtypeStruct((_NC, n_pad, C), jnp.float32),
        mesh=mesh,
        compiler_params=pltpu.CompilerParams(use_tc_tiling_on_sc=False),
        scratch_types=[
            pltpu.VMEM((kb, _EB), jnp.int32),
            pltpu.VMEM((_EB, C), jnp.float32),
            pltpu.VMEM((rpt, C), jnp.float32),
            pltpu.VMEM_SHARED((n_pad, C), jnp.float32),
        ],
    )
    def cnt(ones_hbm, dst_hbm, zeros_hbm, out_hbm, dst_v, buf, row_v, acc):
        c = lax.axis_index("c")
        s = lax.axis_index("s")
        w = s * _NC + c
        pltpu.sync_copy(dst_hbm.at[w], dst_v)
        pltpu.sync_copy(ones_hbm, buf)
        r0 = s * rpt
        pltpu.sync_copy(zeros_hbm, row_v)
        pltpu.sync_copy(row_v, acc.at[pl.ds(r0, rpt)])
        plsc.subcore_barrier()

        def body(j, carry):
            pltpu.sync_copy(buf, acc.at[dst_v.at[j]], add=True)
            return carry

        lax.fori_loop(0, KL, body, 0)
        plsc.subcore_barrier()
        pltpu.sync_copy(acc.at[pl.ds(r0, rpt)], row_v)
        pltpu.sync_copy(row_v, out_hbm.at[c, pl.ds(r0, rpt)])

    return cnt


def _dinv_scale(c0, c1, p2, n_pad):
    rows = n_pad // 8

    def kern(a_ref, b_ref, p2_ref, d_ref, t_ref):
        d = lax.rsqrt(a_ref[...][:, :1] + b_ref[...][:, :1] + 1.0)
        d_ref[...] = d
        t_ref[...] = p2_ref[...] * d

    spec = pl.BlockSpec((rows, 16), lambda i: (i, 0))
    return pl.pallas_call(
        kern,
        grid=(8,),
        in_specs=[spec, spec, pl.BlockSpec((rows, 64), lambda i: (i, 0))],
        out_specs=[
            pl.BlockSpec((rows, 1), lambda i: (i, 0)),
            pl.BlockSpec((rows, 64), lambda i: (i, 0)),
        ],
        out_shape=[
            jax.ShapeDtypeStruct((n_pad, 1), jnp.float32),
            jax.ShapeDtypeStruct((n_pad, 64), jnp.float32),
        ],
    )(c0, c1, p2)


def _mm_split(h, wc):
    n_pad, d = h.shape
    rows = n_pad // 8

    def kern(h_ref, w_ref, p1_ref, p2_ref):
        p = jnp.dot(h_ref[...], w_ref[...], preferred_element_type=jnp.float32)
        p1_ref[...] = p[:, :32]
        p2_ref[...] = p[:, 32:]

    return pl.pallas_call(
        kern,
        grid=(8,),
        in_specs=[
            pl.BlockSpec((rows, d), lambda i: (i, 0)),
            pl.BlockSpec((d, 96), lambda i: (0, 0)),
        ],
        out_specs=[
            pl.BlockSpec((rows, 32), lambda i: (i, 0)),
            pl.BlockSpec((rows, 64), lambda i: (i, 0)),
        ],
        out_shape=[
            jax.ShapeDtypeStruct((n_pad, 32), jnp.float32),
            jax.ShapeDtypeStruct((n_pad, 64), jnp.float32),
        ],
    )(h, wc)


def _mid(pp, t, dinv):
    n_pad = t.shape[0]
    rows = n_pad // 8

    def kern(pp_ref, t_ref, d_ref, u1_ref, t2_ref):
        d = d_ref[...]
        u = (pp_ref[0] + pp_ref[1] + t_ref[...]) * d
        u1_ref[...] = u[:, :32]
        t2_ref[...] = u[:, 32:] * d

    return pl.pallas_call(
        kern,
        grid=(8,),
        in_specs=[
            pl.BlockSpec((2, rows, 64), lambda i: (0, i, 0)),
            pl.BlockSpec((rows, 64), lambda i: (i, 0)),
            pl.BlockSpec((rows, 1), lambda i: (i, 0)),
        ],
        out_specs=[
            pl.BlockSpec((rows, 32), lambda i: (i, 0)),
            pl.BlockSpec((rows, 32), lambda i: (i, 0)),
        ],
        out_shape=[
            jax.ShapeDtypeStruct((n_pad, 32), jnp.float32),
            jax.ShapeDtypeStruct((n_pad, 32), jnp.float32),
        ],
    )(pp, t, dinv)


def _fin_mm(qq, t2, p1, u1, bc, dinv, wc_next):
    n_pad = t2.shape[0]
    rows = n_pad // 8

    def kern(qq_ref, t2_ref, p1_ref, u1_ref, b_ref, d_ref, w_ref,
             p1n_ref, tn_ref):
        d = d_ref[...]
        v = (qq_ref[0] + qq_ref[1] + t2_ref[...]) * d
        cat = jnp.concatenate([p1_ref[...], u1_ref[...], v], axis=1)
        h = jnp.tanh(cat + b_ref[...])
        p = jnp.dot(h, w_ref[...], preferred_element_type=jnp.float32)
        p1n_ref[...] = p[:, :32]
        tn_ref[...] = p[:, 32:] * d

    spec32 = pl.BlockSpec((rows, 32), lambda i: (i, 0))
    return pl.pallas_call(
        kern,
        grid=(8,),
        in_specs=[
            pl.BlockSpec((2, rows, 32), lambda i: (0, i, 0)),
            spec32, spec32, spec32,
            pl.BlockSpec((1, 96), lambda i: (0, 0)),
            pl.BlockSpec((rows, 1), lambda i: (i, 0)),
            pl.BlockSpec((96, 96), lambda i: (0, 0)),
        ],
        out_specs=[
            pl.BlockSpec((rows, 32), lambda i: (i, 0)),
            pl.BlockSpec((rows, 64), lambda i: (i, 0)),
        ],
        out_shape=[
            jax.ShapeDtypeStruct((n_pad, 32), jnp.float32),
            jax.ShapeDtypeStruct((n_pad, 64), jnp.float32),
        ],
    )(qq, t2, p1, u1, bc, dinv, wc_next)


def _fin(qq, t2, p1, u1, bc, dinv):
    n_pad = t2.shape[0]
    rows = n_pad // 8

    def kern(qq_ref, t2_ref, p1_ref, u1_ref, b_ref, d_ref, o_ref):
        v = (qq_ref[0] + qq_ref[1] + t2_ref[...]) * d_ref[...]
        cat = jnp.concatenate([p1_ref[...], u1_ref[...], v], axis=1)
        o_ref[...] = jnp.tanh(cat + b_ref[...])

    spec32 = pl.BlockSpec((rows, 32), lambda i: (i, 0))
    return pl.pallas_call(
        kern,
        grid=(8,),
        in_specs=[
            pl.BlockSpec((2, rows, 32), lambda i: (0, i, 0)),
            spec32, spec32, spec32,
            pl.BlockSpec((1, 96), lambda i: (0, 0)),
            pl.BlockSpec((rows, 1), lambda i: (i, 0)),
        ],
        out_specs=pl.BlockSpec((rows, 96), lambda i: (i, 0)),
        out_shape=jax.ShapeDtypeStruct((n_pad, 96), jnp.float32),
    )(qq, t2, p1, u1, bc, dinv)


def kernel(x, params, edge_index):
    n, d_in = x.shape
    e = edge_index.shape[1]
    n_pad = -(-(n + 1) // (_NS * 8)) * (_NS * 8)
    k = -(-e // (_NW * _EB))
    kl = k + (k % 2)
    e_pad = kl * _NW * _EB
    pad_rows = n_pad - n

    pad_src = jnp.arange(e_pad - e, dtype=jnp.int32) % n
    pad_dst = n + jnp.arange(e_pad - e, dtype=jnp.int32) % pad_rows
    src = jnp.concatenate(
        [edge_index[0], pad_src]).reshape(_NW, kl, _EB)
    dst = jnp.concatenate(
        [edge_index[1], pad_dst]).reshape(_NW, kl, _EB)
    la_src = (jnp.arange(2 * _EB, dtype=jnp.int32) % n).reshape(1, 2, _EB)
    la_dst = (n + jnp.arange(2 * _EB, dtype=jnp.int32) % pad_rows).reshape(1, 2, _EB)
    src = jnp.concatenate(
        [src, jnp.broadcast_to(la_src, (_NW, 2, _EB))], axis=1)
    dst = jnp.concatenate(
        [dst, jnp.broadcast_to(la_dst, (_NW, 2, _EB))], axis=1)

    rpt = n_pad // _NS
    z16 = jnp.zeros((rpt, 16), jnp.float32)
    z32 = jnp.zeros((rpt, 32), jnp.float32)
    z64 = jnp.zeros((rpt, 64), jnp.float32)
    prop32 = _make_propagate(n_pad, 32, kl)
    prop64 = _make_propagate(n_pad, 64, kl)

    cnt = _make_count(n_pad, kl)(jnp.ones((_EB, 16), jnp.float32), dst, z16)

    x_pad = jnp.concatenate(
        [x, jnp.zeros((pad_rows, d_in), jnp.float32)], axis=0)
    wcs = [jnp.concatenate(params["W" + l], axis=1) for l in ("1", "2", "3")]
    bcs = [jnp.concatenate(params["b" + l]).reshape(1, 96) for l in ("1", "2", "3")]

    p1, p2 = _mm_split(x_pad, wcs[0])
    dinv, t = _dinv_scale(cnt[0], cnt[1], p2, n_pad)
    for li in range(3):
        pp = prop64(t, src, dst, z64)
        u1, t2 = _mid(pp, t, dinv)
        qq = prop32(t2, src, dst, z32)
        if li < 2:
            p1, t = _fin_mm(qq, t2, p1, u1, bcs[li], dinv, wcs[li + 1])
        else:
            h = _fin(qq, t2, p1, u1, bcs[li], dinv)
    return h[:n]

# --- scband reference (transcript-rebuilt; emitter-appended) ---
"""Pipeline reference for scband-conv-model-21277267984513 (READ-ONLY COPY).

The authoritative reference and input builder live on the scoring server;
editing this copy changes nothing except your own understanding.
"""

import jax, jax.numpy as jnp
import numpy as np

N = 10000
E = 320000
D_IN = 128
POWERS = [0, 1, 2]
DIMS1 = [32, 32, 32]
DIMS2 = [32, 32, 32]
DIMS3 = [32, 32, 32]
H1 = sum(DIMS1)
H2 = sum(DIMS2)


def _make_layer_params(key, in_dim, dims):
    Ws, bs = [], []
    for i, d in enumerate(dims):
        kW = jax.random.fold_in(key, 2 * i)
        W = jax.random.normal(kW, (in_dim, d), dtype=jnp.float32) * (1.0 / np.sqrt(in_dim))
        b = jnp.zeros((d,), dtype=jnp.float32)
        Ws.append(W)
        bs.append(b)
    return Ws, bs


def setup_inputs(seed: int = 0) -> dict:
    key = jax.random.key(seed)
    kx, ke, k1, k2, k3 = jax.random.split(key, 5)
    x = jax.random.normal(kx, (N, D_IN), dtype=jnp.float32)
    edge_index = jax.random.randint(ke, (2, E), 0, N, dtype=jnp.int32)
    W1, b1 = _make_layer_params(k1, D_IN, DIMS1)
    W2, b2 = _make_layer_params(k2, H1, DIMS2)
    W3, b3 = _make_layer_params(k3, H2, DIMS3)
    params = {"W1": W1, "b1": b1, "W2": W2, "b2": b2, "W3": W3, "b3": b3}
    return {"x": x, "params": params, "edge_index": edge_index}


def _propagate(h, src, dst, norm, n):
    # scatter-add of normalized messages: out[dst] += norm * h[src]
    msgs = norm[:, None] * h[src]
    return jnp.zeros((n, h.shape[1]), dtype=h.dtype).at[dst].add(msgs)


def _high_order_conv(h, src, dst, norm, n, Ws, bs, powers):
    outs = []
    cur = h
    prev_p = 0
    for i, p in enumerate(powers):
        while prev_p < p:
            cur = _propagate(cur, src, dst, norm, n)
            prev_p += 1
        outs.append(cur @ Ws[i] + bs[i])
    return jnp.concatenate(outs, axis=-1)


def reference(x, params, edge_index):
    n = x.shape[0]
    # add self-loops (add_self_loops=True)
    loop = jnp.arange(n, dtype=edge_index.dtype)
    src = jnp.concatenate([edge_index[0], loop])
    dst = jnp.concatenate([edge_index[1], loop])
    # symmetric GCN normalization: D^-1/2 A D^-1/2
    deg = jnp.zeros((n,), dtype=jnp.float32).at[dst].add(1.0)
    dinv = jnp.where(deg > 0, deg ** -0.5, 0.0)
    norm = dinv[src] * dinv[dst]
    h = jnp.tanh(_high_order_conv(x, src, dst, norm, n, params["W1"], params["b1"], POWERS))
    h = jnp.tanh(_high_order_conv(h, src, dst, norm, n, params["W2"], params["b2"], POWERS))
    embeddings = jnp.tanh(_high_order_conv(h, src, dst, norm, n, params["W3"], params["b3"], POWERS))
    return embeddings

if __name__ == "__main__":
    import jax
    _d = setup_inputs()
    print(jax.jit(kernel)(*tuple(_d.values())))

</pallas_src>

<mosaic_0001>
#map = affine_map<(d0, d1) -> (0, 0)>
#map1 = affine_map<(d0, d1) -> (0, 0, 0)>
module attributes {stable_mosaic.version = 14 : i64} {
  func.func @cnt(%arg0: i32, %arg1: i32, %arg2: memref<128x16xf32, #tpu.memory_space<hbm>>, %arg3: memref<32x82x128xi32, #tpu.memory_space<hbm>>, %arg4: memref<632x16xf32, #tpu.memory_space<hbm>>, %arg5: memref<2x10112x16xf32, #tpu.memory_space<hbm>>, %arg6: memref<82x128xi32, #tpu.memory_space<vmem>>, %arg7: memref<128x16xf32, #tpu.memory_space<vmem>>, %arg8: memref<632x16xf32, #tpu.memory_space<vmem>>, %arg9: memref<10112x16xf32, #tpu.memory_space<vmem_shared>>) attributes {dimension_semantics = [#tpu.dimension_semantics<core_parallel>, #tpu.dimension_semantics<subcore_parallel>], iteration_bounds = array<i64: 2, 16>, scalar_prefetch = 0 : i64, scratch_operands = 4 : i64, tpu.core_type = #tpu.core_type<sc_vector_subcore>, window_params = [{transform_indices = #map}, {transform_indices = #map1}, {transform_indices = #map}, {transform_indices = #map1}]} {
    %mul3A = arith.constant 2 : i32
    %mul3A_0 = arith.muli %arg1, %mul3A : i32
    %add3A = arith.addi %mul3A_0, %arg0 : i32
    "tpu.region"() ({
      %run_scoped3A = tpu.sem_alloc : memref<!tpu.dma_semaphore, #tpu.memory_space<semaphore_mem>>
      %dma_start3A = arith.constant 0 : i32
      %dma_start3A_9 = arith.constant 0 : i32
      %dma_start3A_10 = tpu.memref_slice %arg3[%add3A, %dma_start3A, %dma_start3A_9] : memref<32x82x128xi32, #tpu.memory_space<hbm>> -> memref<1x82x128xi32, #tpu.memory_space<hbm>>
      %dma_start3A_11 = tpu.memref_squeeze %dma_start3A_10 : memref<1x82x128xi32, #tpu.memory_space<hbm>> -> memref<82x128xi32, #tpu.memory_space<hbm>>
      %dma_start3A_12 = arith.constant 0 : i32
      %dma_start3A_13 = arith.constant 0 : i32
      %dma_start3A_14 = tpu.memref_slice %arg3[%add3A, %dma_start3A_12, %dma_start3A_13] : memref<32x82x128xi32, #tpu.memory_space<hbm>> -> memref<1x82x128xi32, #tpu.memory_space<hbm>>
      %dma_start3A_15 = tpu.memref_squeeze %dma_start3A_14 : memref<1x82x128xi32, #tpu.memory_space<hbm>> -> memref<82x128xi32, #tpu.memory_space<hbm>>
      tpu.enqueue_dma source(%dma_start3A_15 : memref<82x128xi32, #tpu.memory_space<hbm>>) target(%arg6 : memref<82x128xi32, #tpu.memory_space<vmem>>) target_semaphore(%run_scoped3A : memref<!tpu.dma_semaphore, #tpu.memory_space<semaphore_mem>>)
      %dma_wait3A = arith.constant 0 : i32
      %dma_wait3A_16 = arith.constant 0 : i32
      %dma_wait3A_17 = tpu.memref_slice %arg3[%add3A, %dma_wait3A, %dma_wait3A_16] : memref<32x82x128xi32, #tpu.memory_space<hbm>> -> memref<1x82x128xi32, #tpu.memory_space<hbm>>
      %dma_wait3A_18 = tpu.memref_squeeze %dma_wait3A_17 : memref<1x82x128xi32, #tpu.memory_space<hbm>> -> memref<82x128xi32, #tpu.memory_space<hbm>>
      %dma_wait3A_19 = arith.constant 0 : i32
      %dma_wait3A_20 = arith.constant 0 : i32
      %dma_wait3A_21 = tpu.memref_slice %arg3[%add3A, %dma_wait3A_19, %dma_wait3A_20] : memref<32x82x128xi32, #tpu.memory_space<hbm>> -> memref<1x82x128xi32, #tpu.memory_space<hbm>>
      %dma_wait3A_22 = tpu.memref_squeeze %dma_wait3A_21 : memref<1x82x128xi32, #tpu.memory_space<hbm>> -> memref<82x128xi32, #tpu.memory_space<hbm>>
      tpu.wait_dma2 semaphore(%run_scoped3A : memref<!tpu.dma_semaphore, #tpu.memory_space<semaphore_mem>>) src(%dma_wait3A_22 : memref<82x128xi32, #tpu.memory_space<hbm>>) dst(%arg6 : memref<82x128xi32, #tpu.memory_space<vmem>>)
      tpu.yield
    }) : () -> ()
    "tpu.region"() ({
      %run_scoped3A = tpu.sem_alloc : memref<!tpu.dma_semaphore, #tpu.memory_space<semaphore_mem>>
      tpu.enqueue_dma source(%arg2 : memref<128x16xf32, #tpu.memory_space<hbm>>) target(%arg7 : memref<128x16xf32, #tpu.memory_space<vmem>>) target_semaphore(%run_scoped3A : memref<!tpu.dma_semaphore, #tpu.memory_space<semaphore_mem>>)
      tpu.wait_dma2 semaphore(%run_scoped3A : memref<!tpu.dma_semaphore, #tpu.memory_space<semaphore_mem>>) src(%arg2 : memref<128x16xf32, #tpu.memory_space<hbm>>) dst(%arg7 : memref<128x16xf32, #tpu.memory_space<vmem>>)
      tpu.yield
    }) : () -> ()
    %mul3A_1 = arith.constant 632 : i32
    %mul3A_2 = arith.muli %arg1, %mul3A_1 : i32
    "tpu.region"() ({
      %run_scoped3A = tpu.sem_alloc : memref<!tpu.dma_semaphore, #tpu.memory_space<semaphore_mem>>
      tpu.enqueue_dma source(%arg4 : memref<632x16xf32, #tpu.memory_space<hbm>>) target(%arg8 : memref<632x16xf32, #tpu.memory_space<vmem>>) target_semaphore(%run_scoped3A : memref<!tpu.dma_semaphore, #tpu.memory_space<semaphore_mem>>)
      tpu.wait_dma2 semaphore(%run_scoped3A : memref<!tpu.dma_semaphore, #tpu.memory_space<semaphore_mem>>) src(%arg4 : memref<632x16xf32, #tpu.memory_space<hbm>>) dst(%arg8 : memref<632x16xf32, #tpu.memory_space<vmem>>)
      tpu.yield
    }) : () -> ()
    "tpu.region"() ({
      %run_scoped3A = tpu.sem_alloc : memref<!tpu.dma_semaphore, #tpu.memory_space<semaphore_mem>>
      %dma_start3A = arith.constant 0 : i32
      %dma_start3A_9 = tpu.memref_slice %arg9[%mul3A_2, %dma_start3A] : memref<10112x16xf32, #tpu.memory_space<vmem_shared>> -> memref<632x16xf32, #tpu.memory_space<vmem_shared>>
      %dma_start3A_10 = arith.constant 0 : i32
      %dma_start3A_11 = tpu.memref_slice %arg9[%mul3A_2, %dma_start3A_10] : memref<10112x16xf32, #tpu.memory_space<vmem_shared>> -> memref<632x16xf32, #tpu.memory_space<vmem_shared>>
      tpu.enqueue_dma source(%arg8 : memref<632x16xf32, #tpu.memory_space<vmem>>) target(%dma_start3A_11 : memref<632x16xf32, #tpu.memory_space<vmem_shared>>) target_semaphore(%run_scoped3A : memref<!tpu.dma_semaphore, #tpu.memory_space<semaphore_mem>>)
      %dma_wait3A = arith.constant 0 : i32
      %dma_wait3A_12 = tpu.memref_slice %arg9[%mul3A_2, %dma_wait3A] : memref<10112x16xf32, #tpu.memory_space<vmem_shared>> -> memref<632x16xf32, #tpu.memory_space<vmem_shared>>
      %dma_wait3A_13 = arith.constant 0 : i32
      %dma_wait3A_14 = tpu.memref_slice %arg9[%mul3A_2, %dma_wait3A_13] : memref<10112x16xf32, #tpu.memory_space<vmem_shared>> -> memref<632x16xf32, #tpu.memory_space<vmem_shared>>
      tpu.wait_dma2 semaphore(%run_scoped3A : memref<!tpu.dma_semaphore, #tpu.memory_space<semaphore_mem>>) src(%arg8 : memref<632x16xf32, #tpu.memory_space<vmem>>) dst(%dma_wait3A_14 : memref<632x16xf32, #tpu.memory_space<vmem_shared>>)
      tpu.yield
    }) : () -> ()
    %barrier3A = arith.constant 0 : index
    tpu.barrier barrier_id(%barrier3A)
    %scan3A = arith.constant 0 : i32
    %scan3A_3 = arith.constant 0 : i32
    %scan3A_4 = arith.constant 80 : i32
    %scan3A_5 = arith.addi %scan3A_3, %scan3A_4 : i32
    %scan3A_6 = arith.constant 1 : i32
    scf.for %scan3A_9 = %scan3A_3 to %scan3A_5 step %scan3A_6  : i32 {
      "tpu.region"() ({
        %run_scoped3A = tpu.sem_alloc : memref<!tpu.dma_semaphore, #tpu.memory_space<semaphore_mem>>
        %dma_start3A = arith.constant 0 : i32
        %dma_start3A_10 = tpu.memref_slice %arg6[%scan3A_9, %dma_start3A] : memref<82x128xi32, #tpu.memory_space<vmem>> -> memref<1x128xi32, #tpu.memory_space<vmem>>
        %dma_start3A_11 = tpu.memref_squeeze %dma_start3A_10 : memref<1x128xi32, #tpu.memory_space<vmem>> -> memref<128xi32, #tpu.memory_space<vmem>>
        %dma_start3A_12 = arith.constant 0 : i32
        %dma_start3A_13 = arith.constant 0 : i32
        %dma_start3A_14 = tpu.memref_slice %arg9[%dma_start3A_12, %dma_start3A_13] : memref<10112x16xf32, #tpu.memory_space<vmem_shared>> -> memref<10112x16xf32, #tpu.memory_space<vmem_shared>>
        tpu.enqueue_indirect_dma source(%arg7 : memref<128x16xf32, #tpu.memory_space<vmem>>) target(%dma_start3A_14 : memref<10112x16xf32, #tpu.memory_space<vmem_shared>>) offsets(%dma_start3A_11 : memref<128xi32, #tpu.memory_space<vmem>>) semaphore(%run_scoped3A : memref<!tpu.dma_semaphore, #tpu.memory_space<semaphore_mem>>) {add = true}
        %dma_wait3A = arith.constant 0 : i32
        %dma_wait3A_15 = tpu.memref_slice %arg6[%scan3A_9, %dma_wait3A] : memref<82x128xi32, #tpu.memory_space<vmem>> -> memref<1x128xi32, #tpu.memory_space<vmem>>
        %dma_wait3A_16 = tpu.memref_squeeze %dma_wait3A_15 : memref<1x128xi32, #tpu.memory_space<vmem>> -> memref<128xi32, #tpu.memory_space<vmem>>
        %dma_wait3A_17 = arith.constant 0 : i32
        %dma_wait3A_18 = arith.constant 0 : i32
        %dma_wait3A_19 = tpu.memref_slice %arg9[%dma_wait3A_17, %dma_wait3A_18] : memref<10112x16xf32, #tpu.memory_space<vmem_shared>> -> memref<10112x16xf32, #tpu.memory_space<vmem_shared>>
        tpu.wait_indirect_dma semaphore(%run_scoped3A : memref<!tpu.dma_semaphore, #tpu.memory_space<semaphore_mem>>) src(%arg7 : memref<128x16xf32, #tpu.memory_space<vmem>>) dst(%dma_wait3A_19 : memref<10112x16xf32, #tpu.memory_space<vmem_shared>>)
        tpu.yield
      }) : () -> ()
    }
    %scan3A_7 = arith.constant 80 : i32
    %barrier3A_8 = arith.constant 0 : index
    tpu.barrier barrier_id(%barrier3A_8)
    "tpu.region"() ({
      %run_scoped3A = tpu.sem_alloc : memref<!tpu.dma_semaphore, #tpu.memory_space<semaphore_mem>>
      %dma_start3A = arith.constant 0 : i32
      %dma_start3A_9 = tpu.memref_slice %arg9[%mul3A_2, %dma_start3A] : memref<10112x16xf32, #tpu.memory_space<vmem_shared>> -> memref<632x16xf32, #tpu.memory_space<vmem_shared>>
      %dma_start3A_10 = arith.constant 0 : i32
      %dma_start3A_11 = tpu.memref_slice %arg9[%mul3A_2, %dma_start3A_10] : memref<10112x16xf32, #tpu.memory_space<vmem_shared>> -> memref<632x16xf32, #tpu.memory_space<vmem_shared>>
      tpu.enqueue_dma source(%dma_start3A_11 : memref<632x16xf32, #tpu.memory_space<vmem_shared>>) target(%arg8 : memref<632x16xf32, #tpu.memory_space<vmem>>) target_semaphore(%run_scoped3A : memref<!tpu.dma_semaphore, #tpu.memory_space<semaphore_mem>>)
      %dma_wait3A = arith.constant 0 : i32
      %dma_wait3A_12 = tpu.memref_slice %arg9[%mul3A_2, %dma_wait3A] : memref<10112x16xf32, #tpu.memory_space<vmem_shared>> -> memref<632x16xf32, #tpu.memory_space<vmem_shared>>
      %dma_wait3A_13 = arith.constant 0 : i32
      %dma_wait3A_14 = tpu.memref_slice %arg9[%mul3A_2, %dma_wait3A_13] : memref<10112x16xf32, #tpu.memory_space<vmem_shared>> -> memref<632x16xf32, #tpu.memory_space<vmem_shared>>
      tpu.wait_dma2 semaphore(%run_scoped3A : memref<!tpu.dma_semaphore, #tpu.memory_space<semaphore_mem>>) src(%dma_wait3A_14 : memref<632x16xf32, #tpu.memory_space<vmem_shared>>) dst(%arg8 : memref<632x16xf32, #tpu.memory_space<vmem>>)
      tpu.yield
    }) : () -> ()
    "tpu.region"() ({
      %run_scoped3A = tpu.sem_alloc : memref<!tpu.dma_semaphore, #tpu.memory_space<semaphore_mem>>
      %dma_start3A = arith.constant 0 : i32
      %dma_start3A_9 = tpu.memref_slice %arg5[%arg0, %mul3A_2, %dma_start3A] : memref<2x10112x16xf32, #tpu.memory_space<hbm>> -> memref<1x632x16xf32, #tpu.memory_space<hbm>>
      %dma_start3A_10 = tpu.memref_squeeze %dma_start3A_9 : memref<1x632x16xf32, #tpu.memory_space<hbm>> -> memref<632x16xf32, #tpu.memory_space<hbm>>
      %dma_start3A_11 = arith.constant 0 : i32
      %dma_start3A_12 = tpu.memref_slice %arg5[%arg0, %mul3A_2, %dma_start3A_11] : memref<2x10112x16xf32, #tpu.memory_space<hbm>> -> memref<1x632x16xf32, #tpu.memory_space<hbm>>
      %dma_start3A_13 = tpu.memref_squeeze %dma_start3A_12 : memref<1x632x16xf32, #tpu.memory_space<hbm>> -> memref<632x16xf32, #tpu.memory_space<hbm>>
      tpu.enqueue_dma source(%arg8 : memref<632x16xf32, #tpu.memory_space<vmem>>) target(%dma_start3A_13 : memref<632x16xf32, #tpu.memory_space<hbm>>) target_semaphore(%run_scoped3A : memref<!tpu.dma_semaphore, #tpu.memory_space<semaphore_mem>>)
      %dma_wait3A = arith.constant 0 : i32
      %dma_wait3A_14 = tpu.memref_slice %arg5[%arg0, %mul3A_2, %dma_wait3A] : memref<2x10112x16xf32, #tpu.memory_space<hbm>> -> memref<1x632x16xf32, #tpu.memory_space<hbm>>
      %dma_wait3A_15 = tpu.memref_squeeze %dma_wait3A_14 : memref<1x632x16xf32, #tpu.memory_space<hbm>> -> memref<632x16xf32, #tpu.memory_space<hbm>>
      %dma_wait3A_16 = arith.constant 0 : i32
      %dma_wait3A_17 = tpu.memref_slice %arg5[%arg0, %mul3A_2, %dma_wait3A_16] : memref<2x10112x16xf32, #tpu.memory_space<hbm>> -> memref<1x632x16xf32, #tpu.memory_space<hbm>>
      %dma_wait3A_18 = tpu.memref_squeeze %dma_wait3A_17 : memref<1x632x16xf32, #tpu.memory_space<hbm>> -> memref<632x16xf32, #tpu.memory_space<hbm>>
      tpu.wait_dma2 semaphore(%run_scoped3A : memref<!tpu.dma_semaphore, #tpu.memory_space<semaphore_mem>>) src(%arg8 : memref<632x16xf32, #tpu.memory_space<vmem>>) dst(%dma_wait3A_18 : memref<632x16xf32, #tpu.memory_space<hbm>>)
      tpu.yield
    }) : () -> ()
    return
  }
}

#map = affine_map<(d0, d1) -> (0, 0)>
#map1 = affine_map<(d0, d1) -> (0, 0, 0)>
module attributes {stable_mosaic.version = 14 : i64} {
  func.func @prop(%arg0: i32, %arg1: i32, %arg2: memref<10112x32xf32, #tpu.memory_space<hbm>>, %arg3: memref<32x82x128xi32, #tpu.memory_space<hbm>>, %arg4: memref<32x82x128xi32, #tpu.memory_space<hbm>>, %arg5: memref<632x32xf32, #tpu.memory_space<hbm>>, %arg6: memref<2x10112x32xf32, #tpu.memory_space<hbm>>, %arg7: memref<82x128xi32, #tpu.memory_space<vmem>>, %arg8: memref<82x128xi32, #tpu.memory_space<vmem>>, %arg9: memref<128x32xf32, #tpu.memory_space<vmem>>, %arg10: memref<128x32xf32, #tpu.memory_space<vmem>>, %arg11: memref<632x32xf32, #tpu.memory_space<vmem>>, %arg12: memref<10112x32xf32, #tpu.memory_space<vmem_shared>>, %arg13: memref<!tpu.dma_semaphore, #tpu.memory_space<semaphore_mem>>, %arg14: memref<!tpu.dma_semaphore, #tpu.memory_space<semaphore_mem>>) attributes {dimension_semantics = [#tpu.dimension_semantics<core_parallel>, #tpu.dimension_semantics<subcore_parallel>], iteration_bounds = array<i64: 2, 16>, scalar_prefetch = 0 : i64, scratch_operands = 8 : i64, tpu.core_type = #tpu.core_type<sc_vector_subcore>, window_params = [{transform_indices = #map}, {transform_indices = #map1}, {transform_indices = #map1}, {transform_indices = #map}, {transform_indices = #map1}]} {
    %mul3A = arith.constant 2 : i32
    %mul3A_0 = arith.muli %arg1, %mul3A : i32
    %add3A = arith.addi %mul3A_0, %arg0 : i32
    "tpu.region"() ({
      %run_scoped3A = tpu.sem_alloc : memref<!tpu.dma_semaphore, #tpu.memory_space<semaphore_mem>>
      %dma_start3A_21 = arith.constant 0 : i32
      %dma_start3A_22 = arith.constant 0 : i32
      %dma_start3A_23 = tpu.memref_slice %arg3[%add3A, %dma_start3A_21, %dma_start3A_22] : memref<32x82x128xi32, #tpu.memory_space<hbm>> -> memref<1x82x128xi32, #tpu.memory_space<hbm>>
      %dma_start3A_24 = tpu.memref_squeeze %dma_start3A_23 : memref<1x82x128xi32, #tpu.memory_space<hbm>> -> memref<82x128xi32, #tpu.memory_space<hbm>>
      %dma_start3A_25 = arith.constant 0 : i32
      %dma_start3A_26 = arith.constant 0 : i32
      %dma_start3A_27 = tpu.memref_slice %arg3[%add3A, %dma_start3A_25, %dma_start3A_26] : memref<32x82x128xi32, #tpu.memory_space<hbm>> -> memref<1x82x128xi32, #tpu.memory_space<hbm>>
      %dma_start3A_28 = tpu.memref_squeeze %dma_start3A_27 : memref<1x82x128xi32, #tpu.memory_space<hbm>> -> memref<82x128xi32, #tpu.memory_space<hbm>>
      tpu.enqueue_dma source(%dma_start3A_28 : memref<82x128xi32, #tpu.memory_space<hbm>>) target(%arg7 : memref<82x128xi32, #tpu.memory_space<vmem>>) target_semaphore(%run_scoped3A : memref<!tpu.dma_semaphore, #tpu.memory_space<semaphore_mem>>)
      %dma_wait3A_29 = arith.constant 0 : i32
      %dma_wait3A_30 = arith.constant 0 : i32
      %dma_wait3A_31 = tpu.memref_slice %arg3[%add3A, %dma_wait3A_29, %dma_wait3A_30] : memref<32x82x128xi32, #tpu.memory_space<hbm>> -> memref<1x82x128xi32, #tpu.memory_space<hbm>>
      %dma_wait3A_32 = tpu.memref_squeeze %dma_wait3A_31 : memref<1x82x128xi32, #tpu.memory_space<hbm>> -> memref<82x128xi32, #tpu.memory_space<hbm>>
      %dma_wait3A_33 = arith.constant 0 : i32
      %dma_wait3A_34 = arith.constant 0 : i32
      %dma_wait3A_35 = tpu.memref_slice %arg3[%add3A, %dma_wait3A_33, %dma_wait3A_34] : memref<32x82x128xi32, #tpu.memory_space<hbm>> -> memref<1x82x128xi32, #tpu.memory_space<hbm>>
      %dma_wait3A_36 = tpu.memref_squeeze %dma_wait3A_35 : memref<1x82x128xi32, #tpu.memory_space<hbm>> -> memref<82x128xi32, #tpu.memory_space<hbm>>
      tpu.wait_dma2 semaphore(%run_scoped3A : memref<!tpu.dma_semaphore, #tpu.memory_space<semaphore_mem>>) src(%dma_wait3A_36 : memref<82x128xi32, #tpu.memory_space<hbm>>) dst(%arg7 : memref<82x128xi32, #tpu.memory_space<vmem>>)
      tpu.yield
    }) : () -> ()
    "tpu.region"() ({
      %run_scoped3A = tpu.sem_alloc : memref<!tpu.dma_semaphore, #tpu.memory_space<semaphore_mem>>
      %dma_start3A_21 = arith.constant 0 : i32
      %dma_start3A_22 = arith.constant 0 : i32
      %dma_start3A_23 = tpu.memref_slice %arg4[%add3A, %dma_start3A_21, %dma_start3A_22] : memref<32x82x128xi32, #tpu.memory_space<hbm>> -> memref<1x82x128xi32, #tpu.memory_space<hbm>>
      %dma_start3A_24 = tpu.memref_squeeze %dma_start3A_23 : memref<1x82x128xi32, #tpu.memory_space<hbm>> -> memref<82x128xi32, #tpu.memory_space<hbm>>
      %dma_start3A_25 = arith.constant 0 : i32
      %dma_start3A_26 = arith.constant 0 : i32
      %dma_start3A_27 = tpu.memref_slice %arg4[%add3A, %dma_start3A_25, %dma_start3A_26] : memref<32x82x128xi32, #tpu.memory_space<hbm>> -> memref<1x82x128xi32, #tpu.memory_space<hbm>>
      %dma_start3A_28 = tpu.memref_squeeze %dma_start3A_27 : memref<1x82x128xi32, #tpu.memory_space<hbm>> -> memref<82x128xi32, #tpu.memory_space<hbm>>
      tpu.enqueue_dma source(%dma_start3A_28 : memref<82x128xi32, #tpu.memory_space<hbm>>) target(%arg8 : memref<82x128xi32, #tpu.memory_space<vmem>>) target_semaphore(%run_scoped3A : memref<!tpu.dma_semaphore, #tpu.memory_space<semaphore_mem>>)
      %dma_wait3A_29 = arith.constant 0 : i32
      %dma_wait3A_30 = arith.constant 0 : i32
      %dma_wait3A_31 = tpu.memref_slice %arg4[%add3A, %dma_wait3A_29, %dma_wait3A_30] : memref<32x82x128xi32, #tpu.memory_space<hbm>> -> memref<1x82x128xi32, #tpu.memory_space<hbm>>
      %dma_wait3A_32 = tpu.memref_squeeze %dma_wait3A_31 : memref<1x82x128xi32, #tpu.memory_space<hbm>> -> memref<82x128xi32, #tpu.memory_space<hbm>>
      %dma_wait3A_33 = arith.constant 0 : i32
      %dma_wait3A_34 = arith.constant 0 : i32
      %dma_wait3A_35 = tpu.memref_slice %arg4[%add3A, %dma_wait3A_33, %dma_wait3A_34] : memref<32x82x128xi32, #tpu.memory_space<hbm>> -> memref<1x82x128xi32, #tpu.memory_space<hbm>>
      %dma_wait3A_36 = tpu.memref_squeeze %dma_wait3A_35 : memref<1x82x128xi32, #tpu.memory_space<hbm>> -> memref<82x128xi32, #tpu.memory_space<hbm>>
      tpu.wait_dma2 semaphore(%run_scoped3A : memref<!tpu.dma_semaphore, #tpu.memory_space<semaphore_mem>>) src(%dma_wait3A_36 : memref<82x128xi32, #tpu.memory_space<hbm>>) dst(%arg8 : memref<82x128xi32, #tpu.memory_space<vmem>>)
      tpu.yield
    }) : () -> ()
    %mul3A_1 = arith.constant 632 : i32
    %mul3A_2 = arith.muli %arg1, %mul3A_1 : i32
    "tpu.region"() ({
      %run_scoped3A = tpu.sem_alloc : memref<!tpu.dma_semaphore, #tpu.memory_space<semaphore_mem>>
      tpu.enqueue_dma source(%arg5 : memref<632x32xf32, #tpu.memory_space<hbm>>) target(%arg11 : memref<632x32xf32, #tpu.memory_space<vmem>>) target_semaphore(%run_scoped3A : memref<!tpu.dma_semaphore, #tpu.memory_space<semaphore_mem>>)
      tpu.wait_dma2 semaphore(%run_scoped3A : memref<!tpu.dma_semaphore, #tpu.memory_space<semaphore_mem>>) src(%arg5 : memref<632x32xf32, #tpu.memory_space<hbm>>) dst(%arg11 : memref<632x32xf32, #tpu.memory_space<vmem>>)
      tpu.yield
    }) : () -> ()
    "tpu.region"() ({
      %run_scoped3A = tpu.sem_alloc : memref<!tpu.dma_semaphore, #tpu.memory_space<semaphore_mem>>
      %dma_start3A_21 = arith.constant 0 : i32
      %dma_start3A_22 = tpu.memref_slice %arg12[%mul3A_2, %dma_start3A_21] : memref<10112x32xf32, #tpu.memory_space<vmem_shared>> -> memref<632x32xf32, #tpu.memory_space<vmem_shared>>
      %dma_start3A_23 = arith.constant 0 : i32
      %dma_start3A_24 = tpu.memref_slice %arg12[%mul3A_2, %dma_start3A_23] : memref<10112x32xf32, #tpu.memory_space<vmem_shared>> -> memref<632x32xf32, #tpu.memory_space<vmem_shared>>
      tpu.enqueue_dma source(%arg11 : memref<632x32xf32, #tpu.memory_space<vmem>>) target(%dma_start3A_24 : memref<632x32xf32, #tpu.memory_space<vmem_shared>>) target_semaphore(%run_scoped3A : memref<!tpu.dma_semaphore, #tpu.memory_space<semaphore_mem>>)
      %dma_wait3A_25 = arith.constant 0 : i32
      %dma_wait3A_26 = tpu.memref_slice %arg12[%mul3A_2, %dma_wait3A_25] : memref<10112x32xf32, #tpu.memory_space<vmem_shared>> -> memref<632x32xf32, #tpu.memory_space<vmem_shared>>
      %dma_wait3A_27 = arith.constant 0 : i32
      %dma_wait3A_28 = tpu.memref_slice %arg12[%mul3A_2, %dma_wait3A_27] : memref<10112x32xf32, #tpu.memory_space<vmem_shared>> -> memref<632x32xf32, #tpu.memory_space<vmem_shared>>
      tpu.wait_dma2 semaphore(%run_scoped3A : memref<!tpu.dma_semaphore, #tpu.memory_space<semaphore_mem>>) src(%arg11 : memref<632x32xf32, #tpu.memory_space<vmem>>) dst(%dma_wait3A_28 : memref<632x32xf32, #tpu.memory_space<vmem_shared>>)
      tpu.yield
    }) : () -> ()
    %barrier3A = arith.constant 0 : index
    tpu.barrier barrier_id(%barrier3A)
    %dma_start3A = arith.constant 0 : i32
    %dma_start3A_3 = arith.constant 0 : i32
    %dma_start3A_4 = tpu.memref_slice %arg7[%dma_start3A, %dma_start3A_3] : memref<82x128xi32, #tpu.memory_space<vmem>> -> memref<1x128xi32, #tpu.memory_space<vmem>>
    %dma_start3A_5 = tpu.memref_squeeze %dma_start3A_4 : memref<1x128xi32, #tpu.memory_space<vmem>> -> memref<128xi32, #tpu.memory_space<vmem>>
    %dma_start3A_6 = arith.constant 0 : i32
    %dma_start3A_7 = arith.constant 0 : i32
    %dma_start3A_8 = tpu.memref_slice %arg2[%dma_start3A_6, %dma_start3A_7] : memref<10112x32xf32, #tpu.memory_space<hbm>> -> memref<10112x32xf32, #tpu.memory_space<hbm>>
    tpu.enqueue_indirect_dma source(%dma_start3A_8 : memref<10112x32xf32, #tpu.memory_space<hbm>>) target(%arg9 : memref<128x32xf32, #tpu.memory_space<vmem>>) offsets(%dma_start3A_5 : memref<128xi32, #tpu.memory_space<vmem>>) semaphore(%arg13 : memref<!tpu.dma_semaphore, #tpu.memory_space<semaphore_mem>>)
    %scan3A = arith.constant 0 : i32
    %scan3A_9 = arith.constant 0 : i32
    %scan3A_10 = arith.constant 40 : i32
    %scan3A_11 = arith.addi %scan3A_9, %scan3A_10 : i32
    %scan3A_12 = arith.constant 1 : i32
    scf.for %scan3A_21 = %scan3A_9 to %scan3A_11 step %scan3A_12  : i32 {
      %mul3A_22 = arith.constant 2 : i32
      %mul3A_23 = arith.muli %mul3A_22, %scan3A_21 : i32
      %add3A_24 = arith.constant 1 : i32
      %add3A_25 = arith.addi %mul3A_23, %add3A_24 : i32
      %dma_start3A_26 = arith.constant 0 : i32
      %dma_start3A_27 = tpu.memref_slice %arg7[%add3A_25, %dma_start3A_26] : memref<82x128xi32, #tpu.memory_space<vmem>> -> memref<1x128xi32, #tpu.memory_space<vmem>>
      %dma_start3A_28 = tpu.memref_squeeze %dma_start3A_27 : memref<1x128xi32, #tpu.memory_space<vmem>> -> memref<128xi32, #tpu.memory_space<vmem>>
      %dma_start3A_29 = arith.constant 0 : i32
      %dma_start3A_30 = arith.constant 0 : i32
      %dma_start3A_31 = tpu.memref_slice %arg2[%dma_start3A_29, %dma_start3A_30] : memref<10112x32xf32, #tpu.memory_space<hbm>> -> memref<10112x32xf32, #tpu.memory_space<hbm>>
      tpu.enqueue_indirect_dma source(%dma_start3A_31 : memref<10112x32xf32, #tpu.memory_space<hbm>>) target(%arg10 : memref<128x32xf32, #tpu.memory_space<vmem>>) offsets(%dma_start3A_28 : memref<128xi32, #tpu.memory_space<vmem>>) semaphore(%arg14 : memref<!tpu.dma_semaphore, #tpu.memory_space<semaphore_mem>>)
      %dma_wait3A_32 = arith.constant 0 : i32
      %dma_wait3A_33 = tpu.memref_slice %arg7[%mul3A_23, %dma_wait3A_32] : memref<82x128xi32, #tpu.memory_space<vmem>> -> memref<1x128xi32, #tpu.memory_space<vmem>>
      %dma_wait3A_34 = tpu.memref_squeeze %dma_wait3A_33 : memref<1x128xi32, #tpu.memory_space<vmem>> -> memref<128xi32, #tpu.memory_space<vmem>>
      %dma_wait3A_35 = arith.constant 0 : i32
      %dma_wait3A_36 = arith.constant 0 : i32
      %dma_wait3A_37 = tpu.memref_slice %arg2[%dma_wait3A_35, %dma_wait3A_36] : memref<10112x32xf32, #tpu.memory_space<hbm>> -> memref<10112x32xf32, #tpu.memory_space<hbm>>
      tpu.wait_indirect_dma semaphore(%arg13 : memref<!tpu.dma_semaphore, #tpu.memory_space<semaphore_mem>>) src(%dma_wait3A_37 : memref<10112x32xf32, #tpu.memory_space<hbm>>) dst(%arg9 : memref<128x32xf32, #tpu.memory_space<vmem>>)
      "tpu.region"() ({
        %run_scoped3A = tpu.sem_alloc : memref<!tpu.dma_semaphore, #tpu.memory_space<semaphore_mem>>
        %dma_start3A_56 = arith.constant 0 : i32
        %dma_start3A_57 = tpu.memref_slice %arg8[%mul3A_23, %dma_start3A_56] : memref<82x128xi32, #tpu.memory_space<vmem>> -> memref<1x128xi32, #tpu.memory_space<vmem>>
        %dma_start3A_58 = tpu.memref_squeeze %dma_start3A_57 : memref<1x128xi32, #tpu.memory_space<vmem>> -> memref<128xi32, #tpu.memory_space<vmem>>
        %dma_start3A_59 = arith.constant 0 : i32
        %dma_start3A_60 = arith.constant 0 : i32
        %dma_start3A_61 = tpu.memref_slice %arg12[%dma_start3A_59, %dma_start3A_60] : memref<10112x32xf32, #tpu.memory_space<vmem_shared>> -> memref<10112x32xf32, #tpu.memory_space<vmem_shared>>
        tpu.enqueue_indirect_dma source(%arg9 : memref<128x32xf32, #tpu.memory_space<vmem>>) target(%dma_start3A_61 : memref<10112x32xf32, #tpu.memory_space<vmem_shared>>) offsets(%dma_start3A_58 : memref<128xi32, #tpu.memory_space<vmem>>) semaphore(%run_scoped3A : memref<!tpu.dma_semaphore, #tpu.memory_space<semaphore_mem>>) {add = true}
        %dma_wait3A_62 = arith.constant 0 : i32
        %dma_wait3A_63 = tpu.memref_slice %arg8[%mul3A_23, %dma_wait3A_62] : memref<82x128xi32, #tpu.memory_space<vmem>> -> memref<1x128xi32, #tpu.memory_space<vmem>>
        %dma_wait3A_64 = tpu.memref_squeeze %dma_wait3A_63 : memref<1x128xi32, #tpu.memory_space<vmem>> -> memref<128xi32, #tpu.memory_space<vmem>>
        %dma_wait3A_65 = arith.constant 0 : i32
        %dma_wait3A_66 = arith.constant 0 : i32
        %dma_wait3A_67 = tpu.memref_slice %arg12[%dma_wait3A_65, %dma_wait3A_66] : memref<10112x32xf32, #tpu.memory_space<vmem_shared>> -> memref<10112x32xf32, #tpu.memory_space<vmem_shared>>
        tpu.wait_indirect_dma semaphore(%run_scoped3A : memref<!tpu.dma_semaphore, #tpu.memory_space<semaphore_mem>>) src(%arg9 : memref<128x32xf32, #tpu.memory_space<vmem>>) dst(%dma_wait3A_67 : memref<10112x32xf32, #tpu.memory_space<vmem_shared>>)
        tpu.yield
      }) : () -> ()
      %add3A_38 = arith.constant 2 : i32
      %add3A_39 = arith.addi %mul3A_23, %add3A_38 : i32
      %dma_start3A_40 = arith.constant 0 : i32
      %dma_start3A_41 = tpu.memref_slice %arg7[%add3A_39, %dma_start3A_40] : memref<82x128xi32, #tpu.memory_space<vmem>> -> memref<1x128xi32, #tpu.memory_space<vmem>>
      %dma_start3A_42 = tpu.memref_squeeze %dma_start3A_41 : memref<1x128xi32, #tpu.memory_space<vmem>> -> memref<128xi32, #tpu.memory_space<vmem>>
      %dma_start3A_43 = arith.constant 0 : i32
      %dma_start3A_44 = arith.constant 0 : i32
      %dma_start3A_45 = tpu.memref_slice %arg2[%dma_start3A_43, %dma_start3A_44] : memref<10112x32xf32, #tpu.memory_space<hbm>> -> memref<10112x32xf32, #tpu.memory_space<hbm>>
      tpu.enqueue_indirect_dma source(%dma_start3A_45 : memref<10112x32xf32, #tpu.memory_space<hbm>>) target(%arg9 : memref<128x32xf32, #tpu.memory_space<vmem>>) offsets(%dma_start3A_42 : memref<128xi32, #tpu.memory_space<vmem>>) semaphore(%arg13 : memref<!tpu.dma_semaphore, #tpu.memory_space<semaphore_mem>>)
      %add3A_46 = arith.constant 1 : i32
      %add3A_47 = arith.addi %mul3A_23, %add3A_46 : i32
      %dma_wait3A_48 = arith.constant 0 : i32
      %dma_wait3A_49 = tpu.memref_slice %arg7[%add3A_47, %dma_wait3A_48] : memref<82x128xi32, #tpu.memory_space<vmem>> -> memref<1x128xi32, #tpu.memory_space<vmem>>
      %dma_wait3A_50 = tpu.memref_squeeze %dma_wait3A_49 : memref<1x128xi32, #tpu.memory_space<vmem>> -> memref<128xi32, #tpu.memory_space<vmem>>
      %dma_wait3A_51 = arith.constant 0 : i32
      %dma_wait3A_52 = arith.constant 0 : i32
      %dma_wait3A_53 = tpu.memref_slice %arg2[%dma_wait3A_51, %dma_wait3A_52] : memref<10112x32xf32, #tpu.memory_space<hbm>> -> memref<10112x32xf32, #tpu.memory_space<hbm>>
      tpu.wait_indirect_dma semaphore(%arg14 : memref<!tpu.dma_semaphore, #tpu.memory_space<semaphore_mem>>) src(%dma_wait3A_53 : memref<10112x32xf32, #tpu.memory_space<hbm>>) dst(%arg10 : memref<128x32xf32, #tpu.memory_space<vmem>>)
      %add3A_54 = arith.constant 1 : i32
      %add3A_55 = arith.addi %mul3A_23, %add3A_54 : i32
      "tpu.region"() ({
        %run_scoped3A = tpu.sem_alloc : memref<!tpu.dma_semaphore, #tpu.memory_space<semaphore_mem>>
        %dma_start3A_56 = arith.constant 0 : i32
        %dma_start3A_57 = tpu.memref_slice %arg8[%add3A_55, %dma_start3A_56] : memref<82x128xi32, #tpu.memory_space<vmem>> -> memref<1x128xi32, #tpu.memory_space<vmem>>
        %dma_start3A_58 = tpu.memref_squeeze %dma_start3A_57 : memref<1x128xi32, #tpu.memory_space<vmem>> -> memref<128xi32, #tpu.memory_space<vmem>>
        %dma_start3A_59 = arith.constant 0 : i32
        %dma_start3A_60 = arith.constant 0 : i32
        %dma_start3A_61 = tpu.memref_slice %arg12[%dma_start3A_59, %dma_start3A_60] : memref<10112x32xf32, #tpu.memory_space<vmem_shared>> -> memref<10112x32xf32, #tpu.memory_space<vmem_shared>>
        tpu.enqueue_indirect_dma source(%arg10 : memref<128x32xf32, #tpu.memory_space<vmem>>) target(%dma_start3A_61 : memref<10112x32xf32, #tpu.memory_space<vmem_shared>>) offsets(%dma_start3A_58 : memref<128xi32, #tpu.memory_space<vmem>>) semaphore(%run_scoped3A : memref<!tpu.dma_semaphore, #tpu.memory_space<semaphore_mem>>) {add = true}
        %dma_wait3A_62 = arith.constant 0 : i32
        %dma_wait3A_63 = tpu.memref_slice %arg8[%add3A_55, %dma_wait3A_62] : memref<82x128xi32, #tpu.memory_space<vmem>> -> memref<1x128xi32, #tpu.memory_space<vmem>>
        %dma_wait3A_64 = tpu.memref_squeeze %dma_wait3A_63 : memref<1x128xi32, #tpu.memory_space<vmem>> -> memref<128xi32, #tpu.memory_space<vmem>>
        %dma_wait3A_65 = arith.constant 0 : i32
        %dma_wait3A_66 = arith.constant 0 : i32
        %dma_wait3A_67 = tpu.memref_slice %arg12[%dma_wait3A_65, %dma_wait3A_66] : memref<10112x32xf32, #tpu.memory_space<vmem_shared>> -> memref<10112x32xf32, #tpu.memory_space<vmem_shared>>
        tpu.wait_indirect_dma semaphore(%run_scoped3A : memref<!tpu.dma_semaphore, #tpu.memory_space<semaphore_mem>>) src(%arg10 : memref<128x32xf32, #tpu.memory_space<vmem>>) dst(%dma_wait3A_67 : memref<10112x32xf32, #tpu.memory_space<vmem_shared>>)
        tpu.yield
      }) : () -> ()
    }
    %scan3A_13 = arith.constant 40 : i32
    %dma_wait3A = arith.constant 80 : i32
    %dma_wait3A_14 = arith.constant 0 : i32
    %dma_wait3A_15 = tpu.memref_slice %arg7[%dma_wait3A, %dma_wait3A_14] : memref<82x128xi32, #tpu.memory_space<vmem>> -> memref<1x128xi32, #tpu.memory_space<vmem>>
    %dma_wait3A_16 = tpu.memref_squeeze %dma_wait3A_15 : memref<1x128xi32, #tpu.memory_space<vmem>> -> memref<128xi32, #tpu.memory_space<vmem>>
    %dma_wait3A_17 = arith.constant 0 : i32
    %dma_wait3A_18 = arith.constant 0 : i32
    %dma_wait3A_19 = tpu.memref_slice %arg2[%dma_wait3A_17, %dma_wait3A_18] : memref<10112x32xf32, #tpu.memory_space<hbm>> -> memref<10112x32xf32, #tpu.memory_space<hbm>>
    tpu.wait_indirect_dma semaphore(%arg13 : memref<!tpu.dma_semaphore, #tpu.memory_space<semaphore_mem>>) src(%dma_wait3A_19 : memref<10112x32xf32, #tpu.memory_space<hbm>>) dst(%arg9 : memref<128x32xf32, #tpu.memory_space<vmem>>)
    %barrier3A_20 = arith.constant 0 : index
    tpu.barrier barrier_id(%barrier3A_20)
    "tpu.region"() ({
      %run_scoped3A = tpu.sem_alloc : memref<!tpu.dma_semaphore, #tpu.memory_space<semaphore_mem>>
      %dma_start3A_21 = arith.constant 0 : i32
      %dma_start3A_22 = tpu.memref_slice %arg12[%mul3A_2, %dma_start3A_21] : memref<10112x32xf32, #tpu.memory_space<vmem_shared>> -> memref<632x32xf32, #tpu.memory_space<vmem_shared>>
      %dma_start3A_23 = arith.constant 0 : i32
      %dma_start3A_24 = tpu.memref_slice %arg12[%mul3A_2, %dma_start3A_23] : memref<10112x32xf32, #tpu.memory_space<vmem_shared>> -> memref<632x32xf32, #tpu.memory_space<vmem_shared>>
      tpu.enqueue_dma source(%dma_start3A_24 : memref<632x32xf32, #tpu.memory_space<vmem_shared>>) target(%arg11 : memref<632x32xf32, #tpu.memory_space<vmem>>) target_semaphore(%run_scoped3A : memref<!tpu.dma_semaphore, #tpu.memory_space<semaphore_mem>>)
      %dma_wait3A_25 = arith.constant 0 : i32
      %dma_wait3A_26 = tpu.memref_slice %arg12[%mul3A_2, %dma_wait3A_25] : memref<10112x32xf32, #tpu.memory_space<vmem_shared>> -> memref<632x32xf32, #tpu.memory_space<vmem_shared>>
      %dma_wait3A_27 = arith.constant 0 : i32
      %dma_wait3A_28 = tpu.memref_slice %arg12[%mul3A_2, %dma_wait3A_27] : memref<10112x32xf32, #tpu.memory_space<vmem_shared>> -> memref<632x32xf32, #tpu.memory_space<vmem_shared>>
      tpu.wait_dma2 semaphore(%run_scoped3A : memref<!tpu.dma_semaphore, #tpu.memory_space<semaphore_mem>>) src(%dma_wait3A_28 : memref<632x32xf32, #tpu.memory_space<vmem_shared>>) dst(%arg11 : memref<632x32xf32, #tpu.memory_space<vmem>>)
      tpu.yield
    }) : () -> ()
    "tpu.region"() ({
      %run_scoped3A = tpu.sem_alloc : memref<!tpu.dma_semaphore, #tpu.memory_space<semaphore_mem>>
      %dma_start3A_21 = arith.constant 0 : i32
      %dma_start3A_22 = tpu.memref_slice %arg6[%arg0, %mul3A_2, %dma_start3A_21] : memref<2x10112x32xf32, #tpu.memory_space<hbm>> -> memref<1x632x32xf32, #tpu.memory_space<hbm>>
      %dma_start3A_23 = tpu.memref_squeeze %dma_start3A_22 : memref<1x632x32xf32, #tpu.memory_space<hbm>> -> memref<632x32xf32, #tpu.memory_space<hbm>>
      %dma_start3A_24 = arith.constant 0 : i32
      %dma_start3A_25 = tpu.memref_slice %arg6[%arg0, %mul3A_2, %dma_start3A_24] : memref<2x10112x32xf32, #tpu.memory_space<hbm>> -> memref<1x632x32xf32, #tpu.memory_space<hbm>>
      %dma_start3A_26 = tpu.memref_squeeze %dma_start3A_25 : memref<1x632x32xf32, #tpu.memory_space<hbm>> -> memref<632x32xf32, #tpu.memory_space<hbm>>
      tpu.enqueue_dma source(%arg11 : memref<632x32xf32, #tpu.memory_space<vmem>>) target(%dma_start3A_26 : memref<632x32xf32, #tpu.memory_space<hbm>>) target_semaphore(%run_scoped3A : memref<!tpu.dma_semaphore, #tpu.memory_space<semaphore_mem>>)
      %dma_wait3A_27 = arith.constant 0 : i32
      %dma_wait3A_28 = tpu.memref_slice %arg6[%arg0, %mul3A_2, %dma_wait3A_27] : memref<2x10112x32xf32, #tpu.memory_space<hbm>> -> memref<1x632x32xf32, #tpu.memory_space<hbm>>
      %dma_wait3A_29 = tpu.memref_squeeze %dma_wait3A_28 : memref<1x632x32xf32, #tpu.memory_space<hbm>> -> memref<632x32xf32, #tpu.memory_space<hbm>>
      %dma_wait3A_30 = arith.constant 0 : i32
      %dma_wait3A_31 = tpu.memref_slice %arg6[%arg0, %mul3A_2, %dma_wait3A_30] : memref<2x10112x32xf32, #tpu.memory_space<hbm>> -> memref<1x632x32xf32, #tpu.memory_space<hbm>>
      %dma_wait3A_32 = tpu.memref_squeeze %dma_wait3A_31 : memref<1x632x32xf32, #tpu.memory_space<hbm>> -> memref<632x32xf32, #tpu.memory_space<hbm>>
      tpu.wait_dma2 semaphore(%run_scoped3A : memref<!tpu.dma_semaphore, #tpu.memory_space<semaphore_mem>>) src(%arg11 : memref<632x32xf32, #tpu.memory_space<vmem>>) dst(%dma_wait3A_32 : memref<632x32xf32, #tpu.memory_space<hbm>>)
      tpu.yield
    }) : () -> ()
    return
  }
}

#map = affine_map<(d0, d1) -> (0, 0)>
#map1 = affine_map<(d0, d1) -> (0, 0, 0)>
module attributes {stable_mosaic.version = 14 : i64} {
  func.func @prop(%arg0: i32, %arg1: i32, %arg2: memref<10112x64xf32, #tpu.memory_space<hbm>>, %arg3: memref<32x82x128xi32, #tpu.memory_space<hbm>>, %arg4: memref<32x82x128xi32, #tpu.memory_space<hbm>>, %arg5: memref<632x64xf32, #tpu.memory_space<hbm>>, %arg6: memref<2x10112x64xf32, #tpu.memory_space<hbm>>, %arg7: memref<82x128xi32, #tpu.memory_space<vmem>>, %arg8: memref<82x128xi32, #tpu.memory_space<vmem>>, %arg9: memref<128x64xf32, #tpu.memory_space<vmem>>, %arg10: memref<128x64xf32, #tpu.memory_space<vmem>>, %arg11: memref<632x64xf32, #tpu.memory_space<vmem>>, %arg12: memref<10112x64xf32, #tpu.memory_space<vmem_shared>>, %arg13: memref<!tpu.dma_semaphore, #tpu.memory_space<semaphore_mem>>, %arg14: memref<!tpu.dma_semaphore, #tpu.memory_space<semaphore_mem>>) attributes {dimension_semantics = [#tpu.dimension_semantics<core_parallel>, #tpu.dimension_semantics<subcore_parallel>], iteration_bounds = array<i64: 2, 16>, scalar_prefetch = 0 : i64, scratch_operands = 8 : i64, tpu.core_type = #tpu.core_type<sc_vector_subcore>, window_params = [{transform_indices = #map}, {transform_indices = #map1}, {transform_indices = #map1}, {transform_indices = #map}, {transform_indices = #map1}]} {
    %mul3A = arith.constant 2 : i32
    %mul3A_0 = arith.muli %arg1, %mul3A : i32
    %add3A = arith.addi %mul3A_0, %arg0 : i32
    "tpu.region"() ({
      %run_scoped3A = tpu.sem_alloc : memref<!tpu.dma_semaphore, #tpu.memory_space<semaphore_mem>>
      %dma_start3A_21 = arith.constant 0 : i32
      %dma_start3A_22 = arith.constant 0 : i32
      %dma_start3A_23 = tpu.memref_slice %arg3[%add3A, %dma_start3A_21, %dma_start3A_22] : memref<32x82x128xi32, #tpu.memory_space<hbm>> -> memref<1x82x128xi32, #tpu.memory_space<hbm>>
      %dma_start3A_24 = tpu.memref_squeeze %dma_start3A_23 : memref<1x82x128xi32, #tpu.memory_space<hbm>> -> memref<82x128xi32, #tpu.memory_space<hbm>>
      %dma_start3A_25 = arith.constant 0 : i32
      %dma_start3A_26 = arith.constant 0 : i32
      %dma_start3A_27 = tpu.memref_slice %arg3[%add3A, %dma_start3A_25, %dma_start3A_26] : memref<32x82x128xi32, #tpu.memory_space<hbm>> -> memref<1x82x128xi32, #tpu.memory_space<hbm>>
      %dma_start3A_28 = tpu.memref_squeeze %dma_start3A_27 : memref<1x82x128xi32, #tpu.memory_space<hbm>> -> memref<82x128xi32, #tpu.memory_space<hbm>>
      tpu.enqueue_dma source(%dma_start3A_28 : memref<82x128xi32, #tpu.memory_space<hbm>>) target(%arg7 : memref<82x128xi32, #tpu.memory_space<vmem>>) target_semaphore(%run_scoped3A : memref<!tpu.dma_semaphore, #tpu.memory_space<semaphore_mem>>)
      %dma_wait3A_29 = arith.constant 0 : i32
      %dma_wait3A_30 = arith.constant 0 : i32
      %dma_wait3A_31 = tpu.memref_slice %arg3[%add3A, %dma_wait3A_29, %dma_wait3A_30] : memref<32x82x128xi32, #tpu.memory_space<hbm>> -> memref<1x82x128xi32, #tpu.memory_space<hbm>>
      %dma_wait3A_32 = tpu.memref_squeeze %dma_wait3A_31 : memref<1x82x128xi32, #tpu.memory_space<hbm>> -> memref<82x128xi32, #tpu.memory_space<hbm>>
      %dma_wait3A_33 = arith.constant 0 : i32
      %dma_wait3A_34 = arith.constant 0 : i32
      %dma_wait3A_35 = tpu.memref_slice %arg3[%add3A, %dma_wait3A_33, %dma_wait3A_34] : memref<32x82x128xi32, #tpu.memory_space<hbm>> -> memref<1x82x128xi32, #tpu.memory_space<hbm>>
      %dma_wait3A_36 = tpu.memref_squeeze %dma_wait3A_35 : memref<1x82x128xi32, #tpu.memory_space<hbm>> -> memref<82x128xi32, #tpu.memory_space<hbm>>
      tpu.wait_dma2 semaphore(%run_scoped3A : memref<!tpu.dma_semaphore, #tpu.memory_space<semaphore_mem>>) src(%dma_wait3A_36 : memref<82x128xi32, #tpu.memory_space<hbm>>) dst(%arg7 : memref<82x128xi32, #tpu.memory_space<vmem>>)
      tpu.yield
    }) : () -> ()
    "tpu.region"() ({
      %run_scoped3A = tpu.sem_alloc : memref<!tpu.dma_semaphore, #tpu.memory_space<semaphore_mem>>
      %dma_start3A_21 = arith.constant 0 : i32
      %dma_start3A_22 = arith.constant 0 : i32
      %dma_start3A_23 = tpu.memref_slice %arg4[%add3A, %dma_start3A_21, %dma_start3A_22] : memref<32x82x128xi32, #tpu.memory_space<hbm>> -> memref<1x82x128xi32, #tpu.memory_space<hbm>>
      %dma_start3A_24 = tpu.memref_squeeze %dma_start3A_23 : memref<1x82x128xi32, #tpu.memory_space<hbm>> -> memref<82x128xi32, #tpu.memory_space<hbm>>
      %dma_start3A_25 = arith.constant 0 : i32
      %dma_start3A_26 = arith.constant 0 : i32
      %dma_start3A_27 = tpu.memref_slice %arg4[%add3A, %dma_start3A_25, %dma_start3A_26] : memref<32x82x128xi32, #tpu.memory_space<hbm>> -> memref<1x82x128xi32, #tpu.memory_space<hbm>>
      %dma_start3A_28 = tpu.memref_squeeze %dma_start3A_27 : memref<1x82x128xi32, #tpu.memory_space<hbm>> -> memref<82x128xi32, #tpu.memory_space<hbm>>
      tpu.enqueue_dma source(%dma_start3A_28 : memref<82x128xi32, #tpu.memory_space<hbm>>) target(%arg8 : memref<82x128xi32, #tpu.memory_space<vmem>>) target_semaphore(%run_scoped3A : memref<!tpu.dma_semaphore, #tpu.memory_space<semaphore_mem>>)
      %dma_wait3A_29 = arith.constant 0 : i32
      %dma_wait3A_30 = arith.constant 0 : i32
      %dma_wait3A_31 = tpu.memref_slice %arg4[%add3A, %dma_wait3A_29, %dma_wait3A_30] : memref<32x82x128xi32, #tpu.memory_space<hbm>> -> memref<1x82x128xi32, #tpu.memory_space<hbm>>
      %dma_wait3A_32 = tpu.memref_squeeze %dma_wait3A_31 : memref<1x82x128xi32, #tpu.memory_space<hbm>> -> memref<82x128xi32, #tpu.memory_space<hbm>>
      %dma_wait3A_33 = arith.constant 0 : i32
      %dma_wait3A_34 = arith.constant 0 : i32
      %dma_wait3A_35 = tpu.memref_slice %arg4[%add3A, %dma_wait3A_33, %dma_wait3A_34] : memref<32x82x128xi32, #tpu.memory_space<hbm>> -> memref<1x82x128xi32, #tpu.memory_space<hbm>>
      %dma_wait3A_36 = tpu.memref_squeeze %dma_wait3A_35 : memref<1x82x128xi32, #tpu.memory_space<hbm>> -> memref<82x128xi32, #tpu.memory_space<hbm>>
      tpu.wait_dma2 semaphore(%run_scoped3A : memref<!tpu.dma_semaphore, #tpu.memory_space<semaphore_mem>>) src(%dma_wait3A_36 : memref<82x128xi32, #tpu.memory_space<hbm>>) dst(%arg8 : memref<82x128xi32, #tpu.memory_space<vmem>>)
      tpu.yield
    }) : () -> ()
    %mul3A_1 = arith.constant 632 : i32
    %mul3A_2 = arith.muli %arg1, %mul3A_1 : i32
    "tpu.region"() ({
      %run_scoped3A = tpu.sem_alloc : memref<!tpu.dma_semaphore, #tpu.memory_space<semaphore_mem>>
      tpu.enqueue_dma source(%arg5 : memref<632x64xf32, #tpu.memory_space<hbm>>) target(%arg11 : memref<632x64xf32, #tpu.memory_space<vmem>>) target_semaphore(%run_scoped3A : memref<!tpu.dma_semaphore, #tpu.memory_space<semaphore_mem>>)
      tpu.wait_dma2 semaphore(%run_scoped3A : memref<!tpu.dma_semaphore, #tpu.memory_space<semaphore_mem>>) src(%arg5 : memref<632x64xf32, #tpu.memory_space<hbm>>) dst(%arg11 : memref<632x64xf32, #tpu.memory_space<vmem>>)
      tpu.yield
    }) : () -> ()
    "tpu.region"() ({
      %run_scoped3A = tpu.sem_alloc : memref<!tpu.dma_semaphore, #tpu.memory_space<semaphore_mem>>
      %dma_start3A_21 = arith.constant 0 : i32
      %dma_start3A_22 = tpu.memref_slice %arg12[%mul3A_2, %dma_start3A_21] : memref<10112x64xf32, #tpu.memory_space<vmem_shared>> -> memref<632x64xf32, #tpu.memory_space<vmem_shared>>
      %dma_start3A_23 = arith.constant 0 : i32
      %dma_start3A_24 = tpu.memref_slice %arg12[%mul3A_2, %dma_start3A_23] : memref<10112x64xf32, #tpu.memory_space<vmem_shared>> -> memref<632x64xf32, #tpu.memory_space<vmem_shared>>
      tpu.enqueue_dma source(%arg11 : memref<632x64xf32, #tpu.memory_space<vmem>>) target(%dma_start3A_24 : memref<632x64xf32, #tpu.memory_space<vmem_shared>>) target_semaphore(%run_scoped3A : memref<!tpu.dma_semaphore, #tpu.memory_space<semaphore_mem>>)
      %dma_wait3A_25 = arith.constant 0 : i32
      %dma_wait3A_26 = tpu.memref_slice %arg12[%mul3A_2, %dma_wait3A_25] : memref<10112x64xf32, #tpu.memory_space<vmem_shared>> -> memref<632x64xf32, #tpu.memory_space<vmem_shared>>
      %dma_wait3A_27 = arith.constant 0 : i32
      %dma_wait3A_28 = tpu.memref_slice %arg12[%mul3A_2, %dma_wait3A_27] : memref<10112x64xf32, #tpu.memory_space<vmem_shared>> -> memref<632x64xf32, #tpu.memory_space<vmem_shared>>
      tpu.wait_dma2 semaphore(%run_scoped3A : memref<!tpu.dma_semaphore, #tpu.memory_space<semaphore_mem>>) src(%arg11 : memref<632x64xf32, #tpu.memory_space<vmem>>) dst(%dma_wait3A_28 : memref<632x64xf32, #tpu.memory_space<vmem_shared>>)
      tpu.yield
    }) : () -> ()
    %barrier3A = arith.constant 0 : index
    tpu.barrier barrier_id(%barrier3A)
    %dma_start3A = arith.constant 0 : i32
    %dma_start3A_3 = arith.constant 0 : i32
    %dma_start3A_4 = tpu.memref_slice %arg7[%dma_start3A, %dma_start3A_3] : memref<82x128xi32, #tpu.memory_space<vmem>> -> memref<1x128xi32, #tpu.memory_space<vmem>>
    %dma_start3A_5 = tpu.memref_squeeze %dma_start3A_4 : memref<1x128xi32, #tpu.memory_space<vmem>> -> memref<128xi32, #tpu.memory_space<vmem>>
    %dma_start3A_6 = arith.constant 0 : i32
    %dma_start3A_7 = arith.constant 0 : i32
    %dma_start3A_8 = tpu.memref_slice %arg2[%dma_start3A_6, %dma_start3A_7] : memref<10112x64xf32, #tpu.memory_space<hbm>> -> memref<10112x64xf32, #tpu.memory_space<hbm>>
    tpu.enqueue_indirect_dma source(%dma_start3A_8 : memref<10112x64xf32, #tpu.memory_space<hbm>>) target(%arg9 : memref<128x64xf32, #tpu.memory_space<vmem>>) offsets(%dma_start3A_5 : memref<128xi32, #tpu.memory_space<vmem>>) semaphore(%arg13 : memref<!tpu.dma_semaphore, #tpu.memory_space<semaphore_mem>>)
    %scan3A = arith.constant 0 : i32
    %scan3A_9 = arith.constant 0 : i32
    %scan3A_10 = arith.constant 40 : i32
    %scan3A_11 = arith.addi %scan3A_9, %scan3A_10 : i32
    %scan3A_12 = arith.constant 1 : i32
    scf.for %scan3A_21 = %scan3A_9 to %scan3A_11 step %scan3A_12  : i32 {
      %mul3A_22 = arith.constant 2 : i32
      %mul3A_23 = arith.muli %mul3A_22, %scan3A_21 : i32
      %add3A_24 = arith.constant 1 : i32
      %add3A_25 = arith.addi %mul3A_23, %add3A_24 : i32
      %dma_start3A_26 = arith.constant 0 : i32
      %dma_start3A_27 = tpu.memref_slice %arg7[%add3A_25, %dma_start3A_26] : memref<82x128xi32, #tpu.memory_space<vmem>> -> memref<1x128xi32, #tpu.memory_space<vmem>>
      %dma_start3A_28 = tpu.memref_squeeze %dma_start3A_27 : memref<1x128xi32, #tpu.memory_space<vmem>> -> memref<128xi32, #tpu.memory_space<vmem>>
      %dma_start3A_29 = arith.constant 0 : i32
      %dma_start3A_30 = arith.constant 0 : i32
      %dma_start3A_31 = tpu.memref_slice %arg2[%dma_start3A_29, %dma_start3A_30] : memref<10112x64xf32, #tpu.memory_space<hbm>> -> memref<10112x64xf32, #tpu.memory_space<hbm>>
      tpu.enqueue_indirect_dma source(%dma_start3A_31 : memref<10112x64xf32, #tpu.memory_space<hbm>>) target(%arg10 : memref<128x64xf32, #tpu.memory_space<vmem>>) offsets(%dma_start3A_28 : memref<128xi32, #tpu.memory_space<vmem>>) semaphore(%arg14 : memref<!tpu.dma_semaphore, #tpu.memory_space<semaphore_mem>>)
      %dma_wait3A_32 = arith.constant 0 : i32
      %dma_wait3A_33 = tpu.memref_slice %arg7[%mul3A_23, %dma_wait3A_32] : memref<82x128xi32, #tpu.memory_space<vmem>> -> memref<1x128xi32, #tpu.memory_space<vmem>>
      %dma_wait3A_34 = tpu.memref_squeeze %dma_wait3A_33 : memref<1x128xi32, #tpu.memory_space<vmem>> -> memref<128xi32, #tpu.memory_space<vmem>>
      %dma_wait3A_35 = arith.constant 0 : i32
      %dma_wait3A_36 = arith.constant 0 : i32
      %dma_wait3A_37 = tpu.memref_slice %arg2[%dma_wait3A_35, %dma_wait3A_36] : memref<10112x64xf32, #tpu.memory_space<hbm>> -> memref<10112x64xf32, #tpu.memory_space<hbm>>
      tpu.wait_indirect_dma semaphore(%arg13 : memref<!tpu.dma_semaphore, #tpu.memory_space<semaphore_mem>>) src(%dma_wait3A_37 : memref<10112x64xf32, #tpu.memory_space<hbm>>) dst(%arg9 : memref<128x64xf32, #tpu.memory_space<vmem>>)
      "tpu.region"() ({
        %run_scoped3A = tpu.sem_alloc : memref<!tpu.dma_semaphore, #tpu.memory_space<semaphore_mem>>
        %dma_start3A_56 = arith.constant 0 : i32
        %dma_start3A_57 = tpu.memref_slice %arg8[%mul3A_23, %dma_start3A_56] : memref<82x128xi32, #tpu.memory_space<vmem>> -> memref<1x128xi32, #tpu.memory_space<vmem>>
        %dma_start3A_58 = tpu.memref_squeeze %dma_start3A_57 : memref<1x128xi32, #tpu.memory_space<vmem>> -> memref<128xi32, #tpu.memory_space<vmem>>
        %dma_start3A_59 = arith.constant 0 : i32
        %dma_start3A_60 = arith.constant 0 : i32
        %dma_start3A_61 = tpu.memref_slice %arg12[%dma_start3A_59, %dma_start3A_60] : memref<10112x64xf32, #tpu.memory_space<vmem_shared>> -> memref<10112x64xf32, #tpu.memory_space<vmem_shared>>
        tpu.enqueue_indirect_dma source(%arg9 : memref<128x64xf32, #tpu.memory_space<vmem>>) target(%dma_start3A_61 : memref<10112x64xf32, #tpu.memory_space<vmem_shared>>) offsets(%dma_start3A_58 : memref<128xi32, #tpu.memory_space<vmem>>) semaphore(%run_scoped3A : memref<!tpu.dma_semaphore, #tpu.memory_space<semaphore_mem>>) {add = true}
        %dma_wait3A_62 = arith.constant 0 : i32
        %dma_wait3A_63 = tpu.memref_slice %arg8[%mul3A_23, %dma_wait3A_62] : memref<82x128xi32, #tpu.memory_space<vmem>> -> memref<1x128xi32, #tpu.memory_space<vmem>>
        %dma_wait3A_64 = tpu.memref_squeeze %dma_wait3A_63 : memref<1x128xi32, #tpu.memory_space<vmem>> -> memref<128xi32, #tpu.memory_space<vmem>>
        %dma_wait3A_65 = arith.constant 0 : i32
        %dma_wait3A_66 = arith.constant 0 : i32
        %dma_wait3A_67 = tpu.memref_slice %arg12[%dma_wait3A_65, %dma_wait3A_66] : memref<10112x64xf32, #tpu.memory_space<vmem_shared>> -> memref<10112x64xf32, #tpu.memory_space<vmem_shared>>
        tpu.wait_indirect_dma semaphore(%run_scoped3A : memref<!tpu.dma_semaphore, #tpu.memory_space<semaphore_mem>>) src(%arg9 : memref<128x64xf32, #tpu.memory_space<vmem>>) dst(%dma_wait3A_67 : memref<10112x64xf32, #tpu.memory_space<vmem_shared>>)
        tpu.yield
      }) : () -> ()
      %add3A_38 = arith.constant 2 : i32
      %add3A_39 = arith.addi %mul3A_23, %add3A_38 : i32
      %dma_start3A_40 = arith.constant 0 : i32
      %dma_start3A_41 = tpu.memref_slice %arg7[%add3A_39, %dma_start3A_40] : memref<82x128xi32, #tpu.memory_space<vmem>> -> memref<1x128xi32, #tpu.memory_space<vmem>>
      %dma_start3A_42 = tpu.memref_squeeze %dma_start3A_41 : memref<1x128xi32, #tpu.memory_space<vmem>> -> memref<128xi32, #tpu.memory_space<vmem>>
      %dma_start3A_43 = arith.constant 0 : i32
      %dma_start3A_44 = arith.constant 0 : i32
      %dma_start3A_45 = tpu.memref_slice %arg2[%dma_start3A_43, %dma_start3A_44] : memref<10112x64xf32, #tpu.memory_space<hbm>> -> memref<10112x64xf32, #tpu.memory_space<hbm>>
      tpu.enqueue_indirect_dma source(%dma_start3A_45 : memref<10112x64xf32, #tpu.memory_space<hbm>>) target(%arg9 : memref<128x64xf32, #tpu.memory_space<vmem>>) offsets(%dma_start3A_42 : memref<128xi32, #tpu.memory_space<vmem>>) semaphore(%arg13 : memref<!tpu.dma_semaphore, #tpu.memory_space<semaphore_mem>>)
      %add3A_46 = arith.constant 1 : i32
      %add3A_47 = arith.addi %mul3A_23, %add3A_46 : i32
      %dma_wait3A_48 = arith.constant 0 : i32
      %dma_wait3A_49 = tpu.memref_slice %arg7[%add3A_47, %dma_wait3A_48] : memref<82x128xi32, #tpu.memory_space<vmem>> -> memref<1x128xi32, #tpu.memory_space<vmem>>
      %dma_wait3A_50 = tpu.memref_squeeze %dma_wait3A_49 : memref<1x128xi32, #tpu.memory_space<vmem>> -> memref<128xi32, #tpu.memory_space<vmem>>
      %dma_wait3A_51 = arith.constant 0 : i32
      %dma_wait3A_52 = arith.constant 0 : i32
      %dma_wait3A_53 = tpu.memref_slice %arg2[%dma_wait3A_51, %dma_wait3A_52] : memref<10112x64xf32, #tpu.memory_space<hbm>> -> memref<10112x64xf32, #tpu.memory_space<hbm>>
      tpu.wait_indirect_dma semaphore(%arg14 : memref<!tpu.dma_semaphore, #tpu.memory_space<semaphore_mem>>) src(%dma_wait3A_53 : memref<10112x64xf32, #tpu.memory_space<hbm>>) dst(%arg10 : memref<128x64xf32, #tpu.memory_space<vmem>>)
      %add3A_54 = arith.constant 1 : i32
      %add3A_55 = arith.addi %mul3A_23, %add3A_54 : i32
      "tpu.region"() ({
        %run_scoped3A = tpu.sem_alloc : memref<!tpu.dma_semaphore, #tpu.memory_space<semaphore_mem>>
        %dma_start3A_56 = arith.constant 0 : i32
        %dma_start3A_57 = tpu.memref_slice %arg8[%add3A_55, %dma_start3A_56] : memref<82x128xi32, #tpu.memory_space<vmem>> -> memref<1x128xi32, #tpu.memory_space<vmem>>
        %dma_start3A_58 = tpu.memref_squeeze %dma_start3A_57 : memref<1x128xi32, #tpu.memory_space<vmem>> -> memref<128xi32, #tpu.memory_space<vmem>>
        %dma_start3A_59 = arith.constant 0 : i32
        %dma_start3A_60 = arith.constant 0 : i32
        %dma_start3A_61 = tpu.memref_slice %arg12[%dma_start3A_59, %dma_start3A_60] : memref<10112x64xf32, #tpu.memory_space<vmem_shared>> -> memref<10112x64xf32, #tpu.memory_space<vmem_shared>>
        tpu.enqueue_indirect_dma source(%arg10 : memref<128x64xf32, #tpu.memory_space<vmem>>) target(%dma_start3A_61 : memref<10112x64xf32, #tpu.memory_space<vmem_shared>>) offsets(%dma_start3A_58 : memref<128xi32, #tpu.memory_space<vmem>>) semaphore(%run_scoped3A : memref<!tpu.dma_semaphore, #tpu.memory_space<semaphore_mem>>) {add = true}
        %dma_wait3A_62 = arith.constant 0 : i32
        %dma_wait3A_63 = tpu.memref_slice %arg8[%add3A_55, %dma_wait3A_62] : memref<82x128xi32, #tpu.memory_space<vmem>> -> memref<1x128xi32, #tpu.memory_space<vmem>>
        %dma_wait3A_64 = tpu.memref_squeeze %dma_wait3A_63 : memref<1x128xi32, #tpu.memory_space<vmem>> -> memref<128xi32, #tpu.memory_space<vmem>>
        %dma_wait3A_65 = arith.constant 0 : i32
        %dma_wait3A_66 = arith.constant 0 : i32
        %dma_wait3A_67 = tpu.memref_slice %arg12[%dma_wait3A_65, %dma_wait3A_66] : memref<10112x64xf32, #tpu.memory_space<vmem_shared>> -> memref<10112x64xf32, #tpu.memory_space<vmem_shared>>
        tpu.wait_indirect_dma semaphore(%run_scoped3A : memref<!tpu.dma_semaphore, #tpu.memory_space<semaphore_mem>>) src(%arg10 : memref<128x64xf32, #tpu.memory_space<vmem>>) dst(%dma_wait3A_67 : memref<10112x64xf32, #tpu.memory_space<vmem_shared>>)
        tpu.yield
      }) : () -> ()
    }
    %scan3A_13 = arith.constant 40 : i32
    %dma_wait3A = arith.constant 80 : i32
    %dma_wait3A_14 = arith.constant 0 : i32
    %dma_wait3A_15 = tpu.memref_slice %arg7[%dma_wait3A, %dma_wait3A_14] : memref<82x128xi32, #tpu.memory_space<vmem>> -> memref<1x128xi32, #tpu.memory_space<vmem>>
    %dma_wait3A_16 = tpu.memref_squeeze %dma_wait3A_15 : memref<1x128xi32, #tpu.memory_space<vmem>> -> memref<128xi32, #tpu.memory_space<vmem>>
    %dma_wait3A_17 = arith.constant 0 : i32
    %dma_wait3A_18 = arith.constant 0 : i32
    %dma_wait3A_19 = tpu.memref_slice %arg2[%dma_wait3A_17, %dma_wait3A_18] : memref<10112x64xf32, #tpu.memory_space<hbm>> -> memref<10112x64xf32, #tpu.memory_space<hbm>>
    tpu.wait_indirect_dma semaphore(%arg13 : memref<!tpu.dma_semaphore, #tpu.memory_space<semaphore_mem>>) src(%dma_wait3A_19 : memref<10112x64xf32, #tpu.memory_space<hbm>>) dst(%arg9 : memref<128x64xf32, #tpu.memory_space<vmem>>)
    %barrier3A_20 = arith.constant 0 : index
    tpu.barrier barrier_id(%barrier3A_20)
    "tpu.region"() ({
      %run_scoped3A = tpu.sem_alloc : memref<!tpu.dma_semaphore, #tpu.memory_space<semaphore_mem>>
      %dma_start3A_21 = arith.constant 0 : i32
      %dma_start3A_22 = tpu.memref_slice %arg12[%mul3A_2, %dma_start3A_21] : memref<10112x64xf32, #tpu.memory_space<vmem_shared>> -> memref<632x64xf32, #tpu.memory_space<vmem_shared>>
      %dma_start3A_23 = arith.constant 0 : i32
      %dma_start3A_24 = tpu.memref_slice %arg12[%mul3A_2, %dma_start3A_23] : memref<10112x64xf32, #tpu.memory_space<vmem_shared>> -> memref<632x64xf32, #tpu.memory_space<vmem_shared>>
      tpu.enqueue_dma source(%dma_start3A_24 : memref<632x64xf32, #tpu.memory_space<vmem_shared>>) target(%arg11 : memref<632x64xf32, #tpu.memory_space<vmem>>) target_semaphore(%run_scoped3A : memref<!tpu.dma_semaphore, #tpu.memory_space<semaphore_mem>>)
      %dma_wait3A_25 = arith.constant 0 : i32
      %dma_wait3A_26 = tpu.memref_slice %arg12[%mul3A_2, %dma_wait3A_25] : memref<10112x64xf32, #tpu.memory_space<vmem_shared>> -> memref<632x64xf32, #tpu.memory_space<vmem_shared>>
      %dma_wait3A_27 = arith.constant 0 : i32
      %dma_wait3A_28 = tpu.memref_slice %arg12[%mul3A_2, %dma_wait3A_27] : memref<10112x64xf32, #tpu.memory_space<vmem_shared>> -> memref<632x64xf32, #tpu.memory_space<vmem_shared>>
      tpu.wait_dma2 semaphore(%run_scoped3A : memref<!tpu.dma_semaphore, #tpu.memory_space<semaphore_mem>>) src(%dma_wait3A_28 : memref<632x64xf32, #tpu.memory_space<vmem_shared>>) dst(%arg11 : memref<632x64xf32, #tpu.memory_space<vmem>>)
      tpu.yield
    }) : () -> ()
    "tpu.region"() ({
      %run_scoped3A = tpu.sem_alloc : memref<!tpu.dma_semaphore, #tpu.memory_space<semaphore_mem>>
      %dma_start3A_21 = arith.constant 0 : i32
      %dma_start3A_22 = tpu.memref_slice %arg6[%arg0, %mul3A_2, %dma_start3A_21] : memref<2x10112x64xf32, #tpu.memory_space<hbm>> -> memref<1x632x64xf32, #tpu.memory_space<hbm>>
      %dma_start3A_23 = tpu.memref_squeeze %dma_start3A_22 : memref<1x632x64xf32, #tpu.memory_space<hbm>> -> memref<632x64xf32, #tpu.memory_space<hbm>>
      %dma_start3A_24 = arith.constant 0 : i32
      %dma_start3A_25 = tpu.memref_slice %arg6[%arg0, %mul3A_2, %dma_start3A_24] : memref<2x10112x64xf32, #tpu.memory_space<hbm>> -> memref<1x632x64xf32, #tpu.memory_space<hbm>>
      %dma_start3A_26 = tpu.memref_squeeze %dma_start3A_25 : memref<1x632x64xf32, #tpu.memory_space<hbm>> -> memref<632x64xf32, #tpu.memory_space<hbm>>
      tpu.enqueue_dma source(%arg11 : memref<632x64xf32, #tpu.memory_space<vmem>>) target(%dma_start3A_26 : memref<632x64xf32, #tpu.memory_space<hbm>>) target_semaphore(%run_scoped3A : memref<!tpu.dma_semaphore, #tpu.memory_space<semaphore_mem>>)
      %dma_wait3A_27 = arith.constant 0 : i32
      %dma_wait3A_28 = tpu.memref_slice %arg6[%arg0, %mul3A_2, %dma_wait3A_27] : memref<2x10112x64xf32, #tpu.memory_space<hbm>> -> memref<1x632x64xf32, #tpu.memory_space<hbm>>
      %dma_wait3A_29 = tpu.memref_squeeze %dma_wait3A_28 : memref<1x632x64xf32, #tpu.memory_space<hbm>> -> memref<632x64xf32, #tpu.memory_space<hbm>>
      %dma_wait3A_30 = arith.constant 0 : i32
      %dma_wait3A_31 = tpu.memref_slice %arg6[%arg0, %mul3A_2, %dma_wait3A_30] : memref<2x10112x64xf32, #tpu.memory_space<hbm>> -> memref<1x632x64xf32, #tpu.memory_space<hbm>>
      %dma_wait3A_32 = tpu.memref_squeeze %dma_wait3A_31 : memref<1x632x64xf32, #tpu.memory_space<hbm>> -> memref<632x64xf32, #tpu.memory_space<hbm>>
      tpu.wait_dma2 semaphore(%run_scoped3A : memref<!tpu.dma_semaphore, #tpu.memory_space<semaphore_mem>>) src(%arg11 : memref<632x64xf32, #tpu.memory_space<vmem>>) dst(%dma_wait3A_32 : memref<632x64xf32, #tpu.memory_space<hbm>>)
      tpu.yield
    }) : () -> ()
    return
  }
}

#map = affine_map<(d0, d1) -> (0, 0)>
#map1 = affine_map<(d0, d1) -> (0, 0, 0)>
module attributes {stable_mosaic.version = 14 : i64} {
  func.func @prop(%arg0: i32, %arg1: i32, %arg2: memref<10112x64xf32, #tpu.memory_space<hbm>>, %arg3: memref<32x82x128xi32, #tpu.memory_space<hbm>>, %arg4: memref<32x82x128xi32, #tpu.memory_space<hbm>>, %arg5: memref<632x64xf32, #tpu.memory_space<hbm>>, %arg6: memref<2x10112x64xf32, #tpu.memory_space<hbm>>, %arg7: memref<82x128xi32, #tpu.memory_space<vmem>>, %arg8: memref<82x128xi32, #tpu.memory_space<vmem>>, %arg9: memref<128x64xf32, #tpu.memory_space<vmem>>, %arg10: memref<128x64xf32, #tpu.memory_space<vmem>>, %arg11: memref<632x64xf32, #tpu.memory_space<vmem>>, %arg12: memref<10112x64xf32, #tpu.memory_space<vmem_shared>>, %arg13: memref<!tpu.dma_semaphore, #tpu.memory_space<semaphore_mem>>, %arg14: memref<!tpu.dma_semaphore, #tpu.memory_space<semaphore_mem>>) attributes {dimension_semantics = [#tpu.dimension_semantics<core_parallel>, #tpu.dimension_semantics<subcore_parallel>], iteration_bounds = array<i64: 2, 16>, scalar_prefetch = 0 : i64, scratch_operands = 8 : i64, tpu.core_type = #tpu.core_type<sc_vector_subcore>, window_params = [{transform_indices = #map}, {transform_indices = #map1}, {transform_indices = #map1}, {transform_indices = #map}, {transform_indices = #map1}]} {
    %mul3A = arith.constant 2 : i32
    %mul3A_0 = arith.muli %arg1, %mul3A : i32
    %add3A = arith.addi %mul3A_0, %arg0 : i32
    "tpu.region"() ({
      %run_scoped3A = tpu.sem_alloc : memref<!tpu.dma_semaphore, #tpu.memory_space<semaphore_mem>>
      %dma_start3A_21 = arith.constant 0 : i32
      %dma_start3A_22 = arith.constant 0 : i32
      %dma_start3A_23 = tpu.memref_slice %arg3[%add3A, %dma_start3A_21, %dma_start3A_22] : memref<32x82x128xi32, #tpu.memory_space<hbm>> -> memref<1x82x128xi32, #tpu.memory_space<hbm>>
      %dma_start3A_24 = tpu.memref_squeeze %dma_start3A_23 : memref<1x82x128xi32, #tpu.memory_space<hbm>> -> memref<82x128xi32, #tpu.memory_space<hbm>>
      %dma_start3A_25 = arith.constant 0 : i32
      %dma_start3A_26 = arith.constant 0 : i32
      %dma_start3A_27 = tpu.memref_slice %arg3[%add3A, %dma_start3A_25, %dma_start3A_26] : memref<32x82x128xi32, #tpu.memory_space<hbm>> -> memref<1x82x128xi32, #tpu.memory_space<hbm>>
      %dma_start3A_28 = tpu.memref_squeeze %dma_start3A_27 : memref<1x82x128xi32, #tpu.memory_space<hbm>> -> memref<82x128xi32, #tpu.memory_space<hbm>>
      tpu.enqueue_dma source(%dma_start3A_28 : memref<82x128xi32, #tpu.memory_space<hbm>>) target(%arg7 : memref<82x128xi32, #tpu.memory_space<vmem>>) target_semaphore(%run_scoped3A : memref<!tpu.dma_semaphore, #tpu.memory_space<semaphore_mem>>)
      %dma_wait3A_29 = arith.constant 0 : i32
      %dma_wait3A_30 = arith.constant 0 : i32
      %dma_wait3A_31 = tpu.memref_slice %arg3[%add3A, %dma_wait3A_29, %dma_wait3A_30] : memref<32x82x128xi32, #tpu.memory_space<hbm>> -> memref<1x82x128xi32, #tpu.memory_space<hbm>>
      %dma_wait3A_32 = tpu.memref_squeeze %dma_wait3A_31 : memref<1x82x128xi32, #tpu.memory_space<hbm>> -> memref<82x128xi32, #tpu.memory_space<hbm>>
      %dma_wait3A_33 = arith.constant 0 : i32
      %dma_wait3A_34 = arith.constant 0 : i32
      %dma_wait3A_35 = tpu.memref_slice %arg3[%add3A, %dma_wait3A_33, %dma_wait3A_34] : memref<32x82x128xi32, #tpu.memory_space<hbm>> -> memref<1x82x128xi32, #tpu.memory_space<hbm>>
      %dma_wait3A_36 = tpu.memref_squeeze %dma_wait3A_35 : memref<1x82x128xi32, #tpu.memory_space<hbm>> -> memref<82x128xi32, #tpu.memory_space<hbm>>
      tpu.wait_dma2 semaphore(%run_scoped3A : memref<!tpu.dma_semaphore, #tpu.memory_space<semaphore_mem>>) src(%dma_wait3A_36 : memref<82x128xi32, #tpu.memory_space<hbm>>) dst(%arg7 : memref<82x128xi32, #tpu.memory_space<vmem>>)
      tpu.yield
    }) : () -> ()
    "tpu.region"() ({
      %run_scoped3A = tpu.sem_alloc : memref<!tpu.dma_semaphore, #tpu.memory_space<semaphore_mem>>
      %dma_start3A_21 = arith.constant 0 : i32
      %dma_start3A_22 = arith.constant 0 : i32
      %dma_start3A_23 = tpu.memref_slice %arg4[%add3A, %dma_start3A_21, %dma_start3A_22] : memref<32x82x128xi32, #tpu.memory_space<hbm>> -> memref<1x82x128xi32, #tpu.memory_space<hbm>>
      %dma_start3A_24 = tpu.memref_squeeze %dma_start3A_23 : memref<1x82x128xi32, #tpu.memory_space<hbm>> -> memref<82x128xi32, #tpu.memory_space<hbm>>
      %dma_start3A_25 = arith.constant 0 : i32
      %dma_start3A_26 = arith.constant 0 : i32
      %dma_start3A_27 = tpu.memref_slice %arg4[%add3A, %dma_start3A_25, %dma_start3A_26] : memref<32x82x128xi32, #tpu.memory_space<hbm>> -> memref<1x82x128xi32, #tpu.memory_space<hbm>>
      %dma_start3A_28 = tpu.memref_squeeze %dma_start3A_27 : memref<1x82x128xi32, #tpu.memory_space<hbm>> -> memref<82x128xi32, #tpu.memory_space<hbm>>
      tpu.enqueue_dma source(%dma_start3A_28 : memref<82x128xi32, #tpu.memory_space<hbm>>) target(%arg8 : memref<82x128xi32, #tpu.memory_space<vmem>>) target_semaphore(%run_scoped3A : memref<!tpu.dma_semaphore, #tpu.memory_space<semaphore_mem>>)
      %dma_wait3A_29 = arith.constant 0 : i32
      %dma_wait3A_30 = arith.constant 0 : i32
      %dma_wait3A_31 = tpu.memref_slice %arg4[%add3A, %dma_wait3A_29, %dma_wait3A_30] : memref<32x82x128xi32, #tpu.memory_space<hbm>> -> memref<1x82x128xi32, #tpu.memory_space<hbm>>
      %dma_wait3A_32 = tpu.memref_squeeze %dma_wait3A_31 : memref<1x82x128xi32, #tpu.memory_space<hbm>> -> memref<82x128xi32, #tpu.memory_space<hbm>>
      %dma_wait3A_33 = arith.constant 0 : i32
      %dma_wait3A_34 = arith.constant 0 : i32
      %dma_wait3A_35 = tpu.memref_slice %arg4[%add3A, %dma_wait3A_33, %dma_wait3A_34] : memref<32x82x128xi32, #tpu.memory_space<hbm>> -> memref<1x82x128xi32, #tpu.memory_space<hbm>>
      %dma_wait3A_36 = tpu.memref_squeeze %dma_wait3A_35 : memref<1x82x128xi32, #tpu.memory_space<hbm>> -> memref<82x128xi32, #tpu.memory_space<hbm>>
      tpu.wait_dma2 semaphore(%run_scoped3A : memref<!tpu.dma_semaphore, #tpu.memory_space<semaphore_mem>>) src(%dma_wait3A_36 : memref<82x128xi32, #tpu.memory_space<hbm>>) dst(%arg8 : memref<82x128xi32, #tpu.memory_space<vmem>>)
      tpu.yield
    }) : () -> ()
    %mul3A_1 = arith.constant 632 : i32
    %mul3A_2 = arith.muli %arg1, %mul3A_1 : i32
    "tpu.region"() ({
      %run_scoped3A = tpu.sem_alloc : memref<!tpu.dma_semaphore, #tpu.memory_space<semaphore_mem>>
      tpu.enqueue_dma source(%arg5 : memref<632x64xf32, #tpu.memory_space<hbm>>) target(%arg11 : memref<632x64xf32, #tpu.memory_space<vmem>>) target_semaphore(%run_scoped3A : memref<!tpu.dma_semaphore, #tpu.memory_space<semaphore_mem>>)
      tpu.wait_dma2 semaphore(%run_scoped3A : memref<!tpu.dma_semaphore, #tpu.memory_space<semaphore_mem>>) src(%arg5 : memref<632x64xf32, #tpu.memory_space<hbm>>) dst(%arg11 : memref<632x64xf32, #tpu.memory_space<vmem>>)
      tpu.yield
    }) : () -> ()
    "tpu.region"() ({
      %run_scoped3A = tpu.sem_alloc : memref<!tpu.dma_semaphore, #tpu.memory_space<semaphore_mem>>
      %dma_start3A_21 = arith.constant 0 : i32
      %dma_start3A_22 = tpu.memref_slice %arg12[%mul3A_2, %dma_start3A_21] : memref<10112x64xf32, #tpu.memory_space<vmem_shared>> -> memref<632x64xf32, #tpu.memory_space<vmem_shared>>
      %dma_start3A_23 = arith.constant 0 : i32
      %dma_start3A_24 = tpu.memref_slice %arg12[%mul3A_2, %dma_start3A_23] : memref<10112x64xf32, #tpu.memory_space<vmem_shared>> -> memref<632x64xf32, #tpu.memory_space<vmem_shared>>
      tpu.enqueue_dma source(%arg11 : memref<632x64xf32, #tpu.memory_space<vmem>>) target(%dma_start3A_24 : memref<632x64xf32, #tpu.memory_space<vmem_shared>>) target_semaphore(%run_scoped3A : memref<!tpu.dma_semaphore, #tpu.memory_space<semaphore_mem>>)
      %dma_wait3A_25 = arith.constant 0 : i32
      %dma_wait3A_26 = tpu.memref_slice %arg12[%mul3A_2, %dma_wait3A_25] : memref<10112x64xf32, #tpu.memory_space<vmem_shared>> -> memref<632x64xf32, #tpu.memory_space<vmem_shared>>
      %dma_wait3A_27 = arith.constant 0 : i32
      %dma_wait3A_28 = tpu.memref_slice %arg12[%mul3A_2, %dma_wait3A_27] : memref<10112x64xf32, #tpu.memory_space<vmem_shared>> -> memref<632x64xf32, #tpu.memory_space<vmem_shared>>
      tpu.wait_dma2 semaphore(%run_scoped3A : memref<!tpu.dma_semaphore, #tpu.memory_space<semaphore_mem>>) src(%arg11 : memref<632x64xf32, #tpu.memory_space<vmem>>) dst(%dma_wait3A_28 : memref<632x64xf32, #tpu.memory_space<vmem_shared>>)
      tpu.yield
    }) : () -> ()
    %barrier3A = arith.constant 0 : index
    tpu.barrier barrier_id(%barrier3A)
    %dma_start3A = arith.constant 0 : i32
    %dma_start3A_3 = arith.constant 0 : i32
    %dma_start3A_4 = tpu.memref_slice %arg7[%dma_start3A, %dma_start3A_3] : memref<82x128xi32, #tpu.memory_space<vmem>> -> memref<1x128xi32, #tpu.memory_space<vmem>>
    %dma_start3A_5 = tpu.memref_squeeze %dma_start3A_4 : memref<1x128xi32, #tpu.memory_space<vmem>> -> memref<128xi32, #tpu.memory_space<vmem>>
    %dma_start3A_6 = arith.constant 0 : i32
    %dma_start3A_7 = arith.constant 0 : i32
    %dma_start3A_8 = tpu.memref_slice %arg2[%dma_start3A_6, %dma_start3A_7] : memref<10112x64xf32, #tpu.memory_space<hbm>> -> memref<10112x64xf32, #tpu.memory_space<hbm>>
    tpu.enqueue_indirect_dma source(%dma_start3A_8 : memref<10112x64xf32, #tpu.memory_space<hbm>>) target(%arg9 : memref<128x64xf32, #tpu.memory_space<vmem>>) offsets(%dma_start3A_5 : memref<128xi32, #tpu.memory_space<vmem>>) semaphore(%arg13 : memref<!tpu.dma_semaphore, #tpu.memory_space<semaphore_mem>>)
    %scan3A = arith.constant 0 : i32
    %scan3A_9 = arith.constant 0 : i32
    %scan3A_10 = arith.constant 40 : i32
    %scan3A_11 = arith.addi %scan3A_9, %scan3A_10 : i32
    %scan3A_12 = arith.constant 1 : i32
    scf.for %scan3A_21 = %scan3A_9 to %scan3A_11 step %scan3A_12  : i32 {
      %mul3A_22 = arith.constant 2 : i32
      %mul3A_23 = arith.muli %mul3A_22, %scan3A_21 : i32
      %add3A_24 = arith.constant 1 : i32
      %add3A_25 = arith.addi %mul3A_23, %add3A_24 : i32
      %dma_start3A_26 = arith.constant 0 : i32
      %dma_start3A_27 = tpu.memref_slice %arg7[%add3A_25, %dma_start3A_26] : memref<82x128xi32, #tpu.memory_space<vmem>> -> memref<1x128xi32, #tpu.memory_space<vmem>>
      %dma_start3A_28 = tpu.memref_squeeze %dma_start3A_27 : memref<1x128xi32, #tpu.memory_space<vmem>> -> memref<128xi32, #tpu.memory_space<vmem>>
      %dma_start3A_29 = arith.constant 0 : i32
      %dma_start3A_30 = arith.constant 0 : i32
      %dma_start3A_31 = tpu.memref_slice %arg2[%dma_start3A_29, %dma_start3A_30] : memref<10112x64xf32, #tpu.memory_space<hbm>> -> memref<10112x64xf32, #tpu.memory_space<hbm>>
      tpu.enqueue_indirect_dma source(%dma_start3A_31 : memref<10112x64xf32, #tpu.memory_space<hbm>>) target(%arg10 : memref<128x64xf32, #tpu.memory_space<vmem>>) offsets(%dma_start3A_28 : memref<128xi32, #tpu.memory_space<vmem>>) semaphore(%arg14 : memref<!tpu.dma_semaphore, #tpu.memory_space<semaphore_mem>>)
      %dma_wait3A_32 = arith.constant 0 : i32
      %dma_wait3A_33 = tpu.memref_slice %arg7[%mul3A_23, %dma_wait3A_32] : memref<82x128xi32, #tpu.memory_space<vmem>> -> memref<1x128xi32, #tpu.memory_space<vmem>>
      %dma_wait3A_34 = tpu.memref_squeeze %dma_wait3A_33 : memref<1x128xi32, #tpu.memory_space<vmem>> -> memref<128xi32, #tpu.memory_space<vmem>>
      %dma_wait3A_35 = arith.constant 0 : i32
      %dma_wait3A_36 = arith.constant 0 : i32
      %dma_wait3A_37 = tpu.memref_slice %arg2[%dma_wait3A_35, %dma_wait3A_36] : memref<10112x64xf32, #tpu.memory_space<hbm>> -> memref<10112x64xf32, #tpu.memory_space<hbm>>
      tpu.wait_indirect_dma semaphore(%arg13 : memref<!tpu.dma_semaphore, #tpu.memory_space<semaphore_mem>>) src(%dma_wait3A_37 : memref<10112x64xf32, #tpu.memory_space<hbm>>) dst(%arg9 : memref<128x64xf32, #tpu.memory_space<vmem>>)
      "tpu.region"() ({
        %run_scoped3A = tpu.sem_alloc : memref<!tpu.dma_semaphore, #tpu.memory_space<semaphore_mem>>
        %dma_start3A_56 = arith.constant 0 : i32
        %dma_start3A_57 = tpu.memref_slice %arg8[%mul3A_23, %dma_start3A_56] : memref<82x128xi32, #tpu.memory_space<vmem>> -> memref<1x128xi32, #tpu.memory_space<vmem>>
        %dma_start3A_58 = tpu.memref_squeeze %dma_start3A_57 : memref<1x128xi32, #tpu.memory_space<vmem>> -> memref<128xi32, #tpu.memory_space<vmem>>
        %dma_start3A_59 = arith.constant 0 : i32
        %dma_start3A_60 = arith.constant 0 : i32
        %dma_start3A_61 = tpu.memref_slice %arg12[%dma_start3A_59, %dma_start3A_60] : memref<10112x64xf32, #tpu.memory_space<vmem_shared>> -> memref<10112x64xf32, #tpu.memory_space<vmem_shared>>
        tpu.enqueue_indirect_dma source(%arg9 : memref<128x64xf32, #tpu.memory_space<vmem>>) target(%dma_start3A_61 : memref<10112x64xf32, #tpu.memory_space<vmem_shared>>) offsets(%dma_start3A_58 : memref<128xi32, #tpu.memory_space<vmem>>) semaphore(%run_scoped3A : memref<!tpu.dma_semaphore, #tpu.memory_space<semaphore_mem>>) {add = true}
        %dma_wait3A_62 = arith.constant 0 : i32
        %dma_wait3A_63 = tpu.memref_slice %arg8[%mul3A_23, %dma_wait3A_62] : memref<82x128xi32, #tpu.memory_space<vmem>> -> memref<1x128xi32, #tpu.memory_space<vmem>>
        %dma_wait3A_64 = tpu.memref_squeeze %dma_wait3A_63 : memref<1x128xi32, #tpu.memory_space<vmem>> -> memref<128xi32, #tpu.memory_space<vmem>>
        %dma_wait3A_65 = arith.constant 0 : i32
        %dma_wait3A_66 = arith.constant 0 : i32
        %dma_wait3A_67 = tpu.memref_slice %arg12[%dma_wait3A_65, %dma_wait3A_66] : memref<10112x64xf32, #tpu.memory_space<vmem_shared>> -> memref<10112x64xf32, #tpu.memory_space<vmem_shared>>
        tpu.wait_indirect_dma semaphore(%run_scoped3A : memref<!tpu.dma_semaphore, #tpu.memory_space<semaphore_mem>>) src(%arg9 : memref<128x64xf32, #tpu.memory_space<vmem>>) dst(%dma_wait3A_67 : memref<10112x64xf32, #tpu.memory_space<vmem_shared>>)
        tpu.yield
      }) : () -> ()
      %add3A_38 = arith.constant 2 : i32
      %add3A_39 = arith.addi %mul3A_23, %add3A_38 : i32
      %dma_start3A_40 = arith.constant 0 : i32
      %dma_start3A_41 = tpu.memref_slice %arg7[%add3A_39, %dma_start3A_40] : memref<82x128xi32, #tpu.memory_space<vmem>> -> memref<1x128xi32, #tpu.memory_space<vmem>>
      %dma_start3A_42 = tpu.memref_squeeze %dma_start3A_41 : memref<1x128xi32, #tpu.memory_space<vmem>> -> memref<128xi32, #tpu.memory_space<vmem>>
      %dma_start3A_43 = arith.constant 0 : i32
      %dma_start3A_44 = arith.constant 0 : i32
      %dma_start3A_45 = tpu.memref_slice %arg2[%dma_start3A_43, %dma_start3A_44] : memref<10112x64xf32, #tpu.memory_space<hbm>> -> memref<10112x64xf32, #tpu.memory_space<hbm>>
      tpu.enqueue_indirect_dma source(%dma_start3A_45 : memref<10112x64xf32, #tpu.memory_space<hbm>>) target(%arg9 : memref<128x64xf32, #tpu.memory_space<vmem>>) offsets(%dma_start3A_42 : memref<128xi32, #tpu.memory_space<vmem>>) semaphore(%arg13 : memref<!tpu.dma_semaphore, #tpu.memory_space<semaphore_mem>>)
      %add3A_46 = arith.constant 1 : i32
      %add3A_47 = arith.addi %mul3A_23, %add3A_46 : i32
      %dma_wait3A_48 = arith.constant 0 : i32
      %dma_wait3A_49 = tpu.memref_slice %arg7[%add3A_47, %dma_wait3A_48] : memref<82x128xi32, #tpu.memory_space<vmem>> -> memref<1x128xi32, #tpu.memory_space<vmem>>
      %dma_wait3A_50 = tpu.memref_squeeze %dma_wait3A_49 : memref<1x128xi32, #tpu.memory_space<vmem>> -> memref<128xi32, #tpu.memory_space<vmem>>
      %dma_wait3A_51 = arith.constant 0 : i32
      %dma_wait3A_52 = arith.constant 0 : i32
      %dma_wait3A_53 = tpu.memref_slice %arg2[%dma_wait3A_51, %dma_wait3A_52] : memref<10112x64xf32, #tpu.memory_space<hbm>> -> memref<10112x64xf32, #tpu.memory_space<hbm>>
      tpu.wait_indirect_dma semaphore(%arg14 : memref<!tpu.dma_semaphore, #tpu.memory_space<semaphore_mem>>) src(%dma_wait3A_53 : memref<10112x64xf32, #tpu.memory_space<hbm>>) dst(%arg10 : memref<128x64xf32, #tpu.memory_space<vmem>>)
      %add3A_54 = arith.constant 1 : i32
      %add3A_55 = arith.addi %mul3A_23, %add3A_54 : i32
      "tpu.region"() ({
        %run_scoped3A = tpu.sem_alloc : memref<!tpu.dma_semaphore, #tpu.memory_space<semaphore_mem>>
        %dma_start3A_56 = arith.constant 0 : i32
        %dma_start3A_57 = tpu.memref_slice %arg8[%add3A_55, %dma_start3A_56] : memref<82x128xi32, #tpu.memory_space<vmem>> -> memref<1x128xi32, #tpu.memory_space<vmem>>
        %dma_start3A_58 = tpu.memref_squeeze %dma_start3A_57 : memref<1x128xi32, #tpu.memory_space<vmem>> -> memref<128xi32, #tpu.memory_space<vmem>>
        %dma_start3A_59 = arith.constant 0 : i32
        %dma_start3A_60 = arith.constant 0 : i32
        %dma_start3A_61 = tpu.memref_slice %arg12[%dma_start3A_59, %dma_start3A_60] : memref<10112x64xf32, #tpu.memory_space<vmem_shared>> -> memref<10112x64xf32, #tpu.memory_space<vmem_shared>>
        tpu.enqueue_indirect_dma source(%arg10 : memref<128x64xf32, #tpu.memory_space<vmem>>) target(%dma_start3A_61 : memref<10112x64xf32, #tpu.memory_space<vmem_shared>>) offsets(%dma_start3A_58 : memref<128xi32, #tpu.memory_space<vmem>>) semaphore(%run_scoped3A : memref<!tpu.dma_semaphore, #tpu.memory_space<semaphore_mem>>) {add = true}
        %dma_wait3A_62 = arith.constant 0 : i32
        %dma_wait3A_63 = tpu.memref_slice %arg8[%add3A_55, %dma_wait3A_62] : memref<82x128xi32, #tpu.memory_space<vmem>> -> memref<1x128xi32, #tpu.memory_space<vmem>>
        %dma_wait3A_64 = tpu.memref_squeeze %dma_wait3A_63 : memref<1x128xi32, #tpu.memory_space<vmem>> -> memref<128xi32, #tpu.memory_space<vmem>>
        %dma_wait3A_65 = arith.constant 0 : i32
        %dma_wait3A_66 = arith.constant 0 : i32
        %dma_wait3A_67 = tpu.memref_slice %arg12[%dma_wait3A_65, %dma_wait3A_66] : memref<10112x64xf32, #tpu.memory_space<vmem_shared>> -> memref<10112x64xf32, #tpu.memory_space<vmem_shared>>
        tpu.wait_indirect_dma semaphore(%run_scoped3A : memref<!tpu.dma_semaphore, #tpu.memory_space<semaphore_mem>>) src(%arg10 : memref<128x64xf32, #tpu.memory_space<vmem>>) dst(%dma_wait3A_67 : memref<10112x64xf32, #tpu.memory_space<vmem_shared>>)
        tpu.yield
      }) : () -> ()
    }
    %scan3A_13 = arith.constant 40 : i32
    %dma_wait3A = arith.constant 80 : i32
    %dma_wait3A_14 = arith.constant 0 : i32
    %dma_wait3A_15 = tpu.memref_slice %arg7[%dma_wait3A, %dma_wait3A_14] : memref<82x128xi32, #tpu.memory_space<vmem>> -> memref<1x128xi32, #tpu.memory_space<vmem>>
    %dma_wait3A_16 = tpu.memref_squeeze %dma_wait3A_15 : memref<1x128xi32, #tpu.memory_space<vmem>> -> memref<128xi32, #tpu.memory_space<vmem>>
    %dma_wait3A_17 = arith.constant 0 : i32
    %dma_wait3A_18 = arith.constant 0 : i32
    %dma_wait3A_19 = tpu.memref_slice %arg2[%dma_wait3A_17, %dma_wait3A_18] : memref<10112x64xf32, #tpu.memory_space<hbm>> -> memref<10112x64xf32, #tpu.memory_space<hbm>>
    tpu.wait_indirect_dma semaphore(%arg13 : memref<!tpu.dma_semaphore, #tpu.memory_space<semaphore_mem>>) src(%dma_wait3A_19 : memref<10112x64xf32, #tpu.memory_space<hbm>>) dst(%arg9 : memref<128x64xf32, #tpu.memory_space<vmem>>)
    %barrier3A_20 = arith.constant 0 : index
    tpu.barrier barrier_id(%barrier3A_20)
    "tpu.region"() ({
      %run_scoped3A = tpu.sem_alloc : memref<!tpu.dma_semaphore, #tpu.memory_space<semaphore_mem>>
      %dma_start3A_21 = arith.constant 0 : i32
      %dma_start3A_22 = tpu.memref_slice %arg12[%mul3A_2, %dma_start3A_21] : memref<10112x64xf32, #tpu.memory_space<vmem_shared>> -> memref<632x64xf32, #tpu.memory_space<vmem_shared>>
      %dma_start3A_23 = arith.constant 0 : i32
      %dma_start3A_24 = tpu.memref_slice %arg12[%mul3A_2, %dma_start3A_23] : memref<10112x64xf32, #tpu.memory_space<vmem_shared>> -> memref<632x64xf32, #tpu.memory_space<vmem_shared>>
      tpu.enqueue_dma source(%dma_start3A_24 : memref<632x64xf32, #tpu.memory_space<vmem_shared>>) target(%arg11 : memref<632x64xf32, #tpu.memory_space<vmem>>) target_semaphore(%run_scoped3A : memref<!tpu.dma_semaphore, #tpu.memory_space<semaphore_mem>>)
      %dma_wait3A_25 = arith.constant 0 : i32
      %dma_wait3A_26 = tpu.memref_slice %arg12[%mul3A_2, %dma_wait3A_25] : memref<10112x64xf32, #tpu.memory_space<vmem_shared>> -> memref<632x64xf32, #tpu.memory_space<vmem_shared>>
      %dma_wait3A_27 = arith.constant 0 : i32
      %dma_wait3A_28 = tpu.memref_slice %arg12[%mul3A_2, %dma_wait3A_27] : memref<10112x64xf32, #tpu.memory_space<vmem_shared>> -> memref<632x64xf32, #tpu.memory_space<vmem_shared>>
      tpu.wait_dma2 semaphore(%run_scoped3A : memref<!tpu.dma_semaphore, #tpu.memory_space<semaphore_mem>>) src(%dma_wait3A_28 : memref<632x64xf32, #tpu.memory_space<vmem_shared>>) dst(%arg11 : memref<632x64xf32, #tpu.memory_space<vmem>>)
      tpu.yield
    }) : () -> ()
    "tpu.region"() ({
      %run_scoped3A = tpu.sem_alloc : memref<!tpu.dma_semaphore, #tpu.memory_space<semaphore_mem>>
      %dma_start3A_21 = arith.constant 0 : i32
      %dma_start3A_22 = tpu.memref_slice %arg6[%arg0, %mul3A_2, %dma_start3A_21] : memref<2x10112x64xf32, #tpu.memory_space<hbm>> -> memref<1x632x64xf32, #tpu.memory_space<hbm>>
      %dma_start3A_23 = tpu.memref_squeeze %dma_start3A_22 : memref<1x632x64xf32, #tpu.memory_space<hbm>> -> memref<632x64xf32, #tpu.memory_space<hbm>>
      %dma_start3A_24 = arith.constant 0 : i32
      %dma_start3A_25 = tpu.memref_slice %arg6[%arg0, %mul3A_2, %dma_start3A_24] : memref<2x10112x64xf32, #tpu.memory_space<hbm>> -> memref<1x632x64xf32, #tpu.memory_space<hbm>>
      %dma_start3A_26 = tpu.memref_squeeze %dma_start3A_25 : memref<1x632x64xf32, #tpu.memory_space<hbm>> -> memref<632x64xf32, #tpu.memory_space<hbm>>
      tpu.enqueue_dma source(%arg11 : memref<632x64xf32, #tpu.memory_space<vmem>>) target(%dma_start3A_26 : memref<632x64xf32, #tpu.memory_space<hbm>>) target_semaphore(%run_scoped3A : memref<!tpu.dma_semaphore, #tpu.memory_space<semaphore_mem>>)
      %dma_wait3A_27 = arith.constant 0 : i32
      %dma_wait3A_28 = tpu.memref_slice %arg6[%arg0, %mul3A_2, %dma_wait3A_27] : memref<2x10112x64xf32, #tpu.memory_space<hbm>> -> memref<1x632x64xf32, #tpu.memory_space<hbm>>
      %dma_wait3A_29 = tpu.memref_squeeze %dma_wait3A_28 : memref<1x632x64xf32, #tpu.memory_space<hbm>> -> memref<632x64xf32, #tpu.memory_space<hbm>>
      %dma_wait3A_30 = arith.constant 0 : i32
      %dma_wait3A_31 = tpu.memref_slice %arg6[%arg0, %mul3A_2, %dma_wait3A_30] : memref<2x10112x64xf32, #tpu.memory_space<hbm>> -> memref<1x632x64xf32, #tpu.memory_space<hbm>>
      %dma_wait3A_32 = tpu.memref_squeeze %dma_wait3A_31 : memref<1x632x64xf32, #tpu.memory_space<hbm>> -> memref<632x64xf32, #tpu.memory_space<hbm>>
      tpu.wait_dma2 semaphore(%run_scoped3A : memref<!tpu.dma_semaphore, #tpu.memory_space<semaphore_mem>>) src(%arg11 : memref<632x64xf32, #tpu.memory_space<vmem>>) dst(%dma_wait3A_32 : memref<632x64xf32, #tpu.memory_space<hbm>>)
      tpu.yield
    }) : () -> ()
    return
  }
}

#map = affine_map<(d0, d1) -> (0, 0)>
#map1 = affine_map<(d0, d1) -> (0, 0, 0)>
module attributes {stable_mosaic.version = 14 : i64} {
  func.func @prop(%arg0: i32, %arg1: i32, %arg2: memref<10112x32xf32, #tpu.memory_space<hbm>>, %arg3: memref<32x82x128xi32, #tpu.memory_space<hbm>>, %arg4: memref<32x82x128xi32, #tpu.memory_space<hbm>>, %arg5: memref<632x32xf32, #tpu.memory_space<hbm>>, %arg6: memref<2x10112x32xf32, #tpu.memory_space<hbm>>, %arg7: memref<82x128xi32, #tpu.memory_space<vmem>>, %arg8: memref<82x128xi32, #tpu.memory_space<vmem>>, %arg9: memref<128x32xf32, #tpu.memory_space<vmem>>, %arg10: memref<128x32xf32, #tpu.memory_space<vmem>>, %arg11: memref<632x32xf32, #tpu.memory_space<vmem>>, %arg12: memref<10112x32xf32, #tpu.memory_space<vmem_shared>>, %arg13: memref<!tpu.dma_semaphore, #tpu.memory_space<semaphore_mem>>, %arg14: memref<!tpu.dma_semaphore, #tpu.memory_space<semaphore_mem>>) attributes {dimension_semantics = [#tpu.dimension_semantics<core_parallel>, #tpu.dimension_semantics<subcore_parallel>], iteration_bounds = array<i64: 2, 16>, scalar_prefetch = 0 : i64, scratch_operands = 8 : i64, tpu.core_type = #tpu.core_type<sc_vector_subcore>, window_params = [{transform_indices = #map}, {transform_indices = #map1}, {transform_indices = #map1}, {transform_indices = #map}, {transform_indices = #map1}]} {
    %mul3A = arith.constant 2 : i32
    %mul3A_0 = arith.muli %arg1, %mul3A : i32
    %add3A = arith.addi %mul3A_0, %arg0 : i32
    "tpu.region"() ({
      %run_scoped3A = tpu.sem_alloc : memref<!tpu.dma_semaphore, #tpu.memory_space<semaphore_mem>>
      %dma_start3A_21 = arith.constant 0 : i32
      %dma_start3A_22 = arith.constant 0 : i32
      %dma_start3A_23 = tpu.memref_slice %arg3[%add3A, %dma_start3A_21, %dma_start3A_22] : memref<32x82x128xi32, #tpu.memory_space<hbm>> -> memref<1x82x128xi32, #tpu.memory_space<hbm>>
      %dma_start3A_24 = tpu.memref_squeeze %dma_start3A_23 : memref<1x82x128xi32, #tpu.memory_space<hbm>> -> memref<82x128xi32, #tpu.memory_space<hbm>>
      %dma_start3A_25 = arith.constant 0 : i32
      %dma_start3A_26 = arith.constant 0 : i32
      %dma_start3A_27 = tpu.memref_slice %arg3[%add3A, %dma_start3A_25, %dma_start3A_26] : memref<32x82x128xi32, #tpu.memory_space<hbm>> -> memref<1x82x128xi32, #tpu.memory_space<hbm>>
      %dma_start3A_28 = tpu.memref_squeeze %dma_start3A_27 : memref<1x82x128xi32, #tpu.memory_space<hbm>> -> memref<82x128xi32, #tpu.memory_space<hbm>>
      tpu.enqueue_dma source(%dma_start3A_28 : memref<82x128xi32, #tpu.memory_space<hbm>>) target(%arg7 : memref<82x128xi32, #tpu.memory_space<vmem>>) target_semaphore(%run_scoped3A : memref<!tpu.dma_semaphore, #tpu.memory_space<semaphore_mem>>)
      %dma_wait3A_29 = arith.constant 0 : i32
      %dma_wait3A_30 = arith.constant 0 : i32
      %dma_wait3A_31 = tpu.memref_slice %arg3[%add3A, %dma_wait3A_29, %dma_wait3A_30] : memref<32x82x128xi32, #tpu.memory_space<hbm>> -> memref<1x82x128xi32, #tpu.memory_space<hbm>>
      %dma_wait3A_32 = tpu.memref_squeeze %dma_wait3A_31 : memref<1x82x128xi32, #tpu.memory_space<hbm>> -> memref<82x128xi32, #tpu.memory_space<hbm>>
      %dma_wait3A_33 = arith.constant 0 : i32
      %dma_wait3A_34 = arith.constant 0 : i32
      %dma_wait3A_35 = tpu.memref_slice %arg3[%add3A, %dma_wait3A_33, %dma_wait3A_34] : memref<32x82x128xi32, #tpu.memory_space<hbm>> -> memref<1x82x128xi32, #tpu.memory_space<hbm>>
      %dma_wait3A_36 = tpu.memref_squeeze %dma_wait3A_35 : memref<1x82x128xi32, #tpu.memory_space<hbm>> -> memref<82x128xi32, #tpu.memory_space<hbm>>
      tpu.wait_dma2 semaphore(%run_scoped3A : memref<!tpu.dma_semaphore, #tpu.memory_space<semaphore_mem>>) src(%dma_wait3A_36 : memref<82x128xi32, #tpu.memory_space<hbm>>) dst(%arg7 : memref<82x128xi32, #tpu.memory_space<vmem>>)
      tpu.yield
    }) : () -> ()
    "tpu.region"() ({
      %run_scoped3A = tpu.sem_alloc : memref<!tpu.dma_semaphore, #tpu.memory_space<semaphore_mem>>
      %dma_start3A_21 = arith.constant 0 : i32
      %dma_start3A_22 = arith.constant 0 : i32
      %dma_start3A_23 = tpu.memref_slice %arg4[%add3A, %dma_start3A_21, %dma_start3A_22] : memref<32x82x128xi32, #tpu.memory_space<hbm>> -> memref<1x82x128xi32, #tpu.memory_space<hbm>>
      %dma_start3A_24 = tpu.memref_squeeze %dma_start3A_23 : memref<1x82x128xi32, #tpu.memory_space<hbm>> -> memref<82x128xi32, #tpu.memory_space<hbm>>
      %dma_start3A_25 = arith.constant 0 : i32
      %dma_start3A_26 = arith.constant 0 : i32
      %dma_start3A_27 = tpu.memref_slice %arg4[%add3A, %dma_start3A_25, %dma_start3A_26] : memref<32x82x128xi32, #tpu.memory_space<hbm>> -> memref<1x82x128xi32, #tpu.memory_space<hbm>>
      %dma_start3A_28 = tpu.memref_squeeze %dma_start3A_27 : memref<1x82x128xi32, #tpu.memory_space<hbm>> -> memref<82x128xi32, #tpu.memory_space<hbm>>
      tpu.enqueue_dma source(%dma_start3A_28 : memref<82x128xi32, #tpu.memory_space<hbm>>) target(%arg8 : memref<82x128xi32, #tpu.memory_space<vmem>>) target_semaphore(%run_scoped3A : memref<!tpu.dma_semaphore, #tpu.memory_space<semaphore_mem>>)
      %dma_wait3A_29 = arith.constant 0 : i32
      %dma_wait3A_30 = arith.constant 0 : i32
      %dma_wait3A_31 = tpu.memref_slice %arg4[%add3A, %dma_wait3A_29, %dma_wait3A_30] : memref<32x82x128xi32, #tpu.memory_space<hbm>> -> memref<1x82x128xi32, #tpu.memory_space<hbm>>
      %dma_wait3A_32 = tpu.memref_squeeze %dma_wait3A_31 : memref<1x82x128xi32, #tpu.memory_space<hbm>> -> memref<82x128xi32, #tpu.memory_space<hbm>>
      %dma_wait3A_33 = arith.constant 0 : i32
      %dma_wait3A_34 = arith.constant 0 : i32
      %dma_wait3A_35 = tpu.memref_slice %arg4[%add3A, %dma_wait3A_33, %dma_wait3A_34] : memref<32x82x128xi32, #tpu.memory_space<hbm>> -> memref<1x82x128xi32, #tpu.memory_space<hbm>>
      %dma_wait3A_36 = tpu.memref_squeeze %dma_wait3A_35 : memref<1x82x128xi32, #tpu.memory_space<hbm>> -> memref<82x128xi32, #tpu.memory_space<hbm>>
      tpu.wait_dma2 semaphore(%run_scoped3A : memref<!tpu.dma_semaphore, #tpu.memory_space<semaphore_mem>>) src(%dma_wait3A_36 : memref<82x128xi32, #tpu.memory_space<hbm>>) dst(%arg8 : memref<82x128xi32, #tpu.memory_space<vmem>>)
      tpu.yield
    }) : () -> ()
    %mul3A_1 = arith.constant 632 : i32
    %mul3A_2 = arith.muli %arg1, %mul3A_1 : i32
    "tpu.region"() ({
      %run_scoped3A = tpu.sem_alloc : memref<!tpu.dma_semaphore, #tpu.memory_space<semaphore_mem>>
      tpu.enqueue_dma source(%arg5 : memref<632x32xf32, #tpu.memory_space<hbm>>) target(%arg11 : memref<632x32xf32, #tpu.memory_space<vmem>>) target_semaphore(%run_scoped3A : memref<!tpu.dma_semaphore, #tpu.memory_space<semaphore_mem>>)
      tpu.wait_dma2 semaphore(%run_scoped3A : memref<!tpu.dma_semaphore, #tpu.memory_space<semaphore_mem>>) src(%arg5 : memref<632x32xf32, #tpu.memory_space<hbm>>) dst(%arg11 : memref<632x32xf32, #tpu.memory_space<vmem>>)
      tpu.yield
    }) : () -> ()
    "tpu.region"() ({
      %run_scoped3A = tpu.sem_alloc : memref<!tpu.dma_semaphore, #tpu.memory_space<semaphore_mem>>
      %dma_start3A_21 = arith.constant 0 : i32
      %dma_start3A_22 = tpu.memref_slice %arg12[%mul3A_2, %dma_start3A_21] : memref<10112x32xf32, #tpu.memory_space<vmem_shared>> -> memref<632x32xf32, #tpu.memory_space<vmem_shared>>
      %dma_start3A_23 = arith.constant 0 : i32
      %dma_start3A_24 = tpu.memref_slice %arg12[%mul3A_2, %dma_start3A_23] : memref<10112x32xf32, #tpu.memory_space<vmem_shared>> -> memref<632x32xf32, #tpu.memory_space<vmem_shared>>
      tpu.enqueue_dma source(%arg11 : memref<632x32xf32, #tpu.memory_space<vmem>>) target(%dma_start3A_24 : memref<632x32xf32, #tpu.memory_space<vmem_shared>>) target_semaphore(%run_scoped3A : memref<!tpu.dma_semaphore, #tpu.memory_space<semaphore_mem>>)
      %dma_wait3A_25 = arith.constant 0 : i32
      %dma_wait3A_26 = tpu.memref_slice %arg12[%mul3A_2, %dma_wait3A_25] : memref<10112x32xf32, #tpu.memory_space<vmem_shared>> -> memref<632x32xf32, #tpu.memory_space<vmem_shared>>
      %dma_wait3A_27 = arith.constant 0 : i32
      %dma_wait3A_28 = tpu.memref_slice %arg12[%mul3A_2, %dma_wait3A_27] : memref<10112x32xf32, #tpu.memory_space<vmem_shared>> -> memref<632x32xf32, #tpu.memory_space<vmem_shared>>
      tpu.wait_dma2 semaphore(%run_scoped3A : memref<!tpu.dma_semaphore, #tpu.memory_space<semaphore_mem>>) src(%arg11 : memref<632x32xf32, #tpu.memory_space<vmem>>) dst(%dma_wait3A_28 : memref<632x32xf32, #tpu.memory_space<vmem_shared>>)
      tpu.yield
    }) : () -> ()
    %barrier3A = arith.constant 0 : index
    tpu.barrier barrier_id(%barrier3A)
    %dma_start3A = arith.constant 0 : i32
    %dma_start3A_3 = arith.constant 0 : i32
    %dma_start3A_4 = tpu.memref_slice %arg7[%dma_start3A, %dma_start3A_3] : memref<82x128xi32, #tpu.memory_space<vmem>> -> memref<1x128xi32, #tpu.memory_space<vmem>>
    %dma_start3A_5 = tpu.memref_squeeze %dma_start3A_4 : memref<1x128xi32, #tpu.memory_space<vmem>> -> memref<128xi32, #tpu.memory_space<vmem>>
    %dma_start3A_6 = arith.constant 0 : i32
    %dma_start3A_7 = arith.constant 0 : i32
    %dma_start3A_8 = tpu.memref_slice %arg2[%dma_start3A_6, %dma_start3A_7] : memref<10112x32xf32, #tpu.memory_space<hbm>> -> memref<10112x32xf32, #tpu.memory_space<hbm>>
    tpu.enqueue_indirect_dma source(%dma_start3A_8 : memref<10112x32xf32, #tpu.memory_space<hbm>>) target(%arg9 : memref<128x32xf32, #tpu.memory_space<vmem>>) offsets(%dma_start3A_5 : memref<128xi32, #tpu.memory_space<vmem>>) semaphore(%arg13 : memref<!tpu.dma_semaphore, #tpu.memory_space<semaphore_mem>>)
    %scan3A = arith.constant 0 : i32
    %scan3A_9 = arith.constant 0 : i32
    %scan3A_10 = arith.constant 40 : i32
    %scan3A_11 = arith.addi %scan3A_9, %scan3A_10 : i32
    %scan3A_12 = arith.constant 1 : i32
    scf.for %scan3A_21 = %scan3A_9 to %scan3A_11 step %scan3A_12  : i32 {
      %mul3A_22 = arith.constant 2 : i32
      %mul3A_23 = arith.muli %mul3A_22, %scan3A_21 : i32
      %add3A_24 = arith.constant 1 : i32
      %add3A_25 = arith.addi %mul3A_23, %add3A_24 : i32
      %dma_start3A_26 = arith.constant 0 : i32
      %dma_start3A_27 = tpu.memref_slice %arg7[%add3A_25, %dma_start3A_26] : memref<82x128xi32, #tpu.memory_space<vmem>> -> memref<1x128xi32, #tpu.memory_space<vmem>>
      %dma_start3A_28 = tpu.memref_squeeze %dma_start3A_27 : memref<1x128xi32, #tpu.memory_space<vmem>> -> memref<128xi32, #tpu.memory_space<vmem>>
      %dma_start3A_29 = arith.constant 0 : i32
      %dma_start3A_30 = arith.constant 0 : i32
      %dma_start3A_31 = tpu.memref_slice %arg2[%dma_start3A_29, %dma_start3A_30] : memref<10112x32xf32, #tpu.memory_space<hbm>> -> memref<10112x32xf32, #tpu.memory_space<hbm>>
      tpu.enqueue_indirect_dma source(%dma_start3A_31 : memref<10112x32xf32, #tpu.memory_space<hbm>>) target(%arg10 : memref<128x32xf32, #tpu.memory_space<vmem>>) offsets(%dma_start3A_28 : memref<128xi32, #tpu.memory_space<vmem>>) semaphore(%arg14 : memref<!tpu.dma_semaphore, #tpu.memory_space<semaphore_mem>>)
      %dma_wait3A_32 = arith.constant 0 : i32
      %dma_wait3A_33 = tpu.memref_slice %arg7[%mul3A_23, %dma_wait3A_32] : memref<82x128xi32, #tpu.memory_space<vmem>> -> memref<1x128xi32, #tpu.memory_space<vmem>>
      %dma_wait3A_34 = tpu.memref_squeeze %dma_wait3A_33 : memref<1x128xi32, #tpu.memory_space<vmem>> -> memref<128xi32, #tpu.memory_space<vmem>>
      %dma_wait3A_35 = arith.constant 0 : i32
      %dma_wait3A_36 = arith.constant 0 : i32
      %dma_wait3A_37 = tpu.memref_slice %arg2[%dma_wait3A_35, %dma_wait3A_36] : memref<10112x32xf32, #tpu.memory_space<hbm>> -> memref<10112x32xf32, #tpu.memory_space<hbm>>
      tpu.wait_indirect_dma semaphore(%arg13 : memref<!tpu.dma_semaphore, #tpu.memory_space<semaphore_mem>>) src(%dma_wait3A_37 : memref<10112x32xf32, #tpu.memory_space<hbm>>) dst(%arg9 : memref<128x32xf32, #tpu.memory_space<vmem>>)
      "tpu.region"() ({
        %run_scoped3A = tpu.sem_alloc : memref<!tpu.dma_semaphore, #tpu.memory_space<semaphore_mem>>
        %dma_start3A_56 = arith.constant 0 : i32
        %dma_start3A_57 = tpu.memref_slice %arg8[%mul3A_23, %dma_start3A_56] : memref<82x128xi32, #tpu.memory_space<vmem>> -> memref<1x128xi32, #tpu.memory_space<vmem>>
        %dma_start3A_58 = tpu.memref_squeeze %dma_start3A_57 : memref<1x128xi32, #tpu.memory_space<vmem>> -> memref<128xi32, #tpu.memory_space<vmem>>
        %dma_start3A_59 = arith.constant 0 : i32
        %dma_start3A_60 = arith.constant 0 : i32
        %dma_start3A_61 = tpu.memref_slice %arg12[%dma_start3A_59, %dma_start3A_60] : memref<10112x32xf32, #tpu.memory_space<vmem_shared>> -> memref<10112x32xf32, #tpu.memory_space<vmem_shared>>
        tpu.enqueue_indirect_dma source(%arg9 : memref<128x32xf32, #tpu.memory_space<vmem>>) target(%dma_start3A_61 : memref<10112x32xf32, #tpu.memory_space<vmem_shared>>) offsets(%dma_start3A_58 : memref<128xi32, #tpu.memory_space<vmem>>) semaphore(%run_scoped3A : memref<!tpu.dma_semaphore, #tpu.memory_space<semaphore_mem>>) {add = true}
        %dma_wait3A_62 = arith.constant 0 : i32
        %dma_wait3A_63 = tpu.memref_slice %arg8[%mul3A_23, %dma_wait3A_62] : memref<82x128xi32, #tpu.memory_space<vmem>> -> memref<1x128xi32, #tpu.memory_space<vmem>>
        %dma_wait3A_64 = tpu.memref_squeeze %dma_wait3A_63 : memref<1x128xi32, #tpu.memory_space<vmem>> -> memref<128xi32, #tpu.memory_space<vmem>>
        %dma_wait3A_65 = arith.constant 0 : i32
        %dma_wait3A_66 = arith.constant 0 : i32
        %dma_wait3A_67 = tpu.memref_slice %arg12[%dma_wait3A_65, %dma_wait3A_66] : memref<10112x32xf32, #tpu.memory_space<vmem_shared>> -> memref<10112x32xf32, #tpu.memory_space<vmem_shared>>
        tpu.wait_indirect_dma semaphore(%run_scoped3A : memref<!tpu.dma_semaphore, #tpu.memory_space<semaphore_mem>>) src(%arg9 : memref<128x32xf32, #tpu.memory_space<vmem>>) dst(%dma_wait3A_67 : memref<10112x32xf32, #tpu.memory_space<vmem_shared>>)
        tpu.yield
      }) : () -> ()
      %add3A_38 = arith.constant 2 : i32
      %add3A_39 = arith.addi %mul3A_23, %add3A_38 : i32
      %dma_start3A_40 = arith.constant 0 : i32
      %dma_start3A_41 = tpu.memref_slice %arg7[%add3A_39, %dma_start3A_40] : memref<82x128xi32, #tpu.memory_space<vmem>> -> memref<1x128xi32, #tpu.memory_space<vmem>>
      %dma_start3A_42 = tpu.memref_squeeze %dma_start3A_41 : memref<1x128xi32, #tpu.memory_space<vmem>> -> memref<128xi32, #tpu.memory_space<vmem>>
      %dma_start3A_43 = arith.constant 0 : i32
      %dma_start3A_44 = arith.constant 0 : i32
      %dma_start3A_45 = tpu.memref_slice %arg2[%dma_start3A_43, %dma_start3A_44] : memref<10112x32xf32, #tpu.memory_space<hbm>> -> memref<10112x32xf32, #tpu.memory_space<hbm>>
      tpu.enqueue_indirect_dma source(%dma_start3A_45 : memref<10112x32xf32, #tpu.memory_space<hbm>>) target(%arg9 : memref<128x32xf32, #tpu.memory_space<vmem>>) offsets(%dma_start3A_42 : memref<128xi32, #tpu.memory_space<vmem>>) semaphore(%arg13 : memref<!tpu.dma_semaphore, #tpu.memory_space<semaphore_mem>>)
      %add3A_46 = arith.constant 1 : i32
      %add3A_47 = arith.addi %mul3A_23, %add3A_46 : i32
      %dma_wait3A_48 = arith.constant 0 : i32
      %dma_wait3A_49 = tpu.memref_slice %arg7[%add3A_47, %dma_wait3A_48] : memref<82x128xi32, #tpu.memory_space<vmem>> -> memref<1x128xi32, #tpu.memory_space<vmem>>
      %dma_wait3A_50 = tpu.memref_squeeze %dma_wait3A_49 : memref<1x128xi32, #tpu.memory_space<vmem>> -> memref<128xi32, #tpu.memory_space<vmem>>
      %dma_wait3A_51 = arith.constant 0 : i32
      %dma_wait3A_52 = arith.constant 0 : i32
      %dma_wait3A_53 = tpu.memref_slice %arg2[%dma_wait3A_51, %dma_wait3A_52] : memref<10112x32xf32, #tpu.memory_space<hbm>> -> memref<10112x32xf32, #tpu.memory_space<hbm>>
      tpu.wait_indirect_dma semaphore(%arg14 : memref<!tpu.dma_semaphore, #tpu.memory_space<semaphore_mem>>) src(%dma_wait3A_53 : memref<10112x32xf32, #tpu.memory_space<hbm>>) dst(%arg10 : memref<128x32xf32, #tpu.memory_space<vmem>>)
      %add3A_54 = arith.constant 1 : i32
      %add3A_55 = arith.addi %mul3A_23, %add3A_54 : i32
      "tpu.region"() ({
        %run_scoped3A = tpu.sem_alloc : memref<!tpu.dma_semaphore, #tpu.memory_space<semaphore_mem>>
        %dma_start3A_56 = arith.constant 0 : i32
        %dma_start3A_57 = tpu.memref_slice %arg8[%add3A_55, %dma_start3A_56] : memref<82x128xi32, #tpu.memory_space<vmem>> -> memref<1x128xi32, #tpu.memory_space<vmem>>
        %dma_start3A_58 = tpu.memref_squeeze %dma_start3A_57 : memref<1x128xi32, #tpu.memory_space<vmem>> -> memref<128xi32, #tpu.memory_space<vmem>>
        %dma_start3A_59 = arith.constant 0 : i32
        %dma_start3A_60 = arith.constant 0 : i32
        %dma_start3A_61 = tpu.memref_slice %arg12[%dma_start3A_59, %dma_start3A_60] : memref<10112x32xf32, #tpu.memory_space<vmem_shared>> -> memref<10112x32xf32, #tpu.memory_space<vmem_shared>>
        tpu.enqueue_indirect_dma source(%arg10 : memref<128x32xf32, #tpu.memory_space<vmem>>) target(%dma_start3A_61 : memref<10112x32xf32, #tpu.memory_space<vmem_shared>>) offsets(%dma_start3A_58 : memref<128xi32, #tpu.memory_space<vmem>>) semaphore(%run_scoped3A : memref<!tpu.dma_semaphore, #tpu.memory_space<semaphore_mem>>) {add = true}
        %dma_wait3A_62 = arith.constant 0 : i32
        %dma_wait3A_63 = tpu.memref_slice %arg8[%add3A_55, %dma_wait3A_62] : memref<82x128xi32, #tpu.memory_space<vmem>> -> memref<1x128xi32, #tpu.memory_space<vmem>>
        %dma_wait3A_64 = tpu.memref_squeeze %dma_wait3A_63 : memref<1x128xi32, #tpu.memory_space<vmem>> -> memref<128xi32, #tpu.memory_space<vmem>>
        %dma_wait3A_65 = arith.constant 0 : i32
        %dma_wait3A_66 = arith.constant 0 : i32
        %dma_wait3A_67 = tpu.memref_slice %arg12[%dma_wait3A_65, %dma_wait3A_66] : memref<10112x32xf32, #tpu.memory_space<vmem_shared>> -> memref<10112x32xf32, #tpu.memory_space<vmem_shared>>
        tpu.wait_indirect_dma semaphore(%run_scoped3A : memref<!tpu.dma_semaphore, #tpu.memory_space<semaphore_mem>>) src(%arg10 : memref<128x32xf32, #tpu.memory_space<vmem>>) dst(%dma_wait3A_67 : memref<10112x32xf32, #tpu.memory_space<vmem_shared>>)
        tpu.yield
      }) : () -> ()
    }
    %scan3A_13 = arith.constant 40 : i32
    %dma_wait3A = arith.constant 80 : i32
    %dma_wait3A_14 = arith.constant 0 : i32
    %dma_wait3A_15 = tpu.memref_slice %arg7[%dma_wait3A, %dma_wait3A_14] : memref<82x128xi32, #tpu.memory_space<vmem>> -> memref<1x128xi32, #tpu.memory_space<vmem>>
    %dma_wait3A_16 = tpu.memref_squeeze %dma_wait3A_15 : memref<1x128xi32, #tpu.memory_space<vmem>> -> memref<128xi32, #tpu.memory_space<vmem>>
    %dma_wait3A_17 = arith.constant 0 : i32
    %dma_wait3A_18 = arith.constant 0 : i32
    %dma_wait3A_19 = tpu.memref_slice %arg2[%dma_wait3A_17, %dma_wait3A_18] : memref<10112x32xf32, #tpu.memory_space<hbm>> -> memref<10112x32xf32, #tpu.memory_space<hbm>>
    tpu.wait_indirect_dma semaphore(%arg13 : memref<!tpu.dma_semaphore, #tpu.memory_space<semaphore_mem>>) src(%dma_wait3A_19 : memref<10112x32xf32, #tpu.memory_space<hbm>>) dst(%arg9 : memref<128x32xf32, #tpu.memory_space<vmem>>)
    %barrier3A_20 = arith.constant 0 : index
    tpu.barrier barrier_id(%barrier3A_20)
    "tpu.region"() ({
      %run_scoped3A = tpu.sem_alloc : memref<!tpu.dma_semaphore, #tpu.memory_space<semaphore_mem>>
      %dma_start3A_21 = arith.constant 0 : i32
      %dma_start3A_22 = tpu.memref_slice %arg12[%mul3A_2, %dma_start3A_21] : memref<10112x32xf32, #tpu.memory_space<vmem_shared>> -> memref<632x32xf32, #tpu.memory_space<vmem_shared>>
      %dma_start3A_23 = arith.constant 0 : i32
      %dma_start3A_24 = tpu.memref_slice %arg12[%mul3A_2, %dma_start3A_23] : memref<10112x32xf32, #tpu.memory_space<vmem_shared>> -> memref<632x32xf32, #tpu.memory_space<vmem_shared>>
      tpu.enqueue_dma source(%dma_start3A_24 : memref<632x32xf32, #tpu.memory_space<vmem_shared>>) target(%arg11 : memref<632x32xf32, #tpu.memory_space<vmem>>) target_semaphore(%run_scoped3A : memref<!tpu.dma_semaphore, #tpu.memory_space<semaphore_mem>>)
      %dma_wait3A_25 = arith.constant 0 : i32
      %dma_wait3A_26 = tpu.memref_slice %arg12[%mul3A_2, %dma_wait3A_25] : memref<10112x32xf32, #tpu.memory_space<vmem_shared>> -> memref<632x32xf32, #tpu.memory_space<vmem_shared>>
      %dma_wait3A_27 = arith.constant 0 : i32
      %dma_wait3A_28 = tpu.memref_slice %arg12[%mul3A_2, %dma_wait3A_27] : memref<10112x32xf32, #tpu.memory_space<vmem_shared>> -> memref<632x32xf32, #tpu.memory_space<vmem_shared>>
      tpu.wait_dma2 semaphore(%run_scoped3A : memref<!tpu.dma_semaphore, #tpu.memory_space<semaphore_mem>>) src(%dma_wait3A_28 : memref<632x32xf32, #tpu.memory_space<vmem_shared>>) dst(%arg11 : memref<632x32xf32, #tpu.memory_space<vmem>>)
      tpu.yield
    }) : () -> ()
    "tpu.region"() ({
      %run_scoped3A = tpu.sem_alloc : memref<!tpu.dma_semaphore, #tpu.memory_space<semaphore_mem>>
      %dma_start3A_21 = arith.constant 0 : i32
      %dma_start3A_22 = tpu.memref_slice %arg6[%arg0, %mul3A_2, %dma_start3A_21] : memref<2x10112x32xf32, #tpu.memory_space<hbm>> -> memref<1x632x32xf32, #tpu.memory_space<hbm>>
      %dma_start3A_23 = tpu.memref_squeeze %dma_start3A_22 : memref<1x632x32xf32, #tpu.memory_space<hbm>> -> memref<632x32xf32, #tpu.memory_space<hbm>>
      %dma_start3A_24 = arith.constant 0 : i32
      %dma_start3A_25 = tpu.memref_slice %arg6[%arg0, %mul3A_2, %dma_start3A_24] : memref<2x10112x32xf32, #tpu.memory_space<hbm>> -> memref<1x632x32xf32, #tpu.memory_space<hbm>>
      %dma_start3A_26 = tpu.memref_squeeze %dma_start3A_25 : memref<1x632x32xf32, #tpu.memory_space<hbm>> -> memref<632x32xf32, #tpu.memory_space<hbm>>
      tpu.enqueue_dma source(%arg11 : memref<632x32xf32, #tpu.memory_space<vmem>>) target(%dma_start3A_26 : memref<632x32xf32, #tpu.memory_space<hbm>>) target_semaphore(%run_scoped3A : memref<!tpu.dma_semaphore, #tpu.memory_space<semaphore_mem>>)
      %dma_wait3A_27 = arith.constant 0 : i32
      %dma_wait3A_28 = tpu.memref_slice %arg6[%arg0, %mul3A_2, %dma_wait3A_27] : memref<2x10112x32xf32, #tpu.memory_space<hbm>> -> memref<1x632x32xf32, #tpu.memory_space<hbm>>
      %dma_wait3A_29 = tpu.memref_squeeze %dma_wait3A_28 : memref<1x632x32xf32, #tpu.memory_space<hbm>> -> memref<632x32xf32, #tpu.memory_space<hbm>>
      %dma_wait3A_30 = arith.constant 0 : i32
      %dma_wait3A_31 = tpu.memref_slice %arg6[%arg0, %mul3A_2, %dma_wait3A_30] : memref<2x10112x32xf32, #tpu.memory_space<hbm>> -> memref<1x632x32xf32, #tpu.memory_space<hbm>>
      %dma_wait3A_32 = tpu.memref_squeeze %dma_wait3A_31 : memref<1x632x32xf32, #tpu.memory_space<hbm>> -> memref<632x32xf32, #tpu.memory_space<hbm>>
      tpu.wait_dma2 semaphore(%run_scoped3A : memref<!tpu.dma_semaphore, #tpu.memory_space<semaphore_mem>>) src(%arg11 : memref<632x32xf32, #tpu.memory_space<vmem>>) dst(%dma_wait3A_32 : memref<632x32xf32, #tpu.memory_space<hbm>>)
      tpu.yield
    }) : () -> ()
    return
  }
}

#map = affine_map<(d0, d1) -> (0, 0)>
#map1 = affine_map<(d0, d1) -> (0, 0, 0)>
module attributes {stable_mosaic.version = 14 : i64} {
  func.func @prop(%arg0: i32, %arg1: i32, %arg2: memref<10112x64xf32, #tpu.memory_space<hbm>>, %arg3: memref<32x82x128xi32, #tpu.memory_space<hbm>>, %arg4: memref<32x82x128xi32, #tpu.memory_space<hbm>>, %arg5: memref<632x64xf32, #tpu.memory_space<hbm>>, %arg6: memref<2x10112x64xf32, #tpu.memory_space<hbm>>, %arg7: memref<82x128xi32, #tpu.memory_space<vmem>>, %arg8: memref<82x128xi32, #tpu.memory_space<vmem>>, %arg9: memref<128x64xf32, #tpu.memory_space<vmem>>, %arg10: memref<128x64xf32, #tpu.memory_space<vmem>>, %arg11: memref<632x64xf32, #tpu.memory_space<vmem>>, %arg12: memref<10112x64xf32, #tpu.memory_space<vmem_shared>>, %arg13: memref<!tpu.dma_semaphore, #tpu.memory_space<semaphore_mem>>, %arg14: memref<!tpu.dma_semaphore, #tpu.memory_space<semaphore_mem>>) attributes {dimension_semantics = [#tpu.dimension_semantics<core_parallel>, #tpu.dimension_semantics<subcore_parallel>], iteration_bounds = array<i64: 2, 16>, scalar_prefetch = 0 : i64, scratch_operands = 8 : i64, tpu.core_type = #tpu.core_type<sc_vector_subcore>, window_params = [{transform_indices = #map}, {transform_indices = #map1}, {transform_indices = #map1}, {transform_indices = #map}, {transform_indices = #map1}]} {
    %mul3A = arith.constant 2 : i32
    %mul3A_0 = arith.muli %arg1, %mul3A : i32
    %add3A = arith.addi %mul3A_0, %arg0 : i32
    "tpu.region"() ({
      %run_scoped3A = tpu.sem_alloc : memref<!tpu.dma_semaphore, #tpu.memory_space<semaphore_mem>>
      %dma_start3A_21 = arith.constant 0 : i32
      %dma_start3A_22 = arith.constant 0 : i32
      %dma_start3A_23 = tpu.memref_slice %arg3[%add3A, %dma_start3A_21, %dma_start3A_22] : memref<32x82x128xi32, #tpu.memory_space<hbm>> -> memref<1x82x128xi32, #tpu.memory_space<hbm>>
      %dma_start3A_24 = tpu.memref_squeeze %dma_start3A_23 : memref<1x82x128xi32, #tpu.memory_space<hbm>> -> memref<82x128xi32, #tpu.memory_space<hbm>>
      %dma_start3A_25 = arith.constant 0 : i32
      %dma_start3A_26 = arith.constant 0 : i32
      %dma_start3A_27 = tpu.memref_slice %arg3[%add3A, %dma_start3A_25, %dma_start3A_26] : memref<32x82x128xi32, #tpu.memory_space<hbm>> -> memref<1x82x128xi32, #tpu.memory_space<hbm>>
      %dma_start3A_28 = tpu.memref_squeeze %dma_start3A_27 : memref<1x82x128xi32, #tpu.memory_space<hbm>> -> memref<82x128xi32, #tpu.memory_space<hbm>>
      tpu.enqueue_dma source(%dma_start3A_28 : memref<82x128xi32, #tpu.memory_space<hbm>>) target(%arg7 : memref<82x128xi32, #tpu.memory_space<vmem>>) target_semaphore(%run_scoped3A : memref<!tpu.dma_semaphore, #tpu.memory_space<semaphore_mem>>)
      %dma_wait3A_29 = arith.constant 0 : i32
      %dma_wait3A_30 = arith.constant 0 : i32
      %dma_wait3A_31 = tpu.memref_slice %arg3[%add3A, %dma_wait3A_29, %dma_wait3A_30] : memref<32x82x128xi32, #tpu.memory_space<hbm>> -> memref<1x82x128xi32, #tpu.memory_space<hbm>>
      %dma_wait3A_32 = tpu.memref_squeeze %dma_wait3A_31 : memref<1x82x128xi32, #tpu.memory_space<hbm>> -> memref<82x128xi32, #tpu.memory_space<hbm>>
      %dma_wait3A_33 = arith.constant 0 : i32
      %dma_wait3A_34 = arith.constant 0 : i32
      %dma_wait3A_35 = tpu.memref_slice %arg3[%add3A, %dma_wait3A_33, %dma_wait3A_34] : memref<32x82x128xi32, #tpu.memory_space<hbm>> -> memref<1x82x128xi32, #tpu.memory_space<hbm>>
      %dma_wait3A_36 = tpu.memref_squeeze %dma_wait3A_35 : memref<1x82x128xi32, #tpu.memory_space<hbm>> -> memref<82x128xi32, #tpu.memory_space<hbm>>
      tpu.wait_dma2 semaphore(%run_scoped3A : memref<!tpu.dma_semaphore, #tpu.memory_space<semaphore_mem>>) src(%dma_wait3A_36 : memref<82x128xi32, #tpu.memory_space<hbm>>) dst(%arg7 : memref<82x128xi32, #tpu.memory_space<vmem>>)
      tpu.yield
    }) : () -> ()
    "tpu.region"() ({
      %run_scoped3A = tpu.sem_alloc : memref<!tpu.dma_semaphore, #tpu.memory_space<semaphore_mem>>
      %dma_start3A_21 = arith.constant 0 : i32
      %dma_start3A_22 = arith.constant 0 : i32
      %dma_start3A_23 = tpu.memref_slice %arg4[%add3A, %dma_start3A_21, %dma_start3A_22] : memref<32x82x128xi32, #tpu.memory_space<hbm>> -> memref<1x82x128xi32, #tpu.memory_space<hbm>>
      %dma_start3A_24 = tpu.memref_squeeze %dma_start3A_23 : memref<1x82x128xi32, #tpu.memory_space<hbm>> -> memref<82x128xi32, #tpu.memory_space<hbm>>
      %dma_start3A_25 = arith.constant 0 : i32
      %dma_start3A_26 = arith.constant 0 : i32
      %dma_start3A_27 = tpu.memref_slice %arg4[%add3A, %dma_start3A_25, %dma_start3A_26] : memref<32x82x128xi32, #tpu.memory_space<hbm>> -> memref<1x82x128xi32, #tpu.memory_space<hbm>>
      %dma_start3A_28 = tpu.memref_squeeze %dma_start3A_27 : memref<1x82x128xi32, #tpu.memory_space<hbm>> -> memref<82x128xi32, #tpu.memory_space<hbm>>
      tpu.enqueue_dma source(%dma_start3A_28 : memref<82x128xi32, #tpu.memory_space<hbm>>) target(%arg8 : memref<82x128xi32, #tpu.memory_space<vmem>>) target_semaphore(%run_scoped3A : memref<!tpu.dma_semaphore, #tpu.memory_space<semaphore_mem>>)
      %dma_wait3A_29 = arith.constant 0 : i32
      %dma_wait3A_30 = arith.constant 0 : i32
      %dma_wait3A_31 = tpu.memref_slice %arg4[%add3A, %dma_wait3A_29, %dma_wait3A_30] : memref<32x82x128xi32, #tpu.memory_space<hbm>> -> memref<1x82x128xi32, #tpu.memory_space<hbm>>
      %dma_wait3A_32 = tpu.memref_squeeze %dma_wait3A_31 : memref<1x82x128xi32, #tpu.memory_space<hbm>> -> memref<82x128xi32, #tpu.memory_space<hbm>>
      %dma_wait3A_33 = arith.constant 0 : i32
      %dma_wait3A_34 = arith.constant 0 : i32
      %dma_wait3A_35 = tpu.memref_slice %arg4[%add3A, %dma_wait3A_33, %dma_wait3A_34] : memref<32x82x128xi32, #tpu.memory_space<hbm>> -> memref<1x82x128xi32, #tpu.memory_space<hbm>>
      %dma_wait3A_36 = tpu.memref_squeeze %dma_wait3A_35 : memref<1x82x128xi32, #tpu.memory_space<hbm>> -> memref<82x128xi32, #tpu.memory_space<hbm>>
      tpu.wait_dma2 semaphore(%run_scoped3A : memref<!tpu.dma_semaphore, #tpu.memory_space<semaphore_mem>>) src(%dma_wait3A_36 : memref<82x128xi32, #tpu.memory_space<hbm>>) dst(%arg8 : memref<82x128xi32, #tpu.memory_space<vmem>>)
      tpu.yield
    }) : () -> ()
    %mul3A_1 = arith.constant 632 : i32
    %mul3A_2 = arith.muli %arg1, %mul3A_1 : i32
    "tpu.region"() ({
      %run_scoped3A = tpu.sem_alloc : memref<!tpu.dma_semaphore, #tpu.memory_space<semaphore_mem>>
      tpu.enqueue_dma source(%arg5 : memref<632x64xf32, #tpu.memory_space<hbm>>) target(%arg11 : memref<632x64xf32, #tpu.memory_space<vmem>>) target_semaphore(%run_scoped3A : memref<!tpu.dma_semaphore, #tpu.memory_space<semaphore_mem>>)
      tpu.wait_dma2 semaphore(%run_scoped3A : memref<!tpu.dma_semaphore, #tpu.memory_space<semaphore_mem>>) src(%arg5 : memref<632x64xf32, #tpu.memory_space<hbm>>) dst(%arg11 : memref<632x64xf32, #tpu.memory_space<vmem>>)
      tpu.yield
    }) : () -> ()
    "tpu.region"() ({
      %run_scoped3A = tpu.sem_alloc : memref<!tpu.dma_semaphore, #tpu.memory_space<semaphore_mem>>
      %dma_start3A_21 = arith.constant 0 : i32
      %dma_start3A_22 = tpu.memref_slice %arg12[%mul3A_2, %dma_start3A_21] : memref<10112x64xf32, #tpu.memory_space<vmem_shared>> -> memref<632x64xf32, #tpu.memory_space<vmem_shared>>
      %dma_start3A_23 = arith.constant 0 : i32
      %dma_start3A_24 = tpu.memref_slice %arg12[%mul3A_2, %dma_start3A_23] : memref<10112x64xf32, #tpu.memory_space<vmem_shared>> -> memref<632x64xf32, #tpu.memory_space<vmem_shared>>
      tpu.enqueue_dma source(%arg11 : memref<632x64xf32, #tpu.memory_space<vmem>>) target(%dma_start3A_24 : memref<632x64xf32, #tpu.memory_space<vmem_shared>>) target_semaphore(%run_scoped3A : memref<!tpu.dma_semaphore, #tpu.memory_space<semaphore_mem>>)
      %dma_wait3A_25 = arith.constant 0 : i32
      %dma_wait3A_26 = tpu.memref_slice %arg12[%mul3A_2, %dma_wait3A_25] : memref<10112x64xf32, #tpu.memory_space<vmem_shared>> -> memref<632x64xf32, #tpu.memory_space<vmem_shared>>
      %dma_wait3A_27 = arith.constant 0 : i32
      %dma_wait3A_28 = tpu.memref_slice %arg12[%mul3A_2, %dma_wait3A_27] : memref<10112x64xf32, #tpu.memory_space<vmem_shared>> -> memref<632x64xf32, #tpu.memory_space<vmem_shared>>
      tpu.wait_dma2 semaphore(%run_scoped3A : memref<!tpu.dma_semaphore, #tpu.memory_space<semaphore_mem>>) src(%arg11 : memref<632x64xf32, #tpu.memory_space<vmem>>) dst(%dma_wait3A_28 : memref<632x64xf32, #tpu.memory_space<vmem_shared>>)
      tpu.yield
    }) : () -> ()
    %barrier3A = arith.constant 0 : index
    tpu.barrier barrier_id(%barrier3A)
    %dma_start3A = arith.constant 0 : i32
    %dma_start3A_3 = arith.constant 0 : i32
    %dma_start3A_4 = tpu.memref_slice %arg7[%dma_start3A, %dma_start3A_3] : memref<82x128xi32, #tpu.memory_space<vmem>> -> memref<1x128xi32, #tpu.memory_space<vmem>>
    %dma_start3A_5 = tpu.memref_squeeze %dma_start3A_4 : memref<1x128xi32, #tpu.memory_space<vmem>> -> memref<128xi32, #tpu.memory_space<vmem>>
    %dma_start3A_6 = arith.constant 0 : i32
    %dma_start3A_7 = arith.constant 0 : i32
    %dma_start3A_8 = tpu.memref_slice %arg2[%dma_start3A_6, %dma_start3A_7] : memref<10112x64xf32, #tpu.memory_space<hbm>> -> memref<10112x64xf32, #tpu.memory_space<hbm>>
    tpu.enqueue_indirect_dma source(%dma_start3A_8 : memref<10112x64xf32, #tpu.memory_space<hbm>>) target(%arg9 : memref<128x64xf32, #tpu.memory_space<vmem>>) offsets(%dma_start3A_5 : memref<128xi32, #tpu.memory_space<vmem>>) semaphore(%arg13 : memref<!tpu.dma_semaphore, #tpu.memory_space<semaphore_mem>>)
    %scan3A = arith.constant 0 : i32
    %scan3A_9 = arith.constant 0 : i32
    %scan3A_10 = arith.constant 40 : i32
    %scan3A_11 = arith.addi %scan3A_9, %scan3A_10 : i32
    %scan3A_12 = arith.constant 1 : i32
    scf.for %scan3A_21 = %scan3A_9 to %scan3A_11 step %scan3A_12  : i32 {
      %mul3A_22 = arith.constant 2 : i32
      %mul3A_23 = arith.muli %mul3A_22, %scan3A_21 : i32
      %add3A_24 = arith.constant 1 : i32
      %add3A_25 = arith.addi %mul3A_23, %add3A_24 : i32
      %dma_start3A_26 = arith.constant 0 : i32
      %dma_start3A_27 = tpu.memref_slice %arg7[%add3A_25, %dma_start3A_26] : memref<82x128xi32, #tpu.memory_space<vmem>> -> memref<1x128xi32, #tpu.memory_space<vmem>>
      %dma_start3A_28 = tpu.memref_squeeze %dma_start3A_27 : memref<1x128xi32, #tpu.memory_space<vmem>> -> memref<128xi32, #tpu.memory_space<vmem>>
      %dma_start3A_29 = arith.constant 0 : i32
      %dma_start3A_30 = arith.constant 0 : i32
      %dma_start3A_31 = tpu.memref_slice %arg2[%dma_start3A_29, %dma_start3A_30] : memref<10112x64xf32, #tpu.memory_space<hbm>> -> memref<10112x64xf32, #tpu.memory_space<hbm>>
      tpu.enqueue_indirect_dma source(%dma_start3A_31 : memref<10112x64xf32, #tpu.memory_space<hbm>>) target(%arg10 : memref<128x64xf32, #tpu.memory_space<vmem>>) offsets(%dma_start3A_28 : memref<128xi32, #tpu.memory_space<vmem>>) semaphore(%arg14 : memref<!tpu.dma_semaphore, #tpu.memory_space<semaphore_mem>>)
      %dma_wait3A_32 = arith.constant 0 : i32
      %dma_wait3A_33 = tpu.memref_slice %arg7[%mul3A_23, %dma_wait3A_32] : memref<82x128xi32, #tpu.memory_space<vmem>> -> memref<1x128xi32, #tpu.memory_space<vmem>>
      %dma_wait3A_34 = tpu.memref_squeeze %dma_wait3A_33 : memref<1x128xi32, #tpu.memory_space<vmem>> -> memref<128xi32, #tpu.memory_space<vmem>>
      %dma_wait3A_35 = arith.constant 0 : i32
      %dma_wait3A_36 = arith.constant 0 : i32
      %dma_wait3A_37 = tpu.memref_slice %arg2[%dma_wait3A_35, %dma_wait3A_36] : memref<10112x64xf32, #tpu.memory_space<hbm>> -> memref<10112x64xf32, #tpu.memory_space<hbm>>
      tpu.wait_indirect_dma semaphore(%arg13 : memref<!tpu.dma_semaphore, #tpu.memory_space<semaphore_mem>>) src(%dma_wait3A_37 : memref<10112x64xf32, #tpu.memory_space<hbm>>) dst(%arg9 : memref<128x64xf32, #tpu.memory_space<vmem>>)
      "tpu.region"() ({
        %run_scoped3A = tpu.sem_alloc : memref<!tpu.dma_semaphore, #tpu.memory_space<semaphore_mem>>
        %dma_start3A_56 = arith.constant 0 : i32
        %dma_start3A_57 = tpu.memref_slice %arg8[%mul3A_23, %dma_start3A_56] : memref<82x128xi32, #tpu.memory_space<vmem>> -> memref<1x128xi32, #tpu.memory_space<vmem>>
        %dma_start3A_58 = tpu.memref_squeeze %dma_start3A_57 : memref<1x128xi32, #tpu.memory_space<vmem>> -> memref<128xi32, #tpu.memory_space<vmem>>
        %dma_start3A_59 = arith.constant 0 : i32
        %dma_start3A_60 = arith.constant 0 : i32
        %dma_start3A_61 = tpu.memref_slice %arg12[%dma_start3A_59, %dma_start3A_60] : memref<10112x64xf32, #tpu.memory_space<vmem_shared>> -> memref<10112x64xf32, #tpu.memory_space<vmem_shared>>
        tpu.enqueue_indirect_dma source(%arg9 : memref<128x64xf32, #tpu.memory_space<vmem>>) target(%dma_start3A_61 : memref<10112x64xf32, #tpu.memory_space<vmem_shared>>) offsets(%dma_start3A_58 : memref<128xi32, #tpu.memory_space<vmem>>) semaphore(%run_scoped3A : memref<!tpu.dma_semaphore, #tpu.memory_space<semaphore_mem>>) {add = true}
        %dma_wait3A_62 = arith.constant 0 : i32
        %dma_wait3A_63 = tpu.memref_slice %arg8[%mul3A_23, %dma_wait3A_62] : memref<82x128xi32, #tpu.memory_space<vmem>> -> memref<1x128xi32, #tpu.memory_space<vmem>>
        %dma_wait3A_64 = tpu.memref_squeeze %dma_wait3A_63 : memref<1x128xi32, #tpu.memory_space<vmem>> -> memref<128xi32, #tpu.memory_space<vmem>>
        %dma_wait3A_65 = arith.constant 0 : i32
        %dma_wait3A_66 = arith.constant 0 : i32
        %dma_wait3A_67 = tpu.memref_slice %arg12[%dma_wait3A_65, %dma_wait3A_66] : memref<10112x64xf32, #tpu.memory_space<vmem_shared>> -> memref<10112x64xf32, #tpu.memory_space<vmem_shared>>
        tpu.wait_indirect_dma semaphore(%run_scoped3A : memref<!tpu.dma_semaphore, #tpu.memory_space<semaphore_mem>>) src(%arg9 : memref<128x64xf32, #tpu.memory_space<vmem>>) dst(%dma_wait3A_67 : memref<10112x64xf32, #tpu.memory_space<vmem_shared>>)
        tpu.yield
      }) : () -> ()
      %add3A_38 = arith.constant 2 : i32
      %add3A_39 = arith.addi %mul3A_23, %add3A_38 : i32
      %dma_start3A_40 = arith.constant 0 : i32
      %dma_start3A_41 = tpu.memref_slice %arg7[%add3A_39, %dma_start3A_40] : memref<82x128xi32, #tpu.memory_space<vmem>> -> memref<1x128xi32, #tpu.memory_space<vmem>>
      %dma_start3A_42 = tpu.memref_squeeze %dma_start3A_41 : memref<1x128xi32, #tpu.memory_space<vmem>> -> memref<128xi32, #tpu.memory_space<vmem>>
      %dma_start3A_43 = arith.constant 0 : i32
      %dma_start3A_44 = arith.constant 0 : i32
      %dma_start3A_45 = tpu.memref_slice %arg2[%dma_start3A_43, %dma_start3A_44] : memref<10112x64xf32, #tpu.memory_space<hbm>> -> memref<10112x64xf32, #tpu.memory_space<hbm>>
      tpu.enqueue_indirect_dma source(%dma_start3A_45 : memref<10112x64xf32, #tpu.memory_space<hbm>>) target(%arg9 : memref<128x64xf32, #tpu.memory_space<vmem>>) offsets(%dma_start3A_42 : memref<128xi32, #tpu.memory_space<vmem>>) semaphore(%arg13 : memref<!tpu.dma_semaphore, #tpu.memory_space<semaphore_mem>>)
      %add3A_46 = arith.constant 1 : i32
      %add3A_47 = arith.addi %mul3A_23, %add3A_46 : i32
      %dma_wait3A_48 = arith.constant 0 : i32
      %dma_wait3A_49 = tpu.memref_slice %arg7[%add3A_47, %dma_wait3A_48] : memref<82x128xi32, #tpu.memory_space<vmem>> -> memref<1x128xi32, #tpu.memory_space<vmem>>
      %dma_wait3A_50 = tpu.memref_squeeze %dma_wait3A_49 : memref<1x128xi32, #tpu.memory_space<vmem>> -> memref<128xi32, #tpu.memory_space<vmem>>
      %dma_wait3A_51 = arith.constant 0 : i32
      %dma_wait3A_52 = arith.constant 0 : i32
      %dma_wait3A_53 = tpu.memref_slice %arg2[%dma_wait3A_51, %dma_wait3A_52] : memref<10112x64xf32, #tpu.memory_space<hbm>> -> memref<10112x64xf32, #tpu.memory_space<hbm>>
      tpu.wait_indirect_dma semaphore(%arg14 : memref<!tpu.dma_semaphore, #tpu.memory_space<semaphore_mem>>) src(%dma_wait3A_53 : memref<10112x64xf32, #tpu.memory_space<hbm>>) dst(%arg10 : memref<128x64xf32, #tpu.memory_space<vmem>>)
      %add3A_54 = arith.constant 1 : i32
      %add3A_55 = arith.addi %mul3A_23, %add3A_54 : i32
      "tpu.region"() ({
        %run_scoped3A = tpu.sem_alloc : memref<!tpu.dma_semaphore, #tpu.memory_space<semaphore_mem>>
        %dma_start3A_56 = arith.constant 0 : i32
        %dma_start3A_57 = tpu.memref_slice %arg8[%add3A_55, %dma_start3A_56] : memref<82x128xi32, #tpu.memory_space<vmem>> -> memref<1x128xi32, #tpu.memory_space<vmem>>
        %dma_start3A_58 = tpu.memref_squeeze %dma_start3A_57 : memref<1x128xi32, #tpu.memory_space<vmem>> -> memref<128xi32, #tpu.memory_space<vmem>>
        %dma_start3A_59 = arith.constant 0 : i32
        %dma_start3A_60 = arith.constant 0 : i32
        %dma_start3A_61 = tpu.memref_slice %arg12[%dma_start3A_59, %dma_start3A_60] : memref<10112x64xf32, #tpu.memory_space<vmem_shared>> -> memref<10112x64xf32, #tpu.memory_space<vmem_shared>>
        tpu.enqueue_indirect_dma source(%arg10 : memref<128x64xf32, #tpu.memory_space<vmem>>) target(%dma_start3A_61 : memref<10112x64xf32, #tpu.memory_space<vmem_shared>>) offsets(%dma_start3A_58 : memref<128xi32, #tpu.memory_space<vmem>>) semaphore(%run_scoped3A : memref<!tpu.dma_semaphore, #tpu.memory_space<semaphore_mem>>) {add = true}
        %dma_wait3A_62 = arith.constant 0 : i32
        %dma_wait3A_63 = tpu.memref_slice %arg8[%add3A_55, %dma_wait3A_62] : memref<82x128xi32, #tpu.memory_space<vmem>> -> memref<1x128xi32, #tpu.memory_space<vmem>>
        %dma_wait3A_64 = tpu.memref_squeeze %dma_wait3A_63 : memref<1x128xi32, #tpu.memory_space<vmem>> -> memref<128xi32, #tpu.memory_space<vmem>>
        %dma_wait3A_65 = arith.constant 0 : i32
        %dma_wait3A_66 = arith.constant 0 : i32
        %dma_wait3A_67 = tpu.memref_slice %arg12[%dma_wait3A_65, %dma_wait3A_66] : memref<10112x64xf32, #tpu.memory_space<vmem_shared>> -> memref<10112x64xf32, #tpu.memory_space<vmem_shared>>
        tpu.wait_indirect_dma semaphore(%run_scoped3A : memref<!tpu.dma_semaphore, #tpu.memory_space<semaphore_mem>>) src(%arg10 : memref<128x64xf32, #tpu.memory_space<vmem>>) dst(%dma_wait3A_67 : memref<10112x64xf32, #tpu.memory_space<vmem_shared>>)
        tpu.yield
      }) : () -> ()
    }
    %scan3A_13 = arith.constant 40 : i32
    %dma_wait3A = arith.constant 80 : i32
    %dma_wait3A_14 = arith.constant 0 : i32
    %dma_wait3A_15 = tpu.memref_slice %arg7[%dma_wait3A, %dma_wait3A_14] : memref<82x128xi32, #tpu.memory_space<vmem>> -> memref<1x128xi32, #tpu.memory_space<vmem>>
    %dma_wait3A_16 = tpu.memref_squeeze %dma_wait3A_15 : memref<1x128xi32, #tpu.memory_space<vmem>> -> memref<128xi32, #tpu.memory_space<vmem>>
    %dma_wait3A_17 = arith.constant 0 : i32
    %dma_wait3A_18 = arith.constant 0 : i32
    %dma_wait3A_19 = tpu.memref_slice %arg2[%dma_wait3A_17, %dma_wait3A_18] : memref<10112x64xf32, #tpu.memory_space<hbm>> -> memref<10112x64xf32, #tpu.memory_space<hbm>>
    tpu.wait_indirect_dma semaphore(%arg13 : memref<!tpu.dma_semaphore, #tpu.memory_space<semaphore_mem>>) src(%dma_wait3A_19 : memref<10112x64xf32, #tpu.memory_space<hbm>>) dst(%arg9 : memref<128x64xf32, #tpu.memory_space<vmem>>)
    %barrier3A_20 = arith.constant 0 : index
    tpu.barrier barrier_id(%barrier3A_20)
    "tpu.region"() ({
      %run_scoped3A = tpu.sem_alloc : memref<!tpu.dma_semaphore, #tpu.memory_space<semaphore_mem>>
      %dma_start3A_21 = arith.constant 0 : i32
      %dma_start3A_22 = tpu.memref_slice %arg12[%mul3A_2, %dma_start3A_21] : memref<10112x64xf32, #tpu.memory_space<vmem_shared>> -> memref<632x64xf32, #tpu.memory_space<vmem_shared>>
      %dma_start3A_23 = arith.constant 0 : i32
      %dma_start3A_24 = tpu.memref_slice %arg12[%mul3A_2, %dma_start3A_23] : memref<10112x64xf32, #tpu.memory_space<vmem_shared>> -> memref<632x64xf32, #tpu.memory_space<vmem_shared>>
      tpu.enqueue_dma source(%dma_start3A_24 : memref<632x64xf32, #tpu.memory_space<vmem_shared>>) target(%arg11 : memref<632x64xf32, #tpu.memory_space<vmem>>) target_semaphore(%run_scoped3A : memref<!tpu.dma_semaphore, #tpu.memory_space<semaphore_mem>>)
      %dma_wait3A_25 = arith.constant 0 : i32
      %dma_wait3A_26 = tpu.memref_slice %arg12[%mul3A_2, %dma_wait3A_25] : memref<10112x64xf32, #tpu.memory_space<vmem_shared>> -> memref<632x64xf32, #tpu.memory_space<vmem_shared>>
      %dma_wait3A_27 = arith.constant 0 : i32
      %dma_wait3A_28 = tpu.memref_slice %arg12[%mul3A_2, %dma_wait3A_27] : memref<10112x64xf32, #tpu.memory_space<vmem_shared>> -> memref<632x64xf32, #tpu.memory_space<vmem_shared>>
      tpu.wait_dma2 semaphore(%run_scoped3A : memref<!tpu.dma_semaphore, #tpu.memory_space<semaphore_mem>>) src(%dma_wait3A_28 : memref<632x64xf32, #tpu.memory_space<vmem_shared>>) dst(%arg11 : memref<632x64xf32, #tpu.memory_space<vmem>>)
      tpu.yield
    }) : () -> ()
    "tpu.region"() ({
      %run_scoped3A = tpu.sem_alloc : memref<!tpu.dma_semaphore, #tpu.memory_space<semaphore_mem>>
      %dma_start3A_21 = arith.constant 0 : i32
      %dma_start3A_22 = tpu.memref_slice %arg6[%arg0, %mul3A_2, %dma_start3A_21] : memref<2x10112x64xf32, #tpu.memory_space<hbm>> -> memref<1x632x64xf32, #tpu.memory_space<hbm>>
      %dma_start3A_23 = tpu.memref_squeeze %dma_start3A_22 : memref<1x632x64xf32, #tpu.memory_space<hbm>> -> memref<632x64xf32, #tpu.memory_space<hbm>>
      %dma_start3A_24 = arith.constant 0 : i32
      %dma_start3A_25 = tpu.memref_slice %arg6[%arg0, %mul3A_2, %dma_start3A_24] : memref<2x10112x64xf32, #tpu.memory_space<hbm>> -> memref<1x632x64xf32, #tpu.memory_space<hbm>>
      %dma_start3A_26 = tpu.memref_squeeze %dma_start3A_25 : memref<1x632x64xf32, #tpu.memory_space<hbm>> -> memref<632x64xf32, #tpu.memory_space<hbm>>
      tpu.enqueue_dma source(%arg11 : memref<632x64xf32, #tpu.memory_space<vmem>>) target(%dma_start3A_26 : memref<632x64xf32, #tpu.memory_space<hbm>>) target_semaphore(%run_scoped3A : memref<!tpu.dma_semaphore, #tpu.memory_space<semaphore_mem>>)
      %dma_wait3A_27 = arith.constant 0 : i32
      %dma_wait3A_28 = tpu.memref_slice %arg6[%arg0, %mul3A_2, %dma_wait3A_27] : memref<2x10112x64xf32, #tpu.memory_space<hbm>> -> memref<1x632x64xf32, #tpu.memory_space<hbm>>
      %dma_wait3A_29 = tpu.memref_squeeze %dma_wait3A_28 : memref<1x632x64xf32, #tpu.memory_space<hbm>> -> memref<632x64xf32, #tpu.memory_space<hbm>>
      %dma_wait3A_30 = arith.constant 0 : i32
      %dma_wait3A_31 = tpu.memref_slice %arg6[%arg0, %mul3A_2, %dma_wait3A_30] : memref<2x10112x64xf32, #tpu.memory_space<hbm>> -> memref<1x632x64xf32, #tpu.memory_space<hbm>>
      %dma_wait3A_32 = tpu.memref_squeeze %dma_wait3A_31 : memref<1x632x64xf32, #tpu.memory_space<hbm>> -> memref<632x64xf32, #tpu.memory_space<hbm>>
      tpu.wait_dma2 semaphore(%run_scoped3A : memref<!tpu.dma_semaphore, #tpu.memory_space<semaphore_mem>>) src(%arg11 : memref<632x64xf32, #tpu.memory_space<vmem>>) dst(%dma_wait3A_32 : memref<632x64xf32, #tpu.memory_space<hbm>>)
      tpu.yield
    }) : () -> ()
    return
  }
}

#map = affine_map<(d0, d1) -> (0, 0)>
#map1 = affine_map<(d0, d1) -> (0, 0, 0)>
module attributes {stable_mosaic.version = 14 : i64} {
  func.func @prop(%arg0: i32, %arg1: i32, %arg2: memref<10112x32xf32, #tpu.memory_space<hbm>>, %arg3: memref<32x82x128xi32, #tpu.memory_space<hbm>>, %arg4: memref<32x82x128xi32, #tpu.memory_space<hbm>>, %arg5: memref<632x32xf32, #tpu.memory_space<hbm>>, %arg6: memref<2x10112x32xf32, #tpu.memory_space<hbm>>, %arg7: memref<82x128xi32, #tpu.memory_space<vmem>>, %arg8: memref<82x128xi32, #tpu.memory_space<vmem>>, %arg9: memref<128x32xf32, #tpu.memory_space<vmem>>, %arg10: memref<128x32xf32, #tpu.memory_space<vmem>>, %arg11: memref<632x32xf32, #tpu.memory_space<vmem>>, %arg12: memref<10112x32xf32, #tpu.memory_space<vmem_shared>>, %arg13: memref<!tpu.dma_semaphore, #tpu.memory_space<semaphore_mem>>, %arg14: memref<!tpu.dma_semaphore, #tpu.memory_space<semaphore_mem>>) attributes {dimension_semantics = [#tpu.dimension_semantics<core_parallel>, #tpu.dimension_semantics<subcore_parallel>], iteration_bounds = array<i64: 2, 16>, scalar_prefetch = 0 : i64, scratch_operands = 8 : i64, tpu.core_type = #tpu.core_type<sc_vector_subcore>, window_params = [{transform_indices = #map}, {transform_indices = #map1}, {transform_indices = #map1}, {transform_indices = #map}, {transform_indices = #map1}]} {
    %mul3A = arith.constant 2 : i32
    %mul3A_0 = arith.muli %arg1, %mul3A : i32
    %add3A = arith.addi %mul3A_0, %arg0 : i32
    "tpu.region"() ({
      %run_scoped3A = tpu.sem_alloc : memref<!tpu.dma_semaphore, #tpu.memory_space<semaphore_mem>>
      %dma_start3A_21 = arith.constant 0 : i32
      %dma_start3A_22 = arith.constant 0 : i32
      %dma_start3A_23 = tpu.memref_slice %arg3[%add3A, %dma_start3A_21, %dma_start3A_22] : memref<32x82x128xi32, #tpu.memory_space<hbm>> -> memref<1x82x128xi32, #tpu.memory_space<hbm>>
      %dma_start3A_24 = tpu.memref_squeeze %dma_start3A_23 : memref<1x82x128xi32, #tpu.memory_space<hbm>> -> memref<82x128xi32, #tpu.memory_space<hbm>>
      %dma_start3A_25 = arith.constant 0 : i32
      %dma_start3A_26 = arith.constant 0 : i32
      %dma_start3A_27 = tpu.memref_slice %arg3[%add3A, %dma_start3A_25, %dma_start3A_26] : memref<32x82x128xi32, #tpu.memory_space<hbm>> -> memref<1x82x128xi32, #tpu.memory_space<hbm>>
      %dma_start3A_28 = tpu.memref_squeeze %dma_start3A_27 : memref<1x82x128xi32, #tpu.memory_space<hbm>> -> memref<82x128xi32, #tpu.memory_space<hbm>>
      tpu.enqueue_dma source(%dma_start3A_28 : memref<82x128xi32, #tpu.memory_space<hbm>>) target(%arg7 : memref<82x128xi32, #tpu.memory_space<vmem>>) target_semaphore(%run_scoped3A : memref<!tpu.dma_semaphore, #tpu.memory_space<semaphore_mem>>)
      %dma_wait3A_29 = arith.constant 0 : i32
      %dma_wait3A_30 = arith.constant 0 : i32
      %dma_wait3A_31 = tpu.memref_slice %arg3[%add3A, %dma_wait3A_29, %dma_wait3A_30] : memref<32x82x128xi32, #tpu.memory_space<hbm>> -> memref<1x82x128xi32, #tpu.memory_space<hbm>>
      %dma_wait3A_32 = tpu.memref_squeeze %dma_wait3A_31 : memref<1x82x128xi32, #tpu.memory_space<hbm>> -> memref<82x128xi32, #tpu.memory_space<hbm>>
      %dma_wait3A_33 = arith.constant 0 : i32
      %dma_wait3A_34 = arith.constant 0 : i32
      %dma_wait3A_35 = tpu.memref_slice %arg3[%add3A, %dma_wait3A_33, %dma_wait3A_34] : memref<32x82x128xi32, #tpu.memory_space<hbm>> -> memref<1x82x128xi32, #tpu.memory_space<hbm>>
      %dma_wait3A_36 = tpu.memref_squeeze %dma_wait3A_35 : memref<1x82x128xi32, #tpu.memory_space<hbm>> -> memref<82x128xi32, #tpu.memory_space<hbm>>
      tpu.wait_dma2 semaphore(%run_scoped3A : memref<!tpu.dma_semaphore, #tpu.memory_space<semaphore_mem>>) src(%dma_wait3A_36 : memref<82x128xi32, #tpu.memory_space<hbm>>) dst(%arg7 : memref<82x128xi32, #tpu.memory_space<vmem>>)
      tpu.yield
    }) : () -> ()
    "tpu.region"() ({
      %run_scoped3A = tpu.sem_alloc : memref<!tpu.dma_semaphore, #tpu.memory_space<semaphore_mem>>
      %dma_start3A_21 = arith.constant 0 : i32
      %dma_start3A_22 = arith.constant 0 : i32
      %dma_start3A_23 = tpu.memref_slice %arg4[%add3A, %dma_start3A_21, %dma_start3A_22] : memref<32x82x128xi32, #tpu.memory_space<hbm>> -> memref<1x82x128xi32, #tpu.memory_space<hbm>>
      %dma_start3A_24 = tpu.memref_squeeze %dma_start3A_23 : memref<1x82x128xi32, #tpu.memory_space<hbm>> -> memref<82x128xi32, #tpu.memory_space<hbm>>
      %dma_start3A_25 = arith.constant 0 : i32
      %dma_start3A_26 = arith.constant 0 : i32
      %dma_start3A_27 = tpu.memref_slice %arg4[%add3A, %dma_start3A_25, %dma_start3A_26] : memref<32x82x128xi32, #tpu.memory_space<hbm>> -> memref<1x82x128xi32, #tpu.memory_space<hbm>>
      %dma_start3A_28 = tpu.memref_squeeze %dma_start3A_27 : memref<1x82x128xi32, #tpu.memory_space<hbm>> -> memref<82x128xi32, #tpu.memory_space<hbm>>
      tpu.enqueue_dma source(%dma_start3A_28 : memref<82x128xi32, #tpu.memory_space<hbm>>) target(%arg8 : memref<82x128xi32, #tpu.memory_space<vmem>>) target_semaphore(%run_scoped3A : memref<!tpu.dma_semaphore, #tpu.memory_space<semaphore_mem>>)
      %dma_wait3A_29 = arith.constant 0 : i32
      %dma_wait3A_30 = arith.constant 0 : i32
      %dma_wait3A_31 = tpu.memref_slice %arg4[%add3A, %dma_wait3A_29, %dma_wait3A_30] : memref<32x82x128xi32, #tpu.memory_space<hbm>> -> memref<1x82x128xi32, #tpu.memory_space<hbm>>
      %dma_wait3A_32 = tpu.memref_squeeze %dma_wait3A_31 : memref<1x82x128xi32, #tpu.memory_space<hbm>> -> memref<82x128xi32, #tpu.memory_space<hbm>>
      %dma_wait3A_33 = arith.constant 0 : i32
      %dma_wait3A_34 = arith.constant 0 : i32
      %dma_wait3A_35 = tpu.memref_slice %arg4[%add3A, %dma_wait3A_33, %dma_wait3A_34] : memref<32x82x128xi32, #tpu.memory_space<hbm>> -> memref<1x82x128xi32, #tpu.memory_space<hbm>>
      %dma_wait3A_36 = tpu.memref_squeeze %dma_wait3A_35 : memref<1x82x128xi32, #tpu.memory_space<hbm>> -> memref<82x128xi32, #tpu.memory_space<hbm>>
      tpu.wait_dma2 semaphore(%run_scoped3A : memref<!tpu.dma_semaphore, #tpu.memory_space<semaphore_mem>>) src(%dma_wait3A_36 : memref<82x128xi32, #tpu.memory_space<hbm>>) dst(%arg8 : memref<82x128xi32, #tpu.memory_space<vmem>>)
      tpu.yield
    }) : () -> ()
    %mul3A_1 = arith.constant 632 : i32
    %mul3A_2 = arith.muli %arg1, %mul3A_1 : i32
    "tpu.region"() ({
      %run_scoped3A = tpu.sem_alloc : memref<!tpu.dma_semaphore, #tpu.memory_space<semaphore_mem>>
      tpu.enqueue_dma source(%arg5 : memref<632x32xf32, #tpu.memory_space<hbm>>) target(%arg11 : memref<632x32xf32, #tpu.memory_space<vmem>>) target_semaphore(%run_scoped3A : memref<!tpu.dma_semaphore, #tpu.memory_space<semaphore_mem>>)
      tpu.wait_dma2 semaphore(%run_scoped3A : memref<!tpu.dma_semaphore, #tpu.memory_space<semaphore_mem>>) src(%arg5 : memref<632x32xf32, #tpu.memory_space<hbm>>) dst(%arg11 : memref<632x32xf32, #tpu.memory_space<vmem>>)
      tpu.yield
    }) : () -> ()
    "tpu.region"() ({
      %run_scoped3A = tpu.sem_alloc : memref<!tpu.dma_semaphore, #tpu.memory_space<semaphore_mem>>
      %dma_start3A_21 = arith.constant 0 : i32
      %dma_start3A_22 = tpu.memref_slice %arg12[%mul3A_2, %dma_start3A_21] : memref<10112x32xf32, #tpu.memory_space<vmem_shared>> -> memref<632x32xf32, #tpu.memory_space<vmem_shared>>
      %dma_start3A_23 = arith.constant 0 : i32
      %dma_start3A_24 = tpu.memref_slice %arg12[%mul3A_2, %dma_start3A_23] : memref<10112x32xf32, #tpu.memory_space<vmem_shared>> -> memref<632x32xf32, #tpu.memory_space<vmem_shared>>
      tpu.enqueue_dma source(%arg11 : memref<632x32xf32, #tpu.memory_space<vmem>>) target(%dma_start3A_24 : memref<632x32xf32, #tpu.memory_space<vmem_shared>>) target_semaphore(%run_scoped3A : memref<!tpu.dma_semaphore, #tpu.memory_space<semaphore_mem>>)
      %dma_wait3A_25 = arith.constant 0 : i32
      %dma_wait3A_26 = tpu.memref_slice %arg12[%mul3A_2, %dma_wait3A_25] : memref<10112x32xf32, #tpu.memory_space<vmem_shared>> -> memref<632x32xf32, #tpu.memory_space<vmem_shared>>
      %dma_wait3A_27 = arith.constant 0 : i32
      %dma_wait3A_28 = tpu.memref_slice %arg12[%mul3A_2, %dma_wait3A_27] : memref<10112x32xf32, #tpu.memory_space<vmem_shared>> -> memref<632x32xf32, #tpu.memory_space<vmem_shared>>
      tpu.wait_dma2 semaphore(%run_scoped3A : memref<!tpu.dma_semaphore, #tpu.memory_space<semaphore_mem>>) src(%arg11 : memref<632x32xf32, #tpu.memory_space<vmem>>) dst(%dma_wait3A_28 : memref<632x32xf32, #tpu.memory_space<vmem_shared>>)
      tpu.yield
    }) : () -> ()
    %barrier3A = arith.constant 0 : index
    tpu.barrier barrier_id(%barrier3A)
    %dma_start3A = arith.constant 0 : i32
    %dma_start3A_3 = arith.constant 0 : i32
    %dma_start3A_4 = tpu.memref_slice %arg7[%dma_start3A, %dma_start3A_3] : memref<82x128xi32, #tpu.memory_space<vmem>> -> memref<1x128xi32, #tpu.memory_space<vmem>>
    %dma_start3A_5 = tpu.memref_squeeze %dma_start3A_4 : memref<1x128xi32, #tpu.memory_space<vmem>> -> memref<128xi32, #tpu.memory_space<vmem>>
    %dma_start3A_6 = arith.constant 0 : i32
    %dma_start3A_7 = arith.constant 0 : i32
    %dma_start3A_8 = tpu.memref_slice %arg2[%dma_start3A_6, %dma_start3A_7] : memref<10112x32xf32, #tpu.memory_space<hbm>> -> memref<10112x32xf32, #tpu.memory_space<hbm>>
    tpu.enqueue_indirect_dma source(%dma_start3A_8 : memref<10112x32xf32, #tpu.memory_space<hbm>>) target(%arg9 : memref<128x32xf32, #tpu.memory_space<vmem>>) offsets(%dma_start3A_5 : memref<128xi32, #tpu.memory_space<vmem>>) semaphore(%arg13 : memref<!tpu.dma_semaphore, #tpu.memory_space<semaphore_mem>>)
    %scan3A = arith.constant 0 : i32
    %scan3A_9 = arith.constant 0 : i32
    %scan3A_10 = arith.constant 40 : i32
    %scan3A_11 = arith.addi %scan3A_9, %scan3A_10 : i32
    %scan3A_12 = arith.constant 1 : i32
    scf.for %scan3A_21 = %scan3A_9 to %scan3A_11 step %scan3A_12  : i32 {
      %mul3A_22 = arith.constant 2 : i32
      %mul3A_23 = arith.muli %mul3A_22, %scan3A_21 : i32
      %add3A_24 = arith.constant 1 : i32
      %add3A_25 = arith.addi %mul3A_23, %add3A_24 : i32
      %dma_start3A_26 = arith.constant 0 : i32
      %dma_start3A_27 = tpu.memref_slice %arg7[%add3A_25, %dma_start3A_26] : memref<82x128xi32, #tpu.memory_space<vmem>> -> memref<1x128xi32, #tpu.memory_space<vmem>>
      %dma_start3A_28 = tpu.memref_squeeze %dma_start3A_27 : memref<1x128xi32, #tpu.memory_space<vmem>> -> memref<128xi32, #tpu.memory_space<vmem>>
      %dma_start3A_29 = arith.constant 0 : i32
      %dma_start3A_30 = arith.constant 0 : i32
      %dma_start3A_31 = tpu.memref_slice %arg2[%dma_start3A_29, %dma_start3A_30] : memref<10112x32xf32, #tpu.memory_space<hbm>> -> memref<10112x32xf32, #tpu.memory_space<hbm>>
      tpu.enqueue_indirect_dma source(%dma_start3A_31 : memref<10112x32xf32, #tpu.memory_space<hbm>>) target(%arg10 : memref<128x32xf32, #tpu.memory_space<vmem>>) offsets(%dma_start3A_28 : memref<128xi32, #tpu.memory_space<vmem>>) semaphore(%arg14 : memref<!tpu.dma_semaphore, #tpu.memory_space<semaphore_mem>>)
      %dma_wait3A_32 = arith.constant 0 : i32
      %dma_wait3A_33 = tpu.memref_slice %arg7[%mul3A_23, %dma_wait3A_32] : memref<82x128xi32, #tpu.memory_space<vmem>> -> memref<1x128xi32, #tpu.memory_space<vmem>>
      %dma_wait3A_34 = tpu.memref_squeeze %dma_wait3A_33 : memref<1x128xi32, #tpu.memory_space<vmem>> -> memref<128xi32, #tpu.memory_space<vmem>>
      %dma_wait3A_35 = arith.constant 0 : i32
      %dma_wait3A_36 = arith.constant 0 : i32
      %dma_wait3A_37 = tpu.memref_slice %arg2[%dma_wait3A_35, %dma_wait3A_36] : memref<10112x32xf32, #tpu.memory_space<hbm>> -> memref<10112x32xf32, #tpu.memory_space<hbm>>
      tpu.wait_indirect_dma semaphore(%arg13 : memref<!tpu.dma_semaphore, #tpu.memory_space<semaphore_mem>>) src(%dma_wait3A_37 : memref<10112x32xf32, #tpu.memory_space<hbm>>) dst(%arg9 : memref<128x32xf32, #tpu.memory_space<vmem>>)
      "tpu.region"() ({
        %run_scoped3A = tpu.sem_alloc : memref<!tpu.dma_semaphore, #tpu.memory_space<semaphore_mem>>
        %dma_start3A_56 = arith.constant 0 : i32
        %dma_start3A_57 = tpu.memref_slice %arg8[%mul3A_23, %dma_start3A_56] : memref<82x128xi32, #tpu.memory_space<vmem>> -> memref<1x128xi32, #tpu.memory_space<vmem>>
        %dma_start3A_58 = tpu.memref_squeeze %dma_start3A_57 : memref<1x128xi32, #tpu.memory_space<vmem>> -> memref<128xi32, #tpu.memory_space<vmem>>
        %dma_start3A_59 = arith.constant 0 : i32
        %dma_start3A_60 = arith.constant 0 : i32
        %dma_start3A_61 = tpu.memref_slice %arg12[%dma_start3A_59, %dma_start3A_60] : memref<10112x32xf32, #tpu.memory_space<vmem_shared>> -> memref<10112x32xf32, #tpu.memory_space<vmem_shared>>
        tpu.enqueue_indirect_dma source(%arg9 : memref<128x32xf32, #tpu.memory_space<vmem>>) target(%dma_start3A_61 : memref<10112x32xf32, #tpu.memory_space<vmem_shared>>) offsets(%dma_start3A_58 : memref<128xi32, #tpu.memory_space<vmem>>) semaphore(%run_scoped3A : memref<!tpu.dma_semaphore, #tpu.memory_space<semaphore_mem>>) {add = true}
        %dma_wait3A_62 = arith.constant 0 : i32
        %dma_wait3A_63 = tpu.memref_slice %arg8[%mul3A_23, %dma_wait3A_62] : memref<82x128xi32, #tpu.memory_space<vmem>> -> memref<1x128xi32, #tpu.memory_space<vmem>>
        %dma_wait3A_64 = tpu.memref_squeeze %dma_wait3A_63 : memref<1x128xi32, #tpu.memory_space<vmem>> -> memref<128xi32, #tpu.memory_space<vmem>>
        %dma_wait3A_65 = arith.constant 0 : i32
        %dma_wait3A_66 = arith.constant 0 : i32
        %dma_wait3A_67 = tpu.memref_slice %arg12[%dma_wait3A_65, %dma_wait3A_66] : memref<10112x32xf32, #tpu.memory_space<vmem_shared>> -> memref<10112x32xf32, #tpu.memory_space<vmem_shared>>
        tpu.wait_indirect_dma semaphore(%run_scoped3A : memref<!tpu.dma_semaphore, #tpu.memory_space<semaphore_mem>>) src(%arg9 : memref<128x32xf32, #tpu.memory_space<vmem>>) dst(%dma_wait3A_67 : memref<10112x32xf32, #tpu.memory_space<vmem_shared>>)
        tpu.yield
      }) : () -> ()
      %add3A_38 = arith.constant 2 : i32
      %add3A_39 = arith.addi %mul3A_23, %add3A_38 : i32
      %dma_start3A_40 = arith.constant 0 : i32
      %dma_start3A_41 = tpu.memref_slice %arg7[%add3A_39, %dma_start3A_40] : memref<82x128xi32, #tpu.memory_space<vmem>> -> memref<1x128xi32, #tpu.memory_space<vmem>>
      %dma_start3A_42 = tpu.memref_squeeze %dma_start3A_41 : memref<1x128xi32, #tpu.memory_space<vmem>> -> memref<128xi32, #tpu.memory_space<vmem>>
      %dma_start3A_43 = arith.constant 0 : i32
      %dma_start3A_44 = arith.constant 0 : i32
      %dma_start3A_45 = tpu.memref_slice %arg2[%dma_start3A_43, %dma_start3A_44] : memref<10112x32xf32, #tpu.memory_space<hbm>> -> memref<10112x32xf32, #tpu.memory_space<hbm>>
      tpu.enqueue_indirect_dma source(%dma_start3A_45 : memref<10112x32xf32, #tpu.memory_space<hbm>>) target(%arg9 : memref<128x32xf32, #tpu.memory_space<vmem>>) offsets(%dma_start3A_42 : memref<128xi32, #tpu.memory_space<vmem>>) semaphore(%arg13 : memref<!tpu.dma_semaphore, #tpu.memory_space<semaphore_mem>>)
      %add3A_46 = arith.constant 1 : i32
      %add3A_47 = arith.addi %mul3A_23, %add3A_46 : i32
      %dma_wait3A_48 = arith.constant 0 : i32
      %dma_wait3A_49 = tpu.memref_slice %arg7[%add3A_47, %dma_wait3A_48] : memref<82x128xi32, #tpu.memory_space<vmem>> -> memref<1x128xi32, #tpu.memory_space<vmem>>
      %dma_wait3A_50 = tpu.memref_squeeze %dma_wait3A_49 : memref<1x128xi32, #tpu.memory_space<vmem>> -> memref<128xi32, #tpu.memory_space<vmem>>
      %dma_wait3A_51 = arith.constant 0 : i32
      %dma_wait3A_52 = arith.constant 0 : i32
      %dma_wait3A_53 = tpu.memref_slice %arg2[%dma_wait3A_51, %dma_wait3A_52] : memref<10112x32xf32, #tpu.memory_space<hbm>> -> memref<10112x32xf32, #tpu.memory_space<hbm>>
      tpu.wait_indirect_dma semaphore(%arg14 : memref<!tpu.dma_semaphore, #tpu.memory_space<semaphore_mem>>) src(%dma_wait3A_53 : memref<10112x32xf32, #tpu.memory_space<hbm>>) dst(%arg10 : memref<128x32xf32, #tpu.memory_space<vmem>>)
      %add3A_54 = arith.constant 1 : i32
      %add3A_55 = arith.addi %mul3A_23, %add3A_54 : i32
      "tpu.region"() ({
        %run_scoped3A = tpu.sem_alloc : memref<!tpu.dma_semaphore, #tpu.memory_space<semaphore_mem>>
        %dma_start3A_56 = arith.constant 0 : i32
        %dma_start3A_57 = tpu.memref_slice %arg8[%add3A_55, %dma_start3A_56] : memref<82x128xi32, #tpu.memory_space<vmem>> -> memref<1x128xi32, #tpu.memory_space<vmem>>
        %dma_start3A_58 = tpu.memref_squeeze %dma_start3A_57 : memref<1x128xi32, #tpu.memory_space<vmem>> -> memref<128xi32, #tpu.memory_space<vmem>>
        %dma_start3A_59 = arith.constant 0 : i32
        %dma_start3A_60 = arith.constant 0 : i32
        %dma_start3A_61 = tpu.memref_slice %arg12[%dma_start3A_59, %dma_start3A_60] : memref<10112x32xf32, #tpu.memory_space<vmem_shared>> -> memref<10112x32xf32, #tpu.memory_space<vmem_shared>>
        tpu.enqueue_indirect_dma source(%arg10 : memref<128x32xf32, #tpu.memory_space<vmem>>) target(%dma_start3A_61 : memref<10112x32xf32, #tpu.memory_space<vmem_shared>>) offsets(%dma_start3A_58 : memref<128xi32, #tpu.memory_space<vmem>>) semaphore(%run_scoped3A : memref<!tpu.dma_semaphore, #tpu.memory_space<semaphore_mem>>) {add = true}
        %dma_wait3A_62 = arith.constant 0 : i32
        %dma_wait3A_63 = tpu.memref_slice %arg8[%add3A_55, %dma_wait3A_62] : memref<82x128xi32, #tpu.memory_space<vmem>> -> memref<1x128xi32, #tpu.memory_space<vmem>>
        %dma_wait3A_64 = tpu.memref_squeeze %dma_wait3A_63 : memref<1x128xi32, #tpu.memory_space<vmem>> -> memref<128xi32, #tpu.memory_space<vmem>>
        %dma_wait3A_65 = arith.constant 0 : i32
        %dma_wait3A_66 = arith.constant 0 : i32
        %dma_wait3A_67 = tpu.memref_slice %arg12[%dma_wait3A_65, %dma_wait3A_66] : memref<10112x32xf32, #tpu.memory_space<vmem_shared>> -> memref<10112x32xf32, #tpu.memory_space<vmem_shared>>
        tpu.wait_indirect_dma semaphore(%run_scoped3A : memref<!tpu.dma_semaphore, #tpu.memory_space<semaphore_mem>>) src(%arg10 : memref<128x32xf32, #tpu.memory_space<vmem>>) dst(%dma_wait3A_67 : memref<10112x32xf32, #tpu.memory_space<vmem_shared>>)
        tpu.yield
      }) : () -> ()
    }
    %scan3A_13 = arith.constant 40 : i32
    %dma_wait3A = arith.constant 80 : i32
    %dma_wait3A_14 = arith.constant 0 : i32
    %dma_wait3A_15 = tpu.memref_slice %arg7[%dma_wait3A, %dma_wait3A_14] : memref<82x128xi32, #tpu.memory_space<vmem>> -> memref<1x128xi32, #tpu.memory_space<vmem>>
    %dma_wait3A_16 = tpu.memref_squeeze %dma_wait3A_15 : memref<1x128xi32, #tpu.memory_space<vmem>> -> memref<128xi32, #tpu.memory_space<vmem>>
    %dma_wait3A_17 = arith.constant 0 : i32
    %dma_wait3A_18 = arith.constant 0 : i32
    %dma_wait3A_19 = tpu.memref_slice %arg2[%dma_wait3A_17, %dma_wait3A_18] : memref<10112x32xf32, #tpu.memory_space<hbm>> -> memref<10112x32xf32, #tpu.memory_space<hbm>>
    tpu.wait_indirect_dma semaphore(%arg13 : memref<!tpu.dma_semaphore, #tpu.memory_space<semaphore_mem>>) src(%dma_wait3A_19 : memref<10112x32xf32, #tpu.memory_space<hbm>>) dst(%arg9 : memref<128x32xf32, #tpu.memory_space<vmem>>)
    %barrier3A_20 = arith.constant 0 : index
    tpu.barrier barrier_id(%barrier3A_20)
    "tpu.region"() ({
      %run_scoped3A = tpu.sem_alloc : memref<!tpu.dma_semaphore, #tpu.memory_space<semaphore_mem>>
      %dma_start3A_21 = arith.constant 0 : i32
      %dma_start3A_22 = tpu.memref_slice %arg12[%mul3A_2, %dma_start3A_21] : memref<10112x32xf32, #tpu.memory_space<vmem_shared>> -> memref<632x32xf32, #tpu.memory_space<vmem_shared>>
      %dma_start3A_23 = arith.constant 0 : i32
      %dma_start3A_24 = tpu.memref_slice %arg12[%mul3A_2, %dma_start3A_23] : memref<10112x32xf32, #tpu.memory_space<vmem_shared>> -> memref<632x32xf32, #tpu.memory_space<vmem_shared>>
      tpu.enqueue_dma source(%dma_start3A_24 : memref<632x32xf32, #tpu.memory_space<vmem_shared>>) target(%arg11 : memref<632x32xf32, #tpu.memory_space<vmem>>) target_semaphore(%run_scoped3A : memref<!tpu.dma_semaphore, #tpu.memory_space<semaphore_mem>>)
      %dma_wait3A_25 = arith.constant 0 : i32
      %dma_wait3A_26 = tpu.memref_slice %arg12[%mul3A_2, %dma_wait3A_25] : memref<10112x32xf32, #tpu.memory_space<vmem_shared>> -> memref<632x32xf32, #tpu.memory_space<vmem_shared>>
      %dma_wait3A_27 = arith.constant 0 : i32
      %dma_wait3A_28 = tpu.memref_slice %arg12[%mul3A_2, %dma_wait3A_27] : memref<10112x32xf32, #tpu.memory_space<vmem_shared>> -> memref<632x32xf32, #tpu.memory_space<vmem_shared>>
      tpu.wait_dma2 semaphore(%run_scoped3A : memref<!tpu.dma_semaphore, #tpu.memory_space<semaphore_mem>>) src(%dma_wait3A_28 : memref<632x32xf32, #tpu.memory_space<vmem_shared>>) dst(%arg11 : memref<632x32xf32, #tpu.memory_space<vmem>>)
      tpu.yield
    }) : () -> ()
    "tpu.region"() ({
      %run_scoped3A = tpu.sem_alloc : memref<!tpu.dma_semaphore, #tpu.memory_space<semaphore_mem>>
      %dma_start3A_21 = arith.constant 0 : i32
      %dma_start3A_22 = tpu.memref_slice %arg6[%arg0, %mul3A_2, %dma_start3A_21] : memref<2x10112x32xf32, #tpu.memory_space<hbm>> -> memref<1x632x32xf32, #tpu.memory_space<hbm>>
      %dma_start3A_23 = tpu.memref_squeeze %dma_start3A_22 : memref<1x632x32xf32, #tpu.memory_space<hbm>> -> memref<632x32xf32, #tpu.memory_space<hbm>>
      %dma_start3A_24 = arith.constant 0 : i32
      %dma_start3A_25 = tpu.memref_slice %arg6[%arg0, %mul3A_2, %dma_start3A_24] : memref<2x10112x32xf32, #tpu.memory_space<hbm>> -> memref<1x632x32xf32, #tpu.memory_space<hbm>>
      %dma_start3A_26 = tpu.memref_squeeze %dma_start3A_25 : memref<1x632x32xf32, #tpu.memory_space<hbm>> -> memref<632x32xf32, #tpu.memory_space<hbm>>
      tpu.enqueue_dma source(%arg11 : memref<632x32xf32, #tpu.memory_space<vmem>>) target(%dma_start3A_26 : memref<632x32xf32, #tpu.memory_space<hbm>>) target_semaphore(%run_scoped3A : memref<!tpu.dma_semaphore, #tpu.memory_space<semaphore_mem>>)
      %dma_wait3A_27 = arith.constant 0 : i32
      %dma_wait3A_28 = tpu.memref_slice %arg6[%arg0, %mul3A_2, %dma_wait3A_27] : memref<2x10112x32xf32, #tpu.memory_space<hbm>> -> memref<1x632x32xf32, #tpu.memory_space<hbm>>
      %dma_wait3A_29 = tpu.memref_squeeze %dma_wait3A_28 : memref<1x632x32xf32, #tpu.memory_space<hbm>> -> memref<632x32xf32, #tpu.memory_space<hbm>>
      %dma_wait3A_30 = arith.constant 0 : i32
      %dma_wait3A_31 = tpu.memref_slice %arg6[%arg0, %mul3A_2, %dma_wait3A_30] : memref<2x10112x32xf32, #tpu.memory_space<hbm>> -> memref<1x632x32xf32, #tpu.memory_space<hbm>>
      %dma_wait3A_32 = tpu.memref_squeeze %dma_wait3A_31 : memref<1x632x32xf32, #tpu.memory_space<hbm>> -> memref<632x32xf32, #tpu.memory_space<hbm>>
      tpu.wait_dma2 semaphore(%run_scoped3A : memref<!tpu.dma_semaphore, #tpu.memory_space<semaphore_mem>>) src(%arg11 : memref<632x32xf32, #tpu.memory_space<vmem>>) dst(%dma_wait3A_32 : memref<632x32xf32, #tpu.memory_space<hbm>>)
      tpu.yield
    }) : () -> ()
    return
  }
}

module attributes {stable_mosaic.version = 14 : i64} {
  func.func @kern(%arg0: i32, %arg1: memref<1264x128xf32, #tpu.memory_space<vmem>>, %arg2: memref<128x96xf32, #tpu.memory_space<vmem>>, %arg3: memref<1264x32xf32, #tpu.memory_space<vmem>>, %arg4: memref<1264x64xf32, #tpu.memory_space<vmem>>) attributes {dimension_semantics = [#tpu.dimension_semantics<arbitrary>], iteration_bounds = array<i64: 8>, scalar_prefetch = 0 : i64, scratch_operands = 0 : i64, tpu.core_type = #tpu.core_type<tc>, window_params = [{transform_indices = @transform_0, window_bounds = array<i64: 1264, 128>}, {pipeline_mode = #tpu.pipeline_mode<synchronous>, transform_indices = @transform_1, window_bounds = array<i64: 128, 96>}, {transform_indices = @transform_2, window_bounds = array<i64: 1264, 32>}, {transform_indices = @transform_3, window_bounds = array<i64: 1264, 64>}]} {
    %get3A = arith.constant 0 : index
    %get3A_0 = arith.constant 0 : index
    %get3A_1 = vector.load %arg1[%get3A, %get3A_0] : memref<1264x128xf32, #tpu.memory_space<vmem>>, vector<1264x128xf32>
    %get3A_2 = arith.constant 0 : index
    %get3A_3 = arith.constant 0 : index
    %get3A_4 = vector.load %arg2[%get3A_2, %get3A_3] : memref<128x96xf32, #tpu.memory_space<vmem>>, vector<128x96xf32>
    %dot_general3A = arith.constant dense<0.000000e+00> : vector<1264x96xf32>
    %dot_general3A_5 = tpu.matmul %get3A_1, %get3A_4, %dot_general3A {dimension_numbers = #tpu.dot_dimension_numbers<[1], [0], [0], [1], [0, 0, 1, 1], [], []>, transpose_lhs_hint = false} : vector<1264x128xf32>, vector<128x96xf32>, vector<1264x96xf32> -> vector<1264x96xf32>
    %slice3A = vector.extract_strided_slice %dot_general3A_5 {offsets = [0, 0], sizes = [1264, 32], strides = [1, 1]} : vector<1264x96xf32> to vector<1264x32xf32>
    %swap3A = arith.constant 0 : index
    %swap3A_6 = arith.constant 0 : index
    %swap3A_7 = vector.load %arg3[%swap3A, %swap3A_6] : memref<1264x32xf32, #tpu.memory_space<vmem>>, vector<1264x32xf32>
    tpu.vector_store %arg3[%swap3A, %swap3A_6], %slice3A {strides = array<i32>} : memref<1264x32xf32, #tpu.memory_space<vmem>>, vector<1264x32xf32>,
    %slice3A_8 = vector.extract_strided_slice %dot_general3A_5 {offsets = [0, 32], sizes = [1264, 64], strides = [1, 1]} : vector<1264x96xf32> to vector<1264x64xf32>
    %swap3A_9 = arith.constant 0 : index
    %swap3A_10 = arith.constant 0 : index
    %swap3A_11 = vector.load %arg4[%swap3A_9, %swap3A_10] : memref<1264x64xf32, #tpu.memory_space<vmem>>, vector<1264x64xf32>
    tpu.vector_store %arg4[%swap3A_9, %swap3A_10], %slice3A_8 {strides = array<i32>} : memref<1264x64xf32, #tpu.memory_space<vmem>>, vector<1264x64xf32>,
    return
  }
  func.func @transform_0(%arg0: i32) -> (i32, i32) {
    %c0_i32 = arith.constant 0 : i32
    %c0_i32_0 = arith.constant 0 : i32
    return %arg0, %c0_i32 : i32, i32
  }
  func.func @transform_1(%arg0: i32) -> (i32, i32) {
    %c0_i32 = arith.constant 0 : i32
    %c0_i32_0 = arith.constant 0 : i32
    %c0_i32_1 = arith.constant 0 : i32
    return %c0_i32, %c0_i32_0 : i32, i32
  }
  func.func @transform_2(%arg0: i32) -> (i32, i32) {
    %c0_i32 = arith.constant 0 : i32
    %c0_i32_0 = arith.constant 0 : i32
    return %arg0, %c0_i32 : i32, i32
  }
  func.func @transform_3(%arg0: i32) -> (i32, i32) {
    %c0_i32 = arith.constant 0 : i32
    %c0_i32_0 = arith.constant 0 : i32
    return %arg0, %c0_i32 : i32, i32
  }
}

module attributes {stable_mosaic.version = 14 : i64} {
  func.func @kern(%arg0: i32, %arg1: memref<1264x16xf32, #tpu.memory_space<vmem>>, %arg2: memref<1264x16xf32, #tpu.memory_space<vmem>>, %arg3: memref<1264x64xf32, #tpu.memory_space<vmem>>, %arg4: memref<1264x1xf32, #tpu.memory_space<vmem>>, %arg5: memref<1264x64xf32, #tpu.memory_space<vmem>>) attributes {dimension_semantics = [#tpu.dimension_semantics<arbitrary>], iteration_bounds = array<i64: 8>, scalar_prefetch = 0 : i64, scratch_operands = 0 : i64, tpu.core_type = #tpu.core_type<tc>, window_params = [{transform_indices = @transform_0, window_bounds = array<i64: 1264, 16>}, {transform_indices = @transform_1, window_bounds = array<i64: 1264, 16>}, {transform_indices = @transform_2, window_bounds = array<i64: 1264, 64>}, {transform_indices = @transform_3, window_bounds = array<i64: 1264, 1>}, {transform_indices = @transform_4, window_bounds = array<i64: 1264, 64>}]} {
    %get3A = arith.constant 0 : index
    %get3A_0 = arith.constant 0 : index
    %get3A_1 = vector.load %arg1[%get3A, %get3A_0] : memref<1264x16xf32, #tpu.memory_space<vmem>>, vector<1264x16xf32>
    %slice3A = vector.extract_strided_slice %get3A_1 {offsets = [0, 0], sizes = [1264, 1], strides = [1, 1]} : vector<1264x16xf32> to vector<1264x1xf32>
    %get3A_2 = arith.constant 0 : index
    %get3A_3 = arith.constant 0 : index
    %get3A_4 = vector.load %arg2[%get3A_2, %get3A_3] : memref<1264x16xf32, #tpu.memory_space<vmem>>, vector<1264x16xf32>
    %slice3A_5 = vector.extract_strided_slice %get3A_4 {offsets = [0, 0], sizes = [1264, 1], strides = [1, 1]} : vector<1264x16xf32> to vector<1264x1xf32>
    %add3A = arith.addf %slice3A, %slice3A_5 : vector<1264x1xf32>
    %add3A_6 = arith.constant 1.000000e+00 : f32
    %add3A_7 = vector.broadcast %add3A_6 : f32 to vector<1264x1xf32>
    %add3A_8 = arith.addf %add3A, %add3A_7 : vector<1264x1xf32>
    %rsqrt3A = math.rsqrt %add3A_8 : vector<1264x1xf32>
    %swap3A = arith.constant 0 : index
    %swap3A_9 = arith.constant 0 : index
    %swap3A_10 = vector.load %arg4[%swap3A, %swap3A_9] : memref<1264x1xf32, #tpu.memory_space<vmem>>, vector<1264x1xf32>
    tpu.vector_store %arg4[%swap3A, %swap3A_9], %rsqrt3A {strides = array<i32>} : memref<1264x1xf32, #tpu.memory_space<vmem>>, vector<1264x1xf32>,
    %get3A_11 = arith.constant 0 : index
    %get3A_12 = arith.constant 0 : index
    %get3A_13 = vector.load %arg3[%get3A_11, %get3A_12] : memref<1264x64xf32, #tpu.memory_space<vmem>>, vector<1264x64xf32>
    %mul3A = vector.broadcast %rsqrt3A : vector<1264x1xf32> to vector<1264x64xf32>
    %mul3A_14 = arith.mulf %get3A_13, %mul3A : vector<1264x64xf32>
    %swap3A_15 = arith.constant 0 : index
    %swap3A_16 = arith.constant 0 : index
    %swap3A_17 = vector.load %arg5[%swap3A_15, %swap3A_16] : memref<1264x64xf32, #tpu.memory_space<vmem>>, vector<1264x64xf32>
    tpu.vector_store %arg5[%swap3A_15, %swap3A_16], %mul3A_14 {strides = array<i32>} : memref<1264x64xf32, #tpu.memory_space<vmem>>, vector<1264x64xf32>,
    return
  }
  func.func @transform_0(%arg0: i32) -> (i32, i32) {
    %c0_i32 = arith.constant 0 : i32
    %c0_i32_0 = arith.constant 0 : i32
    return %arg0, %c0_i32 : i32, i32
  }
  func.func @transform_1(%arg0: i32) -> (i32, i32) {
    %c0_i32 = arith.constant 0 : i32
    %c0_i32_0 = arith.constant 0 : i32
    return %arg0, %c0_i32 : i32, i32
  }
  func.func @transform_2(%arg0: i32) -> (i32, i32) {
    %c0_i32 = arith.constant 0 : i32
    %c0_i32_0 = arith.constant 0 : i32
    return %arg0, %c0_i32 : i32, i32
  }
  func.func @transform_3(%arg0: i32) -> (i32, i32) {
    %c0_i32 = arith.constant 0 : i32
    %c0_i32_0 = arith.constant 0 : i32
    return %arg0, %c0_i32 : i32, i32
  }
  func.func @transform_4(%arg0: i32) -> (i32, i32) {
    %c0_i32 = arith.constant 0 : i32
    %c0_i32_0 = arith.constant 0 : i32
    return %arg0, %c0_i32 : i32, i32
  }
}

module attributes {stable_mosaic.version = 14 : i64} {
  func.func @kern(%arg0: i32, %arg1: memref<2x1264x64xf32, #tpu.memory_space<vmem>>, %arg2: memref<1264x64xf32, #tpu.memory_space<vmem>>, %arg3: memref<1264x1xf32, #tpu.memory_space<vmem>>, %arg4: memref<1264x32xf32, #tpu.memory_space<vmem>>, %arg5: memref<1264x32xf32, #tpu.memory_space<vmem>>) attributes {dimension_semantics = [#tpu.dimension_semantics<arbitrary>], iteration_bounds = array<i64: 8>, scalar_prefetch = 0 : i64, scratch_operands = 0 : i64, tpu.core_type = #tpu.core_type<tc>, window_params = [{transform_indices = @transform_0, window_bounds = array<i64: 2, 1264, 64>}, {transform_indices = @transform_1, window_bounds = array<i64: 1264, 64>}, {transform_indices = @transform_2, window_bounds = array<i64: 1264, 1>}, {transform_indices = @transform_3, window_bounds = array<i64: 1264, 32>}, {transform_indices = @transform_4, window_bounds = array<i64: 1264, 32>}]} {
    %get3A = arith.constant 0 : index
    %get3A_0 = arith.constant 0 : index
    %get3A_1 = vector.load %arg3[%get3A, %get3A_0] : memref<1264x1xf32, #tpu.memory_space<vmem>>, vector<1264x1xf32>
    %get3A_2 = arith.constant 0 : index
    %get3A_3 = arith.constant 0 : index
    %get3A_4 = arith.constant 0 : index
    %get3A_5 = vector.load %arg1[%get3A_2, %get3A_3, %get3A_4] : memref<2x1264x64xf32, #tpu.memory_space<vmem>>, vector<1x1264x64xf32>
    %get3A_6 = vector.shape_cast %get3A_5 : vector<1x1264x64xf32> to vector<1264x64xf32>
    %get3A_7 = arith.constant 1 : index
    %get3A_8 = arith.constant 0 : index
    %get3A_9 = arith.constant 0 : index
    %get3A_10 = vector.load %arg1[%get3A_7, %get3A_8, %get3A_9] : memref<2x1264x64xf32, #tpu.memory_space<vmem>>, vector<1x1264x64xf32>
    %get3A_11 = vector.shape_cast %get3A_10 : vector<1x1264x64xf32> to vector<1264x64xf32>
    %add3A = arith.addf %get3A_6, %get3A_11 : vector<1264x64xf32>
    %get3A_12 = arith.constant 0 : index
    %get3A_13 = arith.constant 0 : index
    %get3A_14 = vector.load %arg2[%get3A_12, %get3A_13] : memref<1264x64xf32, #tpu.memory_space<vmem>>, vector<1264x64xf32>
    %add3A_15 = arith.addf %add3A, %get3A_14 : vector<1264x64xf32>
    %mul3A = vector.broadcast %get3A_1 : vector<1264x1xf32> to vector<1264x64xf32>
    %mul3A_16 = arith.mulf %add3A_15, %mul3A : vector<1264x64xf32>
    %slice3A = vector.extract_strided_slice %mul3A_16 {offsets = [0, 0], sizes = [1264, 32], strides = [1, 1]} : vector<1264x64xf32> to vector<1264x32xf32>
    %swap3A = arith.constant 0 : index
    %swap3A_17 = arith.constant 0 : index
    %swap3A_18 = vector.load %arg4[%swap3A, %swap3A_17] : memref<1264x32xf32, #tpu.memory_space<vmem>>, vector<1264x32xf32>
    tpu.vector_store %arg4[%swap3A, %swap3A_17], %slice3A {strides = array<i32>} : memref<1264x32xf32, #tpu.memory_space<vmem>>, vector<1264x32xf32>,
    %slice3A_19 = vector.extract_strided_slice %mul3A_16 {offsets = [0, 32], sizes = [1264, 32], strides = [1, 1]} : vector<1264x64xf32> to vector<1264x32xf32>
    %mul3A_20 = vector.broadcast %get3A_1 : vector<1264x1xf32> to vector<1264x32xf32>
    %mul3A_21 = arith.mulf %slice3A_19, %mul3A_20 : vector<1264x32xf32>
    %swap3A_22 = arith.constant 0 : index
    %swap3A_23 = arith.constant 0 : index
    %swap3A_24 = vector.load %arg5[%swap3A_22, %swap3A_23] : memref<1264x32xf32, #tpu.memory_space<vmem>>, vector<1264x32xf32>
    tpu.vector_store %arg5[%swap3A_22, %swap3A_23], %mul3A_21 {strides = array<i32>} : memref<1264x32xf32, #tpu.memory_space<vmem>>, vector<1264x32xf32>,
    return
  }
  func.func @transform_0(%arg0: i32) -> (i32, i32, i32) {
    %c0_i32 = arith.constant 0 : i32
    %c0_i32_0 = arith.constant 0 : i32
    %c0_i32_1 = arith.constant 0 : i32
    return %c0_i32, %arg0, %c0_i32_0 : i32, i32, i32
  }
  func.func @transform_1(%arg0: i32) -> (i32, i32) {
    %c0_i32 = arith.constant 0 : i32
    %c0_i32_0 = arith.constant 0 : i32
    return %arg0, %c0_i32 : i32, i32
  }
  func.func @transform_2(%arg0: i32) -> (i32, i32) {
    %c0_i32 = arith.constant 0 : i32
    %c0_i32_0 = arith.constant 0 : i32
    return %arg0, %c0_i32 : i32, i32
  }
  func.func @transform_3(%arg0: i32) -> (i32, i32) {
    %c0_i32 = arith.constant 0 : i32
    %c0_i32_0 = arith.constant 0 : i32
    return %arg0, %c0_i32 : i32, i32
  }
  func.func @transform_4(%arg0: i32) -> (i32, i32) {
    %c0_i32 = arith.constant 0 : i32
    %c0_i32_0 = arith.constant 0 : i32
    return %arg0, %c0_i32 : i32, i32
  }
}

module attributes {stable_mosaic.version = 14 : i64} {
  func.func @kern(%arg0: i32, %arg1: memref<2x1264x32xf32, #tpu.memory_space<vmem>>, %arg2: memref<1264x32xf32, #tpu.memory_space<vmem>>, %arg3: memref<1264x32xf32, #tpu.memory_space<vmem>>, %arg4: memref<1264x32xf32, #tpu.memory_space<vmem>>, %arg5: memref<1x96xf32, #tpu.memory_space<vmem>>, %arg6: memref<1264x1xf32, #tpu.memory_space<vmem>>, %arg7: memref<96x96xf32, #tpu.memory_space<vmem>>, %arg8: memref<1264x32xf32, #tpu.memory_space<vmem>>, %arg9: memref<1264x64xf32, #tpu.memory_space<vmem>>) attributes {dimension_semantics = [#tpu.dimension_semantics<arbitrary>], iteration_bounds = array<i64: 8>, scalar_prefetch = 0 : i64, scratch_operands = 0 : i64, tpu.core_type = #tpu.core_type<tc>, window_params = [{transform_indices = @transform_0, window_bounds = array<i64: 2, 1264, 32>}, {transform_indices = @transform_1, window_bounds = array<i64: 1264, 32>}, {transform_indices = @transform_2, window_bounds = array<i64: 1264, 32>}, {transform_indices = @transform_3, window_bounds = array<i64: 1264, 32>}, {pipeline_mode = #tpu.pipeline_mode<synchronous>, transform_indices = @transform_4, window_bounds = array<i64: 1, 96>}, {transform_indices = @transform_5, window_bounds = array<i64: 1264, 1>}, {pipeline_mode = #tpu.pipeline_mode<synchronous>, transform_indices = @transform_6, window_bounds = array<i64: 96, 96>}, {transform_indices = @transform_7, window_bounds = array<i64: 1264, 32>}, {transform_indices = @transform_8, window_bounds = array<i64: 1264, 64>}]} {
    %get3A = arith.constant 0 : index
    %get3A_0 = arith.constant 0 : index
    %get3A_1 = vector.load %arg6[%get3A, %get3A_0] : memref<1264x1xf32, #tpu.memory_space<vmem>>, vector<1264x1xf32>
    %get3A_2 = arith.constant 0 : index
    %get3A_3 = arith.constant 0 : index
    %get3A_4 = arith.constant 0 : index
    %get3A_5 = vector.load %arg1[%get3A_2, %get3A_3, %get3A_4] : memref<2x1264x32xf32, #tpu.memory_space<vmem>>, vector<1x1264x32xf32>
    %get3A_6 = vector.shape_cast %get3A_5 : vector<1x1264x32xf32> to vector<1264x32xf32>
    %get3A_7 = arith.constant 1 : index
    %get3A_8 = arith.constant 0 : index
    %get3A_9 = arith.constant 0 : index
    %get3A_10 = vector.load %arg1[%get3A_7, %get3A_8, %get3A_9] : memref<2x1264x32xf32, #tpu.memory_space<vmem>>, vector<1x1264x32xf32>
    %get3A_11 = vector.shape_cast %get3A_10 : vector<1x1264x32xf32> to vector<1264x32xf32>
    %add3A = arith.addf %get3A_6, %get3A_11 : vector<1264x32xf32>
    %get3A_12 = arith.constant 0 : index
    %get3A_13 = arith.constant 0 : index
    %get3A_14 = vector.load %arg2[%get3A_12, %get3A_13] : memref<1264x32xf32, #tpu.memory_space<vmem>>, vector<1264x32xf32>
    %add3A_15 = arith.addf %add3A, %get3A_14 : vector<1264x32xf32>
    %mul3A = vector.broadcast %get3A_1 : vector<1264x1xf32> to vector<1264x32xf32>
    %mul3A_16 = arith.mulf %add3A_15, %mul3A : vector<1264x32xf32>
    %get3A_17 = arith.constant 0 : index
    %get3A_18 = arith.constant 0 : index
    %get3A_19 = vector.load %arg3[%get3A_17, %get3A_18] : memref<1264x32xf32, #tpu.memory_space<vmem>>, vector<1264x32xf32>
    %get3A_20 = arith.constant 0 : index
    %get3A_21 = arith.constant 0 : index
    %get3A_22 = vector.load %arg4[%get3A_20, %get3A_21] : memref<1264x32xf32, #tpu.memory_space<vmem>>, vector<1264x32xf32>
    %concatenate3A = tpu.concatenate %get3A_19, %get3A_22, %mul3A_16 in 1 : vector<1264x32xf32>, vector<1264x32xf32>, vector<1264x32xf32> -> vector<1264x96xf32>
    %get3A_23 = arith.constant 0 : index
    %get3A_24 = arith.constant 0 : index
    %get3A_25 = vector.load %arg5[%get3A_23, %get3A_24] : memref<1x96xf32, #tpu.memory_space<vmem>>, vector<1x96xf32>
    %add3A_26 = vector.broadcast %get3A_25 : vector<1x96xf32> to vector<1264x96xf32>
    %add3A_27 = arith.addf %concatenate3A, %add3A_26 : vector<1264x96xf32>
    %tanh3A = math.tanh %add3A_27 : vector<1264x96xf32>
    %get3A_28 = arith.constant 0 : index
    %get3A_29 = arith.constant 0 : index
    %get3A_30 = vector.load %arg7[%get3A_28, %get3A_29] : memref<96x96xf32, #tpu.memory_space<vmem>>, vector<96x96xf32>
    %dot_general3A = arith.constant dense<0.000000e+00> : vector<1264x96xf32>
    %dot_general3A_31 = tpu.matmul %tanh3A, %get3A_30, %dot_general3A {dimension_numbers = #tpu.dot_dimension_numbers<[1], [0], [0], [1], [0, 0, 1, 1], [], []>, transpose_lhs_hint = false} : vector<1264x96xf32>, vector<96x96xf32>, vector<1264x96xf32> -> vector<1264x96xf32>
    %slice3A = vector.extract_strided_slice %dot_general3A_31 {offsets = [0, 0], sizes = [1264, 32], strides = [1, 1]} : vector<1264x96xf32> to vector<1264x32xf32>
    %swap3A = arith.constant 0 : index
    %swap3A_32 = arith.constant 0 : index
    %swap3A_33 = vector.load %arg8[%swap3A, %swap3A_32] : memref<1264x32xf32, #tpu.memory_space<vmem>>, vector<1264x32xf32>
    tpu.vector_store %arg8[%swap3A, %swap3A_32], %slice3A {strides = array<i32>} : memref<1264x32xf32, #tpu.memory_space<vmem>>, vector<1264x32xf32>,
    %slice3A_34 = vector.extract_strided_slice %dot_general3A_31 {offsets = [0, 32], sizes = [1264, 64], strides = [1, 1]} : vector<1264x96xf32> to vector<1264x64xf32>
    %mul3A_35 = vector.broadcast %get3A_1 : vector<1264x1xf32> to vector<1264x64xf32>
    %mul3A_36 = arith.mulf %slice3A_34, %mul3A_35 : vector<1264x64xf32>
    %swap3A_37 = arith.constant 0 : index
    %swap3A_38 = arith.constant 0 : index
    %swap3A_39 = vector.load %arg9[%swap3A_37, %swap3A_38] : memref<1264x64xf32, #tpu.memory_space<vmem>>, vector<1264x64xf32>
    tpu.vector_store %arg9[%swap3A_37, %swap3A_38], %mul3A_36 {strides = array<i32>} : memref<1264x64xf32, #tpu.memory_space<vmem>>, vector<1264x64xf32>,
    return
  }
  func.func @transform_0(%arg0: i32) -> (i32, i32, i32) {
    %c0_i32 = arith.constant 0 : i32
    %c0_i32_0 = arith.constant 0 : i32
    %c0_i32_1 = arith.constant 0 : i32
    return %c0_i32, %arg0, %c0_i32_0 : i32, i32, i32
  }
  func.func @transform_1(%arg0: i32) -> (i32, i32) {
    %c0_i32 = arith.constant 0 : i32
    %c0_i32_0 = arith.constant 0 : i32
    return %arg0, %c0_i32 : i32, i32
  }
  func.func @transform_2(%arg0: i32) -> (i32, i32) {
    %c0_i32 = arith.constant 0 : i32
    %c0_i32_0 = arith.constant 0 : i32
    return %arg0, %c0_i32 : i32, i32
  }
  func.func @transform_3(%arg0: i32) -> (i32, i32) {
    %c0_i32 = arith.constant 0 : i32
    %c0_i32_0 = arith.constant 0 : i32
    return %arg0, %c0_i32 : i32, i32
  }
  func.func @transform_4(%arg0: i32) -> (i32, i32) {
    %c0_i32 = arith.constant 0 : i32
    %c0_i32_0 = arith.constant 0 : i32
    %c0_i32_1 = arith.constant 0 : i32
    return %c0_i32, %c0_i32_0 : i32, i32
  }
  func.func @transform_5(%arg0: i32) -> (i32, i32) {
    %c0_i32 = arith.constant 0 : i32
    %c0_i32_0 = arith.constant 0 : i32
    return %arg0, %c0_i32 : i32, i32
  }
  func.func @transform_6(%arg0: i32) -> (i32, i32) {
    %c0_i32 = arith.constant 0 : i32
    %c0_i32_0 = arith.constant 0 : i32
    %c0_i32_1 = arith.constant 0 : i32
    return %c0_i32, %c0_i32_0 : i32, i32
  }
  func.func @transform_7(%arg0: i32) -> (i32, i32) {
    %c0_i32 = arith.constant 0 : i32
    %c0_i32_0 = arith.constant 0 : i32
    return %arg0, %c0_i32 : i32, i32
  }
  func.func @transform_8(%arg0: i32) -> (i32, i32) {
    %c0_i32 = arith.constant 0 : i32
    %c0_i32_0 = arith.constant 0 : i32
    return %arg0, %c0_i32 : i32, i32
  }
}

module attributes {stable_mosaic.version = 14 : i64} {
  func.func @kern(%arg0: i32, %arg1: memref<2x1264x32xf32, #tpu.memory_space<vmem>>, %arg2: memref<1264x32xf32, #tpu.memory_space<vmem>>, %arg3: memref<1264x32xf32, #tpu.memory_space<vmem>>, %arg4: memref<1264x32xf32, #tpu.memory_space<vmem>>, %arg5: memref<1x96xf32, #tpu.memory_space<vmem>>, %arg6: memref<1264x1xf32, #tpu.memory_space<vmem>>, %arg7: memref<1264x96xf32, #tpu.memory_space<vmem>>) attributes {dimension_semantics = [#tpu.dimension_semantics<arbitrary>], iteration_bounds = array<i64: 8>, scalar_prefetch = 0 : i64, scratch_operands = 0 : i64, tpu.core_type = #tpu.core_type<tc>, window_params = [{transform_indices = @transform_0, window_bounds = array<i64: 2, 1264, 32>}, {transform_indices = @transform_1, window_bounds = array<i64: 1264, 32>}, {transform_indices = @transform_2, window_bounds = array<i64: 1264, 32>}, {transform_indices = @transform_3, window_bounds = array<i64: 1264, 32>}, {pipeline_mode = #tpu.pipeline_mode<synchronous>, transform_indices = @transform_4, window_bounds = array<i64: 1, 96>}, {transform_indices = @transform_5, window_bounds = array<i64: 1264, 1>}, {transform_indices = @transform_6, window_bounds = array<i64: 1264, 96>}]} {
    %get3A = arith.constant 0 : index
    %get3A_0 = arith.constant 0 : index
    %get3A_1 = arith.constant 0 : index
    %get3A_2 = vector.load %arg1[%get3A, %get3A_0, %get3A_1] : memref<2x1264x32xf32, #tpu.memory_space<vmem>>, vector<1x1264x32xf32>
    %get3A_3 = vector.shape_cast %get3A_2 : vector<1x1264x32xf32> to vector<1264x32xf32>
    %get3A_4 = arith.constant 1 : index
    %get3A_5 = arith.constant 0 : index
    %get3A_6 = arith.constant 0 : index
    %get3A_7 = vector.load %arg1[%get3A_4, %get3A_5, %get3A_6] : memref<2x1264x32xf32, #tpu.memory_space<vmem>>, vector<1x1264x32xf32>
    %get3A_8 = vector.shape_cast %get3A_7 : vector<1x1264x32xf32> to vector<1264x32xf32>
    %add3A = arith.addf %get3A_3, %get3A_8 : vector<1264x32xf32>
    %get3A_9 = arith.constant 0 : index
    %get3A_10 = arith.constant 0 : index
    %get3A_11 = vector.load %arg2[%get3A_9, %get3A_10] : memref<1264x32xf32, #tpu.memory_space<vmem>>, vector<1264x32xf32>
    %add3A_12 = arith.addf %add3A, %get3A_11 : vector<1264x32xf32>
    %get3A_13 = arith.constant 0 : index
    %get3A_14 = arith.constant 0 : index
    %get3A_15 = vector.load %arg6[%get3A_13, %get3A_14] : memref<1264x1xf32, #tpu.memory_space<vmem>>, vector<1264x1xf32>
    %mul3A = vector.broadcast %get3A_15 : vector<1264x1xf32> to vector<1264x32xf32>
    %mul3A_16 = arith.mulf %add3A_12, %mul3A : vector<1264x32xf32>
    %get3A_17 = arith.constant 0 : index
    %get3A_18 = arith.constant 0 : index
    %get3A_19 = vector.load %arg3[%get3A_17, %get3A_18] : memref<1264x32xf32, #tpu.memory_space<vmem>>, vector<1264x32xf32>
    %get3A_20 = arith.constant 0 : index
    %get3A_21 = arith.constant 0 : index
    %get3A_22 = vector.load %arg4[%get3A_20, %get3A_21] : memref<1264x32xf32, #tpu.memory_space<vmem>>, vector<1264x32xf32>
    %concatenate3A = tpu.concatenate %get3A_19, %get3A_22, %mul3A_16 in 1 : vector<1264x32xf32>, vector<1264x32xf32>, vector<1264x32xf32> -> vector<1264x96xf32>
    %get3A_23 = arith.constant 0 : index
    %get3A_24 = arith.constant 0 : index
    %get3A_25 = vector.load %arg5[%get3A_23, %get3A_24] : memref<1x96xf32, #tpu.memory_space<vmem>>, vector<1x96xf32>
    %add3A_26 = vector.broadcast %get3A_25 : vector<1x96xf32> to vector<1264x96xf32>
    %add3A_27 = arith.addf %concatenate3A, %add3A_26 : vector<1264x96xf32>
    %tanh3A = math.tanh %add3A_27 : vector<1264x96xf32>
    %swap3A = arith.constant 0 : index
    %swap3A_28 = arith.constant 0 : index
    %swap3A_29 = vector.load %arg7[%swap3A, %swap3A_28] : memref<1264x96xf32, #tpu.memory_space<vmem>>, vector<1264x96xf32>
    tpu.vector_store %arg7[%swap3A, %swap3A_28], %tanh3A {strides = array<i32>} : memref<1264x96xf32, #tpu.memory_space<vmem>>, vector<1264x96xf32>,
    return
  }
  func.func @transform_0(%arg0: i32) -> (i32, i32, i32) {
    %c0_i32 = arith.constant 0 : i32
    %c0_i32_0 = arith.constant 0 : i32
    %c0_i32_1 = arith.constant 0 : i32
    return %c0_i32, %arg0, %c0_i32_0 : i32, i32, i32
  }
  func.func @transform_1(%arg0: i32) -> (i32, i32) {
    %c0_i32 = arith.constant 0 : i32
    %c0_i32_0 = arith.constant 0 : i32
    return %arg0, %c0_i32 : i32, i32
  }
  func.func @transform_2(%arg0: i32) -> (i32, i32) {
    %c0_i32 = arith.constant 0 : i32
    %c0_i32_0 = arith.constant 0 : i32
    return %arg0, %c0_i32 : i32, i32
  }
  func.func @transform_3(%arg0: i32) -> (i32, i32) {
    %c0_i32 = arith.constant 0 : i32
    %c0_i32_0 = arith.constant 0 : i32
    return %arg0, %c0_i32 : i32, i32
  }
  func.func @transform_4(%arg0: i32) -> (i32, i32) {
    %c0_i32 = arith.constant 0 : i32
    %c0_i32_0 = arith.constant 0 : i32
    %c0_i32_1 = arith.constant 0 : i32
    return %c0_i32, %c0_i32_0 : i32, i32
  }
  func.func @transform_5(%arg0: i32) -> (i32, i32) {
    %c0_i32 = arith.constant 0 : i32
    %c0_i32_0 = arith.constant 0 : i32
    return %arg0, %c0_i32 : i32, i32
  }
  func.func @transform_6(%arg0: i32) -> (i32, i32) {
    %c0_i32 = arith.constant 0 : i32
    %c0_i32_0 = arith.constant 0 : i32
    return %arg0, %c0_i32 : i32, i32
  }
}

</mosaic_0001>

<sc_bundles>
// kernel: kernel.17.cloned.1.call-start
scs
__scs_entry_jumppad:
0x0: {  	(pc) =	sbr.rel $0x88, $3  }
0x1: {  	(tag) =	ssettag $0x0;
	lr =	simm.s32 $0x1  }
0x2: {  	[smem:$0x3F8D] =	sst lr;
	_ =	strace $0xD0000000  }
0x3: {  	_ = 	snop  }
0x4: {  	_ = 	snop  }
0x5: {  	_ = 	snop  }
0x6: {  	_ = 	snop  }
0x7: {  	_ = 	snop  }
__scs_overlays_trampoline_lowered:
0x8: {  	[smem:$0x3F9C] =	sst s0  }
0x9: {  	[smem:$0x3F9D] =	sst s1  }
0xa: {  	[smem:$0x3F9E] =	sst s2  }
0xb: {  	[smem:$0x3F9F] =	sst s3  }
0xc: {  	[smem:$0x3FA0] =	sst s4  }
0xd: {  	[smem:$0x3FA1] =	sst s5  }
0xe: {  	[smem:$0x3FA2] =	sst s6  }
0xf: {  	[smem:$0x3FA3] =	sst s7  }
0x10: {  	[smem:$0x3FA4] =	sst s8  }
0x11: {  	[smem:$0x3FA5] =	sst s9;
	s0 =	simm.s32 @!p0 $0x0  }
0x12: {  	s1 =	sld [smem:$0x3F8B];
	s0 =	simm.s32 @p0 $0x1  }
0x13: {  	[smem:$0x3FA6] =	sst s0;
	s0 =	simm.s32 @!p1 $0x0  }
0x14: {  	s2 =	sld [smem:$0x3F8A];
	s0 =	simm.s32 @p1 $0x1  }
0x15: {  	[smem:$0x3FA7] =	sst s0;
	s0 =	simm.s32 @!p2 $0x0  }
0x16: {  	s3 =	sld [smem:$0x3FDB];
	s0 =	simm.s32 @p2 $0x1  }
0x17: {  	s4 =	simm.s32 $0x1BF5;
	[smem:$0x3FA9] =	sst s0  }
0x18: {  	s0 =	sld [smem:$0x3F8C];
	_ =	swait.ge [sflag:s4], $0x0  }
0x19: {  	s7 =	sld [smem:$0x3F8D]  }
0x1a: {  	s8 =	sadd.s32 $0xFFFFE003, lr  }
0x1b: {  	s9 =	sadd.s32 $0xFFFFFEF7, lr;
	s5 =	simm.s32 $0xFFFFFFFF;
	p2 =	slt.u32 s8, $0xFFFFF086  }
0x1c: {  	p1 =	slt.u32 s9, $0xF7A;
	s5 =	simm.s32 @!p2 $0x0  }
0x1d: {  	s5 =	simm.s32 @p1 $0x1;
	p0 =	seq.s32 s7, s2  }
0x1e: {  	s7 =	smul.u32 @!p0 $0xF7A, s2;
	p2 =	seq.s32 @!p0 s5, $0x0  }
0x1f: {  	s9 =	smul.u32 $0xF7A, s1;
	s8 =	simm.s32 @!p0 $0x1BF5;
	p2 =	por !p2, p0  }
0x20: {  	[sflag:s8] =	ssyncset.s32 @!p0 $0xFFFFF086;
	s6 =	sadd.s32 @!p0 s3, s7;
	s7 =	simm.s32 @!p0 $0x108  }
0x21: {  	s3 =	sadd.s32 s3, s9;
	s6 =	sadd.s32 @!p0 $0x88, s6;
	s7 =	simm.s32 @p2 $0x1082  }
0x22: {  	[simem:s7], [sflag:s8] =	dma.local @!p0 [hbm:s6], $0xF7A  }
0x23: {  	s9 =	sor.u32 $0xD0000000, s2;
	s6 =	simm.s32 $0x108;
	_ =	swait.ge @!p0 [sflag:s8], $0x0  }
0x24: {  	s3 =	sadd.s32 $0x88, s3;
	s6 =	simm.s32 @!p1 $0x1082;
	[sflag:s4] =	ssyncset.s32 $0xFFFFF086  }
0x25: {  	[simem:s6], [sflag:s4] =	dma.local [hbm:s3], $0xF7A  }
0x26: {  	[smem:$0x3F8D] =	sst s1;
	(tag) =	ssettag s2;
	_ =	strace s9  }
0x27: {  	s1 =	sld [smem:$0x3F9D]  }
0x28: {  	s2 =	sld [smem:$0x3F9E]  }
0x29: {  	s4 =	sld [smem:$0x3FA0]  }
0x2a: {  	p0 =	seq.s32 s5, $0x0;
	s5 =	sld [smem:$0x3FA1]  }
0x2b: {  	s6 =	sld [smem:$0x3FA2]  }
0x2c: {  	s7 =	sld [smem:$0x3FA3]  }
0x2d: {  	s3 =	simm.s32 $0x108;
	s8 =	sld [smem:$0x3FA4]  }
0x2e: {  	s3 =	simm.s32 @!p0 $0x1082;
	s9 =	sld [smem:$0x3FA5]  }
0x2f: {  	lr =	sadd.s32 s0, s3;
	s0 =	sld [smem:$0x3F9C]  }
0x30: {  	s3 =	sld [smem:$0x3F9F]  }
0x31: {  	[smem:$0x3FA8] =	sst s10  }
0x32: {  	s10 =	sld [smem:$0x3FA6];
	_ =	sdelay $0x3  }
0x33: {  	p0 =	seq.s32 s10, $0x1;
	s10 =	sld [smem:$0x3FA8];
	_ =	sdelay $0x3  }
0x34: {  	[smem:$0x3FA8] =	sst s10  }
0x35: {  	s10 =	sld [smem:$0x3FA7];
	_ =	sdelay $0x3  }
0x36: {  	p1 =	seq.s32 s10, $0x1;
	s10 =	sld [smem:$0x3FA8];
	_ =	sdelay $0x3  }
0x37: {  	[smem:$0x3FA8] =	sst s10  }
0x38: {  	s10 =	sld [smem:$0x3FA9]  }
0x39: {  	_ = 	snop;
	(pc) =	sbr.ind lr, $3  }
0x3a: {  	_ = 	snop  }
0x3b: {  	_ = 	snop  }
0x3c: {  	p2 =	seq.s32 s10, $0x1;
	s10 =	sld [smem:$0x3FA8]  }
0x3d: {  	_ =	shalt  }
0x3e: {  	_ =	shalt  }
0x3f: {  	_ =	shalt  }
0x40: {  	_ =	shalt  }
0x41: {  	_ =	shalt  }
0x42: {  	_ =	shalt  }
0x43: {  	_ =	shalt  }
0x44: {  	_ =	shalt  }
0x45: {  	_ =	shalt  }
0x46: {  	_ =	shalt  }
0x47: {  	_ =	shalt  }
0x48: {  	_ =	shalt  }
0x49: {  	_ =	shalt  }
0x4a: {  	_ =	shalt  }
0x4b: {  	_ =	shalt  }
0x4c: {  	_ =	shalt  }
0x4d: {  	_ =	shalt  }
0x4e: {  	_ =	shalt  }
0x4f: {  	_ =	shalt  }
0x50: {  	_ =	shalt  }
0x51: {  	_ =	shalt  }
0x52: {  	_ =	shalt  }
0x53: {  	_ =	shalt  }
0x54: {  	_ =	shalt  }
0x55: {  	_ =	shalt  }
0x56: {  	_ =	shalt  }
0x57: {  	_ =	shalt  }
0x58: {  	_ =	shalt  }
0x59: {  	_ =	shalt  }
0x5a: {  	_ =	shalt  }
0x5b: {  	_ =	shalt  }
0x5c: {  	_ =	shalt  }
0x5d: {  	_ =	shalt  }
0x5e: {  	_ =	shalt  }
0x5f: {  	_ =	shalt  }
0x60: {  	_ =	shalt  }
0x61: {  	_ =	shalt  }
0x62: {  	_ =	shalt  }
0x63: {  	_ =	shalt  }
0x64: {  	_ =	shalt  }
0x65: {  	_ =	shalt  }
0x66: {  	_ =	shalt  }
0x67: {  	_ =	shalt  }
0x68: {  	_ =	shalt  }
0x69: {  	_ =	shalt  }
0x6a: {  	_ =	shalt  }
0x6b: {  	_ =	shalt  }
0x6c: {  	_ =	shalt  }
0x6d: {  	_ =	shalt  }
0x6e: {  	_ =	shalt  }
0x6f: {  	_ =	shalt  }
0x70: {  	_ =	shalt  }
0x71: {  	_ =	shalt  }
0x72: {  	_ =	shalt  }
0x73: {  	_ =	shalt  }
0x74: {  	_ =	shalt  }
0x75: {  	_ =	shalt  }
0x76: {  	_ =	shalt  }
0x77: {  	_ =	shalt  }
0x78: {  	_ =	shalt  }
0x79: {  	_ =	shalt  }
0x7a: {  	_ =	shalt  }
0x7b: {  	_ =	shalt  }
0x7c: {  	_ =	shalt  }
0x7d: {  	_ =	shalt  }
0x7e: {  	_ =	shalt  }
0x7f: {  	_ =	shalt  }
0x80: {  	_ =	shalt  }
0x81: {  	_ =	shalt  }
0x82: {  	_ =	shalt  }
0x83: {  	_ =	shalt  }
0x84: {  	_ =	shalt  }
0x85: {  	_ =	shalt  }
0x86: {  	_ =	shalt  }
0x87: {  	_ =	shalt  }
.Lfunc_end0:
.L_simem_size_0:
called_computation_lowered:
.L_overlay_start_0:
0x88: {  	s2 =	sld [smem:$0x3FD9]  }
0x89: {  	s3 =	sld [smem:$0x3FFE];
	_ =	sdelay $0x1  }
0x8a: {  	s1 =	srdreg.scid  }
0x8b: {  	s0 =	sand.u32 $0x1, s1  }
0x8c: {  	s17 =	sshll.u32 s0, $0xA;
	s2 =	sadd.s32 s3, s2  }
0x8d: {  	s2 =	sadd.s32 s2, s17  }
0x8e: {  	[smem:$0x3FB4] =	sst s2  }
0x8f: {  	_ = 	snop  }
0x90: {  	s2 =	sld [smem:$0x3FD0];
	(tm) =	ssettm $0x1  }
0x91: {  	s18 =	sld [smem:$0x3FFB];
	_ =	sdelay $0x3  }
0x92: {  	_ =	strace s18  }
0x93: {  	s3 =	sld [smem:$0x3FFC];
	_ =	sdelay $0x3  }
0x94: {  	_ =	strace s3  }
0x95: {  	s3 =	sld [smem:$0x3FFD];
	_ =	sdelay $0x3  }
0x96: {  	_ =	strace s3  }
0x97: {  	_ =	strace $0x8FFFFFFF  }
0x98: {  	s19 =	sld [smem:$0x3FDB];
	_ =	sdelay $0x1  }
0x99: {  	s4 =	simm.s32 $_scs_section_size  }
0x9a: {  	s5 =	simm.s32 $_size__tile_overlayer_lowered;
	s6 =	simm.s32 $_tile_overlayer_lowered  }
0x9b: {  	s22 =	simm.s32 $0x1BFF;
	s21 =	sshll.u32 s6, $0x1;
	s3 =	sadd.s32 s4, s19  }
0x9c: {  	s7 =	simm.s32 $0x0;
	s20 =	sshll.u32 s5, $0x1;
	s5 =	sadd.s32 s21, s3  }
0x9d: {  	[timem:s7], [sflag:s22] =	dma.local [hbm:s5], s20  }
0x9e: {  	_ =	swait.ge [sflag:s22], s20  }
0x9f: {  	s4 =	ssub.s32 $0x0, s20;
	[sflag:s22] =	ssyncset.done $0x0  }
0xa0: {  	[sflag:s22] =	ssyncadd.s32 s4;
	_ =	sdelay $0x1  }
0xa1: {  	s23 =	simm.s32 $0x1B8B  }
0xa2: {  	_ =	swait.ge [sflag:s23], $0x1  }
0xa3: {  	[sflag:s23] =	ssyncset.done $0x0  }
0xa4: {  	s25 =	simm.s32 $0x1B8E;
	s24 =	sld [smem:$0x3FFE];
	[sflag:s23] =	ssyncadd.s32 $0xFFFFFFFF  }
0xa5: {  	s26 =	simm.s32 $execute0_lowered;
	[smem:$0x3FD2] =	sst s25  }
0xa6: {  	s5 =	sshll.u32 s26, $0x1;
	_ =	strace $0x80000046;
	[dreg:$0x1] =	wrdreg $0xFFFFFFFF  }
0xa7: {  	s28 =	simm.s32 $_size_execute0_lowered;
	s3 =	sadd.s32 s3, s5;
	[dreg:$0x0] =	wrdreg $0x0  }
0xa8: {  	s5 =	sshll.u32 s28, $0x1;
	[dreg:$0x2] =	wrdreg s3  }
0xa9: {  	[dreg:$0x3] =	wrdreg s5  }
0xaa: {  	[dreg:$0x4] =	wrdreg $0xC0  }
0xab: {  	_ =	task [dreg:s7], $0x5FFFF  }
0xac: {  	[dreg:$0x1] =	wrdreg $0xFFFFFFFF  }
0xad: {  	[dreg:$0x0] =	wrdreg $0x60  }
0xae: {  	[dreg:$0x2] =	wrdreg s24  }
0xaf: {  	[dreg:$0x3] =	wrdreg s2  }
0xb0: {  	[dreg:$0x4] =	wrdreg $0x58800  }
0xb1: {  	[dreg:$0x5] =	wrdreg $0x9  }
0xb2: {  	_ =	task.clear_ibuf [dreg:s7], $0x6FFFF;
	_ =	strace $0x90000046  }
0xb3: {  	s29 =	simm.s32 $0x9;
	_ =	strace $0x80000048  }
0xb4: {  	_ =	swait.ge [sflag:s29], $0x1  }
0xb5: {  	[sflag:s29] =	ssyncadd.s32 $0xFFFFFFFF  }
0xb6: {  	_ =	strace $0x90000048  }
0xb7: {  	_ =	sfence  }
0xb8: {  	s30 =	sld [smem:$0x0];
	_ =	sdelay $0x2  }
0xb9: {  	s31 =	sshll.u32 s1, $0xD;
	s1 =	sshrl.u32 s1, $0x2  }
0xba: {  	s3 =	sand.u32 $0x4000, s31;
	s1 =	sadd.s32 s1, s30  }
0xbb: {  	s0 =	sor.u32 s3, s0;
	s1 =	sshll.u32 s1, $0x11  }
0xbc: {  	s0 =	sor.u32 s1, s0  }
0xbd: {  	s0 =	sadd.s32 $0x8F2B, s0  }
0xbe: {  	[sflag:s0] =	ssyncadd.remote.s32 $0x1  }
0xbf: {  	_ =	sfence.sel $0xFFFF  }
0xc0: {  	[dreg:$0x0] =	wrdreg $0xFFFFFFFF;
	(pc) =	sbr.abs _section_cstart, $3  }
0xc1: {  	[dreg:$0x1] =	wrdreg $0xFFFFFFFF  }
0xc2: {  	_ =	task.clear_ibuf [dreg:s7], $0x2FFFF;
	_ =	strace $0x9FFFFFFF  }
0xc3: {  	(tm) =	ssettm $0x7FFFFFFF  }
tec
execute0_lowered:
.L_overlay_start_1:
0x0: {  	(tag) =	ssettag $0x1  }
0x1: {  	s5 =	rddreg [dreg:$0x0]  }
0x2: {  	s1 =	srdreg.scid;
	s8 =	rddreg [dreg:$0x1]  }
0x3: {  	s0 =	stileid.u32;
	s2 =	rddreg [dreg:$0x2]  }
0x4: {  	s3 =	simm.s32 $0x0;
	s12 =	simm.s32 $0x3100;
	s13 =	simm.s32 $0x80  }
0x5: {  	s14 =	simm.s32 $0x0;
	s6 =	sand.u32 $0x1, s1;
	s31 =	sshll.u32 s0, $0x1  }
0x6: {  	s9 =	smul.u32 $0x2780, s0;
	[smem:$0x7FF] =	sst s3;
	s4 =	sadd.s32 $0x12C00, s5  }
0x7: {  	s1 =	sor.u32 s6, s31;
	s10 =	smul.u32 $0x27800, s6;
	s6 =	ssub.s32 $0x2, s6  }
0x8: {  	s7 =	smul.u32 $0x520, s1;
	s1 =	rddreg [dreg:$0x3];
	s11 =	sshrl.u32 s6, $0x1  }
0x9: {  	_ =	strace $0x80000047;
	s10 =	sadd.s32 s9, s10;
	s11 =	ssub.s32 s6, s11  }
0xa: {  	s7 =	sadd.s32 s7, s5;
	s5 =	sadd.s32 $0x12600, s5;
	s10 =	sshrl.u32 s10, $0x3  }
0xb: {  	s6 =	sadd.s32 $0x8200, s7;
	s7 =	sadd.s32 s9, s2;
	s8 =	sadd.s32 s8, s10  }
0xc: {  	s9 =	smax.u32 s11, $0x1;
	s10 =	simm.s32 $0x1;
	s11 =	simm.s32 $0x2900  }
.LBB2_1:
0xd: {  	[tilespmem:s3], [sflag:$0x1] =	stream.linear.gather [hbm4b:s6+s3], $0x2900, $0x38;
	[tilespmem:$0x8000] =	vst v63  }
0xe: {  	_ =	swait.ge [sflag:s10], $0x2900  }
0xf: {  	[sflag:s10] =	ssyncset.done $0x0  }
0x10: {  	[sflag:s10] =	ssyncadd.s32 $0xFFFFD700  }
0x11: {  	[tilespmem:s11], [sflag:$0x1] =	stream.linear.gather [hbm4b:s4+s3], $0x800, $0x38;
	[tilespmem:$0x8000] =	vst v63  }
0x12: {  	_ =	swait.ge [sflag:s10], $0x800  }
0x13: {  	[sflag:s10] =	ssyncset.done $0x0  }
0x14: {  	[sflag:s10] =	ssyncadd.s32 $0xFFFFF800  }
0x15: {  	[tilespmem:s12], [sflag:$0x1] =	stream.linear.gather [hbm4b:s5+s3], $0x2780, $0x38;
	[tilespmem:$0x8000] =	vst v63  }
0x16: {  	_ =	swait.ge [sflag:s10], $0x2780  }
0x17: {  	[sflag:s10] =	ssyncset.done $0x0  }
0x18: {  	[sflag:s10] =	ssyncadd.s32 $0xFFFFD880  }
0x19: {  	[spmem:s7] =	stream.linear.scatter [tilespmem:s12], [sflag:$0x1], $0x2780, $0x38;
	[tilespmem:$0x8000] =	vst v63  }
0x1a: {  	_ =	swait.ge [sflag:s10], $0x2780  }
0x1b: {  	[sflag:s10] =	ssyncset.done $0x0  }
0x1c: {  	[sflag:s10] =	ssyncadd.s32 $0xFFFFD880  }
0x1d: {  	s15 =	simm.s32 $0x0;
	[bflag:$0x0] =	sbarrier.arrive $0xFFFF  }
0x1e: {  	[spmem:s2] =	stream.indirect.scatter.add.f32 [tilespmem:s11], [sflag:$0x1], $0x10, s15, s13, $0xb8;
	[tilespmem:$0x8000] =	vst v63  }
0x1f: {  	_ =	swait.ge [sflag:s10], $0x800  }
0x20: {  	s15 =	simm.s32 $0x200;
	[sflag:s10] =	ssyncset.done $0x0  }
.LBB2_2:
0x21: {  	s16 =	sshra.s32 s15, $0x2;
	[sflag:s10] =	ssyncadd.s32 $0xFFFFF800;
	p0 =	sne.s32 s15, $0x9E00  }
0x22: {  	[spmem:s2] =	stream.indirect.scatter.add.f32 [tilespmem:s11], [sflag:$0x1], $0x10, s16, s13, $0xb8;
	[tilespmem:$0x8000] =	vst v63  }
.Ltmp0:
0x23: {  	_ = 	snop;
	(pc) =	sbr.rel @p0 .LBB2_2-.Ltmp0, $4  }
0x24: {  	_ = 	snop  }
0x25: {  	s15 =	sadd.s32 $0x200, s15  }
0x26: {  	_ =	swait.ge [sflag:s10], $0x800  }
0x27: {  	[sflag:s10] =	ssyncset.done $0x0  }
0x28: {  	[sflag:s10] =	ssyncadd.s32 $0xFFFFF800  }
0x29: {  	[bflag:$0x0] =	sbarrier.arrive $0xFFFF  }
0x2a: {  	[tilespmem:s12], [sflag:$0x1] =	stream.linear.gather [spmem:s7], $0x2780, $0x38;
	[tilespmem:$0x8000] =	vst v63  }
0x2b: {  	s14 =	sadd.s32 $0x1, s14;
	_ =	swait.ge [sflag:s10], $0x2780  }
0x2c: {  	p0 =	sne.s32 s14, s9;
	[sflag:s10] =	ssyncset.done $0x0  }
.Ltmp1:
0x2d: {  	[sflag:s10] =	ssyncadd.s32 $0xFFFFD880;
	(pc) =	sbr.rel @p0 .LBB2_1-.Ltmp1, $4  }
0x2e: {  	[hbm4b:s8+s3] =	stream.linear.scatter [tilespmem:s12], [sflag:$0x1], $0x2780, $0x38;
	[tilespmem:$0x8000] =	vst v63  }
0x2f: {  	_ =	swait.ge [sflag:s10], $0x2780  }
0x30: {  	[sflag:s10] =	ssyncset.done $0x0  }
0x31: {  	[sflag:s10] =	ssyncadd.s32 $0xFFFFD880  }
0x32: {  	_ =	sfence.sel $0x180000  }
0x33: {  	[bflag:$0x0] =	sbarrier.arrive $0xFFFF  }
0x34: {  	p0 =	sne.s32 s0, $0x0;
	_ =	strace $0x90000047  }
0x35: {  	s0 =	sadd.s32 @!p0 $0x100000, s1;
	[bflag:$0x2] =	sbarrier.arrive $0xFFFF  }
0x36: {  	[sflag:s0] =	ssyncadd.tile.s32 @!p0 $0x1;
	_ =	shalt  }
.Lfunc_end2:
_tile_overlayer_lowered:
.L_overlay_start_2:
0x37: {  	(tag) =	ssettag $0x2  }
0x38: {  	s0 =	rddreg [dreg:$0x0];
	s2 =	stileid.u32  }
0x39: {  	s1 =	rddreg [dreg:$0x1];
	p0 =	sne.s32 s2, $0x0  }
0x3a: {  	s3 =	rddreg [dreg:$0x2];
	[bflag:$0x3] =	sbarrier.arrive $0xFFFF;
	s2 =	simm.s32 @!p0 $0x1C01  }
0x3b: {  	[timem:s3], [sflag:s2] =	dma.local @!p0 [hbm:s0], s1  }
0x3c: {  	s0 =	simm.s32 @!p0 $0x1  }
0x3d: {  	_ =	swait.ge @!p0 [sflag:s0], s1  }
0x3e: {  	s1 =	ssub.s32 @!p0 $0x0, s1;
	[sflag:s0] =	ssyncset.done @!p0 $0x0  }
0x3f: {  	[sflag:s0] =	ssyncadd.s32 @!p0 s1  }
0x40: {  	[bflag:$0x3] =	sbarrier.arrive $0xFFFF  }
0x41: {  	_ =	shalt  }

// kernel: kernel.20.cloned.1.call-start
scs
__scs_entry_jumppad:
0x0: {  	(pc) =	sbr.rel $0x88, $3  }
0x1: {  	(tag) =	ssettag $0x0;
	lr =	simm.s32 $0x1  }
0x2: {  	[smem:$0x3F8D] =	sst lr;
	_ =	strace $0xD0000000  }
0x3: {  	_ = 	snop  }
0x4: {  	_ = 	snop  }
0x5: {  	_ = 	snop  }
0x6: {  	_ = 	snop  }
0x7: {  	_ = 	snop  }
__scs_overlays_trampoline_lowered:
0x8: {  	[smem:$0x3F9C] =	sst s0  }
0x9: {  	[smem:$0x3F9D] =	sst s1  }
0xa: {  	[smem:$0x3F9E] =	sst s2  }
0xb: {  	[smem:$0x3F9F] =	sst s3  }
0xc: {  	[smem:$0x3FA0] =	sst s4  }
0xd: {  	[smem:$0x3FA1] =	sst s5  }
0xe: {  	[smem:$0x3FA2] =	sst s6  }
0xf: {  	[smem:$0x3FA3] =	sst s7  }
0x10: {  	[smem:$0x3FA4] =	sst s8  }
0x11: {  	[smem:$0x3FA5] =	sst s9;
	s0 =	simm.s32 @!p0 $0x0  }
0x12: {  	s1 =	sld [smem:$0x3F8B];
	s0 =	simm.s32 @p0 $0x1  }
0x13: {  	[smem:$0x3FA6] =	sst s0;
	s0 =	simm.s32 @!p1 $0x0  }
0x14: {  	s2 =	sld [smem:$0x3F8A];
	s0 =	simm.s32 @p1 $0x1  }
0x15: {  	[smem:$0x3FA7] =	sst s0;
	s0 =	simm.s32 @!p2 $0x0  }
0x16: {  	s3 =	sld [smem:$0x3FDB];
	s0 =	simm.s32 @p2 $0x1  }
0x17: {  	s4 =	simm.s32 $0x1BF5;
	[smem:$0x3FA9] =	sst s0  }
0x18: {  	s0 =	sld [smem:$0x3F8C];
	_ =	swait.ge [sflag:s4], $0x0  }
0x19: {  	s7 =	sld [smem:$0x3F8D]  }
0x1a: {  	s8 =	sadd.s32 $0xFFFFE003, lr  }
0x1b: {  	s9 =	sadd.s32 $0xFFFFFEF7, lr;
	s5 =	simm.s32 $0xFFFFFFFF;
	p2 =	slt.u32 s8, $0xFFFFF086  }
0x1c: {  	p1 =	slt.u32 s9, $0xF7A;
	s5 =	simm.s32 @!p2 $0x0  }
0x1d: {  	s5 =	simm.s32 @p1 $0x1;
	p0 =	seq.s32 s7, s2  }
0x1e: {  	s7 =	smul.u32 @!p0 $0xF7A, s2;
	p2 =	seq.s32 @!p0 s5, $0x0  }
0x1f: {  	s9 =	smul.u32 $0xF7A, s1;
	s8 =	simm.s32 @!p0 $0x1BF5;
	p2 =	por !p2, p0  }
0x20: {  	[sflag:s8] =	ssyncset.s32 @!p0 $0xFFFFF086;
	s6 =	sadd.s32 @!p0 s3, s7;
	s7 =	simm.s32 @!p0 $0x108  }
0x21: {  	s3 =	sadd.s32 s3, s9;
	s6 =	sadd.s32 @!p0 $0x88, s6;
	s7 =	simm.s32 @p2 $0x1082  }
0x22: {  	[simem:s7], [sflag:s8] =	dma.local @!p0 [hbm:s6], $0xF7A  }
0x23: {  	s9 =	sor.u32 $0xD0000000, s2;
	s6 =	simm.s32 $0x108;
	_ =	swait.ge @!p0 [sflag:s8], $0x0  }
0x24: {  	s3 =	sadd.s32 $0x88, s3;
	s6 =	simm.s32 @!p1 $0x1082;
	[sflag:s4] =	ssyncset.s32 $0xFFFFF086  }
0x25: {  	[simem:s6], [sflag:s4] =	dma.local [hbm:s3], $0xF7A  }
0x26: {  	[smem:$0x3F8D] =	sst s1;
	(tag) =	ssettag s2;
	_ =	strace s9  }
0x27: {  	s1 =	sld [smem:$0x3F9D]  }
0x28: {  	s2 =	sld [smem:$0x3F9E]  }
0x29: {  	s4 =	sld [smem:$0x3FA0]  }
0x2a: {  	p0 =	seq.s32 s5, $0x0;
	s5 =	sld [smem:$0x3FA1]  }
0x2b: {  	s6 =	sld [smem:$0x3FA2]  }
0x2c: {  	s7 =	sld [smem:$0x3FA3]  }
0x2d: {  	s3 =	simm.s32 $0x108;
	s8 =	sld [smem:$0x3FA4]  }
0x2e: {  	s3 =	simm.s32 @!p0 $0x1082;
	s9 =	sld [smem:$0x3FA5]  }
0x2f: {  	lr =	sadd.s32 s0, s3;
	s0 =	sld [smem:$0x3F9C]  }
0x30: {  	s3 =	sld [smem:$0x3F9F]  }
0x31: {  	[smem:$0x3FA8] =	sst s10  }
0x32: {  	s10 =	sld [smem:$0x3FA6];
	_ =	sdelay $0x3  }
0x33: {  	p0 =	seq.s32 s10, $0x1;
	s10 =	sld [smem:$0x3FA8];
	_ =	sdelay $0x3  }
0x34: {  	[smem:$0x3FA8] =	sst s10  }
0x35: {  	s10 =	sld [smem:$0x3FA7];
	_ =	sdelay $0x3  }
0x36: {  	p1 =	seq.s32 s10, $0x1;
	s10 =	sld [smem:$0x3FA8];
	_ =	sdelay $0x3  }
0x37: {  	[smem:$0x3FA8] =	sst s10  }
0x38: {  	s10 =	sld [smem:$0x3FA9]  }
0x39: {  	_ = 	snop;
	(pc) =	sbr.ind lr, $3  }
0x3a: {  	_ = 	snop  }
0x3b: {  	_ = 	snop  }
0x3c: {  	p2 =	seq.s32 s10, $0x1;
	s10 =	sld [smem:$0x3FA8]  }
0x3d: {  	_ =	shalt  }
0x3e: {  	_ =	shalt  }
0x3f: {  	_ =	shalt  }
0x40: {  	_ =	shalt  }
0x41: {  	_ =	shalt  }
0x42: {  	_ =	shalt  }
0x43: {  	_ =	shalt  }
0x44: {  	_ =	shalt  }
0x45: {  	_ =	shalt  }
0x46: {  	_ =	shalt  }
0x47: {  	_ =	shalt  }
0x48: {  	_ =	shalt  }
0x49: {  	_ =	shalt  }
0x4a: {  	_ =	shalt  }
0x4b: {  	_ =	shalt  }
0x4c: {  	_ =	shalt  }
0x4d: {  	_ =	shalt  }
0x4e: {  	_ =	shalt  }
0x4f: {  	_ =	shalt  }
0x50: {  	_ =	shalt  }
0x51: {  	_ =	shalt  }
0x52: {  	_ =	shalt  }
0x53: {  	_ =	shalt  }
0x54: {  	_ =	shalt  }
0x55: {  	_ =	shalt  }
0x56: {  	_ =	shalt  }
0x57: {  	_ =	shalt  }
0x58: {  	_ =	shalt  }
0x59: {  	_ =	shalt  }
0x5a: {  	_ =	shalt  }
0x5b: {  	_ =	shalt  }
0x5c: {  	_ =	shalt  }
0x5d: {  	_ =	shalt  }
0x5e: {  	_ =	shalt  }
0x5f: {  	_ =	shalt  }
0x60: {  	_ =	shalt  }
0x61: {  	_ =	shalt  }
0x62: {  	_ =	shalt  }
0x63: {  	_ =	shalt  }
0x64: {  	_ =	shalt  }
0x65: {  	_ =	shalt  }
0x66: {  	_ =	shalt  }
0x67: {  	_ =	shalt  }
0x68: {  	_ =	shalt  }
0x69: {  	_ =	shalt  }
0x6a: {  	_ =	shalt  }
0x6b: {  	_ =	shalt  }
0x6c: {  	_ =	shalt  }
0x6d: {  	_ =	shalt  }
0x6e: {  	_ =	shalt  }
0x6f: {  	_ =	shalt  }
0x70: {  	_ =	shalt  }
0x71: {  	_ =	shalt  }
0x72: {  	_ =	shalt  }
0x73: {  	_ =	shalt  }
0x74: {  	_ =	shalt  }
0x75: {  	_ =	shalt  }
0x76: {  	_ =	shalt  }
0x77: {  	_ =	shalt  }
0x78: {  	_ =	shalt  }
0x79: {  	_ =	shalt  }
0x7a: {  	_ =	shalt  }
0x7b: {  	_ =	shalt  }
0x7c: {  	_ =	shalt  }
0x7d: {  	_ =	shalt  }
0x7e: {  	_ =	shalt  }
0x7f: {  	_ =	shalt  }
0x80: {  	_ =	shalt  }
0x81: {  	_ =	shalt  }
0x82: {  	_ =	shalt  }
0x83: {  	_ =	shalt  }
0x84: {  	_ =	shalt  }
0x85: {  	_ =	shalt  }
0x86: {  	_ =	shalt  }
0x87: {  	_ =	shalt  }
.Lfunc_end0:
.L_simem_size_0:
called_computation.1_lowered:
.L_overlay_start_0:
0x88: {  	s2 =	sld [smem:$0x3FD9]  }
0x89: {  	s3 =	sld [smem:$0x3FFE];
	_ =	sdelay $0x1  }
0x8a: {  	s1 =	srdreg.scid  }
0x8b: {  	s0 =	sand.u32 $0x1, s1  }
0x8c: {  	s17 =	sshll.u32 s0, $0xA;
	s2 =	sadd.s32 s3, s2  }
0x8d: {  	s2 =	sadd.s32 s2, s17  }
0x8e: {  	[smem:$0x3FB4] =	sst s2  }
0x8f: {  	_ = 	snop  }
0x90: {  	s2 =	sld [smem:$0x3FD0];
	(tm) =	ssettm $0x1  }
0x91: {  	s18 =	sld [smem:$0x3FFB];
	_ =	sdelay $0x3  }
0x92: {  	_ =	strace s18  }
0x93: {  	s3 =	sld [smem:$0x3FFC];
	_ =	sdelay $0x3  }
0x94: {  	_ =	strace s3  }
0x95: {  	s3 =	sld [smem:$0x3FFD];
	_ =	sdelay $0x3  }
0x96: {  	_ =	strace s3  }
0x97: {  	_ =	strace $0x8FFFFFFF  }
0x98: {  	s19 =	sld [smem:$0x3FDB];
	_ =	sdelay $0x1  }
0x99: {  	s4 =	simm.s32 $_scs_section_size  }
0x9a: {  	s5 =	simm.s32 $_size__tile_overlayer_lowered;
	s6 =	simm.s32 $_tile_overlayer_lowered  }
0x9b: {  	s22 =	simm.s32 $0x1BFF;
	s21 =	sshll.u32 s6, $0x1;
	s3 =	sadd.s32 s4, s19  }
0x9c: {  	s7 =	simm.s32 $0x0;
	s20 =	sshll.u32 s5, $0x1;
	s5 =	sadd.s32 s21, s3  }
0x9d: {  	[timem:s7], [sflag:s22] =	dma.local [hbm:s5], s20  }
0x9e: {  	_ =	swait.ge [sflag:s22], s20  }
0x9f: {  	s4 =	ssub.s32 $0x0, s20;
	[sflag:s22] =	ssyncset.done $0x0  }
0xa0: {  	[sflag:s22] =	ssyncadd.s32 s4;
	_ =	sdelay $0x1  }
0xa1: {  	s23 =	simm.s32 $0x1B8B  }
0xa2: {  	_ =	swait.ge [sflag:s23], $0x1  }
0xa3: {  	[sflag:s23] =	ssyncset.done $0x0  }
0xa4: {  	s25 =	simm.s32 $0x1B8E;
	s24 =	sld [smem:$0x3FFE];
	[sflag:s23] =	ssyncadd.s32 $0xFFFFFFFF  }
0xa5: {  	s26 =	simm.s32 $execute0_lowered;
	[smem:$0x3FD2] =	sst s25  }
0xa6: {  	s5 =	sshll.u32 s26, $0x1;
	_ =	strace $0x80000049;
	[dreg:$0x1] =	wrdreg $0xFFFFFFFF  }
0xa7: {  	s28 =	simm.s32 $_size_execute0_lowered;
	s3 =	sadd.s32 s3, s5;
	[dreg:$0x0] =	wrdreg $0x0  }
0xa8: {  	s5 =	sshll.u32 s28, $0x1;
	[dreg:$0x2] =	wrdreg s3  }
0xa9: {  	[dreg:$0x3] =	wrdreg s5  }
0xaa: {  	[dreg:$0x4] =	wrdreg $0xC0  }
0xab: {  	_ =	task [dreg:s7], $0x5FFFF  }
0xac: {  	[dreg:$0x1] =	wrdreg $0xFFFFFFFF  }
0xad: {  	[dreg:$0x0] =	wrdreg $0x60  }
0xae: {  	[dreg:$0x2] =	wrdreg s2  }
0xaf: {  	[dreg:$0x3] =	wrdreg s24  }
0xb0: {  	[dreg:$0x4] =	wrdreg $0x130000  }
0xb1: {  	[dreg:$0x5] =	wrdreg $0x9  }
0xb2: {  	_ =	task.clear_ibuf [dreg:s7], $0x6FFFF;
	_ =	strace $0x90000049  }
0xb3: {  	s29 =	simm.s32 $0x9;
	_ =	strace $0x8000004B  }
0xb4: {  	_ =	swait.ge [sflag:s29], $0x1  }
0xb5: {  	[sflag:s29] =	ssyncadd.s32 $0xFFFFFFFF  }
0xb6: {  	_ =	strace $0x9000004B  }
0xb7: {  	_ =	sfence  }
0xb8: {  	s30 =	sld [smem:$0x0];
	_ =	sdelay $0x2  }
0xb9: {  	s31 =	sshll.u32 s1, $0xD;
	s1 =	sshrl.u32 s1, $0x2  }
0xba: {  	s3 =	sand.u32 $0x4000, s31;
	s1 =	sadd.s32 s1, s30  }
0xbb: {  	s0 =	sor.u32 s3, s0;
	s1 =	sshll.u32 s1, $0x11  }
0xbc: {  	s0 =	sor.u32 s1, s0  }
0xbd: {  	s0 =	sadd.s32 $0x8F2B, s0  }
0xbe: {  	[sflag:s0] =	ssyncadd.remote.s32 $0x1  }
0xbf: {  	_ =	sfence.sel $0xFFFF  }
0xc0: {  	[dreg:$0x0] =	wrdreg $0xFFFFFFFF;
	(pc) =	sbr.abs _section_cstart, $3  }
0xc1: {  	[dreg:$0x1] =	wrdreg $0xFFFFFFFF  }
0xc2: {  	_ =	task.clear_ibuf [dreg:s7], $0x2FFFF;
	_ =	strace $0x9FFFFFFF  }
0xc3: {  	(tm) =	ssettm $0x7FFFFFFF  }
tec
execute0_lowered:
.L_overlay_start_1:
0x0: {  	(tag) =	ssettag $0x1  }
0x1: {  	s1 =	rddreg [dreg:$0x0]  }
0x2: {  	s6 =	rddreg [dreg:$0x1]  }
0x3: {  	s3 =	rddreg [dreg:$0x2]  }
0x4: {  	s0 =	rddreg [dreg:$0x3]  }
0x5: {  	s4 =	srdreg.scid;
	s2 =	stileid.u32;
	s11 =	simm.s32 $0x3  }
0x6: {  	s12 =	simm.s32 $0x2900;
	s13 =	simm.s32 $0x9200;
	s14 =	simm.s32 $0x80  }
0x7: {  	s15 =	simm.s32 $0x5200;
	s16 =	simm.s32 $0x7200;
	s17 =	simm.s32 $0x1  }
0x8: {  	s18 =	simm.s32 $0x2;
	s19 =	simm.s32 $0x0;
	s5 =	sand.u32 $0x1, s4  }
0x9: {  	s7 =	sshll.u32 s2, $0x1;
	s8 =	smul.u32 $0x9E00, s2;
	s4 =	simm.s32 $0x0  }
0xa: {  	s7 =	sor.u32 s5, s7;
	s9 =	smul.u32 $0x9E000, s5;
	[smem:$0x7FF] =	sst s4  }
0xb: {  	s10 =	ssub.s32 $0x2, s5;
	s5 =	sadd.s32 $0x6C200, s6;
	s7 =	smul.u32 $0x520, s7  }
0xc: {  	_ =	strace $0x8000004A;
	s31 =	sshrl.u32 s10, $0x1;
	s9 =	sadd.s32 s8, s9  }
0xd: {  	s10 =	ssub.s32 s10, s31;
	s8 =	sadd.s32 s8, s3;
	s9 =	sshrl.u32 s9, $0x3  }
0xe: {  	s7 =	sadd.s32 s7, s6;
	s10 =	smax.u32 s10, $0x1;
	s9 =	sadd.s32 s9, s6  }
0xf: {  	s6 =	sadd.s32 $0x12E00, s7;
	s7 =	sadd.s32 $0x8200, s7;
	s9 =	sadd.s32 $0x6D600, s9  }
.LBB2_1:
0x10: {  	[tilespmem:s4], [sflag:$0x3] =	stream.linear.gather [hbm4b:s6+s4], $0x2900, $0x38;
	[tilespmem:$0x1CE00] =	vst v63  }
0x11: {  	_ =	swait.ge [sflag:s11], $0x2900  }
0x12: {  	[sflag:s11] =	ssyncset.done $0x0  }
0x13: {  	[sflag:s11] =	ssyncadd.s32 $0xFFFFD700  }
0x14: {  	[tilespmem:s12], [sflag:$0x3] =	stream.linear.gather [hbm4b:s7+s4], $0x2900, $0x38;
	[tilespmem:$0x1CE00] =	vst v63  }
0x15: {  	_ =	swait.ge [sflag:s11], $0x2900  }
0x16: {  	[sflag:s11] =	ssyncset.done $0x0  }
0x17: {  	[sflag:s11] =	ssyncadd.s32 $0xFFFFD700  }
0x18: {  	[tilespmem:s13], [sflag:$0x3] =	stream.linear.gather [hbm4b:s5+s4], $0x9E00, $0x38;
	[tilespmem:$0x1CE00] =	vst v63  }
0x19: {  	_ =	swait.ge [sflag:s11], $0x9E00  }
0x1a: {  	[sflag:s11] =	ssyncset.done $0x0  }
0x1b: {  	[sflag:s11] =	ssyncadd.s32 $0xFFFF6200  }
0x1c: {  	[spmem:s8] =	stream.linear.scatter [tilespmem:s13], [sflag:$0x3], $0x9E00, $0x38;
	[tilespmem:$0x1CE00] =	vst v63  }
0x1d: {  	_ =	swait.ge [sflag:s11], $0x9E00  }
0x1e: {  	[sflag:s11] =	ssyncset.done $0x0  }
0x1f: {  	[sflag:s11] =	ssyncadd.s32 $0xFFFF6200  }
0x20: {  	[bflag:$0x0] =	sbarrier.arrive $0xFFFF  }
0x21: {  	[tilespmem:s15], [sflag:$0x1] =	stream.indirect.gather [hbm4b:s1+s14], $0x40, s4, s14, $0xb8;
	[tilespmem:$0x1CE00] =	vst v63  }
0x22: {  	s20 =	simm.s32 $0x80  }
0x23: {  	[tilespmem:s16], [sflag:$0x2] =	stream.indirect.gather [hbm4b:s1+s14], $0x40, s20, s14, $0xb8;
	[tilespmem:$0x1CE00] =	vst v63  }
0x24: {  	_ =	swait.ge [sflag:s17], $0x2000  }
0x25: {  	[sflag:s17] =	ssyncset.done $0x0  }
0x26: {  	s29 =	simm.s32 $0x2900;
	[sflag:s17] =	ssyncadd.s32 $0xFFFFE000  }
0x27: {  	[spmem:s3] =	stream.indirect.scatter.add.f32 [tilespmem:s15], [sflag:$0x3], $0x40, s29, s14, $0xb8;
	[tilespmem:$0x1CE00] =	vst v63  }
0x28: {  	_ =	swait.ge [sflag:s11], $0x2000  }
0x29: {  	[sflag:s11] =	ssyncset.done $0x0  }
0x2a: {  	s30 =	simm.s32 $0x100;
	[sflag:s11] =	ssyncadd.s32 $0xFFFFE000  }
0x2b: {  	[tilespmem:s15], [sflag:$0x1] =	stream.indirect.gather [hbm4b:s1+s14], $0x40, s30, s14, $0xb8;
	[tilespmem:$0x1CE00] =	vst v63  }
0x2c: {  	_ =	swait.ge [sflag:s18], $0x2000  }
0x2d: {  	[sflag:s18] =	ssyncset.done $0x0  }
0x2e: {  	s31 =	simm.s32 $0x2980;
	[sflag:s18] =	ssyncadd.s32 $0xFFFFE000  }
0x2f: {  	[spmem:s3] =	stream.indirect.scatter.add.f32 [tilespmem:s16], [sflag:$0x3], $0x40, s31, s14, $0xb8;
	[tilespmem:$0x1CE00] =	vst v63  }
0x30: {  	_ =	swait.ge [sflag:s11], $0x2000  }
0x31: {  	s21 =	simm.s32 $0x800;
	s20 =	simm.s32 $0x100;
	[sflag:s11] =	ssyncset.done $0x0  }
.LBB2_2:
0x32: {  	s22 =	sadd.s32 $0x80, s20  }
0x33: {  	[sflag:s11] =	ssyncadd.s32 $0xFFFFE000;
	s23 =	smov.u32 s21;
	s24 =	sadd.s32 $0x400, s21  }
0x34: {  	[tilespmem:s16], [sflag:$0x2] =	stream.indirect.gather [hbm4b:s1+s14], $0x40, s22, s14, $0xb8;
	[tilespmem:$0x1CE00] =	vst v63  }
0x35: {  	p0 =	sne.s32 s21, $0x9C00;
	_ =	swait.ge [sflag:s17], $0x2000  }
0x36: {  	[sflag:s17] =	ssyncset.done $0x0  }
0x37: {  	s21 =	sadd.s32 $0x2900, s20;
	[sflag:s17] =	ssyncadd.s32 $0xFFFFE000  }
0x38: {  	[spmem:s3] =	stream.indirect.scatter.add.f32 [tilespmem:s15], [sflag:$0x3], $0x40, s21, s14, $0xb8;
	[tilespmem:$0x1CE00] =	vst v63  }
0x39: {  	_ =	swait.ge [sflag:s11], $0x2000  }
0x3a: {  	[sflag:s11] =	ssyncset.done $0x0  }
0x3b: {  	s21 =	sadd.s32 $0x100, s20;
	[sflag:s11] =	ssyncadd.s32 $0xFFFFE000  }
0x3c: {  	[tilespmem:s15], [sflag:$0x1] =	stream.indirect.gather [hbm4b:s1+s14], $0x40, s21, s14, $0xb8;
	[tilespmem:$0x1CE00] =	vst v63  }
0x3d: {  	_ =	swait.ge [sflag:s18], $0x2000  }
.Ltmp0:
0x3e: {  	[sflag:s18] =	ssyncset.done $0x0;
	(pc) =	sbr.rel @p0 .LBB2_2-.Ltmp0, $4  }
0x3f: {  	s20 =	sadd.s32 $0x2980, s20;
	[sflag:s18] =	ssyncadd.s32 $0xFFFFE000  }
0x40: {  	[spmem:s3] =	stream.indirect.scatter.add.f32 [tilespmem:s16], [sflag:$0x3], $0x40, s20, s14, $0xb8;
	[tilespmem:$0x1CE00] =	vst v63  }
0x41: {  	_ =	swait.ge [sflag:s11], $0x2000  }
0x42: {  	s21 =	smov.u32 s24;
	s20 =	sshra.s32 s23, $0x2;
	[sflag:s11] =	ssyncset.done $0x0  }
0x43: {  	s21 =	sadd.s32 $0x80, s20;
	[sflag:s11] =	ssyncadd.s32 $0xFFFFE000  }
0x44: {  	[tilespmem:s16], [sflag:$0x2] =	stream.indirect.gather [hbm4b:s1+s14], $0x40, s21, s14, $0xb8;
	[tilespmem:$0x1CE00] =	vst v63  }
0x45: {  	_ =	swait.ge [sflag:s17], $0x2000  }
0x46: {  	[sflag:s17] =	ssyncset.done $0x0  }
0x47: {  	s29 =	sadd.s32 $0x2900, s20;
	[sflag:s17] =	ssyncadd.s32 $0xFFFFE000  }
0x48: {  	[spmem:s3] =	stream.indirect.scatter.add.f32 [tilespmem:s15], [sflag:$0x3], $0x40, s29, s14, $0xb8;
	[tilespmem:$0x1CE00] =	vst v63  }
0x49: {  	_ =	swait.ge [sflag:s11], $0x2000  }
0x4a: {  	[sflag:s11] =	ssyncset.done $0x0  }
0x4b: {  	s30 =	sadd.s32 $0x100, s20;
	[sflag:s11] =	ssyncadd.s32 $0xFFFFE000  }
0x4c: {  	[tilespmem:s15], [sflag:$0x1] =	stream.indirect.gather [hbm4b:s1+s14], $0x40, s30, s14, $0xb8;
	[tilespmem:$0x1CE00] =	vst v63  }
0x4d: {  	_ =	swait.ge [sflag:s18], $0x2000  }
0x4e: {  	[sflag:s18] =	ssyncset.done $0x0  }
0x4f: {  	s31 =	sadd.s32 $0x2980, s20;
	[sflag:s18] =	ssyncadd.s32 $0xFFFFE000  }
0x50: {  	[spmem:s3] =	stream.indirect.scatter.add.f32 [tilespmem:s16], [sflag:$0x3], $0x40, s31, s14, $0xb8;
	[tilespmem:$0x1CE00] =	vst v63  }
0x51: {  	_ =	swait.ge [sflag:s11], $0x2000  }
0x52: {  	[sflag:s11] =	ssyncset.done $0x0  }
0x53: {  	[sflag:s11] =	ssyncadd.s32 $0xFFFFE000  }
0x54: {  	_ =	swait.ge [sflag:s17], $0x2000  }
0x55: {  	[sflag:s17] =	ssyncset.done $0x0  }
0x56: {  	[sflag:s17] =	ssyncadd.s32 $0xFFFFE000  }
0x57: {  	[bflag:$0x0] =	sbarrier.arrive $0xFFFF  }
0x58: {  	[tilespmem:s13], [sflag:$0x3] =	stream.linear.gather [spmem:s8], $0x9E00, $0x38;
	[tilespmem:$0x1CE00] =	vst v63  }
0x59: {  	s19 =	sadd.s32 $0x1, s19;
	_ =	swait.ge [sflag:s11], $0x9E00  }
0x5a: {  	p0 =	sne.s32 s19, s10;
	[sflag:s11] =	ssyncset.done $0x0  }
.Ltmp1:
0x5b: {  	[sflag:s11] =	ssyncadd.s32 $0xFFFF6200;
	(pc) =	sbr.rel @p0 .LBB2_1-.Ltmp1, $4  }
0x5c: {  	[hbm4b:s9+s4] =	stream.linear.scatter [tilespmem:s13], [sflag:$0x3], $0x9E00, $0x38;
	[tilespmem:$0x1CE00] =	vst v63  }
0x5d: {  	_ =	swait.ge [sflag:s11], $0x9E00  }
0x5e: {  	[sflag:s11] =	ssyncset.done $0x0  }
0x5f: {  	[sflag:s11] =	ssyncadd.s32 $0xFFFF6200  }
0x60: {  	_ =	sfence.sel $0x180000  }
0x61: {  	[bflag:$0x0] =	sbarrier.arrive $0xFFFF  }
0x62: {  	p0 =	sne.s32 s2, $0x0;
	_ =	strace $0x9000004A  }
0x63: {  	s0 =	sadd.s32 @!p0 $0x100000, s0;
	[bflag:$0x2] =	sbarrier.arrive $0xFFFF  }
0x64: {  	[sflag:s0] =	ssyncadd.tile.s32 @!p0 $0x1;
	_ =	shalt  }
.Lfunc_end2:
_tile_overlayer_lowered:
.L_overlay_start_2:
0x65: {  	(tag) =	ssettag $0x2  }
0x66: {  	s0 =	rddreg [dreg:$0x0];
	s2 =	stileid.u32  }
0x67: {  	s1 =	rddreg [dreg:$0x1];
	p0 =	sne.s32 s2, $0x0  }
0x68: {  	s3 =	rddreg [dreg:$0x2];
	[bflag:$0x3] =	sbarrier.arrive $0xFFFF;
	s2 =	simm.s32 @!p0 $0x1C03  }
0x69: {  	[timem:s3], [sflag:s2] =	dma.local @!p0 [hbm:s0], s1  }
0x6a: {  	s0 =	simm.s32 @!p0 $0x3  }
0x6b: {  	_ =	swait.ge @!p0 [sflag:s0], s1  }
0x6c: {  	s1 =	ssub.s32 @!p0 $0x0, s1;
	[sflag:s0] =	ssyncset.done @!p0 $0x0  }
0x6d: {  	[sflag:s0] =	ssyncadd.s32 @!p0 s1  }
0x6e: {  	[bflag:$0x3] =	sbarrier.arrive $0xFFFF  }
0x6f: {  	_ =	shalt  }

// kernel: kernel.23.cloned.1.call-start
scs
__scs_entry_jumppad:
0x0: {  	(pc) =	sbr.rel $0x88, $3  }
0x1: {  	(tag) =	ssettag $0x0;
	lr =	simm.s32 $0x1  }
0x2: {  	[smem:$0x3F8D] =	sst lr;
	_ =	strace $0xD0000000  }
0x3: {  	_ = 	snop  }
0x4: {  	_ = 	snop  }
0x5: {  	_ = 	snop  }
0x6: {  	_ = 	snop  }
0x7: {  	_ = 	snop  }
__scs_overlays_trampoline_lowered:
0x8: {  	[smem:$0x3F9C] =	sst s0  }
0x9: {  	[smem:$0x3F9D] =	sst s1  }
0xa: {  	[smem:$0x3F9E] =	sst s2  }
0xb: {  	[smem:$0x3F9F] =	sst s3  }
0xc: {  	[smem:$0x3FA0] =	sst s4  }
0xd: {  	[smem:$0x3FA1] =	sst s5  }
0xe: {  	[smem:$0x3FA2] =	sst s6  }
0xf: {  	[smem:$0x3FA3] =	sst s7  }
0x10: {  	[smem:$0x3FA4] =	sst s8  }
0x11: {  	[smem:$0x3FA5] =	sst s9;
	s0 =	simm.s32 @!p0 $0x0  }
0x12: {  	s1 =	sld [smem:$0x3F8B];
	s0 =	simm.s32 @p0 $0x1  }
0x13: {  	[smem:$0x3FA6] =	sst s0;
	s0 =	simm.s32 @!p1 $0x0  }
0x14: {  	s2 =	sld [smem:$0x3F8A];
	s0 =	simm.s32 @p1 $0x1  }
0x15: {  	[smem:$0x3FA7] =	sst s0;
	s0 =	simm.s32 @!p2 $0x0  }
0x16: {  	s3 =	sld [smem:$0x3FDB];
	s0 =	simm.s32 @p2 $0x1  }
0x17: {  	s4 =	simm.s32 $0x1BF5;
	[smem:$0x3FA9] =	sst s0  }
0x18: {  	s0 =	sld [smem:$0x3F8C];
	_ =	swait.ge [sflag:s4], $0x0  }
0x19: {  	s7 =	sld [smem:$0x3F8D]  }
0x1a: {  	s8 =	sadd.s32 $0xFFFFE003, lr  }
0x1b: {  	s9 =	sadd.s32 $0xFFFFFEF7, lr;
	s5 =	simm.s32 $0xFFFFFFFF;
	p2 =	slt.u32 s8, $0xFFFFF086  }
0x1c: {  	p1 =	slt.u32 s9, $0xF7A;
	s5 =	simm.s32 @!p2 $0x0  }
0x1d: {  	s5 =	simm.s32 @p1 $0x1;
	p0 =	seq.s32 s7, s2  }
0x1e: {  	s7 =	smul.u32 @!p0 $0xF7A, s2;
	p2 =	seq.s32 @!p0 s5, $0x0  }
0x1f: {  	s9 =	smul.u32 $0xF7A, s1;
	s8 =	simm.s32 @!p0 $0x1BF5;
	p2 =	por !p2, p0  }
0x20: {  	[sflag:s8] =	ssyncset.s32 @!p0 $0xFFFFF086;
	s6 =	sadd.s32 @!p0 s3, s7;
	s7 =	simm.s32 @!p0 $0x108  }
0x21: {  	s3 =	sadd.s32 s3, s9;
	s6 =	sadd.s32 @!p0 $0x88, s6;
	s7 =	simm.s32 @p2 $0x1082  }
0x22: {  	[simem:s7], [sflag:s8] =	dma.local @!p0 [hbm:s6], $0xF7A  }
0x23: {  	s9 =	sor.u32 $0xD0000000, s2;
	s6 =	simm.s32 $0x108;
	_ =	swait.ge @!p0 [sflag:s8], $0x0  }
0x24: {  	s3 =	sadd.s32 $0x88, s3;
	s6 =	simm.s32 @!p1 $0x1082;
	[sflag:s4] =	ssyncset.s32 $0xFFFFF086  }
0x25: {  	[simem:s6], [sflag:s4] =	dma.local [hbm:s3], $0xF7A  }
0x26: {  	[smem:$0x3F8D] =	sst s1;
	(tag) =	ssettag s2;
	_ =	strace s9  }
0x27: {  	s1 =	sld [smem:$0x3F9D]  }
0x28: {  	s2 =	sld [smem:$0x3F9E]  }
0x29: {  	s4 =	sld [smem:$0x3FA0]  }
0x2a: {  	p0 =	seq.s32 s5, $0x0;
	s5 =	sld [smem:$0x3FA1]  }
0x2b: {  	s6 =	sld [smem:$0x3FA2]  }
0x2c: {  	s7 =	sld [smem:$0x3FA3]  }
0x2d: {  	s3 =	simm.s32 $0x108;
	s8 =	sld [smem:$0x3FA4]  }
0x2e: {  	s3 =	simm.s32 @!p0 $0x1082;
	s9 =	sld [smem:$0x3FA5]  }
0x2f: {  	lr =	sadd.s32 s0, s3;
	s0 =	sld [smem:$0x3F9C]  }
0x30: {  	s3 =	sld [smem:$0x3F9F]  }
0x31: {  	[smem:$0x3FA8] =	sst s10  }
0x32: {  	s10 =	sld [smem:$0x3FA6];
	_ =	sdelay $0x3  }
0x33: {  	p0 =	seq.s32 s10, $0x1;
	s10 =	sld [smem:$0x3FA8];
	_ =	sdelay $0x3  }
0x34: {  	[smem:$0x3FA8] =	sst s10  }
0x35: {  	s10 =	sld [smem:$0x3FA7];
	_ =	sdelay $0x3  }
0x36: {  	p1 =	seq.s32 s10, $0x1;
	s10 =	sld [smem:$0x3FA8];
	_ =	sdelay $0x3  }
0x37: {  	[smem:$0x3FA8] =	sst s10  }
0x38: {  	s10 =	sld [smem:$0x3FA9]  }
0x39: {  	_ = 	snop;
	(pc) =	sbr.ind lr, $3  }
0x3a: {  	_ = 	snop  }
0x3b: {  	_ = 	snop  }
0x3c: {  	p2 =	seq.s32 s10, $0x1;
	s10 =	sld [smem:$0x3FA8]  }
0x3d: {  	_ =	shalt  }
0x3e: {  	_ =	shalt  }
0x3f: {  	_ =	shalt  }
0x40: {  	_ =	shalt  }
0x41: {  	_ =	shalt  }
0x42: {  	_ =	shalt  }
0x43: {  	_ =	shalt  }
0x44: {  	_ =	shalt  }
0x45: {  	_ =	shalt  }
0x46: {  	_ =	shalt  }
0x47: {  	_ =	shalt  }
0x48: {  	_ =	shalt  }
0x49: {  	_ =	shalt  }
0x4a: {  	_ =	shalt  }
0x4b: {  	_ =	shalt  }
0x4c: {  	_ =	shalt  }
0x4d: {  	_ =	shalt  }
0x4e: {  	_ =	shalt  }
0x4f: {  	_ =	shalt  }
0x50: {  	_ =	shalt  }
0x51: {  	_ =	shalt  }
0x52: {  	_ =	shalt  }
0x53: {  	_ =	shalt  }
0x54: {  	_ =	shalt  }
0x55: {  	_ =	shalt  }
0x56: {  	_ =	shalt  }
0x57: {  	_ =	shalt  }
0x58: {  	_ =	shalt  }
0x59: {  	_ =	shalt  }
0x5a: {  	_ =	shalt  }
0x5b: {  	_ =	shalt  }
0x5c: {  	_ =	shalt  }
0x5d: {  	_ =	shalt  }
0x5e: {  	_ =	shalt  }
0x5f: {  	_ =	shalt  }
0x60: {  	_ =	shalt  }
0x61: {  	_ =	shalt  }
0x62: {  	_ =	shalt  }
0x63: {  	_ =	shalt  }
0x64: {  	_ =	shalt  }
0x65: {  	_ =	shalt  }
0x66: {  	_ =	shalt  }
0x67: {  	_ =	shalt  }
0x68: {  	_ =	shalt  }
0x69: {  	_ =	shalt  }
0x6a: {  	_ =	shalt  }
0x6b: {  	_ =	shalt  }
0x6c: {  	_ =	shalt  }
0x6d: {  	_ =	shalt  }
0x6e: {  	_ =	shalt  }
0x6f: {  	_ =	shalt  }
0x70: {  	_ =	shalt  }
0x71: {  	_ =	shalt  }
0x72: {  	_ =	shalt  }
0x73: {  	_ =	shalt  }
0x74: {  	_ =	shalt  }
0x75: {  	_ =	shalt  }
0x76: {  	_ =	shalt  }
0x77: {  	_ =	shalt  }
0x78: {  	_ =	shalt  }
0x79: {  	_ =	shalt  }
0x7a: {  	_ =	shalt  }
0x7b: {  	_ =	shalt  }
0x7c: {  	_ =	shalt  }
0x7d: {  	_ =	shalt  }
0x7e: {  	_ =	shalt  }
0x7f: {  	_ =	shalt  }
0x80: {  	_ =	shalt  }
0x81: {  	_ =	shalt  }
0x82: {  	_ =	shalt  }
0x83: {  	_ =	shalt  }
0x84: {  	_ =	shalt  }
0x85: {  	_ =	shalt  }
0x86: {  	_ =	shalt  }
0x87: {  	_ =	shalt  }
.Lfunc_end0:
.L_simem_size_0:
called_computation.2_lowered:
.L_overlay_start_0:
0x88: {  	s2 =	sld [smem:$0x3FD9]  }
0x89: {  	s3 =	sld [smem:$0x3FFE];
	_ =	sdelay $0x1  }
0x8a: {  	s1 =	srdreg.scid  }
0x8b: {  	s0 =	sand.u32 $0x1, s1  }
0x8c: {  	s17 =	sshll.u32 s0, $0xA;
	s2 =	sadd.s32 s3, s2  }
0x8d: {  	s2 =	sadd.s32 s2, s17  }
0x8e: {  	[smem:$0x3FB4] =	sst s2  }
0x8f: {  	_ = 	snop  }
0x90: {  	s2 =	sld [smem:$0x3FD0];
	(tm) =	ssettm $0x1  }
0x91: {  	s18 =	sld [smem:$0x3FFB];
	_ =	sdelay $0x3  }
0x92: {  	_ =	strace s18  }
0x93: {  	s3 =	sld [smem:$0x3FFC];
	_ =	sdelay $0x3  }
0x94: {  	_ =	strace s3  }
0x95: {  	s3 =	sld [smem:$0x3FFD];
	_ =	sdelay $0x3  }
0x96: {  	_ =	strace s3  }
0x97: {  	_ =	strace $0x8FFFFFFF  }
0x98: {  	s19 =	sld [smem:$0x3FDB];
	_ =	sdelay $0x1  }
0x99: {  	s4 =	simm.s32 $_scs_section_size  }
0x9a: {  	s5 =	simm.s32 $_size__tile_overlayer_lowered;
	s6 =	simm.s32 $_tile_overlayer_lowered  }
0x9b: {  	s22 =	simm.s32 $0x1BFF;
	s21 =	sshll.u32 s6, $0x1;
	s3 =	sadd.s32 s4, s19  }
0x9c: {  	s7 =	simm.s32 $0x0;
	s20 =	sshll.u32 s5, $0x1;
	s5 =	sadd.s32 s21, s3  }
0x9d: {  	[timem:s7], [sflag:s22] =	dma.local [hbm:s5], s20  }
0x9e: {  	_ =	swait.ge [sflag:s22], s20  }
0x9f: {  	s4 =	ssub.s32 $0x0, s20;
	[sflag:s22] =	ssyncset.done $0x0  }
0xa0: {  	[sflag:s22] =	ssyncadd.s32 s4;
	_ =	sdelay $0x1  }
0xa1: {  	s23 =	simm.s32 $0x1B8B  }
0xa2: {  	_ =	swait.ge [sflag:s23], $0x1  }
0xa3: {  	[sflag:s23] =	ssyncset.done $0x0  }
0xa4: {  	s25 =	simm.s32 $0x1B8E;
	s24 =	sld [smem:$0x3FFE];
	[sflag:s23] =	ssyncadd.s32 $0xFFFFFFFF  }
0xa5: {  	s26 =	simm.s32 $execute0_lowered;
	[smem:$0x3FD2] =	sst s25  }
0xa6: {  	s5 =	sshll.u32 s26, $0x1;
	_ =	strace $0x8000004C;
	[dreg:$0x1] =	wrdreg $0xFFFFFFFF  }
0xa7: {  	s28 =	simm.s32 $_size_execute0_lowered;
	s3 =	sadd.s32 s3, s5;
	[dreg:$0x0] =	wrdreg $0x0  }
0xa8: {  	s5 =	sshll.u32 s28, $0x1;
	[dreg:$0x2] =	wrdreg s3  }
0xa9: {  	[dreg:$0x3] =	wrdreg s5  }
0xaa: {  	[dreg:$0x4] =	wrdreg $0xC0  }
0xab: {  	_ =	task [dreg:s7], $0x5FFFF  }
0xac: {  	[dreg:$0x1] =	wrdreg $0xFFFFFFFF  }
0xad: {  	[dreg:$0x0] =	wrdreg $0x60  }
0xae: {  	[dreg:$0x2] =	wrdreg s24  }
0xaf: {  	[dreg:$0x3] =	wrdreg s2  }
0xb0: {  	[dreg:$0x4] =	wrdreg $0xC1000  }
0xb1: {  	[dreg:$0x5] =	wrdreg $0x9  }
0xb2: {  	_ =	task.clear_ibuf [dreg:s7], $0x6FFFF;
	_ =	strace $0x9000004C  }
0xb3: {  	s29 =	simm.s32 $0x9;
	_ =	strace $0x8000004E  }
0xb4: {  	_ =	swait.ge [sflag:s29], $0x1  }
0xb5: {  	[sflag:s29] =	ssyncadd.s32 $0xFFFFFFFF  }
0xb6: {  	_ =	strace $0x9000004E  }
0xb7: {  	_ =	sfence  }
0xb8: {  	s30 =	sld [smem:$0x0];
	_ =	sdelay $0x2  }
0xb9: {  	s31 =	sshll.u32 s1, $0xD;
	s1 =	sshrl.u32 s1, $0x2  }
0xba: {  	s3 =	sand.u32 $0x4000, s31;
	s1 =	sadd.s32 s1, s30  }
0xbb: {  	s0 =	sor.u32 s3, s0;
	s1 =	sshll.u32 s1, $0x11  }
0xbc: {  	s0 =	sor.u32 s1, s0  }
0xbd: {  	s0 =	sadd.s32 $0x8F2B, s0  }
0xbe: {  	[sflag:s0] =	ssyncadd.remote.s32 $0x1  }
0xbf: {  	_ =	sfence.sel $0xFFFF  }
0xc0: {  	[dreg:$0x0] =	wrdreg $0xFFFFFFFF;
	(pc) =	sbr.abs _section_cstart, $3  }
0xc1: {  	[dreg:$0x1] =	wrdreg $0xFFFFFFFF  }
0xc2: {  	_ =	task.clear_ibuf [dreg:s7], $0x2FFFF;
	_ =	strace $0x9FFFFFFF  }
0xc3: {  	(tm) =	ssettm $0x7FFFFFFF  }
tec
execute0_lowered:
.L_overlay_start_1:
0x0: {  	(tag) =	ssettag $0x1  }
0x1: {  	s5 =	rddreg [dreg:$0x0];
	s1 =	srdreg.scid  }
0x2: {  	s0 =	stileid.u32;
	s9 =	rddreg [dreg:$0x1]  }
0x3: {  	s2 =	rddreg [dreg:$0x2];
	s3 =	simm.s32 $0x0;
	s13 =	simm.s32 $0x7200  }
0x4: {  	s14 =	simm.s32 $0x80;
	s15 =	simm.s32 $0x5200;
	s16 =	simm.s32 $0x6200  }
0x5: {  	s17 =	simm.s32 $0x1;
	s18 =	simm.s32 $0x2;
	s19 =	simm.s32 $0x0  }
0x6: {  	s4 =	sand.u32 $0x1, s1;
	s30 =	sshll.u32 s0, $0x1;
	s1 =	rddreg [dreg:$0x3]  }
0x7: {  	[smem:$0x7FF] =	sst s3;
	s8 =	smul.u32 $0x4F00, s0;
	s6 =	sor.u32 s4, s30  }
0x8: {  	_ =	strace $0x8000004D;
	s7 =	ssub.s32 $0x2, s4;
	s10 =	smul.u32 $0x4F000, s4  }
0x9: {  	s4 =	sadd.s32 $0x94E00, s5;
	s6 =	smul.u32 $0x520, s6;
	s31 =	sshrl.u32 s7, $0x1  }
0xa: {  	s12 =	ssub.s32 s7, s31;
	s10 =	sadd.s32 s8, s10;
	s8 =	sadd.s32 s8, s2  }
0xb: {  	s11 =	sadd.s32 s6, s5;
	s5 =	sadd.s32 $0x9EC00, s5;
	s10 =	sshrl.u32 s10, $0x3  }
0xc: {  	s6 =	sadd.s32 $0x12E00, s11;
	s7 =	sadd.s32 $0x8200, s11;
	s9 =	sadd.s32 s9, s10  }
0xd: {  	s10 =	smax.u32 s12, $0x1;
	s11 =	simm.s32 $0x3;
	s12 =	simm.s32 $0x2900  }
.LBB2_1:
0xe: {  	[tilespmem:s3], [sflag:$0x3] =	stream.linear.gather [hbm4b:s6+s3], $0x2900, $0x38;
	[tilespmem:$0x11000] =	vst v63  }
0xf: {  	_ =	swait.ge [sflag:s11], $0x2900  }
0x10: {  	[sflag:s11] =	ssyncset.done $0x0  }
0x11: {  	[sflag:s11] =	ssyncadd.s32 $0xFFFFD700  }
0x12: {  	[tilespmem:s12], [sflag:$0x3] =	stream.linear.gather [hbm4b:s7+s3], $0x2900, $0x38;
	[tilespmem:$0x11000] =	vst v63  }
0x13: {  	_ =	swait.ge [sflag:s11], $0x2900  }
0x14: {  	[sflag:s11] =	ssyncset.done $0x0  }
0x15: {  	[sflag:s11] =	ssyncadd.s32 $0xFFFFD700  }
0x16: {  	[tilespmem:s13], [sflag:$0x3] =	stream.linear.gather [hbm4b:s5+s3], $0x4F00, $0x38;
	[tilespmem:$0x11000] =	vst v63  }
0x17: {  	_ =	swait.ge [sflag:s11], $0x4F00  }
0x18: {  	[sflag:s11] =	ssyncset.done $0x0  }
0x19: {  	[sflag:s11] =	ssyncadd.s32 $0xFFFFB100  }
0x1a: {  	[spmem:s8] =	stream.linear.scatter [tilespmem:s13], [sflag:$0x3], $0x4F00, $0x38;
	[tilespmem:$0x11000] =	vst v63  }
0x1b: {  	_ =	swait.ge [sflag:s11], $0x4F00  }
0x1c: {  	[sflag:s11] =	ssyncset.done $0x0  }
0x1d: {  	[sflag:s11] =	ssyncadd.s32 $0xFFFFB100  }
0x1e: {  	[bflag:$0x0] =	sbarrier.arrive $0xFFFF  }
0x1f: {  	[tilespmem:s15], [sflag:$0x1] =	stream.indirect.gather [hbm4b:s4+s14], $0x20, s3, s14, $0xb8;
	[tilespmem:$0x11000] =	vst v63  }
0x20: {  	s20 =	simm.s32 $0x80  }
0x21: {  	[tilespmem:s16], [sflag:$0x2] =	stream.indirect.gather [hbm4b:s4+s14], $0x20, s20, s14, $0xb8;
	[tilespmem:$0x11000] =	vst v63  }
0x22: {  	_ =	swait.ge [sflag:s17], $0x1000  }
0x23: {  	[sflag:s17] =	ssyncset.done $0x0  }
0x24: {  	s29 =	simm.s32 $0x2900;
	[sflag:s17] =	ssyncadd.s32 $0xFFFFF000  }
0x25: {  	[spmem:s2] =	stream.indirect.scatter.add.f32 [tilespmem:s15], [sflag:$0x3], $0x20, s29, s14, $0xb8;
	[tilespmem:$0x11000] =	vst v63  }
0x26: {  	_ =	swait.ge [sflag:s11], $0x1000  }
0x27: {  	[sflag:s11] =	ssyncset.done $0x0  }
0x28: {  	s30 =	simm.s32 $0x100;
	[sflag:s11] =	ssyncadd.s32 $0xFFFFF000  }
0x29: {  	[tilespmem:s15], [sflag:$0x1] =	stream.indirect.gather [hbm4b:s4+s14], $0x20, s30, s14, $0xb8;
	[tilespmem:$0x11000] =	vst v63  }
0x2a: {  	_ =	swait.ge [sflag:s18], $0x1000  }
0x2b: {  	[sflag:s18] =	ssyncset.done $0x0  }
0x2c: {  	s31 =	simm.s32 $0x2980;
	[sflag:s18] =	ssyncadd.s32 $0xFFFFF000  }
0x2d: {  	[spmem:s2] =	stream.indirect.scatter.add.f32 [tilespmem:s16], [sflag:$0x3], $0x20, s31, s14, $0xb8;
	[tilespmem:$0x11000] =	vst v63  }
0x2e: {  	_ =	swait.ge [sflag:s11], $0x1000  }
0x2f: {  	s21 =	simm.s32 $0x800;
	s20 =	simm.s32 $0x100;
	[sflag:s11] =	ssyncset.done $0x0  }
.LBB2_2:
0x30: {  	s22 =	sadd.s32 $0x80, s20  }
0x31: {  	[sflag:s11] =	ssyncadd.s32 $0xFFFFF000;
	s23 =	smov.u32 s21;
	s24 =	sadd.s32 $0x400, s21  }
0x32: {  	[tilespmem:s16], [sflag:$0x2] =	stream.indirect.gather [hbm4b:s4+s14], $0x20, s22, s14, $0xb8;
	[tilespmem:$0x11000] =	vst v63  }
0x33: {  	p0 =	sne.s32 s21, $0x9C00;
	_ =	swait.ge [sflag:s17], $0x1000  }
0x34: {  	[sflag:s17] =	ssyncset.done $0x0  }
0x35: {  	s21 =	sadd.s32 $0x2900, s20;
	[sflag:s17] =	ssyncadd.s32 $0xFFFFF000  }
0x36: {  	[spmem:s2] =	stream.indirect.scatter.add.f32 [tilespmem:s15], [sflag:$0x3], $0x20, s21, s14, $0xb8;
	[tilespmem:$0x11000] =	vst v63  }
0x37: {  	_ =	swait.ge [sflag:s11], $0x1000  }
0x38: {  	[sflag:s11] =	ssyncset.done $0x0  }
0x39: {  	s21 =	sadd.s32 $0x100, s20;
	[sflag:s11] =	ssyncadd.s32 $0xFFFFF000  }
0x3a: {  	[tilespmem:s15], [sflag:$0x1] =	stream.indirect.gather [hbm4b:s4+s14], $0x20, s21, s14, $0xb8;
	[tilespmem:$0x11000] =	vst v63  }
0x3b: {  	_ =	swait.ge [sflag:s18], $0x1000  }
.Ltmp0:
0x3c: {  	[sflag:s18] =	ssyncset.done $0x0;
	(pc) =	sbr.rel @p0 .LBB2_2-.Ltmp0, $4  }
0x3d: {  	s20 =	sadd.s32 $0x2980, s20;
	[sflag:s18] =	ssyncadd.s32 $0xFFFFF000  }
0x3e: {  	[spmem:s2] =	stream.indirect.scatter.add.f32 [tilespmem:s16], [sflag:$0x3], $0x20, s20, s14, $0xb8;
	[tilespmem:$0x11000] =	vst v63  }
0x3f: {  	_ =	swait.ge [sflag:s11], $0x1000  }
0x40: {  	s21 =	smov.u32 s24;
	s20 =	sshra.s32 s23, $0x2;
	[sflag:s11] =	ssyncset.done $0x0  }
0x41: {  	s21 =	sadd.s32 $0x80, s20;
	[sflag:s11] =	ssyncadd.s32 $0xFFFFF000  }
0x42: {  	[tilespmem:s16], [sflag:$0x2] =	stream.indirect.gather [hbm4b:s4+s14], $0x20, s21, s14, $0xb8;
	[tilespmem:$0x11000] =	vst v63  }
0x43: {  	_ =	swait.ge [sflag:s17], $0x1000  }
0x44: {  	[sflag:s17] =	ssyncset.done $0x0  }
0x45: {  	s29 =	sadd.s32 $0x2900, s20;
	[sflag:s17] =	ssyncadd.s32 $0xFFFFF000  }
0x46: {  	[spmem:s2] =	stream.indirect.scatter.add.f32 [tilespmem:s15], [sflag:$0x3], $0x20, s29, s14, $0xb8;
	[tilespmem:$0x11000] =	vst v63  }
0x47: {  	_ =	swait.ge [sflag:s11], $0x1000  }
0x48: {  	[sflag:s11] =	ssyncset.done $0x0  }
0x49: {  	s30 =	sadd.s32 $0x100, s20;
	[sflag:s11] =	ssyncadd.s32 $0xFFFFF000  }
0x4a: {  	[tilespmem:s15], [sflag:$0x1] =	stream.indirect.gather [hbm4b:s4+s14], $0x20, s30, s14, $0xb8;
	[tilespmem:$0x11000] =	vst v63  }
0x4b: {  	_ =	swait.ge [sflag:s18], $0x1000  }
0x4c: {  	[sflag:s18] =	ssyncset.done $0x0  }
0x4d: {  	s31 =	sadd.s32 $0x2980, s20;
	[sflag:s18] =	ssyncadd.s32 $0xFFFFF000  }
0x4e: {  	[spmem:s2] =	stream.indirect.scatter.add.f32 [tilespmem:s16], [sflag:$0x3], $0x20, s31, s14, $0xb8;
	[tilespmem:$0x11000] =	vst v63  }
0x4f: {  	_ =	swait.ge [sflag:s11], $0x1000  }
0x50: {  	[sflag:s11] =	ssyncset.done $0x0  }
0x51: {  	[sflag:s11] =	ssyncadd.s32 $0xFFFFF000  }
0x52: {  	_ =	swait.ge [sflag:s17], $0x1000  }
0x53: {  	[sflag:s17] =	ssyncset.done $0x0  }
0x54: {  	[sflag:s17] =	ssyncadd.s32 $0xFFFFF000  }
0x55: {  	[bflag:$0x0] =	sbarrier.arrive $0xFFFF  }
0x56: {  	[tilespmem:s13], [sflag:$0x3] =	stream.linear.gather [spmem:s8], $0x4F00, $0x38;
	[tilespmem:$0x11000] =	vst v63  }
0x57: {  	s19 =	sadd.s32 $0x1, s19;
	_ =	swait.ge [sflag:s11], $0x4F00  }
0x58: {  	p0 =	sne.s32 s19, s10;
	[sflag:s11] =	ssyncset.done $0x0  }
.Ltmp1:
0x59: {  	[sflag:s11] =	ssyncadd.s32 $0xFFFFB100;
	(pc) =	sbr.rel @p0 .LBB2_1-.Ltmp1, $4  }
0x5a: {  	[hbm4b:s9+s3] =	stream.linear.scatter [tilespmem:s13], [sflag:$0x3], $0x4F00, $0x38;
	[tilespmem:$0x11000] =	vst v63  }
0x5b: {  	_ =	swait.ge [sflag:s11], $0x4F00  }
0x5c: {  	[sflag:s11] =	ssyncset.done $0x0  }
0x5d: {  	[sflag:s11] =	ssyncadd.s32 $0xFFFFB100  }
0x5e: {  	_ =	sfence.sel $0x180000  }
0x5f: {  	[bflag:$0x0] =	sbarrier.arrive $0xFFFF  }
0x60: {  	p0 =	sne.s32 s0, $0x0;
	_ =	strace $0x9000004D  }
0x61: {  	s0 =	sadd.s32 @!p0 $0x100000, s1;
	[bflag:$0x2] =	sbarrier.arrive $0xFFFF  }
0x62: {  	[sflag:s0] =	ssyncadd.tile.s32 @!p0 $0x1;
	_ =	shalt  }
.Lfunc_end2:
_tile_overlayer_lowered:
.L_overlay_start_2:
0x63: {  	(tag) =	ssettag $0x2  }
0x64: {  	s0 =	rddreg [dreg:$0x0];
	s2 =	stileid.u32  }
0x65: {  	s1 =	rddreg [dreg:$0x1];
	p0 =	sne.s32 s2, $0x0  }
0x66: {  	s3 =	rddreg [dreg:$0x2];
	[bflag:$0x3] =	sbarrier.arrive $0xFFFF;
	s2 =	simm.s32 @!p0 $0x1C03  }
0x67: {  	[timem:s3], [sflag:s2] =	dma.local @!p0 [hbm:s0], s1  }
0x68: {  	s0 =	simm.s32 @!p0 $0x3  }
0x69: {  	_ =	swait.ge @!p0 [sflag:s0], s1  }
0x6a: {  	s1 =	ssub.s32 @!p0 $0x0, s1;
	[sflag:s0] =	ssyncset.done @!p0 $0x0  }
0x6b: {  	[sflag:s0] =	ssyncadd.s32 @!p0 s1  }
0x6c: {  	[bflag:$0x3] =	sbarrier.arrive $0xFFFF  }
0x6d: {  	_ =	shalt  }

// kernel: kernel.26.cloned.1.call-start
scs
__scs_entry_jumppad:
0x0: {  	(pc) =	sbr.rel $0x88, $3  }
0x1: {  	(tag) =	ssettag $0x0;
	lr =	simm.s32 $0x1  }
0x2: {  	[smem:$0x3F8D] =	sst lr;
	_ =	strace $0xD0000000  }
0x3: {  	_ = 	snop  }
0x4: {  	_ = 	snop  }
0x5: {  	_ = 	snop  }
0x6: {  	_ = 	snop  }
0x7: {  	_ = 	snop  }
__scs_overlays_trampoline_lowered:
0x8: {  	[smem:$0x3F9C] =	sst s0  }
0x9: {  	[smem:$0x3F9D] =	sst s1  }
0xa: {  	[smem:$0x3F9E] =	sst s2  }
0xb: {  	[smem:$0x3F9F] =	sst s3  }
0xc: {  	[smem:$0x3FA0] =	sst s4  }
0xd: {  	[smem:$0x3FA1] =	sst s5  }
0xe: {  	[smem:$0x3FA2] =	sst s6  }
0xf: {  	[smem:$0x3FA3] =	sst s7  }
0x10: {  	[smem:$0x3FA4] =	sst s8  }
0x11: {  	[smem:$0x3FA5] =	sst s9;
	s0 =	simm.s32 @!p0 $0x0  }
0x12: {  	s1 =	sld [smem:$0x3F8B];
	s0 =	simm.s32 @p0 $0x1  }
0x13: {  	[smem:$0x3FA6] =	sst s0;
	s0 =	simm.s32 @!p1 $0x0  }
0x14: {  	s2 =	sld [smem:$0x3F8A];
	s0 =	simm.s32 @p1 $0x1  }
0x15: {  	[smem:$0x3FA7] =	sst s0;
	s0 =	simm.s32 @!p2 $0x0  }
0x16: {  	s3 =	sld [smem:$0x3FDB];
	s0 =	simm.s32 @p2 $0x1  }
0x17: {  	s4 =	simm.s32 $0x1BF5;
	[smem:$0x3FA9] =	sst s0  }
0x18: {  	s0 =	sld [smem:$0x3F8C];
	_ =	swait.ge [sflag:s4], $0x0  }
0x19: {  	s7 =	sld [smem:$0x3F8D]  }
0x1a: {  	s8 =	sadd.s32 $0xFFFFE003, lr  }
0x1b: {  	s9 =	sadd.s32 $0xFFFFFEF7, lr;
	s5 =	simm.s32 $0xFFFFFFFF;
	p2 =	slt.u32 s8, $0xFFFFF086  }
0x1c: {  	p1 =	slt.u32 s9, $0xF7A;
	s5 =	simm.s32 @!p2 $0x0  }
0x1d: {  	s5 =	simm.s32 @p1 $0x1;
	p0 =	seq.s32 s7, s2  }
0x1e: {  	s7 =	smul.u32 @!p0 $0xF7A, s2;
	p2 =	seq.s32 @!p0 s5, $0x0  }
0x1f: {  	s9 =	smul.u32 $0xF7A, s1;
	s8 =	simm.s32 @!p0 $0x1BF5;
	p2 =	por !p2, p0  }
0x20: {  	[sflag:s8] =	ssyncset.s32 @!p0 $0xFFFFF086;
	s6 =	sadd.s32 @!p0 s3, s7;
	s7 =	simm.s32 @!p0 $0x108  }
0x21: {  	s3 =	sadd.s32 s3, s9;
	s6 =	sadd.s32 @!p0 $0x88, s6;
	s7 =	simm.s32 @p2 $0x1082  }
0x22: {  	[simem:s7], [sflag:s8] =	dma.local @!p0 [hbm:s6], $0xF7A  }
0x23: {  	s9 =	sor.u32 $0xD0000000, s2;
	s6 =	simm.s32 $0x108;
	_ =	swait.ge @!p0 [sflag:s8], $0x0  }
0x24: {  	s3 =	sadd.s32 $0x88, s3;
	s6 =	simm.s32 @!p1 $0x1082;
	[sflag:s4] =	ssyncset.s32 $0xFFFFF086  }
0x25: {  	[simem:s6], [sflag:s4] =	dma.local [hbm:s3], $0xF7A  }
0x26: {  	[smem:$0x3F8D] =	sst s1;
	(tag) =	ssettag s2;
	_ =	strace s9  }
0x27: {  	s1 =	sld [smem:$0x3F9D]  }
0x28: {  	s2 =	sld [smem:$0x3F9E]  }
0x29: {  	s4 =	sld [smem:$0x3FA0]  }
0x2a: {  	p0 =	seq.s32 s5, $0x0;
	s5 =	sld [smem:$0x3FA1]  }
0x2b: {  	s6 =	sld [smem:$0x3FA2]  }
0x2c: {  	s7 =	sld [smem:$0x3FA3]  }
0x2d: {  	s3 =	simm.s32 $0x108;
	s8 =	sld [smem:$0x3FA4]  }
0x2e: {  	s3 =	simm.s32 @!p0 $0x1082;
	s9 =	sld [smem:$0x3FA5]  }
0x2f: {  	lr =	sadd.s32 s0, s3;
	s0 =	sld [smem:$0x3F9C]  }
0x30: {  	s3 =	sld [smem:$0x3F9F]  }
0x31: {  	[smem:$0x3FA8] =	sst s10  }
0x32: {  	s10 =	sld [smem:$0x3FA6];
	_ =	sdelay $0x3  }
0x33: {  	p0 =	seq.s32 s10, $0x1;
	s10 =	sld [smem:$0x3FA8];
	_ =	sdelay $0x3  }
0x34: {  	[smem:$0x3FA8] =	sst s10  }
0x35: {  	s10 =	sld [smem:$0x3FA7];
	_ =	sdelay $0x3  }
0x36: {  	p1 =	seq.s32 s10, $0x1;
	s10 =	sld [smem:$0x3FA8];
	_ =	sdelay $0x3  }
0x37: {  	[smem:$0x3FA8] =	sst s10  }
0x38: {  	s10 =	sld [smem:$0x3FA9]  }
0x39: {  	_ = 	snop;
	(pc) =	sbr.ind lr, $3  }
0x3a: {  	_ = 	snop  }
0x3b: {  	_ = 	snop  }
0x3c: {  	p2 =	seq.s32 s10, $0x1;
	s10 =	sld [smem:$0x3FA8]  }
0x3d: {  	_ =	shalt  }
0x3e: {  	_ =	shalt  }
0x3f: {  	_ =	shalt  }
0x40: {  	_ =	shalt  }
0x41: {  	_ =	shalt  }
0x42: {  	_ =	shalt  }
0x43: {  	_ =	shalt  }
0x44: {  	_ =	shalt  }
0x45: {  	_ =	shalt  }
0x46: {  	_ =	shalt  }
0x47: {  	_ =	shalt  }
0x48: {  	_ =	shalt  }
0x49: {  	_ =	shalt  }
0x4a: {  	_ =	shalt  }
0x4b: {  	_ =	shalt  }
0x4c: {  	_ =	shalt  }
0x4d: {  	_ =	shalt  }
0x4e: {  	_ =	shalt  }
0x4f: {  	_ =	shalt  }
0x50: {  	_ =	shalt  }
0x51: {  	_ =	shalt  }
0x52: {  	_ =	shalt  }
0x53: {  	_ =	shalt  }
0x54: {  	_ =	shalt  }
0x55: {  	_ =	shalt  }
0x56: {  	_ =	shalt  }
0x57: {  	_ =	shalt  }
0x58: {  	_ =	shalt  }
0x59: {  	_ =	shalt  }
0x5a: {  	_ =	shalt  }
0x5b: {  	_ =	shalt  }
0x5c: {  	_ =	shalt  }
0x5d: {  	_ =	shalt  }
0x5e: {  	_ =	shalt  }
0x5f: {  	_ =	shalt  }
0x60: {  	_ =	shalt  }
0x61: {  	_ =	shalt  }
0x62: {  	_ =	shalt  }
0x63: {  	_ =	shalt  }
0x64: {  	_ =	shalt  }
0x65: {  	_ =	shalt  }
0x66: {  	_ =	shalt  }
0x67: {  	_ =	shalt  }
0x68: {  	_ =	shalt  }
0x69: {  	_ =	shalt  }
0x6a: {  	_ =	shalt  }
0x6b: {  	_ =	shalt  }
0x6c: {  	_ =	shalt  }
0x6d: {  	_ =	shalt  }
0x6e: {  	_ =	shalt  }
0x6f: {  	_ =	shalt  }
0x70: {  	_ =	shalt  }
0x71: {  	_ =	shalt  }
0x72: {  	_ =	shalt  }
0x73: {  	_ =	shalt  }
0x74: {  	_ =	shalt  }
0x75: {  	_ =	shalt  }
0x76: {  	_ =	shalt  }
0x77: {  	_ =	shalt  }
0x78: {  	_ =	shalt  }
0x79: {  	_ =	shalt  }
0x7a: {  	_ =	shalt  }
0x7b: {  	_ =	shalt  }
0x7c: {  	_ =	shalt  }
0x7d: {  	_ =	shalt  }
0x7e: {  	_ =	shalt  }
0x7f: {  	_ =	shalt  }
0x80: {  	_ =	shalt  }
0x81: {  	_ =	shalt  }
0x82: {  	_ =	shalt  }
0x83: {  	_ =	shalt  }
0x84: {  	_ =	shalt  }
0x85: {  	_ =	shalt  }
0x86: {  	_ =	shalt  }
0x87: {  	_ =	shalt  }
.Lfunc_end0:
.L_simem_size_0:
called_computation.3_lowered:
.L_overlay_start_0:
0x88: {  	s2 =	sld [smem:$0x3FD9]  }
0x89: {  	s3 =	sld [smem:$0x3FFE];
	_ =	sdelay $0x1  }
0x8a: {  	s1 =	srdreg.scid  }
0x8b: {  	s0 =	sand.u32 $0x1, s1  }
0x8c: {  	s17 =	sshll.u32 s0, $0xA;
	s2 =	sadd.s32 s3, s2  }
0x8d: {  	s2 =	sadd.s32 s2, s17  }
0x8e: {  	[smem:$0x3FB4] =	sst s2  }
0x8f: {  	_ = 	snop  }
0x90: {  	s2 =	sld [smem:$0x3FD0];
	(tm) =	ssettm $0x1  }
0x91: {  	s18 =	sld [smem:$0x3FFB];
	_ =	sdelay $0x3  }
0x92: {  	_ =	strace s18  }
0x93: {  	s3 =	sld [smem:$0x3FFC];
	_ =	sdelay $0x3  }
0x94: {  	_ =	strace s3  }
0x95: {  	s3 =	sld [smem:$0x3FFD];
	_ =	sdelay $0x3  }
0x96: {  	_ =	strace s3  }
0x97: {  	_ =	strace $0x8FFFFFFF  }
0x98: {  	s19 =	sld [smem:$0x3FDB];
	_ =	sdelay $0x1  }
0x99: {  	s4 =	simm.s32 $_scs_section_size  }
0x9a: {  	s5 =	simm.s32 $_size__tile_overlayer_lowered;
	s6 =	simm.s32 $_tile_overlayer_lowered  }
0x9b: {  	s22 =	simm.s32 $0x1BFF;
	s21 =	sshll.u32 s6, $0x1;
	s3 =	sadd.s32 s4, s19  }
0x9c: {  	s7 =	simm.s32 $0x0;
	s20 =	sshll.u32 s5, $0x1;
	s5 =	sadd.s32 s21, s3  }
0x9d: {  	[timem:s7], [sflag:s22] =	dma.local [hbm:s5], s20  }
0x9e: {  	_ =	swait.ge [sflag:s22], s20  }
0x9f: {  	s4 =	ssub.s32 $0x0, s20;
	[sflag:s22] =	ssyncset.done $0x0  }
0xa0: {  	[sflag:s22] =	ssyncadd.s32 s4;
	_ =	sdelay $0x1  }
0xa1: {  	s23 =	simm.s32 $0x1B8B  }
0xa2: {  	_ =	swait.ge [sflag:s23], $0x1  }
0xa3: {  	[sflag:s23] =	ssyncset.done $0x0  }
0xa4: {  	s25 =	simm.s32 $0x1B8E;
	s24 =	sld [smem:$0x3FFE];
	[sflag:s23] =	ssyncadd.s32 $0xFFFFFFFF  }
0xa5: {  	s26 =	simm.s32 $execute0_lowered;
	[smem:$0x3FD2] =	sst s25  }
0xa6: {  	s5 =	sshll.u32 s26, $0x1;
	_ =	strace $0x8000004F;
	[dreg:$0x1] =	wrdreg $0xFFFFFFFF  }
0xa7: {  	s28 =	simm.s32 $_size_execute0_lowered;
	s3 =	sadd.s32 s3, s5;
	[dreg:$0x0] =	wrdreg $0x0  }
0xa8: {  	s5 =	sshll.u32 s28, $0x1;
	[dreg:$0x2] =	wrdreg s3  }
0xa9: {  	[dreg:$0x3] =	wrdreg s5  }
0xaa: {  	[dreg:$0x4] =	wrdreg $0xC0  }
0xab: {  	_ =	task [dreg:s7], $0x5FFFF  }
0xac: {  	[dreg:$0x1] =	wrdreg $0xFFFFFFFF  }
0xad: {  	[dreg:$0x0] =	wrdreg $0x60  }
0xae: {  	[dreg:$0x2] =	wrdreg s2  }
0xaf: {  	[dreg:$0x3] =	wrdreg s24  }
0xb0: {  	[dreg:$0x4] =	wrdreg $0x130000  }
0xb1: {  	[dreg:$0x5] =	wrdreg $0x9  }
0xb2: {  	_ =	task.clear_ibuf [dreg:s7], $0x6FFFF;
	_ =	strace $0x9000004F  }
0xb3: {  	s29 =	simm.s32 $0x9;
	_ =	strace $0x80000051  }
0xb4: {  	_ =	swait.ge [sflag:s29], $0x1  }
0xb5: {  	[sflag:s29] =	ssyncadd.s32 $0xFFFFFFFF  }
0xb6: {  	_ =	strace $0x90000051  }
0xb7: {  	_ =	sfence  }
0xb8: {  	s30 =	sld [smem:$0x0];
	_ =	sdelay $0x2  }
0xb9: {  	s31 =	sshll.u32 s1, $0xD;
	s1 =	sshrl.u32 s1, $0x2  }
0xba: {  	s3 =	sand.u32 $0x4000, s31;
	s1 =	sadd.s32 s1, s30  }
0xbb: {  	s0 =	sor.u32 s3, s0;
	s1 =	sshll.u32 s1, $0x11  }
0xbc: {  	s0 =	sor.u32 s1, s0  }
0xbd: {  	s0 =	sadd.s32 $0x8F2B, s0  }
0xbe: {  	[sflag:s0] =	ssyncadd.remote.s32 $0x1  }
0xbf: {  	_ =	sfence.sel $0xFFFF  }
0xc0: {  	[dreg:$0x0] =	wrdreg $0xFFFFFFFF;
	(pc) =	sbr.abs _section_cstart, $3  }
0xc1: {  	[dreg:$0x1] =	wrdreg $0xFFFFFFFF  }
0xc2: {  	_ =	task.clear_ibuf [dreg:s7], $0x2FFFF;
	_ =	strace $0x9FFFFFFF  }
0xc3: {  	(tm) =	ssettm $0x7FFFFFFF  }
tec
execute0_lowered:
.L_overlay_start_1:
0x0: {  	(tag) =	ssettag $0x1  }
0x1: {  	s1 =	rddreg [dreg:$0x0]  }
0x2: {  	s6 =	rddreg [dreg:$0x1]  }
0x3: {  	s3 =	rddreg [dreg:$0x2]  }
0x4: {  	s0 =	rddreg [dreg:$0x3]  }
0x5: {  	s4 =	srdreg.scid;
	s2 =	stileid.u32;
	s11 =	simm.s32 $0x3  }
0x6: {  	s12 =	simm.s32 $0x2900;
	s13 =	simm.s32 $0x9200;
	s14 =	simm.s32 $0x80  }
0x7: {  	s15 =	simm.s32 $0x5200;
	s16 =	simm.s32 $0x7200;
	s17 =	simm.s32 $0x1  }
0x8: {  	s18 =	simm.s32 $0x2;
	s19 =	simm.s32 $0x0;
	s5 =	sand.u32 $0x1, s4  }
0x9: {  	s7 =	sshll.u32 s2, $0x1;
	s8 =	smul.u32 $0x9E00, s2;
	s4 =	simm.s32 $0x0  }
0xa: {  	s7 =	sor.u32 s5, s7;
	s9 =	smul.u32 $0x9E000, s5;
	[smem:$0x7FF] =	sst s4  }
0xb: {  	s10 =	ssub.s32 $0x2, s5;
	s5 =	sadd.s32 $0x6C200, s6;
	s7 =	smul.u32 $0x520, s7  }
0xc: {  	_ =	strace $0x80000050;
	s31 =	sshrl.u32 s10, $0x1;
	s9 =	sadd.s32 s8, s9  }
0xd: {  	s10 =	ssub.s32 s10, s31;
	s8 =	sadd.s32 s8, s3;
	s9 =	sshrl.u32 s9, $0x3  }
0xe: {  	s7 =	sadd.s32 s7, s6;
	s10 =	smax.u32 s10, $0x1;
	s9 =	sadd.s32 s9, s6  }
0xf: {  	s6 =	sadd.s32 $0x12E00, s7;
	s7 =	sadd.s32 $0x8200, s7;
	s9 =	sadd.s32 $0x1D200, s9  }
.LBB2_1:
0x10: {  	[tilespmem:s4], [sflag:$0x3] =	stream.linear.gather [hbm4b:s6+s4], $0x2900, $0x38;
	[tilespmem:$0x1CE00] =	vst v63  }
0x11: {  	_ =	swait.ge [sflag:s11], $0x2900  }
0x12: {  	[sflag:s11] =	ssyncset.done $0x0  }
0x13: {  	[sflag:s11] =	ssyncadd.s32 $0xFFFFD700  }
0x14: {  	[tilespmem:s12], [sflag:$0x3] =	stream.linear.gather [hbm4b:s7+s4], $0x2900, $0x38;
	[tilespmem:$0x1CE00] =	vst v63  }
0x15: {  	_ =	swait.ge [sflag:s11], $0x2900  }
0x16: {  	[sflag:s11] =	ssyncset.done $0x0  }
0x17: {  	[sflag:s11] =	ssyncadd.s32 $0xFFFFD700  }
0x18: {  	[tilespmem:s13], [sflag:$0x3] =	stream.linear.gather [hbm4b:s5+s4], $0x9E00, $0x38;
	[tilespmem:$0x1CE00] =	vst v63  }
0x19: {  	_ =	swait.ge [sflag:s11], $0x9E00  }
0x1a: {  	[sflag:s11] =	ssyncset.done $0x0  }
0x1b: {  	[sflag:s11] =	ssyncadd.s32 $0xFFFF6200  }
0x1c: {  	[spmem:s8] =	stream.linear.scatter [tilespmem:s13], [sflag:$0x3], $0x9E00, $0x38;
	[tilespmem:$0x1CE00] =	vst v63  }
0x1d: {  	_ =	swait.ge [sflag:s11], $0x9E00  }
0x1e: {  	[sflag:s11] =	ssyncset.done $0x0  }
0x1f: {  	[sflag:s11] =	ssyncadd.s32 $0xFFFF6200  }
0x20: {  	[bflag:$0x0] =	sbarrier.arrive $0xFFFF  }
0x21: {  	[tilespmem:s15], [sflag:$0x1] =	stream.indirect.gather [hbm4b:s1+s14], $0x40, s4, s14, $0xb8;
	[tilespmem:$0x1CE00] =	vst v63  }
0x22: {  	s20 =	simm.s32 $0x80  }
0x23: {  	[tilespmem:s16], [sflag:$0x2] =	stream.indirect.gather [hbm4b:s1+s14], $0x40, s20, s14, $0xb8;
	[tilespmem:$0x1CE00] =	vst v63  }
0x24: {  	_ =	swait.ge [sflag:s17], $0x2000  }
0x25: {  	[sflag:s17] =	ssyncset.done $0x0  }
0x26: {  	s29 =	simm.s32 $0x2900;
	[sflag:s17] =	ssyncadd.s32 $0xFFFFE000  }
0x27: {  	[spmem:s3] =	stream.indirect.scatter.add.f32 [tilespmem:s15], [sflag:$0x3], $0x40, s29, s14, $0xb8;
	[tilespmem:$0x1CE00] =	vst v63  }
0x28: {  	_ =	swait.ge [sflag:s11], $0x2000  }
0x29: {  	[sflag:s11] =	ssyncset.done $0x0  }
0x2a: {  	s30 =	simm.s32 $0x100;
	[sflag:s11] =	ssyncadd.s32 $0xFFFFE000  }
0x2b: {  	[tilespmem:s15], [sflag:$0x1] =	stream.indirect.gather [hbm4b:s1+s14], $0x40, s30, s14, $0xb8;
	[tilespmem:$0x1CE00] =	vst v63  }
0x2c: {  	_ =	swait.ge [sflag:s18], $0x2000  }
0x2d: {  	[sflag:s18] =	ssyncset.done $0x0  }
0x2e: {  	s31 =	simm.s32 $0x2980;
	[sflag:s18] =	ssyncadd.s32 $0xFFFFE000  }
0x2f: {  	[spmem:s3] =	stream.indirect.scatter.add.f32 [tilespmem:s16], [sflag:$0x3], $0x40, s31, s14, $0xb8;
	[tilespmem:$0x1CE00] =	vst v63  }
0x30: {  	_ =	swait.ge [sflag:s11], $0x2000  }
0x31: {  	s21 =	simm.s32 $0x800;
	s20 =	simm.s32 $0x100;
	[sflag:s11] =	ssyncset.done $0x0  }
.LBB2_2:
0x32: {  	s22 =	sadd.s32 $0x80, s20  }
0x33: {  	[sflag:s11] =	ssyncadd.s32 $0xFFFFE000;
	s23 =	smov.u32 s21;
	s24 =	sadd.s32 $0x400, s21  }
0x34: {  	[tilespmem:s16], [sflag:$0x2] =	stream.indirect.gather [hbm4b:s1+s14], $0x40, s22, s14, $0xb8;
	[tilespmem:$0x1CE00] =	vst v63  }
0x35: {  	p0 =	sne.s32 s21, $0x9C00;
	_ =	swait.ge [sflag:s17], $0x2000  }
0x36: {  	[sflag:s17] =	ssyncset.done $0x0  }
0x37: {  	s21 =	sadd.s32 $0x2900, s20;
	[sflag:s17] =	ssyncadd.s32 $0xFFFFE000  }
0x38: {  	[spmem:s3] =	stream.indirect.scatter.add.f32 [tilespmem:s15], [sflag:$0x3], $0x40, s21, s14, $0xb8;
	[tilespmem:$0x1CE00] =	vst v63  }
0x39: {  	_ =	swait.ge [sflag:s11], $0x2000  }
0x3a: {  	[sflag:s11] =	ssyncset.done $0x0  }
0x3b: {  	s21 =	sadd.s32 $0x100, s20;
	[sflag:s11] =	ssyncadd.s32 $0xFFFFE000  }
0x3c: {  	[tilespmem:s15], [sflag:$0x1] =	stream.indirect.gather [hbm4b:s1+s14], $0x40, s21, s14, $0xb8;
	[tilespmem:$0x1CE00] =	vst v63  }
0x3d: {  	_ =	swait.ge [sflag:s18], $0x2000  }
.Ltmp0:
0x3e: {  	[sflag:s18] =	ssyncset.done $0x0;
	(pc) =	sbr.rel @p0 .LBB2_2-.Ltmp0, $4  }
0x3f: {  	s20 =	sadd.s32 $0x2980, s20;
	[sflag:s18] =	ssyncadd.s32 $0xFFFFE000  }
0x40: {  	[spmem:s3] =	stream.indirect.scatter.add.f32 [tilespmem:s16], [sflag:$0x3], $0x40, s20, s14, $0xb8;
	[tilespmem:$0x1CE00] =	vst v63  }
0x41: {  	_ =	swait.ge [sflag:s11], $0x2000  }
0x42: {  	s21 =	smov.u32 s24;
	s20 =	sshra.s32 s23, $0x2;
	[sflag:s11] =	ssyncset.done $0x0  }
0x43: {  	s21 =	sadd.s32 $0x80, s20;
	[sflag:s11] =	ssyncadd.s32 $0xFFFFE000  }
0x44: {  	[tilespmem:s16], [sflag:$0x2] =	stream.indirect.gather [hbm4b:s1+s14], $0x40, s21, s14, $0xb8;
	[tilespmem:$0x1CE00] =	vst v63  }
0x45: {  	_ =	swait.ge [sflag:s17], $0x2000  }
0x46: {  	[sflag:s17] =	ssyncset.done $0x0  }
0x47: {  	s29 =	sadd.s32 $0x2900, s20;
	[sflag:s17] =	ssyncadd.s32 $0xFFFFE000  }
0x48: {  	[spmem:s3] =	stream.indirect.scatter.add.f32 [tilespmem:s15], [sflag:$0x3], $0x40, s29, s14, $0xb8;
	[tilespmem:$0x1CE00] =	vst v63  }
0x49: {  	_ =	swait.ge [sflag:s11], $0x2000  }
0x4a: {  	[sflag:s11] =	ssyncset.done $0x0  }
0x4b: {  	s30 =	sadd.s32 $0x100, s20;
	[sflag:s11] =	ssyncadd.s32 $0xFFFFE000  }
0x4c: {  	[tilespmem:s15], [sflag:$0x1] =	stream.indirect.gather [hbm4b:s1+s14], $0x40, s30, s14, $0xb8;
	[tilespmem:$0x1CE00] =	vst v63  }
0x4d: {  	_ =	swait.ge [sflag:s18], $0x2000  }
0x4e: {  	[sflag:s18] =	ssyncset.done $0x0  }
0x4f: {  	s31 =	sadd.s32 $0x2980, s20;
	[sflag:s18] =	ssyncadd.s32 $0xFFFFE000  }
0x50: {  	[spmem:s3] =	stream.indirect.scatter.add.f32 [tilespmem:s16], [sflag:$0x3], $0x40, s31, s14, $0xb8;
	[tilespmem:$0x1CE00] =	vst v63  }
0x51: {  	_ =	swait.ge [sflag:s11], $0x2000  }
0x52: {  	[sflag:s11] =	ssyncset.done $0x0  }
0x53: {  	[sflag:s11] =	ssyncadd.s32 $0xFFFFE000  }
0x54: {  	_ =	swait.ge [sflag:s17], $0x2000  }
0x55: {  	[sflag:s17] =	ssyncset.done $0x0  }
0x56: {  	[sflag:s17] =	ssyncadd.s32 $0xFFFFE000  }
0x57: {  	[bflag:$0x0] =	sbarrier.arrive $0xFFFF  }
0x58: {  	[tilespmem:s13], [sflag:$0x3] =	stream.linear.gather [spmem:s8], $0x9E00, $0x38;
	[tilespmem:$0x1CE00] =	vst v63  }
0x59: {  	s19 =	sadd.s32 $0x1, s19;
	_ =	swait.ge [sflag:s11], $0x9E00  }
0x5a: {  	p0 =	sne.s32 s19, s10;
	[sflag:s11] =	ssyncset.done $0x0  }
.Ltmp1:
0x5b: {  	[sflag:s11] =	ssyncadd.s32 $0xFFFF6200;
	(pc) =	sbr.rel @p0 .LBB2_1-.Ltmp1, $4  }
0x5c: {  	[hbm4b:s9+s4] =	stream.linear.scatter [tilespmem:s13], [sflag:$0x3], $0x9E00, $0x38;
	[tilespmem:$0x1CE00] =	vst v63  }
0x5d: {  	_ =	swait.ge [sflag:s11], $0x9E00  }
0x5e: {  	[sflag:s11] =	ssyncset.done $0x0  }
0x5f: {  	[sflag:s11] =	ssyncadd.s32 $0xFFFF6200  }
0x60: {  	_ =	sfence.sel $0x180000  }
0x61: {  	[bflag:$0x0] =	sbarrier.arrive $0xFFFF  }
0x62: {  	p0 =	sne.s32 s2, $0x0;
	_ =	strace $0x90000050  }
0x63: {  	s0 =	sadd.s32 @!p0 $0x100000, s0;
	[bflag:$0x2] =	sbarrier.arrive $0xFFFF  }
0x64: {  	[sflag:s0] =	ssyncadd.tile.s32 @!p0 $0x1;
	_ =	shalt  }
.Lfunc_end2:
_tile_overlayer_lowered:
.L_overlay_start_2:
0x65: {  	(tag) =	ssettag $0x2  }
0x66: {  	s0 =	rddreg [dreg:$0x0];
	s2 =	stileid.u32  }
0x67: {  	s1 =	rddreg [dreg:$0x1];
	p0 =	sne.s32 s2, $0x0  }
0x68: {  	s3 =	rddreg [dreg:$0x2];
	[bflag:$0x3] =	sbarrier.arrive $0xFFFF;
	s2 =	simm.s32 @!p0 $0x1C03  }
0x69: {  	[timem:s3], [sflag:s2] =	dma.local @!p0 [hbm:s0], s1  }
0x6a: {  	s0 =	simm.s32 @!p0 $0x3  }
0x6b: {  	_ =	swait.ge @!p0 [sflag:s0], s1  }
0x6c: {  	s1 =	ssub.s32 @!p0 $0x0, s1;
	[sflag:s0] =	ssyncset.done @!p0 $0x0  }
0x6d: {  	[sflag:s0] =	ssyncadd.s32 @!p0 s1  }
0x6e: {  	[bflag:$0x3] =	sbarrier.arrive $0xFFFF  }
0x6f: {  	_ =	shalt  }

// kernel: kernel.29.cloned.1.call-start
scs
__scs_entry_jumppad:
0x0: {  	(pc) =	sbr.rel $0x88, $3  }
0x1: {  	(tag) =	ssettag $0x0;
	lr =	simm.s32 $0x1  }
0x2: {  	[smem:$0x3F8D] =	sst lr;
	_ =	strace $0xD0000000  }
0x3: {  	_ = 	snop  }
0x4: {  	_ = 	snop  }
0x5: {  	_ = 	snop  }
0x6: {  	_ = 	snop  }
0x7: {  	_ = 	snop  }
__scs_overlays_trampoline_lowered:
0x8: {  	[smem:$0x3F9C] =	sst s0  }
0x9: {  	[smem:$0x3F9D] =	sst s1  }
0xa: {  	[smem:$0x3F9E] =	sst s2  }
0xb: {  	[smem:$0x3F9F] =	sst s3  }
0xc: {  	[smem:$0x3FA0] =	sst s4  }
0xd: {  	[smem:$0x3FA1] =	sst s5  }
0xe: {  	[smem:$0x3FA2] =	sst s6  }
0xf: {  	[smem:$0x3FA3] =	sst s7  }
0x10: {  	[smem:$0x3FA4] =	sst s8  }
0x11: {  	[smem:$0x3FA5] =	sst s9;
	s0 =	simm.s32 @!p0 $0x0  }
0x12: {  	s1 =	sld [smem:$0x3F8B];
	s0 =	simm.s32 @p0 $0x1  }
0x13: {  	[smem:$0x3FA6] =	sst s0;
	s0 =	simm.s32 @!p1 $0x0  }
0x14: {  	s2 =	sld [smem:$0x3F8A];
	s0 =	simm.s32 @p1 $0x1  }
0x15: {  	[smem:$0x3FA7] =	sst s0;
	s0 =	simm.s32 @!p2 $0x0  }
0x16: {  	s3 =	sld [smem:$0x3FDB];
	s0 =	simm.s32 @p2 $0x1  }
0x17: {  	s4 =	simm.s32 $0x1BF5;
	[smem:$0x3FA9] =	sst s0  }
0x18: {  	s0 =	sld [smem:$0x3F8C];
	_ =	swait.ge [sflag:s4], $0x0  }
0x19: {  	s7 =	sld [smem:$0x3F8D]  }
0x1a: {  	s8 =	sadd.s32 $0xFFFFE003, lr  }
0x1b: {  	s9 =	sadd.s32 $0xFFFFFEF7, lr;
	s5 =	simm.s32 $0xFFFFFFFF;
	p2 =	slt.u32 s8, $0xFFFFF086  }
0x1c: {  	p1 =	slt.u32 s9, $0xF7A;
	s5 =	simm.s32 @!p2 $0x0  }
0x1d: {  	s5 =	simm.s32 @p1 $0x1;
	p0 =	seq.s32 s7, s2  }
0x1e: {  	s7 =	smul.u32 @!p0 $0xF7A, s2;
	p2 =	seq.s32 @!p0 s5, $0x0  }
0x1f: {  	s9 =	smul.u32 $0xF7A, s1;
	s8 =	simm.s32 @!p0 $0x1BF5;
	p2 =	por !p2, p0  }
0x20: {  	[sflag:s8] =	ssyncset.s32 @!p0 $0xFFFFF086;
	s6 =	sadd.s32 @!p0 s3, s7;
	s7 =	simm.s32 @!p0 $0x108  }
0x21: {  	s3 =	sadd.s32 s3, s9;
	s6 =	sadd.s32 @!p0 $0x88, s6;
	s7 =	simm.s32 @p2 $0x1082  }
0x22: {  	[simem:s7], [sflag:s8] =	dma.local @!p0 [hbm:s6], $0xF7A  }
0x23: {  	s9 =	sor.u32 $0xD0000000, s2;
	s6 =	simm.s32 $0x108;
	_ =	swait.ge @!p0 [sflag:s8], $0x0  }
0x24: {  	s3 =	sadd.s32 $0x88, s3;
	s6 =	simm.s32 @!p1 $0x1082;
	[sflag:s4] =	ssyncset.s32 $0xFFFFF086  }
0x25: {  	[simem:s6], [sflag:s4] =	dma.local [hbm:s3], $0xF7A  }
0x26: {  	[smem:$0x3F8D] =	sst s1;
	(tag) =	ssettag s2;
	_ =	strace s9  }
0x27: {  	s1 =	sld [smem:$0x3F9D]  }
0x28: {  	s2 =	sld [smem:$0x3F9E]  }
0x29: {  	s4 =	sld [smem:$0x3FA0]  }
0x2a: {  	p0 =	seq.s32 s5, $0x0;
	s5 =	sld [smem:$0x3FA1]  }
0x2b: {  	s6 =	sld [smem:$0x3FA2]  }
0x2c: {  	s7 =	sld [smem:$0x3FA3]  }
0x2d: {  	s3 =	simm.s32 $0x108;
	s8 =	sld [smem:$0x3FA4]  }
0x2e: {  	s3 =	simm.s32 @!p0 $0x1082;
	s9 =	sld [smem:$0x3FA5]  }
0x2f: {  	lr =	sadd.s32 s0, s3;
	s0 =	sld [smem:$0x3F9C]  }
0x30: {  	s3 =	sld [smem:$0x3F9F]  }
0x31: {  	[smem:$0x3FA8] =	sst s10  }
0x32: {  	s10 =	sld [smem:$0x3FA6];
	_ =	sdelay $0x3  }
0x33: {  	p0 =	seq.s32 s10, $0x1;
	s10 =	sld [smem:$0x3FA8];
	_ =	sdelay $0x3  }
0x34: {  	[smem:$0x3FA8] =	sst s10  }
0x35: {  	s10 =	sld [smem:$0x3FA7];
	_ =	sdelay $0x3  }
0x36: {  	p1 =	seq.s32 s10, $0x1;
	s10 =	sld [smem:$0x3FA8];
	_ =	sdelay $0x3  }
0x37: {  	[smem:$0x3FA8] =	sst s10  }
0x38: {  	s10 =	sld [smem:$0x3FA9]  }
0x39: {  	_ = 	snop;
	(pc) =	sbr.ind lr, $3  }
0x3a: {  	_ = 	snop  }
0x3b: {  	_ = 	snop  }
0x3c: {  	p2 =	seq.s32 s10, $0x1;
	s10 =	sld [smem:$0x3FA8]  }
0x3d: {  	_ =	shalt  }
0x3e: {  	_ =	shalt  }
0x3f: {  	_ =	shalt  }
0x40: {  	_ =	shalt  }
0x41: {  	_ =	shalt  }
0x42: {  	_ =	shalt  }
0x43: {  	_ =	shalt  }
0x44: {  	_ =	shalt  }
0x45: {  	_ =	shalt  }
0x46: {  	_ =	shalt  }
0x47: {  	_ =	shalt  }
0x48: {  	_ =	shalt  }
0x49: {  	_ =	shalt  }
0x4a: {  	_ =	shalt  }
0x4b: {  	_ =	shalt  }
0x4c: {  	_ =	shalt  }
0x4d: {  	_ =	shalt  }
0x4e: {  	_ =	shalt  }
0x4f: {  	_ =	shalt  }
0x50: {  	_ =	shalt  }
0x51: {  	_ =	shalt  }
0x52: {  	_ =	shalt  }
0x53: {  	_ =	shalt  }
0x54: {  	_ =	shalt  }
0x55: {  	_ =	shalt  }
0x56: {  	_ =	shalt  }
0x57: {  	_ =	shalt  }
0x58: {  	_ =	shalt  }
0x59: {  	_ =	shalt  }
0x5a: {  	_ =	shalt  }
0x5b: {  	_ =	shalt  }
0x5c: {  	_ =	shalt  }
0x5d: {  	_ =	shalt  }
0x5e: {  	_ =	shalt  }
0x5f: {  	_ =	shalt  }
0x60: {  	_ =	shalt  }
0x61: {  	_ =	shalt  }
0x62: {  	_ =	shalt  }
0x63: {  	_ =	shalt  }
0x64: {  	_ =	shalt  }
0x65: {  	_ =	shalt  }
0x66: {  	_ =	shalt  }
0x67: {  	_ =	shalt  }
0x68: {  	_ =	shalt  }
0x69: {  	_ =	shalt  }
0x6a: {  	_ =	shalt  }
0x6b: {  	_ =	shalt  }
0x6c: {  	_ =	shalt  }
0x6d: {  	_ =	shalt  }
0x6e: {  	_ =	shalt  }
0x6f: {  	_ =	shalt  }
0x70: {  	_ =	shalt  }
0x71: {  	_ =	shalt  }
0x72: {  	_ =	shalt  }
0x73: {  	_ =	shalt  }
0x74: {  	_ =	shalt  }
0x75: {  	_ =	shalt  }
0x76: {  	_ =	shalt  }
0x77: {  	_ =	shalt  }
0x78: {  	_ =	shalt  }
0x79: {  	_ =	shalt  }
0x7a: {  	_ =	shalt  }
0x7b: {  	_ =	shalt  }
0x7c: {  	_ =	shalt  }
0x7d: {  	_ =	shalt  }
0x7e: {  	_ =	shalt  }
0x7f: {  	_ =	shalt  }
0x80: {  	_ =	shalt  }
0x81: {  	_ =	shalt  }
0x82: {  	_ =	shalt  }
0x83: {  	_ =	shalt  }
0x84: {  	_ =	shalt  }
0x85: {  	_ =	shalt  }
0x86: {  	_ =	shalt  }
0x87: {  	_ =	shalt  }
.Lfunc_end0:
.L_simem_size_0:
called_computation.4_lowered:
.L_overlay_start_0:
0x88: {  	s2 =	sld [smem:$0x3FD9]  }
0x89: {  	s3 =	sld [smem:$0x3FFE];
	_ =	sdelay $0x1  }
0x8a: {  	s1 =	srdreg.scid  }
0x8b: {  	s0 =	sand.u32 $0x1, s1  }
0x8c: {  	s17 =	sshll.u32 s0, $0xA;
	s2 =	sadd.s32 s3, s2  }
0x8d: {  	s2 =	sadd.s32 s2, s17  }
0x8e: {  	[smem:$0x3FB4] =	sst s2  }
0x8f: {  	_ = 	snop  }
0x90: {  	s2 =	sld [smem:$0x3FD0];
	(tm) =	ssettm $0x1  }
0x91: {  	s18 =	sld [smem:$0x3FFB];
	_ =	sdelay $0x3  }
0x92: {  	_ =	strace s18  }
0x93: {  	s3 =	sld [smem:$0x3FFC];
	_ =	sdelay $0x3  }
0x94: {  	_ =	strace s3  }
0x95: {  	s3 =	sld [smem:$0x3FFD];
	_ =	sdelay $0x3  }
0x96: {  	_ =	strace s3  }
0x97: {  	_ =	strace $0x8FFFFFFF  }
0x98: {  	s19 =	sld [smem:$0x3FDB];
	_ =	sdelay $0x1  }
0x99: {  	s4 =	simm.s32 $_scs_section_size  }
0x9a: {  	s5 =	simm.s32 $_size__tile_overlayer_lowered;
	s6 =	simm.s32 $_tile_overlayer_lowered  }
0x9b: {  	s22 =	simm.s32 $0x1BFF;
	s21 =	sshll.u32 s6, $0x1;
	s3 =	sadd.s32 s4, s19  }
0x9c: {  	s7 =	simm.s32 $0x0;
	s20 =	sshll.u32 s5, $0x1;
	s5 =	sadd.s32 s21, s3  }
0x9d: {  	[timem:s7], [sflag:s22] =	dma.local [hbm:s5], s20  }
0x9e: {  	_ =	swait.ge [sflag:s22], s20  }
0x9f: {  	s4 =	ssub.s32 $0x0, s20;
	[sflag:s22] =	ssyncset.done $0x0  }
0xa0: {  	[sflag:s22] =	ssyncadd.s32 s4;
	_ =	sdelay $0x1  }
0xa1: {  	s23 =	simm.s32 $0x1B8B  }
0xa2: {  	_ =	swait.ge [sflag:s23], $0x1  }
0xa3: {  	[sflag:s23] =	ssyncset.done $0x0  }
0xa4: {  	s25 =	simm.s32 $0x1B8E;
	s24 =	sld [smem:$0x3FFE];
	[sflag:s23] =	ssyncadd.s32 $0xFFFFFFFF  }
0xa5: {  	s26 =	simm.s32 $execute0_lowered;
	[smem:$0x3FD2] =	sst s25  }
0xa6: {  	s5 =	sshll.u32 s26, $0x1;
	_ =	strace $0x80000052;
	[dreg:$0x1] =	wrdreg $0xFFFFFFFF  }
0xa7: {  	s28 =	simm.s32 $_size_execute0_lowered;
	s3 =	sadd.s32 s3, s5;
	[dreg:$0x0] =	wrdreg $0x0  }
0xa8: {  	s5 =	sshll.u32 s28, $0x1;
	[dreg:$0x2] =	wrdreg s3  }
0xa9: {  	[dreg:$0x3] =	wrdreg s5  }
0xaa: {  	[dreg:$0x4] =	wrdreg $0xC0  }
0xab: {  	_ =	task [dreg:s7], $0x5FFFF  }
0xac: {  	[dreg:$0x1] =	wrdreg $0xFFFFFFFF  }
0xad: {  	[dreg:$0x0] =	wrdreg $0x60  }
0xae: {  	[dreg:$0x2] =	wrdreg s24  }
0xaf: {  	[dreg:$0x3] =	wrdreg s2  }
0xb0: {  	[dreg:$0x4] =	wrdreg $0xC1000  }
0xb1: {  	[dreg:$0x5] =	wrdreg $0x9  }
0xb2: {  	_ =	task.clear_ibuf [dreg:s7], $0x6FFFF;
	_ =	strace $0x90000052  }
0xb3: {  	s29 =	simm.s32 $0x9;
	_ =	strace $0x80000054  }
0xb4: {  	_ =	swait.ge [sflag:s29], $0x1  }
0xb5: {  	[sflag:s29] =	ssyncadd.s32 $0xFFFFFFFF  }
0xb6: {  	_ =	strace $0x90000054  }
0xb7: {  	_ =	sfence  }
0xb8: {  	s30 =	sld [smem:$0x0];
	_ =	sdelay $0x2  }
0xb9: {  	s31 =	sshll.u32 s1, $0xD;
	s1 =	sshrl.u32 s1, $0x2  }
0xba: {  	s3 =	sand.u32 $0x4000, s31;
	s1 =	sadd.s32 s1, s30  }
0xbb: {  	s0 =	sor.u32 s3, s0;
	s1 =	sshll.u32 s1, $0x11  }
0xbc: {  	s0 =	sor.u32 s1, s0  }
0xbd: {  	s0 =	sadd.s32 $0x8F2B, s0  }
0xbe: {  	[sflag:s0] =	ssyncadd.remote.s32 $0x1  }
0xbf: {  	_ =	sfence.sel $0xFFFF  }
0xc0: {  	[dreg:$0x0] =	wrdreg $0xFFFFFFFF;
	(pc) =	sbr.abs _section_cstart, $3  }
0xc1: {  	[dreg:$0x1] =	wrdreg $0xFFFFFFFF  }
0xc2: {  	_ =	task.clear_ibuf [dreg:s7], $0x2FFFF;
	_ =	strace $0x9FFFFFFF  }
0xc3: {  	(tm) =	ssettm $0x7FFFFFFF  }
tec
execute0_lowered:
.L_overlay_start_1:
0x0: {  	(tag) =	ssettag $0x1  }
0x1: {  	s5 =	rddreg [dreg:$0x0];
	s1 =	srdreg.scid  }
0x2: {  	s0 =	stileid.u32;
	s9 =	rddreg [dreg:$0x1]  }
0x3: {  	s2 =	rddreg [dreg:$0x2];
	s3 =	simm.s32 $0x0;
	s13 =	simm.s32 $0x7200  }
0x4: {  	s14 =	simm.s32 $0x80;
	s15 =	simm.s32 $0x5200;
	s16 =	simm.s32 $0x6200  }
0x5: {  	s17 =	simm.s32 $0x1;
	s18 =	simm.s32 $0x2;
	s19 =	simm.s32 $0x0  }
0x6: {  	s4 =	sand.u32 $0x1, s1;
	s30 =	sshll.u32 s0, $0x1;
	s1 =	rddreg [dreg:$0x3]  }
0x7: {  	[smem:$0x7FF] =	sst s3;
	s8 =	smul.u32 $0x4F00, s0;
	s6 =	sor.u32 s4, s30  }
0x8: {  	_ =	strace $0x80000053;
	s7 =	ssub.s32 $0x2, s4;
	s10 =	smul.u32 $0x4F000, s4  }
0x9: {  	s4 =	sadd.s32 $0x6D600, s5;
	s6 =	smul.u32 $0x520, s6;
	s31 =	sshrl.u32 s7, $0x1  }
0xa: {  	s12 =	ssub.s32 s7, s31;
	s10 =	sadd.s32 s8, s10;
	s8 =	sadd.s32 s8, s2  }
0xb: {  	s11 =	sadd.s32 s6, s5;
	s5 =	sadd.s32 $0x9EC00, s5;
	s10 =	sshrl.u32 s10, $0x3  }
0xc: {  	s6 =	sadd.s32 $0x12E00, s11;
	s7 =	sadd.s32 $0x8200, s11;
	s9 =	sadd.s32 s9, s10  }
0xd: {  	s10 =	smax.u32 s12, $0x1;
	s11 =	simm.s32 $0x3;
	s12 =	simm.s32 $0x2900  }
.LBB2_1:
0xe: {  	[tilespmem:s3], [sflag:$0x3] =	stream.linear.gather [hbm4b:s6+s3], $0x2900, $0x38;
	[tilespmem:$0x11000] =	vst v63  }
0xf: {  	_ =	swait.ge [sflag:s11], $0x2900  }
0x10: {  	[sflag:s11] =	ssyncset.done $0x0  }
0x11: {  	[sflag:s11] =	ssyncadd.s32 $0xFFFFD700  }
0x12: {  	[tilespmem:s12], [sflag:$0x3] =	stream.linear.gather [hbm4b:s7+s3], $0x2900, $0x38;
	[tilespmem:$0x11000] =	vst v63  }
0x13: {  	_ =	swait.ge [sflag:s11], $0x2900  }
0x14: {  	[sflag:s11] =	ssyncset.done $0x0  }
0x15: {  	[sflag:s11] =	ssyncadd.s32 $0xFFFFD700  }
0x16: {  	[tilespmem:s13], [sflag:$0x3] =	stream.linear.gather [hbm4b:s5+s3], $0x4F00, $0x38;
	[tilespmem:$0x11000] =	vst v63  }
0x17: {  	_ =	swait.ge [sflag:s11], $0x4F00  }
0x18: {  	[sflag:s11] =	ssyncset.done $0x0  }
0x19: {  	[sflag:s11] =	ssyncadd.s32 $0xFFFFB100  }
0x1a: {  	[spmem:s8] =	stream.linear.scatter [tilespmem:s13], [sflag:$0x3], $0x4F00, $0x38;
	[tilespmem:$0x11000] =	vst v63  }
0x1b: {  	_ =	swait.ge [sflag:s11], $0x4F00  }
0x1c: {  	[sflag:s11] =	ssyncset.done $0x0  }
0x1d: {  	[sflag:s11] =	ssyncadd.s32 $0xFFFFB100  }
0x1e: {  	[bflag:$0x0] =	sbarrier.arrive $0xFFFF  }
0x1f: {  	[tilespmem:s15], [sflag:$0x1] =	stream.indirect.gather [hbm4b:s4+s14], $0x20, s3, s14, $0xb8;
	[tilespmem:$0x11000] =	vst v63  }
0x20: {  	s20 =	simm.s32 $0x80  }
0x21: {  	[tilespmem:s16], [sflag:$0x2] =	stream.indirect.gather [hbm4b:s4+s14], $0x20, s20, s14, $0xb8;
	[tilespmem:$0x11000] =	vst v63  }
0x22: {  	_ =	swait.ge [sflag:s17], $0x1000  }
0x23: {  	[sflag:s17] =	ssyncset.done $0x0  }
0x24: {  	s29 =	simm.s32 $0x2900;
	[sflag:s17] =	ssyncadd.s32 $0xFFFFF000  }
0x25: {  	[spmem:s2] =	stream.indirect.scatter.add.f32 [tilespmem:s15], [sflag:$0x3], $0x20, s29, s14, $0xb8;
	[tilespmem:$0x11000] =	vst v63  }
0x26: {  	_ =	swait.ge [sflag:s11], $0x1000  }
0x27: {  	[sflag:s11] =	ssyncset.done $0x0  }
0x28: {  	s30 =	simm.s32 $0x100;
	[sflag:s11] =	ssyncadd.s32 $0xFFFFF000  }
0x29: {  	[tilespmem:s15], [sflag:$0x1] =	stream.indirect.gather [hbm4b:s4+s14], $0x20, s30, s14, $0xb8;
	[tilespmem:$0x11000] =	vst v63  }
0x2a: {  	_ =	swait.ge [sflag:s18], $0x1000  }
0x2b: {  	[sflag:s18] =	ssyncset.done $0x0  }
0x2c: {  	s31 =	simm.s32 $0x2980;
	[sflag:s18] =	ssyncadd.s32 $0xFFFFF000  }
0x2d: {  	[spmem:s2] =	stream.indirect.scatter.add.f32 [tilespmem:s16], [sflag:$0x3], $0x20, s31, s14, $0xb8;
	[tilespmem:$0x11000] =	vst v63  }
0x2e: {  	_ =	swait.ge [sflag:s11], $0x1000  }
0x2f: {  	s21 =	simm.s32 $0x800;
	s20 =	simm.s32 $0x100;
	[sflag:s11] =	ssyncset.done $0x0  }
.LBB2_2:
0x30: {  	s22 =	sadd.s32 $0x80, s20  }
0x31: {  	[sflag:s11] =	ssyncadd.s32 $0xFFFFF000;
	s23 =	smov.u32 s21;
	s24 =	sadd.s32 $0x400, s21  }
0x32: {  	[tilespmem:s16], [sflag:$0x2] =	stream.indirect.gather [hbm4b:s4+s14], $0x20, s22, s14, $0xb8;
	[tilespmem:$0x11000] =	vst v63  }
0x33: {  	p0 =	sne.s32 s21, $0x9C00;
	_ =	swait.ge [sflag:s17], $0x1000  }
0x34: {  	[sflag:s17] =	ssyncset.done $0x0  }
0x35: {  	s21 =	sadd.s32 $0x2900, s20;
	[sflag:s17] =	ssyncadd.s32 $0xFFFFF000  }
0x36: {  	[spmem:s2] =	stream.indirect.scatter.add.f32 [tilespmem:s15], [sflag:$0x3], $0x20, s21, s14, $0xb8;
	[tilespmem:$0x11000] =	vst v63  }
0x37: {  	_ =	swait.ge [sflag:s11], $0x1000  }
0x38: {  	[sflag:s11] =	ssyncset.done $0x0  }
0x39: {  	s21 =	sadd.s32 $0x100, s20;
	[sflag:s11] =	ssyncadd.s32 $0xFFFFF000  }
0x3a: {  	[tilespmem:s15], [sflag:$0x1] =	stream.indirect.gather [hbm4b:s4+s14], $0x20, s21, s14, $0xb8;
	[tilespmem:$0x11000] =	vst v63  }
0x3b: {  	_ =	swait.ge [sflag:s18], $0x1000  }
.Ltmp0:
0x3c: {  	[sflag:s18] =	ssyncset.done $0x0;
	(pc) =	sbr.rel @p0 .LBB2_2-.Ltmp0, $4  }
0x3d: {  	s20 =	sadd.s32 $0x2980, s20;
	[sflag:s18] =	ssyncadd.s32 $0xFFFFF000  }
0x3e: {  	[spmem:s2] =	stream.indirect.scatter.add.f32 [tilespmem:s16], [sflag:$0x3], $0x20, s20, s14, $0xb8;
	[tilespmem:$0x11000] =	vst v63  }
0x3f: {  	_ =	swait.ge [sflag:s11], $0x1000  }
0x40: {  	s21 =	smov.u32 s24;
	s20 =	sshra.s32 s23, $0x2;
	[sflag:s11] =	ssyncset.done $0x0  }
0x41: {  	s21 =	sadd.s32 $0x80, s20;
	[sflag:s11] =	ssyncadd.s32 $0xFFFFF000  }
0x42: {  	[tilespmem:s16], [sflag:$0x2] =	stream.indirect.gather [hbm4b:s4+s14], $0x20, s21, s14, $0xb8;
	[tilespmem:$0x11000] =	vst v63  }
0x43: {  	_ =	swait.ge [sflag:s17], $0x1000  }
0x44: {  	[sflag:s17] =	ssyncset.done $0x0  }
0x45: {  	s29 =	sadd.s32 $0x2900, s20;
	[sflag:s17] =	ssyncadd.s32 $0xFFFFF000  }
0x46: {  	[spmem:s2] =	stream.indirect.scatter.add.f32 [tilespmem:s15], [sflag:$0x3], $0x20, s29, s14, $0xb8;
	[tilespmem:$0x11000] =	vst v63  }
0x47: {  	_ =	swait.ge [sflag:s11], $0x1000  }
0x48: {  	[sflag:s11] =	ssyncset.done $0x0  }
0x49: {  	s30 =	sadd.s32 $0x100, s20;
	[sflag:s11] =	ssyncadd.s32 $0xFFFFF000  }
0x4a: {  	[tilespmem:s15], [sflag:$0x1] =	stream.indirect.gather [hbm4b:s4+s14], $0x20, s30, s14, $0xb8;
	[tilespmem:$0x11000] =	vst v63  }
0x4b: {  	_ =	swait.ge [sflag:s18], $0x1000  }
0x4c: {  	[sflag:s18] =	ssyncset.done $0x0  }
0x4d: {  	s31 =	sadd.s32 $0x2980, s20;
	[sflag:s18] =	ssyncadd.s32 $0xFFFFF000  }
0x4e: {  	[spmem:s2] =	stream.indirect.scatter.add.f32 [tilespmem:s16], [sflag:$0x3], $0x20, s31, s14, $0xb8;
	[tilespmem:$0x11000] =	vst v63  }
0x4f: {  	_ =	swait.ge [sflag:s11], $0x1000  }
0x50: {  	[sflag:s11] =	ssyncset.done $0x0  }
0x51: {  	[sflag:s11] =	ssyncadd.s32 $0xFFFFF000  }
0x52: {  	_ =	swait.ge [sflag:s17], $0x1000  }
0x53: {  	[sflag:s17] =	ssyncset.done $0x0  }
0x54: {  	[sflag:s17] =	ssyncadd.s32 $0xFFFFF000  }
0x55: {  	[bflag:$0x0] =	sbarrier.arrive $0xFFFF  }
0x56: {  	[tilespmem:s13], [sflag:$0x3] =	stream.linear.gather [spmem:s8], $0x4F00, $0x38;
	[tilespmem:$0x11000] =	vst v63  }
0x57: {  	s19 =	sadd.s32 $0x1, s19;
	_ =	swait.ge [sflag:s11], $0x4F00  }
0x58: {  	p0 =	sne.s32 s19, s10;
	[sflag:s11] =	ssyncset.done $0x0  }
.Ltmp1:
0x59: {  	[sflag:s11] =	ssyncadd.s32 $0xFFFFB100;
	(pc) =	sbr.rel @p0 .LBB2_1-.Ltmp1, $4  }
0x5a: {  	[hbm4b:s9+s3] =	stream.linear.scatter [tilespmem:s13], [sflag:$0x3], $0x4F00, $0x38;
	[tilespmem:$0x11000] =	vst v63  }
0x5b: {  	_ =	swait.ge [sflag:s11], $0x4F00  }
0x5c: {  	[sflag:s11] =	ssyncset.done $0x0  }
0x5d: {  	[sflag:s11] =	ssyncadd.s32 $0xFFFFB100  }
0x5e: {  	_ =	sfence.sel $0x180000  }
0x5f: {  	[bflag:$0x0] =	sbarrier.arrive $0xFFFF  }
0x60: {  	p0 =	sne.s32 s0, $0x0;
	_ =	strace $0x90000053  }
0x61: {  	s0 =	sadd.s32 @!p0 $0x100000, s1;
	[bflag:$0x2] =	sbarrier.arrive $0xFFFF  }
0x62: {  	[sflag:s0] =	ssyncadd.tile.s32 @!p0 $0x1;
	_ =	shalt  }
.Lfunc_end2:
_tile_overlayer_lowered:
.L_overlay_start_2:
0x63: {  	(tag) =	ssettag $0x2  }
0x64: {  	s0 =	rddreg [dreg:$0x0];
	s2 =	stileid.u32  }
0x65: {  	s1 =	rddreg [dreg:$0x1];
	p0 =	sne.s32 s2, $0x0  }
0x66: {  	s3 =	rddreg [dreg:$0x2];
	[bflag:$0x3] =	sbarrier.arrive $0xFFFF;
	s2 =	simm.s32 @!p0 $0x1C03  }
0x67: {  	[timem:s3], [sflag:s2] =	dma.local @!p0 [hbm:s0], s1  }
0x68: {  	s0 =	simm.s32 @!p0 $0x3  }
0x69: {  	_ =	swait.ge @!p0 [sflag:s0], s1  }
0x6a: {  	s1 =	ssub.s32 @!p0 $0x0, s1;
	[sflag:s0] =	ssyncset.done @!p0 $0x0  }
0x6b: {  	[sflag:s0] =	ssyncadd.s32 @!p0 s1  }
0x6c: {  	[bflag:$0x3] =	sbarrier.arrive $0xFFFF  }
0x6d: {  	_ =	shalt  }

// kernel: kernel.32.cloned.1.call-start
scs
__scs_entry_jumppad:
0x0: {  	(pc) =	sbr.rel $0x88, $3  }
0x1: {  	(tag) =	ssettag $0x0;
	lr =	simm.s32 $0x1  }
0x2: {  	[smem:$0x3F8D] =	sst lr;
	_ =	strace $0xD0000000  }
0x3: {  	_ = 	snop  }
0x4: {  	_ = 	snop  }
0x5: {  	_ = 	snop  }
0x6: {  	_ = 	snop  }
0x7: {  	_ = 	snop  }
__scs_overlays_trampoline_lowered:
0x8: {  	[smem:$0x3F9C] =	sst s0  }
0x9: {  	[smem:$0x3F9D] =	sst s1  }
0xa: {  	[smem:$0x3F9E] =	sst s2  }
0xb: {  	[smem:$0x3F9F] =	sst s3  }
0xc: {  	[smem:$0x3FA0] =	sst s4  }
0xd: {  	[smem:$0x3FA1] =	sst s5  }
0xe: {  	[smem:$0x3FA2] =	sst s6  }
0xf: {  	[smem:$0x3FA3] =	sst s7  }
0x10: {  	[smem:$0x3FA4] =	sst s8  }
0x11: {  	[smem:$0x3FA5] =	sst s9;
	s0 =	simm.s32 @!p0 $0x0  }
0x12: {  	s1 =	sld [smem:$0x3F8B];
	s0 =	simm.s32 @p0 $0x1  }
0x13: {  	[smem:$0x3FA6] =	sst s0;
	s0 =	simm.s32 @!p1 $0x0  }
0x14: {  	s2 =	sld [smem:$0x3F8A];
	s0 =	simm.s32 @p1 $0x1  }
0x15: {  	[smem:$0x3FA7] =	sst s0;
	s0 =	simm.s32 @!p2 $0x0  }
0x16: {  	s3 =	sld [smem:$0x3FDB];
	s0 =	simm.s32 @p2 $0x1  }
0x17: {  	s4 =	simm.s32 $0x1BF5;
	[smem:$0x3FA9] =	sst s0  }
0x18: {  	s0 =	sld [smem:$0x3F8C];
	_ =	swait.ge [sflag:s4], $0x0  }
0x19: {  	s7 =	sld [smem:$0x3F8D]  }
0x1a: {  	s8 =	sadd.s32 $0xFFFFE003, lr  }
0x1b: {  	s9 =	sadd.s32 $0xFFFFFEF7, lr;
	s5 =	simm.s32 $0xFFFFFFFF;
	p2 =	slt.u32 s8, $0xFFFFF086  }
0x1c: {  	p1 =	slt.u32 s9, $0xF7A;
	s5 =	simm.s32 @!p2 $0x0  }
0x1d: {  	s5 =	simm.s32 @p1 $0x1;
	p0 =	seq.s32 s7, s2  }
0x1e: {  	s7 =	smul.u32 @!p0 $0xF7A, s2;
	p2 =	seq.s32 @!p0 s5, $0x0  }
0x1f: {  	s9 =	smul.u32 $0xF7A, s1;
	s8 =	simm.s32 @!p0 $0x1BF5;
	p2 =	por !p2, p0  }
0x20: {  	[sflag:s8] =	ssyncset.s32 @!p0 $0xFFFFF086;
	s6 =	sadd.s32 @!p0 s3, s7;
	s7 =	simm.s32 @!p0 $0x108  }
0x21: {  	s3 =	sadd.s32 s3, s9;
	s6 =	sadd.s32 @!p0 $0x88, s6;
	s7 =	simm.s32 @p2 $0x1082  }
0x22: {  	[simem:s7], [sflag:s8] =	dma.local @!p0 [hbm:s6], $0xF7A  }
0x23: {  	s9 =	sor.u32 $0xD0000000, s2;
	s6 =	simm.s32 $0x108;
	_ =	swait.ge @!p0 [sflag:s8], $0x0  }
0x24: {  	s3 =	sadd.s32 $0x88, s3;
	s6 =	simm.s32 @!p1 $0x1082;
	[sflag:s4] =	ssyncset.s32 $0xFFFFF086  }
0x25: {  	[simem:s6], [sflag:s4] =	dma.local [hbm:s3], $0xF7A  }
0x26: {  	[smem:$0x3F8D] =	sst s1;
	(tag) =	ssettag s2;
	_ =	strace s9  }
0x27: {  	s1 =	sld [smem:$0x3F9D]  }
0x28: {  	s2 =	sld [smem:$0x3F9E]  }
0x29: {  	s4 =	sld [smem:$0x3FA0]  }
0x2a: {  	p0 =	seq.s32 s5, $0x0;
	s5 =	sld [smem:$0x3FA1]  }
0x2b: {  	s6 =	sld [smem:$0x3FA2]  }
0x2c: {  	s7 =	sld [smem:$0x3FA3]  }
0x2d: {  	s3 =	simm.s32 $0x108;
	s8 =	sld [smem:$0x3FA4]  }
0x2e: {  	s3 =	simm.s32 @!p0 $0x1082;
	s9 =	sld [smem:$0x3FA5]  }
0x2f: {  	lr =	sadd.s32 s0, s3;
	s0 =	sld [smem:$0x3F9C]  }
0x30: {  	s3 =	sld [smem:$0x3F9F]  }
0x31: {  	[smem:$0x3FA8] =	sst s10  }
0x32: {  	s10 =	sld [smem:$0x3FA6];
	_ =	sdelay $0x3  }
0x33: {  	p0 =	seq.s32 s10, $0x1;
	s10 =	sld [smem:$0x3FA8];
	_ =	sdelay $0x3  }
0x34: {  	[smem:$0x3FA8] =	sst s10  }
0x35: {  	s10 =	sld [smem:$0x3FA7];
	_ =	sdelay $0x3  }
0x36: {  	p1 =	seq.s32 s10, $0x1;
	s10 =	sld [smem:$0x3FA8];
	_ =	sdelay $0x3  }
0x37: {  	[smem:$0x3FA8] =	sst s10  }
0x38: {  	s10 =	sld [smem:$0x3FA9]  }
0x39: {  	_ = 	snop;
	(pc) =	sbr.ind lr, $3  }
0x3a: {  	_ = 	snop  }
0x3b: {  	_ = 	snop  }
0x3c: {  	p2 =	seq.s32 s10, $0x1;
	s10 =	sld [smem:$0x3FA8]  }
0x3d: {  	_ =	shalt  }
0x3e: {  	_ =	shalt  }
0x3f: {  	_ =	shalt  }
0x40: {  	_ =	shalt  }
0x41: {  	_ =	shalt  }
0x42: {  	_ =	shalt  }
0x43: {  	_ =	shalt  }
0x44: {  	_ =	shalt  }
0x45: {  	_ =	shalt  }
0x46: {  	_ =	shalt  }
0x47: {  	_ =	shalt  }
0x48: {  	_ =	shalt  }
0x49: {  	_ =	shalt  }
0x4a: {  	_ =	shalt  }
0x4b: {  	_ =	shalt  }
0x4c: {  	_ =	shalt  }
0x4d: {  	_ =	shalt  }
0x4e: {  	_ =	shalt  }
0x4f: {  	_ =	shalt  }
0x50: {  	_ =	shalt  }
0x51: {  	_ =	shalt  }
0x52: {  	_ =	shalt  }
0x53: {  	_ =	shalt  }
0x54: {  	_ =	shalt  }
0x55: {  	_ =	shalt  }
0x56: {  	_ =	shalt  }
0x57: {  	_ =	shalt  }
0x58: {  	_ =	shalt  }
0x59: {  	_ =	shalt  }
0x5a: {  	_ =	shalt  }
0x5b: {  	_ =	shalt  }
0x5c: {  	_ =	shalt  }
0x5d: {  	_ =	shalt  }
0x5e: {  	_ =	shalt  }
0x5f: {  	_ =	shalt  }
0x60: {  	_ =	shalt  }
0x61: {  	_ =	shalt  }
0x62: {  	_ =	shalt  }
0x63: {  	_ =	shalt  }
0x64: {  	_ =	shalt  }
0x65: {  	_ =	shalt  }
0x66: {  	_ =	shalt  }
0x67: {  	_ =	shalt  }
0x68: {  	_ =	shalt  }
0x69: {  	_ =	shalt  }
0x6a: {  	_ =	shalt  }
0x6b: {  	_ =	shalt  }
0x6c: {  	_ =	shalt  }
0x6d: {  	_ =	shalt  }
0x6e: {  	_ =	shalt  }
0x6f: {  	_ =	shalt  }
0x70: {  	_ =	shalt  }
0x71: {  	_ =	shalt  }
0x72: {  	_ =	shalt  }
0x73: {  	_ =	shalt  }
0x74: {  	_ =	shalt  }
0x75: {  	_ =	shalt  }
0x76: {  	_ =	shalt  }
0x77: {  	_ =	shalt  }
0x78: {  	_ =	shalt  }
0x79: {  	_ =	shalt  }
0x7a: {  	_ =	shalt  }
0x7b: {  	_ =	shalt  }
0x7c: {  	_ =	shalt  }
0x7d: {  	_ =	shalt  }
0x7e: {  	_ =	shalt  }
0x7f: {  	_ =	shalt  }
0x80: {  	_ =	shalt  }
0x81: {  	_ =	shalt  }
0x82: {  	_ =	shalt  }
0x83: {  	_ =	shalt  }
0x84: {  	_ =	shalt  }
0x85: {  	_ =	shalt  }
0x86: {  	_ =	shalt  }
0x87: {  	_ =	shalt  }
.Lfunc_end0:
.L_simem_size_0:
called_computation.5_lowered:
.L_overlay_start_0:
0x88: {  	s2 =	sld [smem:$0x3FD9]  }
0x89: {  	s3 =	sld [smem:$0x3FFE];
	_ =	sdelay $0x1  }
0x8a: {  	s1 =	srdreg.scid  }
0x8b: {  	s0 =	sand.u32 $0x1, s1  }
0x8c: {  	s17 =	sshll.u32 s0, $0xA;
	s2 =	sadd.s32 s3, s2  }
0x8d: {  	s2 =	sadd.s32 s2, s17  }
0x8e: {  	[smem:$0x3FB4] =	sst s2  }
0x8f: {  	_ = 	snop  }
0x90: {  	s2 =	sld [smem:$0x3FD0];
	(tm) =	ssettm $0x1  }
0x91: {  	s18 =	sld [smem:$0x3FFB];
	_ =	sdelay $0x3  }
0x92: {  	_ =	strace s18  }
0x93: {  	s3 =	sld [smem:$0x3FFC];
	_ =	sdelay $0x3  }
0x94: {  	_ =	strace s3  }
0x95: {  	s3 =	sld [smem:$0x3FFD];
	_ =	sdelay $0x3  }
0x96: {  	_ =	strace s3  }
0x97: {  	_ =	strace $0x8FFFFFFF  }
0x98: {  	s19 =	sld [smem:$0x3FDB];
	_ =	sdelay $0x1  }
0x99: {  	s4 =	simm.s32 $_scs_section_size  }
0x9a: {  	s5 =	simm.s32 $_size__tile_overlayer_lowered;
	s6 =	simm.s32 $_tile_overlayer_lowered  }
0x9b: {  	s22 =	simm.s32 $0x1BFF;
	s21 =	sshll.u32 s6, $0x1;
	s3 =	sadd.s32 s4, s19  }
0x9c: {  	s7 =	simm.s32 $0x0;
	s20 =	sshll.u32 s5, $0x1;
	s5 =	sadd.s32 s21, s3  }
0x9d: {  	[timem:s7], [sflag:s22] =	dma.local [hbm:s5], s20  }
0x9e: {  	_ =	swait.ge [sflag:s22], s20  }
0x9f: {  	s4 =	ssub.s32 $0x0, s20;
	[sflag:s22] =	ssyncset.done $0x0  }
0xa0: {  	[sflag:s22] =	ssyncadd.s32 s4;
	_ =	sdelay $0x1  }
0xa1: {  	s23 =	simm.s32 $0x1B8B  }
0xa2: {  	_ =	swait.ge [sflag:s23], $0x1  }
0xa3: {  	[sflag:s23] =	ssyncset.done $0x0  }
0xa4: {  	s25 =	simm.s32 $0x1B8E;
	s24 =	sld [smem:$0x3FFE];
	[sflag:s23] =	ssyncadd.s32 $0xFFFFFFFF  }
0xa5: {  	s26 =	simm.s32 $execute0_lowered;
	[smem:$0x3FD2] =	sst s25  }
0xa6: {  	s5 =	sshll.u32 s26, $0x1;
	_ =	strace $0x80000055;
	[dreg:$0x1] =	wrdreg $0xFFFFFFFF  }
0xa7: {  	s28 =	simm.s32 $_size_execute0_lowered;
	s3 =	sadd.s32 s3, s5;
	[dreg:$0x0] =	wrdreg $0x0  }
0xa8: {  	s5 =	sshll.u32 s28, $0x1;
	[dreg:$0x2] =	wrdreg s3  }
0xa9: {  	[dreg:$0x3] =	wrdreg s5  }
0xaa: {  	[dreg:$0x4] =	wrdreg $0xC0  }
0xab: {  	_ =	task [dreg:s7], $0x5FFFF  }
0xac: {  	[dreg:$0x1] =	wrdreg $0xFFFFFFFF  }
0xad: {  	[dreg:$0x0] =	wrdreg $0x60  }
0xae: {  	[dreg:$0x2] =	wrdreg s2  }
0xaf: {  	[dreg:$0x3] =	wrdreg s24  }
0xb0: {  	[dreg:$0x4] =	wrdreg $0x130000  }
0xb1: {  	[dreg:$0x5] =	wrdreg $0x9  }
0xb2: {  	_ =	task.clear_ibuf [dreg:s7], $0x6FFFF;
	_ =	strace $0x90000055  }
0xb3: {  	s29 =	simm.s32 $0x9;
	_ =	strace $0x80000057  }
0xb4: {  	_ =	swait.ge [sflag:s29], $0x1  }
0xb5: {  	[sflag:s29] =	ssyncadd.s32 $0xFFFFFFFF  }
0xb6: {  	_ =	strace $0x90000057  }
0xb7: {  	_ =	sfence  }
0xb8: {  	s30 =	sld [smem:$0x0];
	_ =	sdelay $0x2  }
0xb9: {  	s31 =	sshll.u32 s1, $0xD;
	s1 =	sshrl.u32 s1, $0x2  }
0xba: {  	s3 =	sand.u32 $0x4000, s31;
	s1 =	sadd.s32 s1, s30  }
0xbb: {  	s0 =	sor.u32 s3, s0;
	s1 =	sshll.u32 s1, $0x11  }
0xbc: {  	s0 =	sor.u32 s1, s0  }
0xbd: {  	s0 =	sadd.s32 $0x8F2B, s0  }
0xbe: {  	[sflag:s0] =	ssyncadd.remote.s32 $0x1  }
0xbf: {  	_ =	sfence.sel $0xFFFF  }
0xc0: {  	[dreg:$0x0] =	wrdreg $0xFFFFFFFF;
	(pc) =	sbr.abs _section_cstart, $3  }
0xc1: {  	[dreg:$0x1] =	wrdreg $0xFFFFFFFF  }
0xc2: {  	_ =	task.clear_ibuf [dreg:s7], $0x2FFFF;
	_ =	strace $0x9FFFFFFF  }
0xc3: {  	(tm) =	ssettm $0x7FFFFFFF  }
tec
execute0_lowered:
.L_overlay_start_1:
0x0: {  	(tag) =	ssettag $0x1  }
0x1: {  	s1 =	rddreg [dreg:$0x0]  }
0x2: {  	s6 =	rddreg [dreg:$0x1]  }
0x3: {  	s3 =	rddreg [dreg:$0x2]  }
0x4: {  	s0 =	rddreg [dreg:$0x3]  }
0x5: {  	s4 =	srdreg.scid;
	s2 =	stileid.u32;
	s11 =	simm.s32 $0x3  }
0x6: {  	s12 =	simm.s32 $0x2900;
	s13 =	simm.s32 $0x9200;
	s14 =	simm.s32 $0x80  }
0x7: {  	s15 =	simm.s32 $0x5200;
	s16 =	simm.s32 $0x7200;
	s17 =	simm.s32 $0x1  }
0x8: {  	s18 =	simm.s32 $0x2;
	s19 =	simm.s32 $0x0;
	s5 =	sand.u32 $0x1, s4  }
0x9: {  	s7 =	sshll.u32 s2, $0x1;
	s8 =	smul.u32 $0x9E00, s2;
	s4 =	simm.s32 $0x0  }
0xa: {  	s7 =	sor.u32 s5, s7;
	s9 =	smul.u32 $0x9E000, s5;
	[smem:$0x7FF] =	sst s4  }
0xb: {  	s10 =	ssub.s32 $0x2, s5;
	s5 =	sadd.s32 $0x6C200, s6;
	s7 =	smul.u32 $0x520, s7  }
0xc: {  	_ =	strace $0x80000056;
	s31 =	sshrl.u32 s10, $0x1;
	s9 =	sadd.s32 s8, s9  }
0xd: {  	s10 =	ssub.s32 s10, s31;
	s8 =	sadd.s32 s8, s3;
	s9 =	sshrl.u32 s9, $0x3  }
0xe: {  	s7 =	sadd.s32 s7, s6;
	s10 =	smax.u32 s10, $0x1;
	s9 =	sadd.s32 s9, s6  }
0xf: {  	s6 =	sadd.s32 $0x12E00, s7;
	s7 =	sadd.s32 $0x8200, s7;
	s9 =	sadd.s32 $0x9F600, s9  }
.LBB2_1:
0x10: {  	[tilespmem:s4], [sflag:$0x3] =	stream.linear.gather [hbm4b:s6+s4], $0x2900, $0x38;
	[tilespmem:$0x1CE00] =	vst v63  }
0x11: {  	_ =	swait.ge [sflag:s11], $0x2900  }
0x12: {  	[sflag:s11] =	ssyncset.done $0x0  }
0x13: {  	[sflag:s11] =	ssyncadd.s32 $0xFFFFD700  }
0x14: {  	[tilespmem:s12], [sflag:$0x3] =	stream.linear.gather [hbm4b:s7+s4], $0x2900, $0x38;
	[tilespmem:$0x1CE00] =	vst v63  }
0x15: {  	_ =	swait.ge [sflag:s11], $0x2900  }
0x16: {  	[sflag:s11] =	ssyncset.done $0x0  }
0x17: {  	[sflag:s11] =	ssyncadd.s32 $0xFFFFD700  }
0x18: {  	[tilespmem:s13], [sflag:$0x3] =	stream.linear.gather [hbm4b:s5+s4], $0x9E00, $0x38;
	[tilespmem:$0x1CE00] =	vst v63  }
0x19: {  	_ =	swait.ge [sflag:s11], $0x9E00  }
0x1a: {  	[sflag:s11] =	ssyncset.done $0x0  }
0x1b: {  	[sflag:s11] =	ssyncadd.s32 $0xFFFF6200  }
0x1c: {  	[spmem:s8] =	stream.linear.scatter [tilespmem:s13], [sflag:$0x3], $0x9E00, $0x38;
	[tilespmem:$0x1CE00] =	vst v63  }
0x1d: {  	_ =	swait.ge [sflag:s11], $0x9E00  }
0x1e: {  	[sflag:s11] =	ssyncset.done $0x0  }
0x1f: {  	[sflag:s11] =	ssyncadd.s32 $0xFFFF6200  }
0x20: {  	[bflag:$0x0] =	sbarrier.arrive $0xFFFF  }
0x21: {  	[tilespmem:s15], [sflag:$0x1] =	stream.indirect.gather [hbm4b:s1+s14], $0x40, s4, s14, $0xb8;
	[tilespmem:$0x1CE00] =	vst v63  }
0x22: {  	s20 =	simm.s32 $0x80  }
0x23: {  	[tilespmem:s16], [sflag:$0x2] =	stream.indirect.gather [hbm4b:s1+s14], $0x40, s20, s14, $0xb8;
	[tilespmem:$0x1CE00] =	vst v63  }
0x24: {  	_ =	swait.ge [sflag:s17], $0x2000  }
0x25: {  	[sflag:s17] =	ssyncset.done $0x0  }
0x26: {  	s29 =	simm.s32 $0x2900;
	[sflag:s17] =	ssyncadd.s32 $0xFFFFE000  }
0x27: {  	[spmem:s3] =	stream.indirect.scatter.add.f32 [tilespmem:s15], [sflag:$0x3], $0x40, s29, s14, $0xb8;
	[tilespmem:$0x1CE00] =	vst v63  }
0x28: {  	_ =	swait.ge [sflag:s11], $0x2000  }
0x29: {  	[sflag:s11] =	ssyncset.done $0x0  }
0x2a: {  	s30 =	simm.s32 $0x100;
	[sflag:s11] =	ssyncadd.s32 $0xFFFFE000  }
0x2b: {  	[tilespmem:s15], [sflag:$0x1] =	stream.indirect.gather [hbm4b:s1+s14], $0x40, s30, s14, $0xb8;
	[tilespmem:$0x1CE00] =	vst v63  }
0x2c: {  	_ =	swait.ge [sflag:s18], $0x2000  }
0x2d: {  	[sflag:s18] =	ssyncset.done $0x0  }
0x2e: {  	s31 =	simm.s32 $0x2980;
	[sflag:s18] =	ssyncadd.s32 $0xFFFFE000  }
0x2f: {  	[spmem:s3] =	stream.indirect.scatter.add.f32 [tilespmem:s16], [sflag:$0x3], $0x40, s31, s14, $0xb8;
	[tilespmem:$0x1CE00] =	vst v63  }
0x30: {  	_ =	swait.ge [sflag:s11], $0x2000  }
0x31: {  	s21 =	simm.s32 $0x800;
	s20 =	simm.s32 $0x100;
	[sflag:s11] =	ssyncset.done $0x0  }
.LBB2_2:
0x32: {  	s22 =	sadd.s32 $0x80, s20  }
0x33: {  	[sflag:s11] =	ssyncadd.s32 $0xFFFFE000;
	s23 =	smov.u32 s21;
	s24 =	sadd.s32 $0x400, s21  }
0x34: {  	[tilespmem:s16], [sflag:$0x2] =	stream.indirect.gather [hbm4b:s1+s14], $0x40, s22, s14, $0xb8;
	[tilespmem:$0x1CE00] =	vst v63  }
0x35: {  	p0 =	sne.s32 s21, $0x9C00;
	_ =	swait.ge [sflag:s17], $0x2000  }
0x36: {  	[sflag:s17] =	ssyncset.done $0x0  }
0x37: {  	s21 =	sadd.s32 $0x2900, s20;
	[sflag:s17] =	ssyncadd.s32 $0xFFFFE000  }
0x38: {  	[spmem:s3] =	stream.indirect.scatter.add.f32 [tilespmem:s15], [sflag:$0x3], $0x40, s21, s14, $0xb8;
	[tilespmem:$0x1CE00] =	vst v63  }
0x39: {  	_ =	swait.ge [sflag:s11], $0x2000  }
0x3a: {  	[sflag:s11] =	ssyncset.done $0x0  }
0x3b: {  	s21 =	sadd.s32 $0x100, s20;
	[sflag:s11] =	ssyncadd.s32 $0xFFFFE000  }
0x3c: {  	[tilespmem:s15], [sflag:$0x1] =	stream.indirect.gather [hbm4b:s1+s14], $0x40, s21, s14, $0xb8;
	[tilespmem:$0x1CE00] =	vst v63  }
0x3d: {  	_ =	swait.ge [sflag:s18], $0x2000  }
.Ltmp0:
0x3e: {  	[sflag:s18] =	ssyncset.done $0x0;
	(pc) =	sbr.rel @p0 .LBB2_2-.Ltmp0, $4  }
0x3f: {  	s20 =	sadd.s32 $0x2980, s20;
	[sflag:s18] =	ssyncadd.s32 $0xFFFFE000  }
0x40: {  	[spmem:s3] =	stream.indirect.scatter.add.f32 [tilespmem:s16], [sflag:$0x3], $0x40, s20, s14, $0xb8;
	[tilespmem:$0x1CE00] =	vst v63  }
0x41: {  	_ =	swait.ge [sflag:s11], $0x2000  }
0x42: {  	s21 =	smov.u32 s24;
	s20 =	sshra.s32 s23, $0x2;
	[sflag:s11] =	ssyncset.done $0x0  }
0x43: {  	s21 =	sadd.s32 $0x80, s20;
	[sflag:s11] =	ssyncadd.s32 $0xFFFFE000  }
0x44: {  	[tilespmem:s16], [sflag:$0x2] =	stream.indirect.gather [hbm4b:s1+s14], $0x40, s21, s14, $0xb8;
	[tilespmem:$0x1CE00] =	vst v63  }
0x45: {  	_ =	swait.ge [sflag:s17], $0x2000  }
0x46: {  	[sflag:s17] =	ssyncset.done $0x0  }
0x47: {  	s29 =	sadd.s32 $0x2900, s20;
	[sflag:s17] =	ssyncadd.s32 $0xFFFFE000  }
0x48: {  	[spmem:s3] =	stream.indirect.scatter.add.f32 [tilespmem:s15], [sflag:$0x3], $0x40, s29, s14, $0xb8;
	[tilespmem:$0x1CE00] =	vst v63  }
0x49: {  	_ =	swait.ge [sflag:s11], $0x2000  }
0x4a: {  	[sflag:s11] =	ssyncset.done $0x0  }
0x4b: {  	s30 =	sadd.s32 $0x100, s20;
	[sflag:s11] =	ssyncadd.s32 $0xFFFFE000  }
0x4c: {  	[tilespmem:s15], [sflag:$0x1] =	stream.indirect.gather [hbm4b:s1+s14], $0x40, s30, s14, $0xb8;
	[tilespmem:$0x1CE00] =	vst v63  }
0x4d: {  	_ =	swait.ge [sflag:s18], $0x2000  }
0x4e: {  	[sflag:s18] =	ssyncset.done $0x0  }
0x4f: {  	s31 =	sadd.s32 $0x2980, s20;
	[sflag:s18] =	ssyncadd.s32 $0xFFFFE000  }
0x50: {  	[spmem:s3] =	stream.indirect.scatter.add.f32 [tilespmem:s16], [sflag:$0x3], $0x40, s31, s14, $0xb8;
	[tilespmem:$0x1CE00] =	vst v63  }
0x51: {  	_ =	swait.ge [sflag:s11], $0x2000  }
0x52: {  	[sflag:s11] =	ssyncset.done $0x0  }
0x53: {  	[sflag:s11] =	ssyncadd.s32 $0xFFFFE000  }
0x54: {  	_ =	swait.ge [sflag:s17], $0x2000  }
0x55: {  	[sflag:s17] =	ssyncset.done $0x0  }
0x56: {  	[sflag:s17] =	ssyncadd.s32 $0xFFFFE000  }
0x57: {  	[bflag:$0x0] =	sbarrier.arrive $0xFFFF  }
0x58: {  	[tilespmem:s13], [sflag:$0x3] =	stream.linear.gather [spmem:s8], $0x9E00, $0x38;
	[tilespmem:$0x1CE00] =	vst v63  }
0x59: {  	s19 =	sadd.s32 $0x1, s19;
	_ =	swait.ge [sflag:s11], $0x9E00  }
0x5a: {  	p0 =	sne.s32 s19, s10;
	[sflag:s11] =	ssyncset.done $0x0  }
.Ltmp1:
0x5b: {  	[sflag:s11] =	ssyncadd.s32 $0xFFFF6200;
	(pc) =	sbr.rel @p0 .LBB2_1-.Ltmp1, $4  }
0x5c: {  	[hbm4b:s9+s4] =	stream.linear.scatter [tilespmem:s13], [sflag:$0x3], $0x9E00, $0x38;
	[tilespmem:$0x1CE00] =	vst v63  }
0x5d: {  	_ =	swait.ge [sflag:s11], $0x9E00  }
0x5e: {  	[sflag:s11] =	ssyncset.done $0x0  }
0x5f: {  	[sflag:s11] =	ssyncadd.s32 $0xFFFF6200  }
0x60: {  	_ =	sfence.sel $0x180000  }
0x61: {  	[bflag:$0x0] =	sbarrier.arrive $0xFFFF  }
0x62: {  	p0 =	sne.s32 s2, $0x0;
	_ =	strace $0x90000056  }
0x63: {  	s0 =	sadd.s32 @!p0 $0x100000, s0;
	[bflag:$0x2] =	sbarrier.arrive $0xFFFF  }
0x64: {  	[sflag:s0] =	ssyncadd.tile.s32 @!p0 $0x1;
	_ =	shalt  }
.Lfunc_end2:
_tile_overlayer_lowered:
.L_overlay_start_2:
0x65: {  	(tag) =	ssettag $0x2  }
0x66: {  	s0 =	rddreg [dreg:$0x0];
	s2 =	stileid.u32  }
0x67: {  	s1 =	rddreg [dreg:$0x1];
	p0 =	sne.s32 s2, $0x0  }
0x68: {  	s3 =	rddreg [dreg:$0x2];
	[bflag:$0x3] =	sbarrier.arrive $0xFFFF;
	s2 =	simm.s32 @!p0 $0x1C03  }
0x69: {  	[timem:s3], [sflag:s2] =	dma.local @!p0 [hbm:s0], s1  }
0x6a: {  	s0 =	simm.s32 @!p0 $0x3  }
0x6b: {  	_ =	swait.ge @!p0 [sflag:s0], s1  }
0x6c: {  	s1 =	ssub.s32 @!p0 $0x0, s1;
	[sflag:s0] =	ssyncset.done @!p0 $0x0  }
0x6d: {  	[sflag:s0] =	ssyncadd.s32 @!p0 s1  }
0x6e: {  	[bflag:$0x3] =	sbarrier.arrive $0xFFFF  }
0x6f: {  	_ =	shalt  }

// kernel: kernel.35.cloned.1.call-start
scs
__scs_entry_jumppad:
0x0: {  	(pc) =	sbr.rel $0x88, $3  }
0x1: {  	(tag) =	ssettag $0x0;
	lr =	simm.s32 $0x1  }
0x2: {  	[smem:$0x3F8D] =	sst lr;
	_ =	strace $0xD0000000  }
0x3: {  	_ = 	snop  }
0x4: {  	_ = 	snop  }
0x5: {  	_ = 	snop  }
0x6: {  	_ = 	snop  }
0x7: {  	_ = 	snop  }
__scs_overlays_trampoline_lowered:
0x8: {  	[smem:$0x3F9C] =	sst s0  }
0x9: {  	[smem:$0x3F9D] =	sst s1  }
0xa: {  	[smem:$0x3F9E] =	sst s2  }
0xb: {  	[smem:$0x3F9F] =	sst s3  }
0xc: {  	[smem:$0x3FA0] =	sst s4  }
0xd: {  	[smem:$0x3FA1] =	sst s5  }
0xe: {  	[smem:$0x3FA2] =	sst s6  }
0xf: {  	[smem:$0x3FA3] =	sst s7  }
0x10: {  	[smem:$0x3FA4] =	sst s8  }
0x11: {  	[smem:$0x3FA5] =	sst s9;
	s0 =	simm.s32 @!p0 $0x0  }
0x12: {  	s1 =	sld [smem:$0x3F8B];
	s0 =	simm.s32 @p0 $0x1  }
0x13: {  	[smem:$0x3FA6] =	sst s0;
	s0 =	simm.s32 @!p1 $0x0  }
0x14: {  	s2 =	sld [smem:$0x3F8A];
	s0 =	simm.s32 @p1 $0x1  }
0x15: {  	[smem:$0x3FA7] =	sst s0;
	s0 =	simm.s32 @!p2 $0x0  }
0x16: {  	s3 =	sld [smem:$0x3FDB];
	s0 =	simm.s32 @p2 $0x1  }
0x17: {  	s4 =	simm.s32 $0x1BF5;
	[smem:$0x3FA9] =	sst s0  }
0x18: {  	s0 =	sld [smem:$0x3F8C];
	_ =	swait.ge [sflag:s4], $0x0  }
0x19: {  	s7 =	sld [smem:$0x3F8D]  }
0x1a: {  	s8 =	sadd.s32 $0xFFFFE003, lr  }
0x1b: {  	s9 =	sadd.s32 $0xFFFFFEF7, lr;
	s5 =	simm.s32 $0xFFFFFFFF;
	p2 =	slt.u32 s8, $0xFFFFF086  }
0x1c: {  	p1 =	slt.u32 s9, $0xF7A;
	s5 =	simm.s32 @!p2 $0x0  }
0x1d: {  	s5 =	simm.s32 @p1 $0x1;
	p0 =	seq.s32 s7, s2  }
0x1e: {  	s7 =	smul.u32 @!p0 $0xF7A, s2;
	p2 =	seq.s32 @!p0 s5, $0x0  }
0x1f: {  	s9 =	smul.u32 $0xF7A, s1;
	s8 =	simm.s32 @!p0 $0x1BF5;
	p2 =	por !p2, p0  }
0x20: {  	[sflag:s8] =	ssyncset.s32 @!p0 $0xFFFFF086;
	s6 =	sadd.s32 @!p0 s3, s7;
	s7 =	simm.s32 @!p0 $0x108  }
0x21: {  	s3 =	sadd.s32 s3, s9;
	s6 =	sadd.s32 @!p0 $0x88, s6;
	s7 =	simm.s32 @p2 $0x1082  }
0x22: {  	[simem:s7], [sflag:s8] =	dma.local @!p0 [hbm:s6], $0xF7A  }
0x23: {  	s9 =	sor.u32 $0xD0000000, s2;
	s6 =	simm.s32 $0x108;
	_ =	swait.ge @!p0 [sflag:s8], $0x0  }
0x24: {  	s3 =	sadd.s32 $0x88, s3;
	s6 =	simm.s32 @!p1 $0x1082;
	[sflag:s4] =	ssyncset.s32 $0xFFFFF086  }
0x25: {  	[simem:s6], [sflag:s4] =	dma.local [hbm:s3], $0xF7A  }
0x26: {  	[smem:$0x3F8D] =	sst s1;
	(tag) =	ssettag s2;
	_ =	strace s9  }
0x27: {  	s1 =	sld [smem:$0x3F9D]  }
0x28: {  	s2 =	sld [smem:$0x3F9E]  }
0x29: {  	s4 =	sld [smem:$0x3FA0]  }
0x2a: {  	p0 =	seq.s32 s5, $0x0;
	s5 =	sld [smem:$0x3FA1]  }
0x2b: {  	s6 =	sld [smem:$0x3FA2]  }
0x2c: {  	s7 =	sld [smem:$0x3FA3]  }
0x2d: {  	s3 =	simm.s32 $0x108;
	s8 =	sld [smem:$0x3FA4]  }
0x2e: {  	s3 =	simm.s32 @!p0 $0x1082;
	s9 =	sld [smem:$0x3FA5]  }
0x2f: {  	lr =	sadd.s32 s0, s3;
	s0 =	sld [smem:$0x3F9C]  }
0x30: {  	s3 =	sld [smem:$0x3F9F]  }
0x31: {  	[smem:$0x3FA8] =	sst s10  }
0x32: {  	s10 =	sld [smem:$0x3FA6];
	_ =	sdelay $0x3  }
0x33: {  	p0 =	seq.s32 s10, $0x1;
	s10 =	sld [smem:$0x3FA8];
	_ =	sdelay $0x3  }
0x34: {  	[smem:$0x3FA8] =	sst s10  }
0x35: {  	s10 =	sld [smem:$0x3FA7];
	_ =	sdelay $0x3  }
0x36: {  	p1 =	seq.s32 s10, $0x1;
	s10 =	sld [smem:$0x3FA8];
	_ =	sdelay $0x3  }
0x37: {  	[smem:$0x3FA8] =	sst s10  }
0x38: {  	s10 =	sld [smem:$0x3FA9]  }
0x39: {  	_ = 	snop;
	(pc) =	sbr.ind lr, $3  }
0x3a: {  	_ = 	snop  }
0x3b: {  	_ = 	snop  }
0x3c: {  	p2 =	seq.s32 s10, $0x1;
	s10 =	sld [smem:$0x3FA8]  }
0x3d: {  	_ =	shalt  }
0x3e: {  	_ =	shalt  }
0x3f: {  	_ =	shalt  }
0x40: {  	_ =	shalt  }
0x41: {  	_ =	shalt  }
0x42: {  	_ =	shalt  }
0x43: {  	_ =	shalt  }
0x44: {  	_ =	shalt  }
0x45: {  	_ =	shalt  }
0x46: {  	_ =	shalt  }
0x47: {  	_ =	shalt  }
0x48: {  	_ =	shalt  }
0x49: {  	_ =	shalt  }
0x4a: {  	_ =	shalt  }
0x4b: {  	_ =	shalt  }
0x4c: {  	_ =	shalt  }
0x4d: {  	_ =	shalt  }
0x4e: {  	_ =	shalt  }
0x4f: {  	_ =	shalt  }
0x50: {  	_ =	shalt  }
0x51: {  	_ =	shalt  }
0x52: {  	_ =	shalt  }
0x53: {  	_ =	shalt  }
0x54: {  	_ =	shalt  }
0x55: {  	_ =	shalt  }
0x56: {  	_ =	shalt  }
0x57: {  	_ =	shalt  }
0x58: {  	_ =	shalt  }
0x59: {  	_ =	shalt  }
0x5a: {  	_ =	shalt  }
0x5b: {  	_ =	shalt  }
0x5c: {  	_ =	shalt  }
0x5d: {  	_ =	shalt  }
0x5e: {  	_ =	shalt  }
0x5f: {  	_ =	shalt  }
0x60: {  	_ =	shalt  }
0x61: {  	_ =	shalt  }
0x62: {  	_ =	shalt  }
0x63: {  	_ =	shalt  }
0x64: {  	_ =	shalt  }
0x65: {  	_ =	shalt  }
0x66: {  	_ =	shalt  }
0x67: {  	_ =	shalt  }
0x68: {  	_ =	shalt  }
0x69: {  	_ =	shalt  }
0x6a: {  	_ =	shalt  }
0x6b: {  	_ =	shalt  }
0x6c: {  	_ =	shalt  }
0x6d: {  	_ =	shalt  }
0x6e: {  	_ =	shalt  }
0x6f: {  	_ =	shalt  }
0x70: {  	_ =	shalt  }
0x71: {  	_ =	shalt  }
0x72: {  	_ =	shalt  }
0x73: {  	_ =	shalt  }
0x74: {  	_ =	shalt  }
0x75: {  	_ =	shalt  }
0x76: {  	_ =	shalt  }
0x77: {  	_ =	shalt  }
0x78: {  	_ =	shalt  }
0x79: {  	_ =	shalt  }
0x7a: {  	_ =	shalt  }
0x7b: {  	_ =	shalt  }
0x7c: {  	_ =	shalt  }
0x7d: {  	_ =	shalt  }
0x7e: {  	_ =	shalt  }
0x7f: {  	_ =	shalt  }
0x80: {  	_ =	shalt  }
0x81: {  	_ =	shalt  }
0x82: {  	_ =	shalt  }
0x83: {  	_ =	shalt  }
0x84: {  	_ =	shalt  }
0x85: {  	_ =	shalt  }
0x86: {  	_ =	shalt  }
0x87: {  	_ =	shalt  }
.Lfunc_end0:
.L_simem_size_0:
called_computation.6_lowered:
.L_overlay_start_0:
0x88: {  	s2 =	sld [smem:$0x3FD9]  }
0x89: {  	s3 =	sld [smem:$0x3FFE];
	_ =	sdelay $0x1  }
0x8a: {  	s1 =	srdreg.scid  }
0x8b: {  	s0 =	sand.u32 $0x1, s1  }
0x8c: {  	s17 =	sshll.u32 s0, $0xA;
	s2 =	sadd.s32 s3, s2  }
0x8d: {  	s2 =	sadd.s32 s2, s17  }
0x8e: {  	[smem:$0x3FB4] =	sst s2  }
0x8f: {  	_ = 	snop  }
0x90: {  	s2 =	sld [smem:$0x3FD0];
	(tm) =	ssettm $0x1  }
0x91: {  	s18 =	sld [smem:$0x3FFB];
	_ =	sdelay $0x3  }
0x92: {  	_ =	strace s18  }
0x93: {  	s3 =	sld [smem:$0x3FFC];
	_ =	sdelay $0x3  }
0x94: {  	_ =	strace s3  }
0x95: {  	s3 =	sld [smem:$0x3FFD];
	_ =	sdelay $0x3  }
0x96: {  	_ =	strace s3  }
0x97: {  	_ =	strace $0x8FFFFFFF  }
0x98: {  	s19 =	sld [smem:$0x3FDB];
	_ =	sdelay $0x1  }
0x99: {  	s4 =	simm.s32 $_scs_section_size  }
0x9a: {  	s5 =	simm.s32 $_size__tile_overlayer_lowered;
	s6 =	simm.s32 $_tile_overlayer_lowered  }
0x9b: {  	s22 =	simm.s32 $0x1BFF;
	s21 =	sshll.u32 s6, $0x1;
	s3 =	sadd.s32 s4, s19  }
0x9c: {  	s7 =	simm.s32 $0x0;
	s20 =	sshll.u32 s5, $0x1;
	s5 =	sadd.s32 s21, s3  }
0x9d: {  	[timem:s7], [sflag:s22] =	dma.local [hbm:s5], s20  }
0x9e: {  	_ =	swait.ge [sflag:s22], s20  }
0x9f: {  	s4 =	ssub.s32 $0x0, s20;
	[sflag:s22] =	ssyncset.done $0x0  }
0xa0: {  	[sflag:s22] =	ssyncadd.s32 s4;
	_ =	sdelay $0x1  }
0xa1: {  	s23 =	simm.s32 $0x1B8B  }
0xa2: {  	_ =	swait.ge [sflag:s23], $0x1  }
0xa3: {  	[sflag:s23] =	ssyncset.done $0x0  }
0xa4: {  	s25 =	simm.s32 $0x1B8E;
	s24 =	sld [smem:$0x3FFE];
	[sflag:s23] =	ssyncadd.s32 $0xFFFFFFFF  }
0xa5: {  	s26 =	simm.s32 $execute0_lowered;
	[smem:$0x3FD2] =	sst s25  }
0xa6: {  	s5 =	sshll.u32 s26, $0x1;
	_ =	strace $0x80000058;
	[dreg:$0x1] =	wrdreg $0xFFFFFFFF  }
0xa7: {  	s28 =	simm.s32 $_size_execute0_lowered;
	s3 =	sadd.s32 s3, s5;
	[dreg:$0x0] =	wrdreg $0x0  }
0xa8: {  	s5 =	sshll.u32 s28, $0x1;
	[dreg:$0x2] =	wrdreg s3  }
0xa9: {  	[dreg:$0x3] =	wrdreg s5  }
0xaa: {  	[dreg:$0x4] =	wrdreg $0xC0  }
0xab: {  	_ =	task [dreg:s7], $0x5FFFF  }
0xac: {  	[dreg:$0x1] =	wrdreg $0xFFFFFFFF  }
0xad: {  	[dreg:$0x0] =	wrdreg $0x60  }
0xae: {  	[dreg:$0x2] =	wrdreg s24  }
0xaf: {  	[dreg:$0x3] =	wrdreg s2  }
0xb0: {  	[dreg:$0x4] =	wrdreg $0xC1000  }
0xb1: {  	[dreg:$0x5] =	wrdreg $0x9  }
0xb2: {  	_ =	task.clear_ibuf [dreg:s7], $0x6FFFF;
	_ =	strace $0x90000058  }
0xb3: {  	s29 =	simm.s32 $0x9;
	_ =	strace $0x8000005A  }
0xb4: {  	_ =	swait.ge [sflag:s29], $0x1  }
0xb5: {  	[sflag:s29] =	ssyncadd.s32 $0xFFFFFFFF  }
0xb6: {  	_ =	strace $0x9000005A  }
0xb7: {  	_ =	sfence  }
0xb8: {  	s30 =	sld [smem:$0x0];
	_ =	sdelay $0x2  }
0xb9: {  	s31 =	sshll.u32 s1, $0xD;
	s1 =	sshrl.u32 s1, $0x2  }
0xba: {  	s3 =	sand.u32 $0x4000, s31;
	s1 =	sadd.s32 s1, s30  }
0xbb: {  	s0 =	sor.u32 s3, s0;
	s1 =	sshll.u32 s1, $0x11  }
0xbc: {  	s0 =	sor.u32 s1, s0  }
0xbd: {  	s0 =	sadd.s32 $0x8F2B, s0  }
0xbe: {  	[sflag:s0] =	ssyncadd.remote.s32 $0x1  }
0xbf: {  	_ =	sfence.sel $0xFFFF  }
0xc0: {  	[dreg:$0x0] =	wrdreg $0xFFFFFFFF;
	(pc) =	sbr.abs _section_cstart, $3  }
0xc1: {  	[dreg:$0x1] =	wrdreg $0xFFFFFFFF  }
0xc2: {  	_ =	task.clear_ibuf [dreg:s7], $0x2FFFF;
	_ =	strace $0x9FFFFFFF  }
0xc3: {  	(tm) =	ssettm $0x7FFFFFFF  }
tec
execute0_lowered:
.L_overlay_start_1:
0x0: {  	(tag) =	ssettag $0x1  }
0x1: {  	s5 =	rddreg [dreg:$0x0];
	s1 =	srdreg.scid  }
0x2: {  	s0 =	stileid.u32;
	s9 =	rddreg [dreg:$0x1]  }
0x3: {  	s2 =	rddreg [dreg:$0x2];
	s3 =	simm.s32 $0x0;
	s13 =	simm.s32 $0x7200  }
0x4: {  	s14 =	simm.s32 $0x80;
	s15 =	simm.s32 $0x5200;
	s16 =	simm.s32 $0x6200  }
0x5: {  	s17 =	simm.s32 $0x1;
	s18 =	simm.s32 $0x2;
	s19 =	simm.s32 $0x0  }
0x6: {  	s4 =	sand.u32 $0x1, s1;
	s30 =	sshll.u32 s0, $0x1;
	s1 =	rddreg [dreg:$0x3]  }
0x7: {  	[smem:$0x7FF] =	sst s3;
	s8 =	smul.u32 $0x4F00, s0;
	s6 =	sor.u32 s4, s30  }
0x8: {  	_ =	strace $0x80000059;
	s7 =	ssub.s32 $0x2, s4;
	s10 =	smul.u32 $0x4F000, s4  }
0x9: {  	s4 =	sadd.s32 $0x6C200, s5;
	s6 =	smul.u32 $0x520, s6;
	s31 =	sshrl.u32 s7, $0x1  }
0xa: {  	s12 =	ssub.s32 s7, s31;
	s10 =	sadd.s32 s8, s10;
	s8 =	sadd.s32 s8, s2  }
0xb: {  	s11 =	sadd.s32 s6, s5;
	s5 =	sadd.s32 $0x9EC00, s5;
	s10 =	sshrl.u32 s10, $0x3  }
0xc: {  	s6 =	sadd.s32 $0x12E00, s11;
	s7 =	sadd.s32 $0x8200, s11;
	s9 =	sadd.s32 s9, s10  }
0xd: {  	s10 =	smax.u32 s12, $0x1;
	s11 =	simm.s32 $0x3;
	s12 =	simm.s32 $0x2900  }
.LBB2_1:
0xe: {  	[tilespmem:s3], [sflag:$0x3] =	stream.linear.gather [hbm4b:s6+s3], $0x2900, $0x38;
	[tilespmem:$0x11000] =	vst v63  }
0xf: {  	_ =	swait.ge [sflag:s11], $0x2900  }
0x10: {  	[sflag:s11] =	ssyncset.done $0x0  }
0x11: {  	[sflag:s11] =	ssyncadd.s32 $0xFFFFD700  }
0x12: {  	[tilespmem:s12], [sflag:$0x3] =	stream.linear.gather [hbm4b:s7+s3], $0x2900, $0x38;
	[tilespmem:$0x11000] =	vst v63  }
0x13: {  	_ =	swait.ge [sflag:s11], $0x2900  }
0x14: {  	[sflag:s11] =	ssyncset.done $0x0  }
0x15: {  	[sflag:s11] =	ssyncadd.s32 $0xFFFFD700  }
0x16: {  	[tilespmem:s13], [sflag:$0x3] =	stream.linear.gather [hbm4b:s5+s3], $0x4F00, $0x38;
	[tilespmem:$0x11000] =	vst v63  }
0x17: {  	_ =	swait.ge [sflag:s11], $0x4F00  }
0x18: {  	[sflag:s11] =	ssyncset.done $0x0  }
0x19: {  	[sflag:s11] =	ssyncadd.s32 $0xFFFFB100  }
0x1a: {  	[spmem:s8] =	stream.linear.scatter [tilespmem:s13], [sflag:$0x3], $0x4F00, $0x38;
	[tilespmem:$0x11000] =	vst v63  }
0x1b: {  	_ =	swait.ge [sflag:s11], $0x4F00  }
0x1c: {  	[sflag:s11] =	ssyncset.done $0x0  }
0x1d: {  	[sflag:s11] =	ssyncadd.s32 $0xFFFFB100  }
0x1e: {  	[bflag:$0x0] =	sbarrier.arrive $0xFFFF  }
0x1f: {  	[tilespmem:s15], [sflag:$0x1] =	stream.indirect.gather [hbm4b:s4+s14], $0x20, s3, s14, $0xb8;
	[tilespmem:$0x11000] =	vst v63  }
0x20: {  	s20 =	simm.s32 $0x80  }
0x21: {  	[tilespmem:s16], [sflag:$0x2] =	stream.indirect.gather [hbm4b:s4+s14], $0x20, s20, s14, $0xb8;
	[tilespmem:$0x11000] =	vst v63  }
0x22: {  	_ =	swait.ge [sflag:s17], $0x1000  }
0x23: {  	[sflag:s17] =	ssyncset.done $0x0  }
0x24: {  	s29 =	simm.s32 $0x2900;
	[sflag:s17] =	ssyncadd.s32 $0xFFFFF000  }
0x25: {  	[spmem:s2] =	stream.indirect.scatter.add.f32 [tilespmem:s15], [sflag:$0x3], $0x20, s29, s14, $0xb8;
	[tilespmem:$0x11000] =	vst v63  }
0x26: {  	_ =	swait.ge [sflag:s11], $0x1000  }
0x27: {  	[sflag:s11] =	ssyncset.done $0x0  }
0x28: {  	s30 =	simm.s32 $0x100;
	[sflag:s11] =	ssyncadd.s32 $0xFFFFF000  }
0x29: {  	[tilespmem:s15], [sflag:$0x1] =	stream.indirect.gather [hbm4b:s4+s14], $0x20, s30, s14, $0xb8;
	[tilespmem:$0x11000] =	vst v63  }
0x2a: {  	_ =	swait.ge [sflag:s18], $0x1000  }
0x2b: {  	[sflag:s18] =	ssyncset.done $0x0  }
0x2c: {  	s31 =	simm.s32 $0x2980;
	[sflag:s18] =	ssyncadd.s32 $0xFFFFF000  }
0x2d: {  	[spmem:s2] =	stream.indirect.scatter.add.f32 [tilespmem:s16], [sflag:$0x3], $0x20, s31, s14, $0xb8;
	[tilespmem:$0x11000] =	vst v63  }
0x2e: {  	_ =	swait.ge [sflag:s11], $0x1000  }
0x2f: {  	s21 =	simm.s32 $0x800;
	s20 =	simm.s32 $0x100;
	[sflag:s11] =	ssyncset.done $0x0  }
.LBB2_2:
0x30: {  	s22 =	sadd.s32 $0x80, s20  }
0x31: {  	[sflag:s11] =	ssyncadd.s32 $0xFFFFF000;
	s23 =	smov.u32 s21;
	s24 =	sadd.s32 $0x400, s21  }
0x32: {  	[tilespmem:s16], [sflag:$0x2] =	stream.indirect.gather [hbm4b:s4+s14], $0x20, s22, s14, $0xb8;
	[tilespmem:$0x11000] =	vst v63  }
0x33: {  	p0 =	sne.s32 s21, $0x9C00;
	_ =	swait.ge [sflag:s17], $0x1000  }
0x34: {  	[sflag:s17] =	ssyncset.done $0x0  }
0x35: {  	s21 =	sadd.s32 $0x2900, s20;
	[sflag:s17] =	ssyncadd.s32 $0xFFFFF000  }
0x36: {  	[spmem:s2] =	stream.indirect.scatter.add.f32 [tilespmem:s15], [sflag:$0x3], $0x20, s21, s14, $0xb8;
	[tilespmem:$0x11000] =	vst v63  }
0x37: {  	_ =	swait.ge [sflag:s11], $0x1000  }
0x38: {  	[sflag:s11] =	ssyncset.done $0x0  }
0x39: {  	s21 =	sadd.s32 $0x100, s20;
	[sflag:s11] =	ssyncadd.s32 $0xFFFFF000  }
0x3a: {  	[tilespmem:s15], [sflag:$0x1] =	stream.indirect.gather [hbm4b:s4+s14], $0x20, s21, s14, $0xb8;
	[tilespmem:$0x11000] =	vst v63  }
0x3b: {  	_ =	swait.ge [sflag:s18], $0x1000  }
.Ltmp0:
0x3c: {  	[sflag:s18] =	ssyncset.done $0x0;
	(pc) =	sbr.rel @p0 .LBB2_2-.Ltmp0, $4  }
0x3d: {  	s20 =	sadd.s32 $0x2980, s20;
	[sflag:s18] =	ssyncadd.s32 $0xFFFFF000  }
0x3e: {  	[spmem:s2] =	stream.indirect.scatter.add.f32 [tilespmem:s16], [sflag:$0x3], $0x20, s20, s14, $0xb8;
	[tilespmem:$0x11000] =	vst v63  }
0x3f: {  	_ =	swait.ge [sflag:s11], $0x1000  }
0x40: {  	s21 =	smov.u32 s24;
	s20 =	sshra.s32 s23, $0x2;
	[sflag:s11] =	ssyncset.done $0x0  }
0x41: {  	s21 =	sadd.s32 $0x80, s20;
	[sflag:s11] =	ssyncadd.s32 $0xFFFFF000  }
0x42: {  	[tilespmem:s16], [sflag:$0x2] =	stream.indirect.gather [hbm4b:s4+s14], $0x20, s21, s14, $0xb8;
	[tilespmem:$0x11000] =	vst v63  }
0x43: {  	_ =	swait.ge [sflag:s17], $0x1000  }
0x44: {  	[sflag:s17] =	ssyncset.done $0x0  }
0x45: {  	s29 =	sadd.s32 $0x2900, s20;
	[sflag:s17] =	ssyncadd.s32 $0xFFFFF000  }
0x46: {  	[spmem:s2] =	stream.indirect.scatter.add.f32 [tilespmem:s15], [sflag:$0x3], $0x20, s29, s14, $0xb8;
	[tilespmem:$0x11000] =	vst v63  }
0x47: {  	_ =	swait.ge [sflag:s11], $0x1000  }
0x48: {  	[sflag:s11] =	ssyncset.done $0x0  }
0x49: {  	s30 =	sadd.s32 $0x100, s20;
	[sflag:s11] =	ssyncadd.s32 $0xFFFFF000  }
0x4a: {  	[tilespmem:s15], [sflag:$0x1] =	stream.indirect.gather [hbm4b:s4+s14], $0x20, s30, s14, $0xb8;
	[tilespmem:$0x11000] =	vst v63  }
0x4b: {  	_ =	swait.ge [sflag:s18], $0x1000  }
0x4c: {  	[sflag:s18] =	ssyncset.done $0x0  }
0x4d: {  	s31 =	sadd.s32 $0x2980, s20;
	[sflag:s18] =	ssyncadd.s32 $0xFFFFF000  }
0x4e: {  	[spmem:s2] =	stream.indirect.scatter.add.f32 [tilespmem:s16], [sflag:$0x3], $0x20, s31, s14, $0xb8;
	[tilespmem:$0x11000] =	vst v63  }
0x4f: {  	_ =	swait.ge [sflag:s11], $0x1000  }
0x50: {  	[sflag:s11] =	ssyncset.done $0x0  }
0x51: {  	[sflag:s11] =	ssyncadd.s32 $0xFFFFF000  }
0x52: {  	_ =	swait.ge [sflag:s17], $0x1000  }
0x53: {  	[sflag:s17] =	ssyncset.done $0x0  }
0x54: {  	[sflag:s17] =	ssyncadd.s32 $0xFFFFF000  }
0x55: {  	[bflag:$0x0] =	sbarrier.arrive $0xFFFF  }
0x56: {  	[tilespmem:s13], [sflag:$0x3] =	stream.linear.gather [spmem:s8], $0x4F00, $0x38;
	[tilespmem:$0x11000] =	vst v63  }
0x57: {  	s19 =	sadd.s32 $0x1, s19;
	_ =	swait.ge [sflag:s11], $0x4F00  }
0x58: {  	p0 =	sne.s32 s19, s10;
	[sflag:s11] =	ssyncset.done $0x0  }
.Ltmp1:
0x59: {  	[sflag:s11] =	ssyncadd.s32 $0xFFFFB100;
	(pc) =	sbr.rel @p0 .LBB2_1-.Ltmp1, $4  }
0x5a: {  	[hbm4b:s9+s3] =	stream.linear.scatter [tilespmem:s13], [sflag:$0x3], $0x4F00, $0x38;
	[tilespmem:$0x11000] =	vst v63  }
0x5b: {  	_ =	swait.ge [sflag:s11], $0x4F00  }
0x5c: {  	[sflag:s11] =	ssyncset.done $0x0  }
0x5d: {  	[sflag:s11] =	ssyncadd.s32 $0xFFFFB100  }
0x5e: {  	_ =	sfence.sel $0x180000  }
0x5f: {  	[bflag:$0x0] =	sbarrier.arrive $0xFFFF  }
0x60: {  	p0 =	sne.s32 s0, $0x0;
	_ =	strace $0x90000059  }
0x61: {  	s0 =	sadd.s32 @!p0 $0x100000, s1;
	[bflag:$0x2] =	sbarrier.arrive $0xFFFF  }
0x62: {  	[sflag:s0] =	ssyncadd.tile.s32 @!p0 $0x1;
	_ =	shalt  }
.Lfunc_end2:
_tile_overlayer_lowered:
.L_overlay_start_2:
0x63: {  	(tag) =	ssettag $0x2  }
0x64: {  	s0 =	rddreg [dreg:$0x0];
	s2 =	stileid.u32  }
0x65: {  	s1 =	rddreg [dreg:$0x1];
	p0 =	sne.s32 s2, $0x0  }
0x66: {  	s3 =	rddreg [dreg:$0x2];
	[bflag:$0x3] =	sbarrier.arrive $0xFFFF;
	s2 =	simm.s32 @!p0 $0x1C03  }
0x67: {  	[timem:s3], [sflag:s2] =	dma.local @!p0 [hbm:s0], s1  }
0x68: {  	s0 =	simm.s32 @!p0 $0x3  }
0x69: {  	_ =	swait.ge @!p0 [sflag:s0], s1  }
0x6a: {  	s1 =	ssub.s32 @!p0 $0x0, s1;
	[sflag:s0] =	ssyncset.done @!p0 $0x0  }
0x6b: {  	[sflag:s0] =	ssyncadd.s32 @!p0 s1  }
0x6c: {  	[bflag:$0x3] =	sbarrier.arrive $0xFFFF  }
0x6d: {  	_ =	shalt  }

</sc_bundles>
